<compile_context>
chip_gen: v7x
topology: tpu7x:2x2x1
jax: 0.10.2.dev20260603
libtpu: 0.0.44.dev20260713+nightly
codegen_flags: <defaults>
</compile_context>

<pallas_src>
import functools
import math
import jax
import jax.numpy as jnp
from jax import lax
from jax.experimental import pallas as pl
from jax.experimental.pallas import tpu as pltpu
from jax.experimental.pallas import tpu_sc as plsc

_NEG = float(-1e9)


def _ln(x, g, b):
    mu = jnp.mean(x, axis=-1, keepdims=True)
    var = jnp.mean((x - mu) * (x - mu), axis=-1, keepdims=True)
    return (x - mu) * jax.lax.rsqrt(var + 1e-5) * g + b



def _scale_body(x_ref, o_ref, *, s):
    o_ref[...] = x_ref[...] * jnp.float32(s)


def _ln_qkv_body(x_ref, g_ref, b_ref, w_ref, bias_ref, o_ref):
    h = _ln(x_ref[...], g_ref[...], b_ref[...])
    o_ref[...] = (
        jnp.dot(h, w_ref[...], preferred_element_type=jnp.float32)
        + bias_ref[...]
    )


def _attn_body(q_ref, k_ref, v_ref, o_ref, *, qb_size, dh):
    qb = pl.program_id(1)
    for hh in range(2):
        sl = slice(hh * dh, (hh + 1) * dh)
        q = q_ref[:, sl]
        k = k_ref[:, sl]
        s = jax.lax.dot_general(
            q, k, (((1,), (1,)), ((), ())),
            preferred_element_type=jnp.float32,
        ) * (1.0 / math.sqrt(dh))
        rows = qb * qb_size + jax.lax.broadcasted_iota(jnp.int32, s.shape, 0)
        cols = jax.lax.broadcasted_iota(jnp.int32, s.shape, 1)
        s = jnp.where(cols <= rows, s, _NEG)
        m = jnp.max(s, axis=-1, keepdims=True)
        p = jnp.exp(s - m)
        p = p / jnp.sum(p, axis=-1, keepdims=True)
        o_ref[:, sl] = jnp.dot(p, v_ref[:, sl],
                               preferred_element_type=jnp.float32)


def _proj_res_body(o_ref, w_ref, b_ref, r_ref, out_ref, *, res_scale):
    out_ref[...] = (
        jnp.dot(o_ref[...], w_ref[...], preferred_element_type=jnp.float32)
        + b_ref[...]
        + jnp.float32(res_scale) * r_ref[...]
    )


def _ffn_body(x_ref, g_ref, b_ref, w1_ref, b1_ref, w2_ref, b2_ref, o_ref):
    h = _ln(x_ref[...], g_ref[...], b_ref[...])
    h1 = jax.nn.gelu(
        jnp.dot(h, w1_ref[...], preferred_element_type=jnp.float32)
        + b1_ref[...]
    )
    o_ref[...] = (
        jnp.dot(h1, w2_ref[...], preferred_element_type=jnp.float32)
        + b2_ref[...]
        + x_ref[...]
    )


def _route_body(x_ref, g_ref, b_ref, wg_ref,
                h_ref, s1s_ref, s2s_ref, s1g_ref, s2g_ref,
                g1_ref, g2_ref, laux_ref,
                loc1_ref, loc2_ref,
                *, T, E, C, EP):
    x = x_ref[...]
    h = _ln(x, g_ref[...], b_ref[...])
    h_ref[pl.ds(0, T), :] = h
    h_ref[pl.ds(T, h_ref.shape[0] - T), :] = jnp.zeros(
        (h_ref.shape[0] - T, h.shape[1]), jnp.float32)

    logits = jnp.dot(h, wg_ref[...], preferred_element_type=jnp.float32)
    lane = jax.lax.broadcasted_iota(jnp.int32, logits.shape, 1)
    lmask = lane < E
    mx = jnp.max(jnp.where(lmask, logits, _NEG), axis=-1, keepdims=True)
    ex = jnp.where(lmask, jnp.exp(logits - mx), 0.0)
    gates = ex / jnp.sum(ex, axis=-1, keepdims=True)

    mx1 = jnp.max(gates, axis=-1, keepdims=True)
    idx1 = jnp.min(jnp.where((gates == mx1) & lmask, lane, EP),
                   axis=-1, keepdims=True)
    mask1 = (lane == idx1).astype(jnp.float32)
    gates2 = gates * (1.0 - mask1)
    mx2 = jnp.max(gates2, axis=-1, keepdims=True)
    idx2 = jnp.min(jnp.where((gates2 == mx2) & lmask, lane, EP),
                   axis=-1, keepdims=True)
    mask2 = (lane == idx2).astype(jnp.float32)

    count1 = jnp.sum(mask1, axis=0, keepdims=True)

    CH = 128
    r = jax.lax.broadcasted_iota(jnp.int32, (CH, CH), 0)
    c = jax.lax.broadcasted_iota(jnp.int32, (CH, CH), 1)
    tri = (r > c).astype(jnp.float32)

    off1 = jnp.zeros((1, EP), jnp.float32)
    off2 = count1
    for i in range(T // CH):
        b1 = mask1[i * CH:(i + 1) * CH, :]
        b2 = mask2[i * CH:(i + 1) * CH, :]
        loc1_ref[i * CH:(i + 1) * CH, :] = (
            jnp.dot(tri, b1, preferred_element_type=jnp.float32) + off1)
        loc2_ref[i * CH:(i + 1) * CH, :] = (
            jnp.dot(tri, b2, preferred_element_type=jnp.float32) + off2)
        off1 = off1 + jnp.sum(b1, axis=0, keepdims=True)
        off2 = off2 + jnp.sum(b2, axis=0, keepdims=True)

    loc1 = loc1_ref[...]
    loc2 = loc2_ref[...]

    me = jnp.mean(gates, axis=0, keepdims=True)
    ce = jnp.mean(mask1, axis=0, keepdims=True)
    laux_ref[...] = (jnp.sum(me * ce) * jnp.float32(E * E))[None, None]

    mask1c = mask1 * (loc1 < C).astype(jnp.float32)
    mask2c = mask2 * (loc2 < C).astype(jnp.float32)

    g1r = jnp.sum(gates * mask1c, axis=-1, keepdims=True)
    g2r = jnp.sum(gates * mask2c, axis=-1, keepdims=True)
    denom = g1r + g2r
    denom = jnp.where(denom > 0, denom, 1.0)
    g1_ref[...] = g1r / denom
    g2_ref[...] = g2r / denom

    p1 = jnp.sum(loc1 * mask1c, axis=-1, keepdims=True).astype(jnp.int32)
    p2 = jnp.sum(loc2 * mask2c, axis=-1, keepdims=True).astype(jnp.int32)
    kept1 = jnp.sum(mask1c, axis=-1, keepdims=True) > 0
    kept2 = jnp.sum(mask2c, axis=-1, keepdims=True) > 0
    slot1 = idx1 * C + p1
    slot2 = idx2 * C + p2
    trash = jnp.int32(E * C)
    s1s_ref[...] = jnp.where(kept1 & (g1r > 0), slot1, trash)
    s2s_ref[...] = jnp.where(kept2 & (g2r > 0), slot2, trash)
    s1g_ref[...] = jnp.where(kept1, slot1, jnp.int32(E * C))
    s2g_ref[...] = jnp.where(kept2, slot2, jnp.int32(E * C))


def _expert_ffn_body(x_ref, w1_ref, b1_ref, w2_ref, b2_ref, o_ref):
    f = pl.program_id(1)
    h1 = jax.nn.gelu(
        jnp.dot(x_ref[0], w1_ref[0], preferred_element_type=jnp.float32)
        + b1_ref[0]
    )
    part = jnp.dot(h1, w2_ref[0], preferred_element_type=jnp.float32)

    @pl.when(f == 0)
    def _():
        o_ref[0] = part + b2_ref[0]

    @pl.when(f != 0)
    def _():
        o_ref[0] = o_ref[0] + part


def _combine_ln_body(x_ref, e1_ref, e2_ref, g1_ref, g2_ref, g_ref, b_ref,
                     o_ref):
    x = (x_ref[...]
         + g1_ref[...] * e1_ref[...]
         + g2_ref[...] * e2_ref[...])
    o_ref[...] = _ln(x, g_ref[...], b_ref[...])



def _sc_mesh():
    return plsc.VectorSubcoreMesh(core_axis_name="c", subcore_axis_name="s")


def _sc_gather(table, idx, rows_total, d):
    info = plsc.get_sparse_core_info()
    nw = info.num_cores * info.num_subcores
    bpw = rows_total // nw

    @functools.partial(
        pl.kernel,
        mesh=_sc_mesh(),
        out_type=jax.ShapeDtypeStruct((rows_total, d), jnp.float32),
        scratch_types=[
            pltpu.VMEM((bpw,), jnp.int32),
            pltpu.VMEM((bpw, d), jnp.float32),
            pltpu.SemaphoreType.DMA,
        ],
    )
    def k(table_hbm, idx_hbm, out_hbm, idx_v, rows_v, sem):
        wid = lax.axis_index("s") * info.num_cores + lax.axis_index("c")
        base = wid * bpw
        pltpu.sync_copy(idx_hbm.at[pl.ds(base, bpw)], idx_v)
        pltpu.async_copy(table_hbm.at[idx_v], rows_v, sem).wait()
        pltpu.sync_copy(rows_v, out_hbm.at[pl.ds(base, bpw)])

    return k(table, idx)


def _sc_invert(slot1, slot2, arange_t, T, nslots):
    info = plsc.get_sparse_core_info()
    nc = T // 128
    npad = nslots + 16

    @functools.partial(
        pl.kernel,
        mesh=_sc_mesh(),
        out_type=jax.ShapeDtypeStruct((npad,), jnp.int32),
        scratch_types=[
            pltpu.VMEM((npad,), jnp.int32),
            pltpu.VMEM((nc, 128), jnp.int32),
            pltpu.VMEM((nc, 128), jnp.int32),
            pltpu.VMEM((nc, 128), jnp.int32),
            pltpu.SemaphoreType.DMA,
        ],
    )
    def k(s1_hbm, s2_hbm, ar_hbm, out_hbm, st_v, s1_v, s2_v, ar_v, sem):
        wid = lax.axis_index("s") * info.num_cores + lax.axis_index("c")

        @pl.when(wid == 0)
        def _():
            pltpu.sync_copy(s1_hbm, s1_v)
            pltpu.sync_copy(s2_hbm, s2_v)
            pltpu.sync_copy(ar_hbm, ar_v)
            sent = jnp.full((16,), T, jnp.int32)
            for cc in range(npad // 16):
                st_v[pl.ds(cc * 16, 16)] = sent
            pltpu.sync_copy(st_v, out_hbm)
            for cc in range(nc):
                pltpu.async_copy(
                    ar_v.at[cc], out_hbm.at[s1_v.at[cc]], sem).wait()
                pltpu.async_copy(
                    ar_v.at[cc], out_hbm.at[s2_v.at[cc]], sem).wait()

    return k(slot1, slot2, arange_t)[:nslots]



def _attention_block(x, wqkv, bqkv, wo, bo, ln_g, ln_b, res_scale, T, D, H):
    dh = D // H
    SB = 256
    QB = 512
    qkv = pl.pallas_call(
        _ln_qkv_body,
        grid=(T // SB,),
        in_specs=[
            pl.BlockSpec((SB, D), lambda i: (i, 0)),
            pl.BlockSpec((1, D), lambda i: (0, 0)),
            pl.BlockSpec((1, D), lambda i: (0, 0)),
            pl.BlockSpec((D, 3 * D), lambda i: (0, 0)),
            pl.BlockSpec((1, 3 * D), lambda i: (0, 0)),
        ],
        out_specs=pl.BlockSpec((SB, 3 * D), lambda i: (i, 0)),
        out_shape=jax.ShapeDtypeStruct((T, 3 * D), jnp.float32),
    )(x, ln_g, ln_b, wqkv, bqkv)

    HP = H // 2
    o = pl.pallas_call(
        functools.partial(_attn_body, qb_size=QB, dh=dh),
        grid=(HP, T // QB),
        in_specs=[
            pl.BlockSpec((QB, 2 * dh), lambda h, q: (q, h)),
            pl.BlockSpec((T, 2 * dh), lambda h, q: (0, HP + h)),
            pl.BlockSpec((T, 2 * dh), lambda h, q: (0, 2 * HP + h)),
        ],
        out_specs=pl.BlockSpec((QB, 2 * dh), lambda h, q: (q, h)),
        out_shape=jax.ShapeDtypeStruct((T, D), jnp.float32),
    )(qkv, qkv, qkv)

    return pl.pallas_call(
        functools.partial(_proj_res_body, res_scale=res_scale),
        grid=(T // SB,),
        in_specs=[
            pl.BlockSpec((SB, D), lambda i: (i, 0)),
            pl.BlockSpec((D, D), lambda i: (0, 0)),
            pl.BlockSpec((1, D), lambda i: (0, 0)),
            pl.BlockSpec((SB, D), lambda i: (i, 0)),
        ],
        out_specs=pl.BlockSpec((SB, D), lambda i: (i, 0)),
        out_shape=jax.ShapeDtypeStruct((T, D), jnp.float32),
    )(o, wo, bo, x)


def kernel(tokens, emb, wqkv, bqkv, wo, bo, ln1g, ln1b, ln2g, ln2b,
           w1, b1, w2, b2, wg, ew1, eb1, ew2, eb2, lnfg, lnfb):
    B, S = tokens.shape
    V, D = emb.shape
    T = B * S
    H = 12
    F = w1.shape[1]
    E = wg.shape[1]
    C = 2 * T // E
    EP = 128
    SB = 256

    tok = tokens.reshape(T).astype(jnp.int32)

    rows = _sc_gather(emb, tok, T, D)
    x0 = pl.pallas_call(
        functools.partial(_scale_body, s=math.sqrt(D)),
        grid=(T // SB,),
        in_specs=[pl.BlockSpec((SB, D), lambda i: (i, 0))],
        out_specs=pl.BlockSpec((SB, D), lambda i: (i, 0)),
        out_shape=jax.ShapeDtypeStruct((T, D), jnp.float32),
    )(rows)

    x = _attention_block(x0, wqkv[0], bqkv[0].reshape(1, 3 * D),
                         wo[0], bo[0].reshape(1, D),
                         ln1g[0].reshape(1, D), ln1b[0].reshape(1, D),
                         1.0, T, D, H)
    x = pl.pallas_call(
        _ffn_body,
        grid=(T // SB,),
        in_specs=[
            pl.BlockSpec((SB, D), lambda i: (i, 0)),
            pl.BlockSpec((1, D), lambda i: (0, 0)),
            pl.BlockSpec((1, D), lambda i: (0, 0)),
            pl.BlockSpec((D, F), lambda i: (0, 0)),
            pl.BlockSpec((1, F), lambda i: (0, 0)),
            pl.BlockSpec((F, D), lambda i: (0, 0)),
            pl.BlockSpec((1, D), lambda i: (0, 0)),
        ],
        out_specs=pl.BlockSpec((SB, D), lambda i: (i, 0)),
        out_shape=jax.ShapeDtypeStruct((T, D), jnp.float32),
    )(x, ln2g[0].reshape(1, D), ln2b[0].reshape(1, D),
      w1, b1.reshape(1, F), w2, b2.reshape(1, D))

    x = _attention_block(x, wqkv[1], bqkv[1].reshape(1, 3 * D),
                         wo[1], bo[1].reshape(1, D),
                         ln1g[1].reshape(1, D), ln1b[1].reshape(1, D),
                         1.0, T, D, H)

    wg_pad = jnp.zeros((D, EP), jnp.float32).at[:, :E].set(wg)
    TPAD = 8
    h_pad, s1s, s2s, s1g, s2g, g1, g2, laux = pl.pallas_call(
        functools.partial(_route_body, T=T, E=E, C=C, EP=EP),
        grid=(),
        in_specs=[
            pl.BlockSpec((T, D), lambda: (0, 0)),
            pl.BlockSpec((1, D), lambda: (0, 0)),
            pl.BlockSpec((1, D), lambda: (0, 0)),
            pl.BlockSpec((D, EP), lambda: (0, 0)),
        ],
        out_specs=[
            pl.BlockSpec((T + TPAD, D), lambda: (0, 0)),
            pl.BlockSpec((T, 1), lambda: (0, 0)),
            pl.BlockSpec((T, 1), lambda: (0, 0)),
            pl.BlockSpec((T, 1), lambda: (0, 0)),
            pl.BlockSpec((T, 1), lambda: (0, 0)),
            pl.BlockSpec((T, 1), lambda: (0, 0)),
            pl.BlockSpec((T, 1), lambda: (0, 0)),
            pl.BlockSpec((1, 1), lambda: (0, 0)),
        ],
        out_shape=[
            jax.ShapeDtypeStruct((T + TPAD, D), jnp.float32),
            jax.ShapeDtypeStruct((T, 1), jnp.int32),
            jax.ShapeDtypeStruct((T, 1), jnp.int32),
            jax.ShapeDtypeStruct((T, 1), jnp.int32),
            jax.ShapeDtypeStruct((T, 1), jnp.int32),
            jax.ShapeDtypeStruct((T, 1), jnp.float32),
            jax.ShapeDtypeStruct((T, 1), jnp.float32),
            jax.ShapeDtypeStruct((1, 1), jnp.float32),
        ],
        scratch_shapes=[
            pltpu.VMEM((T, EP), jnp.float32),
            pltpu.VMEM((T, EP), jnp.float32),
        ],
    )(x, ln2g[1].reshape(1, D), ln2b[1].reshape(1, D), wg_pad)

    nslots = E * C
    slot_to_tok = _sc_invert(
        s1s.reshape(T // 128, 128), s2s.reshape(T // 128, 128),
        jnp.arange(T, dtype=jnp.int32).reshape(T // 128, 128), T, nslots)
    ein = _sc_gather(h_pad, slot_to_tok, nslots, D)

    CB = C
    FB = F // 2
    eo = pl.pallas_call(
        _expert_ffn_body,
        grid=(E, F // FB),
        in_specs=[
            pl.BlockSpec((1, CB, D), lambda e, f: (e, 0, 0)),
            pl.BlockSpec((1, D, FB), lambda e, f: (e, 0, f)),
            pl.BlockSpec((1, 1, FB), lambda e, f: (e, 0, f)),
            pl.BlockSpec((1, FB, D), lambda e, f: (e, f, 0)),
            pl.BlockSpec((1, 1, D), lambda e, f: (e, 0, 0)),
        ],
        out_specs=pl.BlockSpec((1, CB, D), lambda e, f: (e, 0, 0)),
        out_shape=jax.ShapeDtypeStruct((E, CB, D), jnp.float32),
    )(ein.reshape(E, C, D), ew1, eb1.reshape(E, 1, F),
      ew2, eb2.reshape(E, 1, D))

    eo_pad = jnp.concatenate(
        [eo.reshape(nslots, D), jnp.zeros((8, D), jnp.float32)], axis=0)

    eo1 = _sc_gather(eo_pad, s1g.reshape(T), T, D)
    eo2 = _sc_gather(eo_pad, s2g.reshape(T), T, D)

    out = pl.pallas_call(
        _combine_ln_body,
        grid=(T // SB,),
        in_specs=[
            pl.BlockSpec((SB, D), lambda i: (i, 0)),
            pl.BlockSpec((SB, D), lambda i: (i, 0)),
            pl.BlockSpec((SB, D), lambda i: (i, 0)),
            pl.BlockSpec((SB, 1), lambda i: (i, 0)),
            pl.BlockSpec((SB, 1), lambda i: (i, 0)),
            pl.BlockSpec((1, D), lambda i: (0, 0)),
            pl.BlockSpec((1, D), lambda i: (0, 0)),
        ],
        out_specs=pl.BlockSpec((SB, D), lambda i: (i, 0)),
        out_shape=jax.ShapeDtypeStruct((T, D), jnp.float32),
    )(x, eo1, eo2, g1, g2, lnfg.reshape(1, D), lnfb.reshape(1, D))

    return out.reshape(B, S, D), laux[0, 0]

# --- scband reference (transcript-rebuilt; emitter-appended) ---
"""Pipeline reference for scband-decoder-40209483825957 (READ-ONLY COPY).

The authoritative reference and input builder live on the scoring server;
editing this copy changes nothing except your own understanding.
"""

import jax, jax.numpy as jnp
import numpy as np

B, S, D, H, F, E, V = 1, 2048, 768, 12, 3072, 8, 32000

def layer_norm(x, g, b):
    mu = jnp.mean(x, axis=-1, keepdims=True)
    var = jnp.var(x, axis=-1, keepdims=True)
    return (x - mu) / jnp.sqrt(var + 1e-5) * g + b

def self_attention(x, wqkv, bqkv, wo, bo):
    b, s, d = x.shape
    dh = d // H
    qkv = x @ wqkv + bqkv
    q, k, v = jnp.split(qkv, 3, axis=-1)
    def rs(t):
        return t.reshape(b, s, H, dh).transpose(0, 2, 1, 3)
    q, k, v = rs(q), rs(k), rs(v)
    scores = jnp.einsum('bhqd,bhkd->bhqk', q, k) / jnp.sqrt(jnp.float32(dh))
    mask = jnp.tril(jnp.ones((s, s), dtype=bool))
    scores = jnp.where(mask[None, None], scores, jnp.float32(-1e9))
    p = jax.nn.softmax(scores, axis=-1)
    o = jnp.einsum('bhqk,bhkd->bhqd', p, v)
    o = o.transpose(0, 2, 1, 3).reshape(b, s, d)
    return o @ wo + bo

def top2_moe(x, wg, ew1, eb1, ew2, eb2):
    b, s, d = x.shape
    T = b * s
    xt = x.reshape(T, d)
    logits = xt.astype(jnp.float32) @ wg.astype(jnp.float32)
    gates = jax.nn.softmax(logits, axis=-1)
    idx1 = jnp.argmax(gates, axis=-1)
    mask1 = jax.nn.one_hot(idx1, E, dtype=gates.dtype)
    gates2 = gates * (1.0 - mask1)
    idx2 = jnp.argmax(gates2, axis=-1)
    mask2 = jax.nn.one_hot(idx2, E, dtype=gates.dtype)
    C = 2 * T // E
    loc1 = jnp.cumsum(mask1, axis=0) - mask1
    loc2 = jnp.cumsum(mask2, axis=0) - mask2 + jnp.sum(mask1, axis=0, keepdims=True)
    me = jnp.mean(gates, axis=0)
    ce = jnp.mean(mask1, axis=0)
    l_aux = jnp.sum(me * ce) * E * E
    mask1 = mask1 * (loc1 < C).astype(gates.dtype)
    mask2 = mask2 * (loc2 < C).astype(gates.dtype)
    g1 = jnp.sum(gates * mask1, axis=-1)
    g2 = jnp.sum(gates * mask2, axis=-1)
    denom = g1 + g2
    denom = jnp.where(denom > 0, denom, 1.0)
    g1 = g1 / denom
    g2 = g2 / denom
    p1 = jnp.sum(loc1 * mask1, axis=-1).astype(jnp.int32)
    p2 = jnp.sum(loc2 * mask2, axis=-1).astype(jnp.int32)
    oh1 = jax.nn.one_hot(p1, C, dtype=gates.dtype)
    oh2 = jax.nn.one_hot(p2, C, dtype=gates.dtype)
    combine = (g1[:, None, None] * mask1[:, :, None] * oh1[:, None, :]
               + g2[:, None, None] * mask2[:, :, None] * oh2[:, None, :])
    dispatch = (combine > 0).astype(xt.dtype)
    combine = combine.astype(xt.dtype)
    ein = jnp.einsum('tec,td->ecd', dispatch, xt)
    h = jnp.einsum('ecd,edf->ecf', ein, ew1) + eb1[:, None, :]
    h = jax.nn.gelu(h)
    eo = jnp.einsum('ecf,efd->ecd', h, ew2) + eb2[:, None, :]
    out = jnp.einsum('tec,ecd->td', combine, eo)
    return out.reshape(b, s, d), l_aux

def decoder_fwd(tokens, emb, wqkv, bqkv, wo, bo, ln1g, ln1b, ln2g, ln2b, w1, b1, w2, b2, wg, ew1, eb1, ew2, eb2, lnfg, lnfb):
    x = emb[tokens] * jnp.sqrt(jnp.float32(D))
    l_aux = jnp.float32(0.0)
    for i in range(2):
        r = x
        h = layer_norm(x, ln1g[i], ln1b[i])
        h = self_attention(h, wqkv[i], bqkv[i], wo[i], bo[i])
        x = r + h
        r = x
        h = layer_norm(x, ln2g[i], ln2b[i])
        if i == 1:
            h, l_aux = top2_moe(h, wg, ew1, eb1, ew2, eb2)
        else:
            h = jax.nn.gelu(h @ w1 + b1) @ w2 + b2
        x = r + h
    x = layer_norm(x, lnfg, lnfb)
    return x, l_aux

def setup_inputs(seed: int = 0):
    key = jax.random.key(seed)
    ks = jax.random.split(key, 16)
    def w(k, shape, scale=0.02):
        return jax.random.normal(k, shape, dtype=jnp.float32) * scale
    inp = {}
    inp['tokens'] = jax.random.randint(ks[0], (B, S), 0, V)
    inp['emb'] = w(ks[1], (V, D))
    inp['wqkv'] = w(ks[2], (2, D, 3 * D))
    inp['bqkv'] = jnp.zeros((2, 3 * D), jnp.float32)
    inp['wo'] = w(ks[3], (2, D, D))
    inp['bo'] = jnp.zeros((2, D), jnp.float32)
    inp['ln1g'] = jnp.ones((2, D), jnp.float32)
    inp['ln1b'] = jnp.zeros((2, D), jnp.float32)
    inp['ln2g'] = jnp.ones((2, D), jnp.float32)
    inp['ln2b'] = jnp.zeros((2, D), jnp.float32)
    inp['w1'] = w(ks[4], (D, F))
    inp['b1'] = jnp.zeros((F,), jnp.float32)
    inp['w2'] = w(ks[5], (F, D))
    inp['b2'] = jnp.zeros((D,), jnp.float32)
    inp['wg'] = w(ks[6], (D, E))
    inp['ew1'] = w(ks[7], (E, D, F))
    inp['eb1'] = jnp.zeros((E, F), jnp.float32)
    inp['ew2'] = w(ks[8], (E, F, D))
    inp['eb2'] = jnp.zeros((E, D), jnp.float32)
    inp['lnfg'] = jnp.ones((D,), jnp.float32)
    inp['lnfb'] = jnp.zeros((D,), jnp.float32)
    return inp

def reference(tokens, emb, wqkv, bqkv, wo, bo, ln1g, ln1b, ln2g, ln2b, w1, b1, w2, b2, wg, ew1, eb1, ew2, eb2, lnfg, lnfb):
    return decoder_fwd(tokens, emb, wqkv, bqkv, wo, bo, ln1g, ln1b, ln2g, ln2b, w1, b1, w2, b2, wg, ew1, eb1, ew2, eb2, lnfg, lnfb)

if __name__ == "__main__":
    import jax
    _d = setup_inputs()
    print(jax.jit(kernel)(*tuple(_d.values())))

</pallas_src>

<mosaic_0001>
#map = affine_map<(d0, d1) -> (0, 0)>
#map1 = affine_map<(d0, d1) -> (0)>
module attributes {stable_mosaic.version = 14 : i64} {
  func.func @k(%arg0: i32, %arg1: i32, %arg2: memref<4104x768xf32, #tpu.memory_space<hbm>>, %arg3: memref<2048xi32, #tpu.memory_space<hbm>>, %arg4: memref<2048x768xf32, #tpu.memory_space<hbm>>, %arg5: memref<64xi32, #tpu.memory_space<vmem>>, %arg6: memref<64x768xf32, #tpu.memory_space<vmem>>, %arg7: memref<!tpu.dma_semaphore, #tpu.memory_space<semaphore_mem>>) attributes {dimension_semantics = [#tpu.dimension_semantics<core_parallel>, #tpu.dimension_semantics<subcore_parallel>], iteration_bounds = array<i64: 2, 16>, scalar_prefetch = 0 : i64, scratch_operands = 3 : i64, tpu.core_type = #tpu.core_type<sc_vector_subcore>, window_params = [{transform_indices = #map}, {transform_indices = #map1}, {transform_indices = #map}]} {
    %mul3A = arith.constant 2 : i32
    %mul3A_0 = arith.muli %arg1, %mul3A : i32
    %add3A = arith.addi %mul3A_0, %arg0 : i32
    %mul3A_1 = arith.constant 64 : i32
    %mul3A_2 = arith.muli %add3A, %mul3A_1 : i32
    "tpu.region"() ({
      %run_scoped3A = tpu.sem_alloc : memref<!tpu.dma_semaphore, #tpu.memory_space<semaphore_mem>>
      %dma_start3A_7 = tpu.memref_slice %arg3[%mul3A_2] : memref<2048xi32, #tpu.memory_space<hbm>> -> memref<64xi32, #tpu.memory_space<hbm>>
      %dma_start3A_8 = tpu.memref_slice %arg3[%mul3A_2] : memref<2048xi32, #tpu.memory_space<hbm>> -> memref<64xi32, #tpu.memory_space<hbm>>
      tpu.enqueue_dma source(%dma_start3A_8 : memref<64xi32, #tpu.memory_space<hbm>>) target(%arg5 : memref<64xi32, #tpu.memory_space<vmem>>) target_semaphore(%run_scoped3A : memref<!tpu.dma_semaphore, #tpu.memory_space<semaphore_mem>>)
      %dma_wait3A_9 = tpu.memref_slice %arg3[%mul3A_2] : memref<2048xi32, #tpu.memory_space<hbm>> -> memref<64xi32, #tpu.memory_space<hbm>>
      %dma_wait3A_10 = tpu.memref_slice %arg3[%mul3A_2] : memref<2048xi32, #tpu.memory_space<hbm>> -> memref<64xi32, #tpu.memory_space<hbm>>
      tpu.wait_dma2 semaphore(%run_scoped3A : memref<!tpu.dma_semaphore, #tpu.memory_space<semaphore_mem>>) src(%dma_wait3A_10 : memref<64xi32, #tpu.memory_space<hbm>>) dst(%arg5 : memref<64xi32, #tpu.memory_space<vmem>>)
      tpu.yield
    }) : () -> ()
    %dma_start3A = arith.constant 0 : i32
    %dma_start3A_3 = arith.constant 0 : i32
    %dma_start3A_4 = tpu.memref_slice %arg2[%dma_start3A, %dma_start3A_3] : memref<4104x768xf32, #tpu.memory_space<hbm>> -> memref<4104x768xf32, #tpu.memory_space<hbm>>
    tpu.enqueue_indirect_dma source(%dma_start3A_4 : memref<4104x768xf32, #tpu.memory_space<hbm>>) target(%arg6 : memref<64x768xf32, #tpu.memory_space<vmem>>) offsets(%arg5 : memref<64xi32, #tpu.memory_space<vmem>>) semaphore(%arg7 : memref<!tpu.dma_semaphore, #tpu.memory_space<semaphore_mem>>)
    %dma_wait3A = arith.constant 0 : i32
    %dma_wait3A_5 = arith.constant 0 : i32
    %dma_wait3A_6 = tpu.memref_slice %arg2[%dma_wait3A, %dma_wait3A_5] : memref<4104x768xf32, #tpu.memory_space<hbm>> -> memref<4104x768xf32, #tpu.memory_space<hbm>>
    tpu.wait_indirect_dma semaphore(%arg7 : memref<!tpu.dma_semaphore, #tpu.memory_space<semaphore_mem>>) src(%dma_wait3A_6 : memref<4104x768xf32, #tpu.memory_space<hbm>>) dst(%arg6 : memref<64x768xf32, #tpu.memory_space<vmem>>)
    "tpu.region"() ({
      %run_scoped3A = tpu.sem_alloc : memref<!tpu.dma_semaphore, #tpu.memory_space<semaphore_mem>>
      %dma_start3A_7 = arith.constant 0 : i32
      %dma_start3A_8 = tpu.memref_slice %arg4[%mul3A_2, %dma_start3A_7] : memref<2048x768xf32, #tpu.memory_space<hbm>> -> memref<64x768xf32, #tpu.memory_space<hbm>>
      %dma_start3A_9 = arith.constant 0 : i32
      %dma_start3A_10 = tpu.memref_slice %arg4[%mul3A_2, %dma_start3A_9] : memref<2048x768xf32, #tpu.memory_space<hbm>> -> memref<64x768xf32, #tpu.memory_space<hbm>>
      tpu.enqueue_dma source(%arg6 : memref<64x768xf32, #tpu.memory_space<vmem>>) target(%dma_start3A_10 : memref<64x768xf32, #tpu.memory_space<hbm>>) target_semaphore(%run_scoped3A : memref<!tpu.dma_semaphore, #tpu.memory_space<semaphore_mem>>)
      %dma_wait3A_11 = arith.constant 0 : i32
      %dma_wait3A_12 = tpu.memref_slice %arg4[%mul3A_2, %dma_wait3A_11] : memref<2048x768xf32, #tpu.memory_space<hbm>> -> memref<64x768xf32, #tpu.memory_space<hbm>>
      %dma_wait3A_13 = arith.constant 0 : i32
      %dma_wait3A_14 = tpu.memref_slice %arg4[%mul3A_2, %dma_wait3A_13] : memref<2048x768xf32, #tpu.memory_space<hbm>> -> memref<64x768xf32, #tpu.memory_space<hbm>>
      tpu.wait_dma2 semaphore(%run_scoped3A : memref<!tpu.dma_semaphore, #tpu.memory_space<semaphore_mem>>) src(%arg6 : memref<64x768xf32, #tpu.memory_space<vmem>>) dst(%dma_wait3A_14 : memref<64x768xf32, #tpu.memory_space<hbm>>)
      tpu.yield
    }) : () -> ()
    return
  }
}

#map = affine_map<(d0, d1) -> (0, 0)>
#map1 = affine_map<(d0, d1) -> (0)>
module attributes {stable_mosaic.version = 14 : i64} {
  func.func @k(%arg0: i32, %arg1: i32, %arg2: memref<2056x768xf32, #tpu.memory_space<hbm>>, %arg3: memref<4096xi32, #tpu.memory_space<hbm>>, %arg4: memref<4096x768xf32, #tpu.memory_space<hbm>>, %arg5: memref<128xi32, #tpu.memory_space<vmem>>, %arg6: memref<128x768xf32, #tpu.memory_space<vmem>>, %arg7: memref<!tpu.dma_semaphore, #tpu.memory_space<semaphore_mem>>) attributes {dimension_semantics = [#tpu.dimension_semantics<core_parallel>, #tpu.dimension_semantics<subcore_parallel>], iteration_bounds = array<i64: 2, 16>, scalar_prefetch = 0 : i64, scratch_operands = 3 : i64, tpu.core_type = #tpu.core_type<sc_vector_subcore>, window_params = [{transform_indices = #map}, {transform_indices = #map1}, {transform_indices = #map}]} {
    %mul3A = arith.constant 2 : i32
    %mul3A_0 = arith.muli %arg1, %mul3A : i32
    %add3A = arith.addi %mul3A_0, %arg0 : i32
    %mul3A_1 = arith.constant 128 : i32
    %mul3A_2 = arith.muli %add3A, %mul3A_1 : i32
    "tpu.region"() ({
      %run_scoped3A = tpu.sem_alloc : memref<!tpu.dma_semaphore, #tpu.memory_space<semaphore_mem>>
      %dma_start3A_7 = tpu.memref_slice %arg3[%mul3A_2] : memref<4096xi32, #tpu.memory_space<hbm>> -> memref<128xi32, #tpu.memory_space<hbm>>
      %dma_start3A_8 = tpu.memref_slice %arg3[%mul3A_2] : memref<4096xi32, #tpu.memory_space<hbm>> -> memref<128xi32, #tpu.memory_space<hbm>>
      tpu.enqueue_dma source(%dma_start3A_8 : memref<128xi32, #tpu.memory_space<hbm>>) target(%arg5 : memref<128xi32, #tpu.memory_space<vmem>>) target_semaphore(%run_scoped3A : memref<!tpu.dma_semaphore, #tpu.memory_space<semaphore_mem>>)
      %dma_wait3A_9 = tpu.memref_slice %arg3[%mul3A_2] : memref<4096xi32, #tpu.memory_space<hbm>> -> memref<128xi32, #tpu.memory_space<hbm>>
      %dma_wait3A_10 = tpu.memref_slice %arg3[%mul3A_2] : memref<4096xi32, #tpu.memory_space<hbm>> -> memref<128xi32, #tpu.memory_space<hbm>>
      tpu.wait_dma2 semaphore(%run_scoped3A : memref<!tpu.dma_semaphore, #tpu.memory_space<semaphore_mem>>) src(%dma_wait3A_10 : memref<128xi32, #tpu.memory_space<hbm>>) dst(%arg5 : memref<128xi32, #tpu.memory_space<vmem>>)
      tpu.yield
    }) : () -> ()
    %dma_start3A = arith.constant 0 : i32
    %dma_start3A_3 = arith.constant 0 : i32
    %dma_start3A_4 = tpu.memref_slice %arg2[%dma_start3A, %dma_start3A_3] : memref<2056x768xf32, #tpu.memory_space<hbm>> -> memref<2056x768xf32, #tpu.memory_space<hbm>>
    tpu.enqueue_indirect_dma source(%dma_start3A_4 : memref<2056x768xf32, #tpu.memory_space<hbm>>) target(%arg6 : memref<128x768xf32, #tpu.memory_space<vmem>>) offsets(%arg5 : memref<128xi32, #tpu.memory_space<vmem>>) semaphore(%arg7 : memref<!tpu.dma_semaphore, #tpu.memory_space<semaphore_mem>>)
    %dma_wait3A = arith.constant 0 : i32
    %dma_wait3A_5 = arith.constant 0 : i32
    %dma_wait3A_6 = tpu.memref_slice %arg2[%dma_wait3A, %dma_wait3A_5] : memref<2056x768xf32, #tpu.memory_space<hbm>> -> memref<2056x768xf32, #tpu.memory_space<hbm>>
    tpu.wait_indirect_dma semaphore(%arg7 : memref<!tpu.dma_semaphore, #tpu.memory_space<semaphore_mem>>) src(%dma_wait3A_6 : memref<2056x768xf32, #tpu.memory_space<hbm>>) dst(%arg6 : memref<128x768xf32, #tpu.memory_space<vmem>>)
    "tpu.region"() ({
      %run_scoped3A = tpu.sem_alloc : memref<!tpu.dma_semaphore, #tpu.memory_space<semaphore_mem>>
      %dma_start3A_7 = arith.constant 0 : i32
      %dma_start3A_8 = tpu.memref_slice %arg4[%mul3A_2, %dma_start3A_7] : memref<4096x768xf32, #tpu.memory_space<hbm>> -> memref<128x768xf32, #tpu.memory_space<hbm>>
      %dma_start3A_9 = arith.constant 0 : i32
      %dma_start3A_10 = tpu.memref_slice %arg4[%mul3A_2, %dma_start3A_9] : memref<4096x768xf32, #tpu.memory_space<hbm>> -> memref<128x768xf32, #tpu.memory_space<hbm>>
      tpu.enqueue_dma source(%arg6 : memref<128x768xf32, #tpu.memory_space<vmem>>) target(%dma_start3A_10 : memref<128x768xf32, #tpu.memory_space<hbm>>) target_semaphore(%run_scoped3A : memref<!tpu.dma_semaphore, #tpu.memory_space<semaphore_mem>>)
      %dma_wait3A_11 = arith.constant 0 : i32
      %dma_wait3A_12 = tpu.memref_slice %arg4[%mul3A_2, %dma_wait3A_11] : memref<4096x768xf32, #tpu.memory_space<hbm>> -> memref<128x768xf32, #tpu.memory_space<hbm>>
      %dma_wait3A_13 = arith.constant 0 : i32
      %dma_wait3A_14 = tpu.memref_slice %arg4[%mul3A_2, %dma_wait3A_13] : memref<4096x768xf32, #tpu.memory_space<hbm>> -> memref<128x768xf32, #tpu.memory_space<hbm>>
      tpu.wait_dma2 semaphore(%run_scoped3A : memref<!tpu.dma_semaphore, #tpu.memory_space<semaphore_mem>>) src(%arg6 : memref<128x768xf32, #tpu.memory_space<vmem>>) dst(%dma_wait3A_14 : memref<128x768xf32, #tpu.memory_space<hbm>>)
      tpu.yield
    }) : () -> ()
    return
  }
}

#map = affine_map<(d0, d1) -> (0, 0)>
#map1 = affine_map<(d0, d1) -> (0)>
module attributes {stable_mosaic.version = 14 : i64} {
  func.func @k(%arg0: i32, %arg1: i32, %arg2: memref<16x128xi32, #tpu.memory_space<hbm>>, %arg3: memref<16x128xi32, #tpu.memory_space<hbm>>, %arg4: memref<16x128xi32, #tpu.memory_space<hbm>>, %arg5: memref<4112xi32, #tpu.memory_space<hbm>>, %arg6: memref<4112xi32, #tpu.memory_space<vmem>>, %arg7: memref<16x128xi32, #tpu.memory_space<vmem>>, %arg8: memref<16x128xi32, #tpu.memory_space<vmem>>, %arg9: memref<16x128xi32, #tpu.memory_space<vmem>>, %arg10: memref<!tpu.dma_semaphore, #tpu.memory_space<semaphore_mem>>) attributes {dimension_semantics = [#tpu.dimension_semantics<core_parallel>, #tpu.dimension_semantics<subcore_parallel>], iteration_bounds = array<i64: 2, 16>, scalar_prefetch = 0 : i64, scratch_operands = 5 : i64, tpu.core_type = #tpu.core_type<sc_vector_subcore>, window_params = [{transform_indices = #map}, {transform_indices = #map}, {transform_indices = #map}, {transform_indices = #map1}]} {
    %mul3A = arith.constant 2 : i32
    %mul3A_0 = arith.muli %arg1, %mul3A : i32
    %add3A = arith.addi %mul3A_0, %arg0 : i32
    %eq3A = arith.constant 0 : i32
    %eq3A_1 = arith.cmpi eq, %add3A, %eq3A : i32
    %convert_element_type3A = arith.extui %eq3A_1 : i1 to i32
    %cond3A = arith.constant 0 : i32
    %cond3A_2 = arith.cmpi ne, %convert_element_type3A, %cond3A : i32
    scf.if %cond3A_2 {
      "tpu.region"() ({
        %run_scoped3A = tpu.sem_alloc : memref<!tpu.dma_semaphore, #tpu.memory_space<semaphore_mem>>
        tpu.enqueue_dma source(%arg2 : memref<16x128xi32, #tpu.memory_space<hbm>>) target(%arg7 : memref<16x128xi32, #tpu.memory_space<vmem>>) target_semaphore(%run_scoped3A : memref<!tpu.dma_semaphore, #tpu.memory_space<semaphore_mem>>)
        tpu.wait_dma2 semaphore(%run_scoped3A : memref<!tpu.dma_semaphore, #tpu.memory_space<semaphore_mem>>) src(%arg2 : memref<16x128xi32, #tpu.memory_space<hbm>>) dst(%arg7 : memref<16x128xi32, #tpu.memory_space<vmem>>)
        tpu.yield
      }) : () -> ()
      "tpu.region"() ({
        %run_scoped3A = tpu.sem_alloc : memref<!tpu.dma_semaphore, #tpu.memory_space<semaphore_mem>>
        tpu.enqueue_dma source(%arg3 : memref<16x128xi32, #tpu.memory_space<hbm>>) target(%arg8 : memref<16x128xi32, #tpu.memory_space<vmem>>) target_semaphore(%run_scoped3A : memref<!tpu.dma_semaphore, #tpu.memory_space<semaphore_mem>>)
        tpu.wait_dma2 semaphore(%run_scoped3A : memref<!tpu.dma_semaphore, #tpu.memory_space<semaphore_mem>>) src(%arg3 : memref<16x128xi32, #tpu.memory_space<hbm>>) dst(%arg8 : memref<16x128xi32, #tpu.memory_space<vmem>>)
        tpu.yield
      }) : () -> ()
      "tpu.region"() ({
        %run_scoped3A = tpu.sem_alloc : memref<!tpu.dma_semaphore, #tpu.memory_space<semaphore_mem>>
        tpu.enqueue_dma source(%arg4 : memref<16x128xi32, #tpu.memory_space<hbm>>) target(%arg9 : memref<16x128xi32, #tpu.memory_space<vmem>>) target_semaphore(%run_scoped3A : memref<!tpu.dma_semaphore, #tpu.memory_space<semaphore_mem>>)
        tpu.wait_dma2 semaphore(%run_scoped3A : memref<!tpu.dma_semaphore, #tpu.memory_space<semaphore_mem>>) src(%arg4 : memref<16x128xi32, #tpu.memory_space<hbm>>) dst(%arg9 : memref<16x128xi32, #tpu.memory_space<vmem>>)
        tpu.yield
      }) : () -> ()
      %broadcast_in_dim3A = arith.constant 2048 : i32
      %broadcast_in_dim3A_3 = vector.broadcast %broadcast_in_dim3A : i32 to vector<16xi32>
      %swap3A = arith.constant 0 : index
      %swap3A_4 = tpu.vector_load %arg6[%swap3A] {strides = array<i32>} : memref<4112xi32, #tpu.memory_space<vmem>>, vector<16xi32>,
      %swap3A_5 = vector.shape_cast %swap3A_4 : vector<16xi32> to vector<16xi32>
      %swap3A_6 = vector.shape_cast %broadcast_in_dim3A_3 : vector<16xi32> to vector<16xi32>
      tpu.vector_store %arg6[%swap3A], %swap3A_6 {strides = array<i32>} : memref<4112xi32, #tpu.memory_space<vmem>>, vector<16xi32>,
      %swap3A_7 = arith.constant 16 : index
      %swap3A_8 = tpu.vector_load %arg6[%swap3A_7] {strides = array<i32>} : memref<4112xi32, #tpu.memory_space<vmem>>, vector<16xi32>,
      %swap3A_9 = vector.shape_cast %swap3A_8 : vector<16xi32> to vector<16xi32>
      %swap3A_10 = vector.shape_cast %broadcast_in_dim3A_3 : vector<16xi32> to vector<16xi32>
      tpu.vector_store %arg6[%swap3A_7], %swap3A_10 {strides = array<i32>} : memref<4112xi32, #tpu.memory_space<vmem>>, vector<16xi32>,
      %swap3A_11 = arith.constant 32 : index
      %swap3A_12 = tpu.vector_load %arg6[%swap3A_11] {strides = array<i32>} : memref<4112xi32, #tpu.memory_space<vmem>>, vector<16xi32>,
      %swap3A_13 = vector.shape_cast %swap3A_12 : vector<16xi32> to vector<16xi32>
      %swap3A_14 = vector.shape_cast %broadcast_in_dim3A_3 : vector<16xi32> to vector<16xi32>
      tpu.vector_store %arg6[%swap3A_11], %swap3A_14 {strides = array<i32>} : memref<4112xi32, #tpu.memory_space<vmem>>, vector<16xi32>,
      %swap3A_15 = arith.constant 48 : index
      %swap3A_16 = tpu.vector_load %arg6[%swap3A_15] {strides = array<i32>} : memref<4112xi32, #tpu.memory_space<vmem>>, vector<16xi32>,
      %swap3A_17 = vector.shape_cast %swap3A_16 : vector<16xi32> to vector<16xi32>
      %swap3A_18 = vector.shape_cast %broadcast_in_dim3A_3 : vector<16xi32> to vector<16xi32>
      tpu.vector_store %arg6[%swap3A_15], %swap3A_18 {strides = array<i32>} : memref<4112xi32, #tpu.memory_space<vmem>>, vector<16xi32>,
      %swap3A_19 = arith.constant 64 : index
      %swap3A_20 = tpu.vector_load %arg6[%swap3A_19] {strides = array<i32>} : memref<4112xi32, #tpu.memory_space<vmem>>, vector<16xi32>,
      %swap3A_21 = vector.shape_cast %swap3A_20 : vector<16xi32> to vector<16xi32>
      %swap3A_22 = vector.shape_cast %broadcast_in_dim3A_3 : vector<16xi32> to vector<16xi32>
      tpu.vector_store %arg6[%swap3A_19], %swap3A_22 {strides = array<i32>} : memref<4112xi32, #tpu.memory_space<vmem>>, vector<16xi32>,
      %swap3A_23 = arith.constant 80 : index
      %swap3A_24 = tpu.vector_load %arg6[%swap3A_23] {strides = array<i32>} : memref<4112xi32, #tpu.memory_space<vmem>>, vector<16xi32>,
      %swap3A_25 = vector.shape_cast %swap3A_24 : vector<16xi32> to vector<16xi32>
      %swap3A_26 = vector.shape_cast %broadcast_in_dim3A_3 : vector<16xi32> to vector<16xi32>
      tpu.vector_store %arg6[%swap3A_23], %swap3A_26 {strides = array<i32>} : memref<4112xi32, #tpu.memory_space<vmem>>, vector<16xi32>,
      %swap3A_27 = arith.constant 96 : index
      %swap3A_28 = tpu.vector_load %arg6[%swap3A_27] {strides = array<i32>} : memref<4112xi32, #tpu.memory_space<vmem>>, vector<16xi32>,
      %swap3A_29 = vector.shape_cast %swap3A_28 : vector<16xi32> to vector<16xi32>
      %swap3A_30 = vector.shape_cast %broadcast_in_dim3A_3 : vector<16xi32> to vector<16xi32>
      tpu.vector_store %arg6[%swap3A_27], %swap3A_30 {strides = array<i32>} : memref<4112xi32, #tpu.memory_space<vmem>>, vector<16xi32>,
      %swap3A_31 = arith.constant 112 : index
      %swap3A_32 = tpu.vector_load %arg6[%swap3A_31] {strides = array<i32>} : memref<4112xi32, #tpu.memory_space<vmem>>, vector<16xi32>,
      %swap3A_33 = vector.shape_cast %swap3A_32 : vector<16xi32> to vector<16xi32>
      %swap3A_34 = vector.shape_cast %broadcast_in_dim3A_3 : vector<16xi32> to vector<16xi32>
      tpu.vector_store %arg6[%swap3A_31], %swap3A_34 {strides = array<i32>} : memref<4112xi32, #tpu.memory_space<vmem>>, vector<16xi32>,
      %swap3A_35 = arith.constant 128 : index
      %swap3A_36 = tpu.vector_load %arg6[%swap3A_35] {strides = array<i32>} : memref<4112xi32, #tpu.memory_space<vmem>>, vector<16xi32>,
      %swap3A_37 = vector.shape_cast %swap3A_36 : vector<16xi32> to vector<16xi32>
      %swap3A_38 = vector.shape_cast %broadcast_in_dim3A_3 : vector<16xi32> to vector<16xi32>
      tpu.vector_store %arg6[%swap3A_35], %swap3A_38 {strides = array<i32>} : memref<4112xi32, #tpu.memory_space<vmem>>, vector<16xi32>,
      %swap3A_39 = arith.constant 144 : index
      %swap3A_40 = tpu.vector_load %arg6[%swap3A_39] {strides = array<i32>} : memref<4112xi32, #tpu.memory_space<vmem>>, vector<16xi32>,
      %swap3A_41 = vector.shape_cast %swap3A_40 : vector<16xi32> to vector<16xi32>
      %swap3A_42 = vector.shape_cast %broadcast_in_dim3A_3 : vector<16xi32> to vector<16xi32>
      tpu.vector_store %arg6[%swap3A_39], %swap3A_42 {strides = array<i32>} : memref<4112xi32, #tpu.memory_space<vmem>>, vector<16xi32>,
      %swap3A_43 = arith.constant 160 : index
      %swap3A_44 = tpu.vector_load %arg6[%swap3A_43] {strides = array<i32>} : memref<4112xi32, #tpu.memory_space<vmem>>, vector<16xi32>,
      %swap3A_45 = vector.shape_cast %swap3A_44 : vector<16xi32> to vector<16xi32>
      %swap3A_46 = vector.shape_cast %broadcast_in_dim3A_3 : vector<16xi32> to vector<16xi32>
      tpu.vector_store %arg6[%swap3A_43], %swap3A_46 {strides = array<i32>} : memref<4112xi32, #tpu.memory_space<vmem>>, vector<16xi32>,
      %swap3A_47 = arith.constant 176 : index
      %swap3A_48 = tpu.vector_load %arg6[%swap3A_47] {strides = array<i32>} : memref<4112xi32, #tpu.memory_space<vmem>>, vector<16xi32>,
      %swap3A_49 = vector.shape_cast %swap3A_48 : vector<16xi32> to vector<16xi32>
      %swap3A_50 = vector.shape_cast %broadcast_in_dim3A_3 : vector<16xi32> to vector<16xi32>
      tpu.vector_store %arg6[%swap3A_47], %swap3A_50 {strides = array<i32>} : memref<4112xi32, #tpu.memory_space<vmem>>, vector<16xi32>,
      %swap3A_51 = arith.constant 192 : index
      %swap3A_52 = tpu.vector_load %arg6[%swap3A_51] {strides = array<i32>} : memref<4112xi32, #tpu.memory_space<vmem>>, vector<16xi32>,
      %swap3A_53 = vector.shape_cast %swap3A_52 : vector<16xi32> to vector<16xi32>
      %swap3A_54 = vector.shape_cast %broadcast_in_dim3A_3 : vector<16xi32> to vector<16xi32>
      tpu.vector_store %arg6[%swap3A_51], %swap3A_54 {strides = array<i32>} : memref<4112xi32, #tpu.memory_space<vmem>>, vector<16xi32>,
      %swap3A_55 = arith.constant 208 : index
      %swap3A_56 = tpu.vector_load %arg6[%swap3A_55] {strides = array<i32>} : memref<4112xi32, #tpu.memory_space<vmem>>, vector<16xi32>,
      %swap3A_57 = vector.shape_cast %swap3A_56 : vector<16xi32> to vector<16xi32>
      %swap3A_58 = vector.shape_cast %broadcast_in_dim3A_3 : vector<16xi32> to vector<16xi32>
      tpu.vector_store %arg6[%swap3A_55], %swap3A_58 {strides = array<i32>} : memref<4112xi32, #tpu.memory_space<vmem>>, vector<16xi32>,
      %swap3A_59 = arith.constant 224 : index
      %swap3A_60 = tpu.vector_load %arg6[%swap3A_59] {strides = array<i32>} : memref<4112xi32, #tpu.memory_space<vmem>>, vector<16xi32>,
      %swap3A_61 = vector.shape_cast %swap3A_60 : vector<16xi32> to vector<16xi32>
      %swap3A_62 = vector.shape_cast %broadcast_in_dim3A_3 : vector<16xi32> to vector<16xi32>
      tpu.vector_store %arg6[%swap3A_59], %swap3A_62 {strides = array<i32>} : memref<4112xi32, #tpu.memory_space<vmem>>, vector<16xi32>,
      %swap3A_63 = arith.constant 240 : index
      %swap3A_64 = tpu.vector_load %arg6[%swap3A_63] {strides = array<i32>} : memref<4112xi32, #tpu.memory_space<vmem>>, vector<16xi32>,
      %swap3A_65 = vector.shape_cast %swap3A_64 : vector<16xi32> to vector<16xi32>
      %swap3A_66 = vector.shape_cast %broadcast_in_dim3A_3 : vector<16xi32> to vector<16xi32>
      tpu.vector_store %arg6[%swap3A_63], %swap3A_66 {strides = array<i32>} : memref<4112xi32, #tpu.memory_space<vmem>>, vector<16xi32>,
      %swap3A_67 = arith.constant 256 : index
      %swap3A_68 = tpu.vector_load %arg6[%swap3A_67] {strides = array<i32>} : memref<4112xi32, #tpu.memory_space<vmem>>, vector<16xi32>,
      %swap3A_69 = vector.shape_cast %swap3A_68 : vector<16xi32> to vector<16xi32>
      %swap3A_70 = vector.shape_cast %broadcast_in_dim3A_3 : vector<16xi32> to vector<16xi32>
      tpu.vector_store %arg6[%swap3A_67], %swap3A_70 {strides = array<i32>} : memref<4112xi32, #tpu.memory_space<vmem>>, vector<16xi32>,
      %swap3A_71 = arith.constant 272 : index
      %swap3A_72 = tpu.vector_load %arg6[%swap3A_71] {strides = array<i32>} : memref<4112xi32, #tpu.memory_space<vmem>>, vector<16xi32>,
      %swap3A_73 = vector.shape_cast %swap3A_72 : vector<16xi32> to vector<16xi32>
      %swap3A_74 = vector.shape_cast %broadcast_in_dim3A_3 : vector<16xi32> to vector<16xi32>
      tpu.vector_store %arg6[%swap3A_71], %swap3A_74 {strides = array<i32>} : memref<4112xi32, #tpu.memory_space<vmem>>, vector<16xi32>,
      %swap3A_75 = arith.constant 288 : index
      %swap3A_76 = tpu.vector_load %arg6[%swap3A_75] {strides = array<i32>} : memref<4112xi32, #tpu.memory_space<vmem>>, vector<16xi32>,
      %swap3A_77 = vector.shape_cast %swap3A_76 : vector<16xi32> to vector<16xi32>
      %swap3A_78 = vector.shape_cast %broadcast_in_dim3A_3 : vector<16xi32> to vector<16xi32>
      tpu.vector_store %arg6[%swap3A_75], %swap3A_78 {strides = array<i32>} : memref<4112xi32, #tpu.memory_space<vmem>>, vector<16xi32>,
      %swap3A_79 = arith.constant 304 : index
      %swap3A_80 = tpu.vector_load %arg6[%swap3A_79] {strides = array<i32>} : memref<4112xi32, #tpu.memory_space<vmem>>, vector<16xi32>,
      %swap3A_81 = vector.shape_cast %swap3A_80 : vector<16xi32> to vector<16xi32>
      %swap3A_82 = vector.shape_cast %broadcast_in_dim3A_3 : vector<16xi32> to vector<16xi32>
      tpu.vector_store %arg6[%swap3A_79], %swap3A_82 {strides = array<i32>} : memref<4112xi32, #tpu.memory_space<vmem>>, vector<16xi32>,
      %swap3A_83 = arith.constant 320 : index
      %swap3A_84 = tpu.vector_load %arg6[%swap3A_83] {strides = array<i32>} : memref<4112xi32, #tpu.memory_space<vmem>>, vector<16xi32>,
      %swap3A_85 = vector.shape_cast %swap3A_84 : vector<16xi32> to vector<16xi32>
      %swap3A_86 = vector.shape_cast %broadcast_in_dim3A_3 : vector<16xi32> to vector<16xi32>
      tpu.vector_store %arg6[%swap3A_83], %swap3A_86 {strides = array<i32>} : memref<4112xi32, #tpu.memory_space<vmem>>, vector<16xi32>,
      %swap3A_87 = arith.constant 336 : index
      %swap3A_88 = tpu.vector_load %arg6[%swap3A_87] {strides = array<i32>} : memref<4112xi32, #tpu.memory_space<vmem>>, vector<16xi32>,
      %swap3A_89 = vector.shape_cast %swap3A_88 : vector<16xi32> to vector<16xi32>
      %swap3A_90 = vector.shape_cast %broadcast_in_dim3A_3 : vector<16xi32> to vector<16xi32>
      tpu.vector_store %arg6[%swap3A_87], %swap3A_90 {strides = array<i32>} : memref<4112xi32, #tpu.memory_space<vmem>>, vector<16xi32>,
      %swap3A_91 = arith.constant 352 : index
      %swap3A_92 = tpu.vector_load %arg6[%swap3A_91] {strides = array<i32>} : memref<4112xi32, #tpu.memory_space<vmem>>, vector<16xi32>,
      %swap3A_93 = vector.shape_cast %swap3A_92 : vector<16xi32> to vector<16xi32>
      %swap3A_94 = vector.shape_cast %broadcast_in_dim3A_3 : vector<16xi32> to vector<16xi32>
      tpu.vector_store %arg6[%swap3A_91], %swap3A_94 {strides = array<i32>} : memref<4112xi32, #tpu.memory_space<vmem>>, vector<16xi32>,
      %swap3A_95 = arith.constant 368 : index
      %swap3A_96 = tpu.vector_load %arg6[%swap3A_95] {strides = array<i32>} : memref<4112xi32, #tpu.memory_space<vmem>>, vector<16xi32>,
      %swap3A_97 = vector.shape_cast %swap3A_96 : vector<16xi32> to vector<16xi32>
      %swap3A_98 = vector.shape_cast %broadcast_in_dim3A_3 : vector<16xi32> to vector<16xi32>
      tpu.vector_store %arg6[%swap3A_95], %swap3A_98 {strides = array<i32>} : memref<4112xi32, #tpu.memory_space<vmem>>, vector<16xi32>,
      %swap3A_99 = arith.constant 384 : index
      %swap3A_100 = tpu.vector_load %arg6[%swap3A_99] {strides = array<i32>} : memref<4112xi32, #tpu.memory_space<vmem>>, vector<16xi32>,
      %swap3A_101 = vector.shape_cast %swap3A_100 : vector<16xi32> to vector<16xi32>
      %swap3A_102 = vector.shape_cast %broadcast_in_dim3A_3 : vector<16xi32> to vector<16xi32>
      tpu.vector_store %arg6[%swap3A_99], %swap3A_102 {strides = array<i32>} : memref<4112xi32, #tpu.memory_space<vmem>>, vector<16xi32>,
      %swap3A_103 = arith.constant 400 : index
      %swap3A_104 = tpu.vector_load %arg6[%swap3A_103] {strides = array<i32>} : memref<4112xi32, #tpu.memory_space<vmem>>, vector<16xi32>,
      %swap3A_105 = vector.shape_cast %swap3A_104 : vector<16xi32> to vector<16xi32>
      %swap3A_106 = vector.shape_cast %broadcast_in_dim3A_3 : vector<16xi32> to vector<16xi32>
      tpu.vector_store %arg6[%swap3A_103], %swap3A_106 {strides = array<i32>} : memref<4112xi32, #tpu.memory_space<vmem>>, vector<16xi32>,
      %swap3A_107 = arith.constant 416 : index
      %swap3A_108 = tpu.vector_load %arg6[%swap3A_107] {strides = array<i32>} : memref<4112xi32, #tpu.memory_space<vmem>>, vector<16xi32>,
      %swap3A_109 = vector.shape_cast %swap3A_108 : vector<16xi32> to vector<16xi32>
      %swap3A_110 = vector.shape_cast %broadcast_in_dim3A_3 : vector<16xi32> to vector<16xi32>
      tpu.vector_store %arg6[%swap3A_107], %swap3A_110 {strides = array<i32>} : memref<4112xi32, #tpu.memory_space<vmem>>, vector<16xi32>,
      %swap3A_111 = arith.constant 432 : index
      %swap3A_112 = tpu.vector_load %arg6[%swap3A_111] {strides = array<i32>} : memref<4112xi32, #tpu.memory_space<vmem>>, vector<16xi32>,
      %swap3A_113 = vector.shape_cast %swap3A_112 : vector<16xi32> to vector<16xi32>
      %swap3A_114 = vector.shape_cast %broadcast_in_dim3A_3 : vector<16xi32> to vector<16xi32>
      tpu.vector_store %arg6[%swap3A_111], %swap3A_114 {strides = array<i32>} : memref<4112xi32, #tpu.memory_space<vmem>>, vector<16xi32>,
      %swap3A_115 = arith.constant 448 : index
      %swap3A_116 = tpu.vector_load %arg6[%swap3A_115] {strides = array<i32>} : memref<4112xi32, #tpu.memory_space<vmem>>, vector<16xi32>,
      %swap3A_117 = vector.shape_cast %swap3A_116 : vector<16xi32> to vector<16xi32>
      %swap3A_118 = vector.shape_cast %broadcast_in_dim3A_3 : vector<16xi32> to vector<16xi32>
      tpu.vector_store %arg6[%swap3A_115], %swap3A_118 {strides = array<i32>} : memref<4112xi32, #tpu.memory_space<vmem>>, vector<16xi32>,
      %swap3A_119 = arith.constant 464 : index
      %swap3A_120 = tpu.vector_load %arg6[%swap3A_119] {strides = array<i32>} : memref<4112xi32, #tpu.memory_space<vmem>>, vector<16xi32>,
      %swap3A_121 = vector.shape_cast %swap3A_120 : vector<16xi32> to vector<16xi32>
      %swap3A_122 = vector.shape_cast %broadcast_in_dim3A_3 : vector<16xi32> to vector<16xi32>
      tpu.vector_store %arg6[%swap3A_119], %swap3A_122 {strides = array<i32>} : memref<4112xi32, #tpu.memory_space<vmem>>, vector<16xi32>,
      %swap3A_123 = arith.constant 480 : index
      %swap3A_124 = tpu.vector_load %arg6[%swap3A_123] {strides = array<i32>} : memref<4112xi32, #tpu.memory_space<vmem>>, vector<16xi32>,
      %swap3A_125 = vector.shape_cast %swap3A_124 : vector<16xi32> to vector<16xi32>
      %swap3A_126 = vector.shape_cast %broadcast_in_dim3A_3 : vector<16xi32> to vector<16xi32>
      tpu.vector_store %arg6[%swap3A_123], %swap3A_126 {strides = array<i32>} : memref<4112xi32, #tpu.memory_space<vmem>>, vector<16xi32>,
      %swap3A_127 = arith.constant 496 : index
      %swap3A_128 = tpu.vector_load %arg6[%swap3A_127] {strides = array<i32>} : memref<4112xi32, #tpu.memory_space<vmem>>, vector<16xi32>,
      %swap3A_129 = vector.shape_cast %swap3A_128 : vector<16xi32> to vector<16xi32>
      %swap3A_130 = vector.shape_cast %broadcast_in_dim3A_3 : vector<16xi32> to vector<16xi32>
      tpu.vector_store %arg6[%swap3A_127], %swap3A_130 {strides = array<i32>} : memref<4112xi32, #tpu.memory_space<vmem>>, vector<16xi32>,
      %swap3A_131 = arith.constant 512 : index
      %swap3A_132 = tpu.vector_load %arg6[%swap3A_131] {strides = array<i32>} : memref<4112xi32, #tpu.memory_space<vmem>>, vector<16xi32>,
      %swap3A_133 = vector.shape_cast %swap3A_132 : vector<16xi32> to vector<16xi32>
      %swap3A_134 = vector.shape_cast %broadcast_in_dim3A_3 : vector<16xi32> to vector<16xi32>
      tpu.vector_store %arg6[%swap3A_131], %swap3A_134 {strides = array<i32>} : memref<4112xi32, #tpu.memory_space<vmem>>, vector<16xi32>,
      %swap3A_135 = arith.constant 528 : index
      %swap3A_136 = tpu.vector_load %arg6[%swap3A_135] {strides = array<i32>} : memref<4112xi32, #tpu.memory_space<vmem>>, vector<16xi32>,
      %swap3A_137 = vector.shape_cast %swap3A_136 : vector<16xi32> to vector<16xi32>
      %swap3A_138 = vector.shape_cast %broadcast_in_dim3A_3 : vector<16xi32> to vector<16xi32>
      tpu.vector_store %arg6[%swap3A_135], %swap3A_138 {strides = array<i32>} : memref<4112xi32, #tpu.memory_space<vmem>>, vector<16xi32>,
      %swap3A_139 = arith.constant 544 : index
      %swap3A_140 = tpu.vector_load %arg6[%swap3A_139] {strides = array<i32>} : memref<4112xi32, #tpu.memory_space<vmem>>, vector<16xi32>,
      %swap3A_141 = vector.shape_cast %swap3A_140 : vector<16xi32> to vector<16xi32>
      %swap3A_142 = vector.shape_cast %broadcast_in_dim3A_3 : vector<16xi32> to vector<16xi32>
      tpu.vector_store %arg6[%swap3A_139], %swap3A_142 {strides = array<i32>} : memref<4112xi32, #tpu.memory_space<vmem>>, vector<16xi32>,
      %swap3A_143 = arith.constant 560 : index
      %swap3A_144 = tpu.vector_load %arg6[%swap3A_143] {strides = array<i32>} : memref<4112xi32, #tpu.memory_space<vmem>>, vector<16xi32>,
      %swap3A_145 = vector.shape_cast %swap3A_144 : vector<16xi32> to vector<16xi32>
      %swap3A_146 = vector.shape_cast %broadcast_in_dim3A_3 : vector<16xi32> to vector<16xi32>
      tpu.vector_store %arg6[%swap3A_143], %swap3A_146 {strides = array<i32>} : memref<4112xi32, #tpu.memory_space<vmem>>, vector<16xi32>,
      %swap3A_147 = arith.constant 576 : index
      %swap3A_148 = tpu.vector_load %arg6[%swap3A_147] {strides = array<i32>} : memref<4112xi32, #tpu.memory_space<vmem>>, vector<16xi32>,
      %swap3A_149 = vector.shape_cast %swap3A_148 : vector<16xi32> to vector<16xi32>
      %swap3A_150 = vector.shape_cast %broadcast_in_dim3A_3 : vector<16xi32> to vector<16xi32>
      tpu.vector_store %arg6[%swap3A_147], %swap3A_150 {strides = array<i32>} : memref<4112xi32, #tpu.memory_space<vmem>>, vector<16xi32>,
      %swap3A_151 = arith.constant 592 : index
      %swap3A_152 = tpu.vector_load %arg6[%swap3A_151] {strides = array<i32>} : memref<4112xi32, #tpu.memory_space<vmem>>, vector<16xi32>,
      %swap3A_153 = vector.shape_cast %swap3A_152 : vector<16xi32> to vector<16xi32>
      %swap3A_154 = vector.shape_cast %broadcast_in_dim3A_3 : vector<16xi32> to vector<16xi32>
      tpu.vector_store %arg6[%swap3A_151], %swap3A_154 {strides = array<i32>} : memref<4112xi32, #tpu.memory_space<vmem>>, vector<16xi32>,
      %swap3A_155 = arith.constant 608 : index
      %swap3A_156 = tpu.vector_load %arg6[%swap3A_155] {strides = array<i32>} : memref<4112xi32, #tpu.memory_space<vmem>>, vector<16xi32>,
      %swap3A_157 = vector.shape_cast %swap3A_156 : vector<16xi32> to vector<16xi32>
      %swap3A_158 = vector.shape_cast %broadcast_in_dim3A_3 : vector<16xi32> to vector<16xi32>
      tpu.vector_store %arg6[%swap3A_155], %swap3A_158 {strides = array<i32>} : memref<4112xi32, #tpu.memory_space<vmem>>, vector<16xi32>,
      %swap3A_159 = arith.constant 624 : index
      %swap3A_160 = tpu.vector_load %arg6[%swap3A_159] {strides = array<i32>} : memref<4112xi32, #tpu.memory_space<vmem>>, vector<16xi32>,
      %swap3A_161 = vector.shape_cast %swap3A_160 : vector<16xi32> to vector<16xi32>
      %swap3A_162 = vector.shape_cast %broadcast_in_dim3A_3 : vector<16xi32> to vector<16xi32>
      tpu.vector_store %arg6[%swap3A_159], %swap3A_162 {strides = array<i32>} : memref<4112xi32, #tpu.memory_space<vmem>>, vector<16xi32>,
      %swap3A_163 = arith.constant 640 : index
      %swap3A_164 = tpu.vector_load %arg6[%swap3A_163] {strides = array<i32>} : memref<4112xi32, #tpu.memory_space<vmem>>, vector<16xi32>,
      %swap3A_165 = vector.shape_cast %swap3A_164 : vector<16xi32> to vector<16xi32>
      %swap3A_166 = vector.shape_cast %broadcast_in_dim3A_3 : vector<16xi32> to vector<16xi32>
      tpu.vector_store %arg6[%swap3A_163], %swap3A_166 {strides = array<i32>} : memref<4112xi32, #tpu.memory_space<vmem>>, vector<16xi32>,
      %swap3A_167 = arith.constant 656 : index
      %swap3A_168 = tpu.vector_load %arg6[%swap3A_167] {strides = array<i32>} : memref<4112xi32, #tpu.memory_space<vmem>>, vector<16xi32>,
      %swap3A_169 = vector.shape_cast %swap3A_168 : vector<16xi32> to vector<16xi32>
      %swap3A_170 = vector.shape_cast %broadcast_in_dim3A_3 : vector<16xi32> to vector<16xi32>
      tpu.vector_store %arg6[%swap3A_167], %swap3A_170 {strides = array<i32>} : memref<4112xi32, #tpu.memory_space<vmem>>, vector<16xi32>,
      %swap3A_171 = arith.constant 672 : index
      %swap3A_172 = tpu.vector_load %arg6[%swap3A_171] {strides = array<i32>} : memref<4112xi32, #tpu.memory_space<vmem>>, vector<16xi32>,
      %swap3A_173 = vector.shape_cast %swap3A_172 : vector<16xi32> to vector<16xi32>
      %swap3A_174 = vector.shape_cast %broadcast_in_dim3A_3 : vector<16xi32> to vector<16xi32>
      tpu.vector_store %arg6[%swap3A_171], %swap3A_174 {strides = array<i32>} : memref<4112xi32, #tpu.memory_space<vmem>>, vector<16xi32>,
      %swap3A_175 = arith.constant 688 : index
      %swap3A_176 = tpu.vector_load %arg6[%swap3A_175] {strides = array<i32>} : memref<4112xi32, #tpu.memory_space<vmem>>, vector<16xi32>,
      %swap3A_177 = vector.shape_cast %swap3A_176 : vector<16xi32> to vector<16xi32>
      %swap3A_178 = vector.shape_cast %broadcast_in_dim3A_3 : vector<16xi32> to vector<16xi32>
      tpu.vector_store %arg6[%swap3A_175], %swap3A_178 {strides = array<i32>} : memref<4112xi32, #tpu.memory_space<vmem>>, vector<16xi32>,
      %swap3A_179 = arith.constant 704 : index
      %swap3A_180 = tpu.vector_load %arg6[%swap3A_179] {strides = array<i32>} : memref<4112xi32, #tpu.memory_space<vmem>>, vector<16xi32>,
      %swap3A_181 = vector.shape_cast %swap3A_180 : vector<16xi32> to vector<16xi32>
      %swap3A_182 = vector.shape_cast %broadcast_in_dim3A_3 : vector<16xi32> to vector<16xi32>
      tpu.vector_store %arg6[%swap3A_179], %swap3A_182 {strides = array<i32>} : memref<4112xi32, #tpu.memory_space<vmem>>, vector<16xi32>,
      %swap3A_183 = arith.constant 720 : index
      %swap3A_184 = tpu.vector_load %arg6[%swap3A_183] {strides = array<i32>} : memref<4112xi32, #tpu.memory_space<vmem>>, vector<16xi32>,
      %swap3A_185 = vector.shape_cast %swap3A_184 : vector<16xi32> to vector<16xi32>
      %swap3A_186 = vector.shape_cast %broadcast_in_dim3A_3 : vector<16xi32> to vector<16xi32>
      tpu.vector_store %arg6[%swap3A_183], %swap3A_186 {strides = array<i32>} : memref<4112xi32, #tpu.memory_space<vmem>>, vector<16xi32>,
      %swap3A_187 = arith.constant 736 : index
      %swap3A_188 = tpu.vector_load %arg6[%swap3A_187] {strides = array<i32>} : memref<4112xi32, #tpu.memory_space<vmem>>, vector<16xi32>,
      %swap3A_189 = vector.shape_cast %swap3A_188 : vector<16xi32> to vector<16xi32>
      %swap3A_190 = vector.shape_cast %broadcast_in_dim3A_3 : vector<16xi32> to vector<16xi32>
      tpu.vector_store %arg6[%swap3A_187], %swap3A_190 {strides = array<i32>} : memref<4112xi32, #tpu.memory_space<vmem>>, vector<16xi32>,
      %swap3A_191 = arith.constant 752 : index
      %swap3A_192 = tpu.vector_load %arg6[%swap3A_191] {strides = array<i32>} : memref<4112xi32, #tpu.memory_space<vmem>>, vector<16xi32>,
      %swap3A_193 = vector.shape_cast %swap3A_192 : vector<16xi32> to vector<16xi32>
      %swap3A_194 = vector.shape_cast %broadcast_in_dim3A_3 : vector<16xi32> to vector<16xi32>
      tpu.vector_store %arg6[%swap3A_191], %swap3A_194 {strides = array<i32>} : memref<4112xi32, #tpu.memory_space<vmem>>, vector<16xi32>,
      %swap3A_195 = arith.constant 768 : index
      %swap3A_196 = tpu.vector_load %arg6[%swap3A_195] {strides = array<i32>} : memref<4112xi32, #tpu.memory_space<vmem>>, vector<16xi32>,
      %swap3A_197 = vector.shape_cast %swap3A_196 : vector<16xi32> to vector<16xi32>
      %swap3A_198 = vector.shape_cast %broadcast_in_dim3A_3 : vector<16xi32> to vector<16xi32>
      tpu.vector_store %arg6[%swap3A_195], %swap3A_198 {strides = array<i32>} : memref<4112xi32, #tpu.memory_space<vmem>>, vector<16xi32>,
      %swap3A_199 = arith.constant 784 : index
      %swap3A_200 = tpu.vector_load %arg6[%swap3A_199] {strides = array<i32>} : memref<4112xi32, #tpu.memory_space<vmem>>, vector<16xi32>,
      %swap3A_201 = vector.shape_cast %swap3A_200 : vector<16xi32> to vector<16xi32>
      %swap3A_202 = vector.shape_cast %broadcast_in_dim3A_3 : vector<16xi32> to vector<16xi32>
      tpu.vector_store %arg6[%swap3A_199], %swap3A_202 {strides = array<i32>} : memref<4112xi32, #tpu.memory_space<vmem>>, vector<16xi32>,
      %swap3A_203 = arith.constant 800 : index
      %swap3A_204 = tpu.vector_load %arg6[%swap3A_203] {strides = array<i32>} : memref<4112xi32, #tpu.memory_space<vmem>>, vector<16xi32>,
      %swap3A_205 = vector.shape_cast %swap3A_204 : vector<16xi32> to vector<16xi32>
      %swap3A_206 = vector.shape_cast %broadcast_in_dim3A_3 : vector<16xi32> to vector<16xi32>
      tpu.vector_store %arg6[%swap3A_203], %swap3A_206 {strides = array<i32>} : memref<4112xi32, #tpu.memory_space<vmem>>, vector<16xi32>,
      %swap3A_207 = arith.constant 816 : index
      %swap3A_208 = tpu.vector_load %arg6[%swap3A_207] {strides = array<i32>} : memref<4112xi32, #tpu.memory_space<vmem>>, vector<16xi32>,
      %swap3A_209 = vector.shape_cast %swap3A_208 : vector<16xi32> to vector<16xi32>
      %swap3A_210 = vector.shape_cast %broadcast_in_dim3A_3 : vector<16xi32> to vector<16xi32>
      tpu.vector_store %arg6[%swap3A_207], %swap3A_210 {strides = array<i32>} : memref<4112xi32, #tpu.memory_space<vmem>>, vector<16xi32>,
      %swap3A_211 = arith.constant 832 : index
      %swap3A_212 = tpu.vector_load %arg6[%swap3A_211] {strides = array<i32>} : memref<4112xi32, #tpu.memory_space<vmem>>, vector<16xi32>,
      %swap3A_213 = vector.shape_cast %swap3A_212 : vector<16xi32> to vector<16xi32>
      %swap3A_214 = vector.shape_cast %broadcast_in_dim3A_3 : vector<16xi32> to vector<16xi32>
      tpu.vector_store %arg6[%swap3A_211], %swap3A_214 {strides = array<i32>} : memref<4112xi32, #tpu.memory_space<vmem>>, vector<16xi32>,
      %swap3A_215 = arith.constant 848 : index
      %swap3A_216 = tpu.vector_load %arg6[%swap3A_215] {strides = array<i32>} : memref<4112xi32, #tpu.memory_space<vmem>>, vector<16xi32>,
      %swap3A_217 = vector.shape_cast %swap3A_216 : vector<16xi32> to vector<16xi32>
      %swap3A_218 = vector.shape_cast %broadcast_in_dim3A_3 : vector<16xi32> to vector<16xi32>
      tpu.vector_store %arg6[%swap3A_215], %swap3A_218 {strides = array<i32>} : memref<4112xi32, #tpu.memory_space<vmem>>, vector<16xi32>,
      %swap3A_219 = arith.constant 864 : index
      %swap3A_220 = tpu.vector_load %arg6[%swap3A_219] {strides = array<i32>} : memref<4112xi32, #tpu.memory_space<vmem>>, vector<16xi32>,
      %swap3A_221 = vector.shape_cast %swap3A_220 : vector<16xi32> to vector<16xi32>
      %swap3A_222 = vector.shape_cast %broadcast_in_dim3A_3 : vector<16xi32> to vector<16xi32>
      tpu.vector_store %arg6[%swap3A_219], %swap3A_222 {strides = array<i32>} : memref<4112xi32, #tpu.memory_space<vmem>>, vector<16xi32>,
      %swap3A_223 = arith.constant 880 : index
      %swap3A_224 = tpu.vector_load %arg6[%swap3A_223] {strides = array<i32>} : memref<4112xi32, #tpu.memory_space<vmem>>, vector<16xi32>,
      %swap3A_225 = vector.shape_cast %swap3A_224 : vector<16xi32> to vector<16xi32>
      %swap3A_226 = vector.shape_cast %broadcast_in_dim3A_3 : vector<16xi32> to vector<16xi32>
      tpu.vector_store %arg6[%swap3A_223], %swap3A_226 {strides = array<i32>} : memref<4112xi32, #tpu.memory_space<vmem>>, vector<16xi32>,
      %swap3A_227 = arith.constant 896 : index
      %swap3A_228 = tpu.vector_load %arg6[%swap3A_227] {strides = array<i32>} : memref<4112xi32, #tpu.memory_space<vmem>>, vector<16xi32>,
      %swap3A_229 = vector.shape_cast %swap3A_228 : vector<16xi32> to vector<16xi32>
      %swap3A_230 = vector.shape_cast %broadcast_in_dim3A_3 : vector<16xi32> to vector<16xi32>
      tpu.vector_store %arg6[%swap3A_227], %swap3A_230 {strides = array<i32>} : memref<4112xi32, #tpu.memory_space<vmem>>, vector<16xi32>,
      %swap3A_231 = arith.constant 912 : index
      %swap3A_232 = tpu.vector_load %arg6[%swap3A_231] {strides = array<i32>} : memref<4112xi32, #tpu.memory_space<vmem>>, vector<16xi32>,
      %swap3A_233 = vector.shape_cast %swap3A_232 : vector<16xi32> to vector<16xi32>
      %swap3A_234 = vector.shape_cast %broadcast_in_dim3A_3 : vector<16xi32> to vector<16xi32>
      tpu.vector_store %arg6[%swap3A_231], %swap3A_234 {strides = array<i32>} : memref<4112xi32, #tpu.memory_space<vmem>>, vector<16xi32>,
      %swap3A_235 = arith.constant 928 : index
      %swap3A_236 = tpu.vector_load %arg6[%swap3A_235] {strides = array<i32>} : memref<4112xi32, #tpu.memory_space<vmem>>, vector<16xi32>,
      %swap3A_237 = vector.shape_cast %swap3A_236 : vector<16xi32> to vector<16xi32>
      %swap3A_238 = vector.shape_cast %broadcast_in_dim3A_3 : vector<16xi32> to vector<16xi32>
      tpu.vector_store %arg6[%swap3A_235], %swap3A_238 {strides = array<i32>} : memref<4112xi32, #tpu.memory_space<vmem>>, vector<16xi32>,
      %swap3A_239 = arith.constant 944 : index
      %swap3A_240 = tpu.vector_load %arg6[%swap3A_239] {strides = array<i32>} : memref<4112xi32, #tpu.memory_space<vmem>>, vector<16xi32>,
      %swap3A_241 = vector.shape_cast %swap3A_240 : vector<16xi32> to vector<16xi32>
      %swap3A_242 = vector.shape_cast %broadcast_in_dim3A_3 : vector<16xi32> to vector<16xi32>
      tpu.vector_store %arg6[%swap3A_239], %swap3A_242 {strides = array<i32>} : memref<4112xi32, #tpu.memory_space<vmem>>, vector<16xi32>,
      %swap3A_243 = arith.constant 960 : index
      %swap3A_244 = tpu.vector_load %arg6[%swap3A_243] {strides = array<i32>} : memref<4112xi32, #tpu.memory_space<vmem>>, vector<16xi32>,
      %swap3A_245 = vector.shape_cast %swap3A_244 : vector<16xi32> to vector<16xi32>
      %swap3A_246 = vector.shape_cast %broadcast_in_dim3A_3 : vector<16xi32> to vector<16xi32>
      tpu.vector_store %arg6[%swap3A_243], %swap3A_246 {strides = array<i32>} : memref<4112xi32, #tpu.memory_space<vmem>>, vector<16xi32>,
      %swap3A_247 = arith.constant 976 : index
      %swap3A_248 = tpu.vector_load %arg6[%swap3A_247] {strides = array<i32>} : memref<4112xi32, #tpu.memory_space<vmem>>, vector<16xi32>,
      %swap3A_249 = vector.shape_cast %swap3A_248 : vector<16xi32> to vector<16xi32>
      %swap3A_250 = vector.shape_cast %broadcast_in_dim3A_3 : vector<16xi32> to vector<16xi32>
      tpu.vector_store %arg6[%swap3A_247], %swap3A_250 {strides = array<i32>} : memref<4112xi32, #tpu.memory_space<vmem>>, vector<16xi32>,
      %swap3A_251 = arith.constant 992 : index
      %swap3A_252 = tpu.vector_load %arg6[%swap3A_251] {strides = array<i32>} : memref<4112xi32, #tpu.memory_space<vmem>>, vector<16xi32>,
      %swap3A_253 = vector.shape_cast %swap3A_252 : vector<16xi32> to vector<16xi32>
      %swap3A_254 = vector.shape_cast %broadcast_in_dim3A_3 : vector<16xi32> to vector<16xi32>
      tpu.vector_store %arg6[%swap3A_251], %swap3A_254 {strides = array<i32>} : memref<4112xi32, #tpu.memory_space<vmem>>, vector<16xi32>,
      %swap3A_255 = arith.constant 1008 : index
      %swap3A_256 = tpu.vector_load %arg6[%swap3A_255] {strides = array<i32>} : memref<4112xi32, #tpu.memory_space<vmem>>, vector<16xi32>,
      %swap3A_257 = vector.shape_cast %swap3A_256 : vector<16xi32> to vector<16xi32>
      %swap3A_258 = vector.shape_cast %broadcast_in_dim3A_3 : vector<16xi32> to vector<16xi32>
      tpu.vector_store %arg6[%swap3A_255], %swap3A_258 {strides = array<i32>} : memref<4112xi32, #tpu.memory_space<vmem>>, vector<16xi32>,
      %swap3A_259 = arith.constant 1024 : index
      %swap3A_260 = tpu.vector_load %arg6[%swap3A_259] {strides = array<i32>} : memref<4112xi32, #tpu.memory_space<vmem>>, vector<16xi32>,
      %swap3A_261 = vector.shape_cast %swap3A_260 : vector<16xi32> to vector<16xi32>
      %swap3A_262 = vector.shape_cast %broadcast_in_dim3A_3 : vector<16xi32> to vector<16xi32>
      tpu.vector_store %arg6[%swap3A_259], %swap3A_262 {strides = array<i32>} : memref<4112xi32, #tpu.memory_space<vmem>>, vector<16xi32>,
      %swap3A_263 = arith.constant 1040 : index
      %swap3A_264 = tpu.vector_load %arg6[%swap3A_263] {strides = array<i32>} : memref<4112xi32, #tpu.memory_space<vmem>>, vector<16xi32>,
      %swap3A_265 = vector.shape_cast %swap3A_264 : vector<16xi32> to vector<16xi32>
      %swap3A_266 = vector.shape_cast %broadcast_in_dim3A_3 : vector<16xi32> to vector<16xi32>
      tpu.vector_store %arg6[%swap3A_263], %swap3A_266 {strides = array<i32>} : memref<4112xi32, #tpu.memory_space<vmem>>, vector<16xi32>,
      %swap3A_267 = arith.constant 1056 : index
      %swap3A_268 = tpu.vector_load %arg6[%swap3A_267] {strides = array<i32>} : memref<4112xi32, #tpu.memory_space<vmem>>, vector<16xi32>,
      %swap3A_269 = vector.shape_cast %swap3A_268 : vector<16xi32> to vector<16xi32>
      %swap3A_270 = vector.shape_cast %broadcast_in_dim3A_3 : vector<16xi32> to vector<16xi32>
      tpu.vector_store %arg6[%swap3A_267], %swap3A_270 {strides = array<i32>} : memref<4112xi32, #tpu.memory_space<vmem>>, vector<16xi32>,
      %swap3A_271 = arith.constant 1072 : index
      %swap3A_272 = tpu.vector_load %arg6[%swap3A_271] {strides = array<i32>} : memref<4112xi32, #tpu.memory_space<vmem>>, vector<16xi32>,
      %swap3A_273 = vector.shape_cast %swap3A_272 : vector<16xi32> to vector<16xi32>
      %swap3A_274 = vector.shape_cast %broadcast_in_dim3A_3 : vector<16xi32> to vector<16xi32>
      tpu.vector_store %arg6[%swap3A_271], %swap3A_274 {strides = array<i32>} : memref<4112xi32, #tpu.memory_space<vmem>>, vector<16xi32>,
      %swap3A_275 = arith.constant 1088 : index
      %swap3A_276 = tpu.vector_load %arg6[%swap3A_275] {strides = array<i32>} : memref<4112xi32, #tpu.memory_space<vmem>>, vector<16xi32>,
      %swap3A_277 = vector.shape_cast %swap3A_276 : vector<16xi32> to vector<16xi32>
      %swap3A_278 = vector.shape_cast %broadcast_in_dim3A_3 : vector<16xi32> to vector<16xi32>
      tpu.vector_store %arg6[%swap3A_275], %swap3A_278 {strides = array<i32>} : memref<4112xi32, #tpu.memory_space<vmem>>, vector<16xi32>,
      %swap3A_279 = arith.constant 1104 : index
      %swap3A_280 = tpu.vector_load %arg6[%swap3A_279] {strides = array<i32>} : memref<4112xi32, #tpu.memory_space<vmem>>, vector<16xi32>,
      %swap3A_281 = vector.shape_cast %swap3A_280 : vector<16xi32> to vector<16xi32>
      %swap3A_282 = vector.shape_cast %broadcast_in_dim3A_3 : vector<16xi32> to vector<16xi32>
      tpu.vector_store %arg6[%swap3A_279], %swap3A_282 {strides = array<i32>} : memref<4112xi32, #tpu.memory_space<vmem>>, vector<16xi32>,
      %swap3A_283 = arith.constant 1120 : index
      %swap3A_284 = tpu.vector_load %arg6[%swap3A_283] {strides = array<i32>} : memref<4112xi32, #tpu.memory_space<vmem>>, vector<16xi32>,
      %swap3A_285 = vector.shape_cast %swap3A_284 : vector<16xi32> to vector<16xi32>
      %swap3A_286 = vector.shape_cast %broadcast_in_dim3A_3 : vector<16xi32> to vector<16xi32>
      tpu.vector_store %arg6[%swap3A_283], %swap3A_286 {strides = array<i32>} : memref<4112xi32, #tpu.memory_space<vmem>>, vector<16xi32>,
      %swap3A_287 = arith.constant 1136 : index
      %swap3A_288 = tpu.vector_load %arg6[%swap3A_287] {strides = array<i32>} : memref<4112xi32, #tpu.memory_space<vmem>>, vector<16xi32>,
      %swap3A_289 = vector.shape_cast %swap3A_288 : vector<16xi32> to vector<16xi32>
      %swap3A_290 = vector.shape_cast %broadcast_in_dim3A_3 : vector<16xi32> to vector<16xi32>
      tpu.vector_store %arg6[%swap3A_287], %swap3A_290 {strides = array<i32>} : memref<4112xi32, #tpu.memory_space<vmem>>, vector<16xi32>,
      %swap3A_291 = arith.constant 1152 : index
      %swap3A_292 = tpu.vector_load %arg6[%swap3A_291] {strides = array<i32>} : memref<4112xi32, #tpu.memory_space<vmem>>, vector<16xi32>,
      %swap3A_293 = vector.shape_cast %swap3A_292 : vector<16xi32> to vector<16xi32>
      %swap3A_294 = vector.shape_cast %broadcast_in_dim3A_3 : vector<16xi32> to vector<16xi32>
      tpu.vector_store %arg6[%swap3A_291], %swap3A_294 {strides = array<i32>} : memref<4112xi32, #tpu.memory_space<vmem>>, vector<16xi32>,
      %swap3A_295 = arith.constant 1168 : index
      %swap3A_296 = tpu.vector_load %arg6[%swap3A_295] {strides = array<i32>} : memref<4112xi32, #tpu.memory_space<vmem>>, vector<16xi32>,
      %swap3A_297 = vector.shape_cast %swap3A_296 : vector<16xi32> to vector<16xi32>
      %swap3A_298 = vector.shape_cast %broadcast_in_dim3A_3 : vector<16xi32> to vector<16xi32>
      tpu.vector_store %arg6[%swap3A_295], %swap3A_298 {strides = array<i32>} : memref<4112xi32, #tpu.memory_space<vmem>>, vector<16xi32>,
      %swap3A_299 = arith.constant 1184 : index
      %swap3A_300 = tpu.vector_load %arg6[%swap3A_299] {strides = array<i32>} : memref<4112xi32, #tpu.memory_space<vmem>>, vector<16xi32>,
      %swap3A_301 = vector.shape_cast %swap3A_300 : vector<16xi32> to vector<16xi32>
      %swap3A_302 = vector.shape_cast %broadcast_in_dim3A_3 : vector<16xi32> to vector<16xi32>
      tpu.vector_store %arg6[%swap3A_299], %swap3A_302 {strides = array<i32>} : memref<4112xi32, #tpu.memory_space<vmem>>, vector<16xi32>,
      %swap3A_303 = arith.constant 1200 : index
      %swap3A_304 = tpu.vector_load %arg6[%swap3A_303] {strides = array<i32>} : memref<4112xi32, #tpu.memory_space<vmem>>, vector<16xi32>,
      %swap3A_305 = vector.shape_cast %swap3A_304 : vector<16xi32> to vector<16xi32>
      %swap3A_306 = vector.shape_cast %broadcast_in_dim3A_3 : vector<16xi32> to vector<16xi32>
      tpu.vector_store %arg6[%swap3A_303], %swap3A_306 {strides = array<i32>} : memref<4112xi32, #tpu.memory_space<vmem>>, vector<16xi32>,
      %swap3A_307 = arith.constant 1216 : index
      %swap3A_308 = tpu.vector_load %arg6[%swap3A_307] {strides = array<i32>} : memref<4112xi32, #tpu.memory_space<vmem>>, vector<16xi32>,
      %swap3A_309 = vector.shape_cast %swap3A_308 : vector<16xi32> to vector<16xi32>
      %swap3A_310 = vector.shape_cast %broadcast_in_dim3A_3 : vector<16xi32> to vector<16xi32>
      tpu.vector_store %arg6[%swap3A_307], %swap3A_310 {strides = array<i32>} : memref<4112xi32, #tpu.memory_space<vmem>>, vector<16xi32>,
      %swap3A_311 = arith.constant 1232 : index
      %swap3A_312 = tpu.vector_load %arg6[%swap3A_311] {strides = array<i32>} : memref<4112xi32, #tpu.memory_space<vmem>>, vector<16xi32>,
      %swap3A_313 = vector.shape_cast %swap3A_312 : vector<16xi32> to vector<16xi32>
      %swap3A_314 = vector.shape_cast %broadcast_in_dim3A_3 : vector<16xi32> to vector<16xi32>
      tpu.vector_store %arg6[%swap3A_311], %swap3A_314 {strides = array<i32>} : memref<4112xi32, #tpu.memory_space<vmem>>, vector<16xi32>,
      %swap3A_315 = arith.constant 1248 : index
      %swap3A_316 = tpu.vector_load %arg6[%swap3A_315] {strides = array<i32>} : memref<4112xi32, #tpu.memory_space<vmem>>, vector<16xi32>,
      %swap3A_317 = vector.shape_cast %swap3A_316 : vector<16xi32> to vector<16xi32>
      %swap3A_318 = vector.shape_cast %broadcast_in_dim3A_3 : vector<16xi32> to vector<16xi32>
      tpu.vector_store %arg6[%swap3A_315], %swap3A_318 {strides = array<i32>} : memref<4112xi32, #tpu.memory_space<vmem>>, vector<16xi32>,
      %swap3A_319 = arith.constant 1264 : index
      %swap3A_320 = tpu.vector_load %arg6[%swap3A_319] {strides = array<i32>} : memref<4112xi32, #tpu.memory_space<vmem>>, vector<16xi32>,
      %swap3A_321 = vector.shape_cast %swap3A_320 : vector<16xi32> to vector<16xi32>
      %swap3A_322 = vector.shape_cast %broadcast_in_dim3A_3 : vector<16xi32> to vector<16xi32>
      tpu.vector_store %arg6[%swap3A_319], %swap3A_322 {strides = array<i32>} : memref<4112xi32, #tpu.memory_space<vmem>>, vector<16xi32>,
      %swap3A_323 = arith.constant 1280 : index
      %swap3A_324 = tpu.vector_load %arg6[%swap3A_323] {strides = array<i32>} : memref<4112xi32, #tpu.memory_space<vmem>>, vector<16xi32>,
      %swap3A_325 = vector.shape_cast %swap3A_324 : vector<16xi32> to vector<16xi32>
      %swap3A_326 = vector.shape_cast %broadcast_in_dim3A_3 : vector<16xi32> to vector<16xi32>
      tpu.vector_store %arg6[%swap3A_323], %swap3A_326 {strides = array<i32>} : memref<4112xi32, #tpu.memory_space<vmem>>, vector<16xi32>,
      %swap3A_327 = arith.constant 1296 : index
      %swap3A_328 = tpu.vector_load %arg6[%swap3A_327] {strides = array<i32>} : memref<4112xi32, #tpu.memory_space<vmem>>, vector<16xi32>,
      %swap3A_329 = vector.shape_cast %swap3A_328 : vector<16xi32> to vector<16xi32>
      %swap3A_330 = vector.shape_cast %broadcast_in_dim3A_3 : vector<16xi32> to vector<16xi32>
      tpu.vector_store %arg6[%swap3A_327], %swap3A_330 {strides = array<i32>} : memref<4112xi32, #tpu.memory_space<vmem>>, vector<16xi32>,
      %swap3A_331 = arith.constant 1312 : index
      %swap3A_332 = tpu.vector_load %arg6[%swap3A_331] {strides = array<i32>} : memref<4112xi32, #tpu.memory_space<vmem>>, vector<16xi32>,
      %swap3A_333 = vector.shape_cast %swap3A_332 : vector<16xi32> to vector<16xi32>
      %swap3A_334 = vector.shape_cast %broadcast_in_dim3A_3 : vector<16xi32> to vector<16xi32>
      tpu.vector_store %arg6[%swap3A_331], %swap3A_334 {strides = array<i32>} : memref<4112xi32, #tpu.memory_space<vmem>>, vector<16xi32>,
      %swap3A_335 = arith.constant 1328 : index
      %swap3A_336 = tpu.vector_load %arg6[%swap3A_335] {strides = array<i32>} : memref<4112xi32, #tpu.memory_space<vmem>>, vector<16xi32>,
      %swap3A_337 = vector.shape_cast %swap3A_336 : vector<16xi32> to vector<16xi32>
      %swap3A_338 = vector.shape_cast %broadcast_in_dim3A_3 : vector<16xi32> to vector<16xi32>
      tpu.vector_store %arg6[%swap3A_335], %swap3A_338 {strides = array<i32>} : memref<4112xi32, #tpu.memory_space<vmem>>, vector<16xi32>,
      %swap3A_339 = arith.constant 1344 : index
      %swap3A_340 = tpu.vector_load %arg6[%swap3A_339] {strides = array<i32>} : memref<4112xi32, #tpu.memory_space<vmem>>, vector<16xi32>,
      %swap3A_341 = vector.shape_cast %swap3A_340 : vector<16xi32> to vector<16xi32>
      %swap3A_342 = vector.shape_cast %broadcast_in_dim3A_3 : vector<16xi32> to vector<16xi32>
      tpu.vector_store %arg6[%swap3A_339], %swap3A_342 {strides = array<i32>} : memref<4112xi32, #tpu.memory_space<vmem>>, vector<16xi32>,
      %swap3A_343 = arith.constant 1360 : index
      %swap3A_344 = tpu.vector_load %arg6[%swap3A_343] {strides = array<i32>} : memref<4112xi32, #tpu.memory_space<vmem>>, vector<16xi32>,
      %swap3A_345 = vector.shape_cast %swap3A_344 : vector<16xi32> to vector<16xi32>
      %swap3A_346 = vector.shape_cast %broadcast_in_dim3A_3 : vector<16xi32> to vector<16xi32>
      tpu.vector_store %arg6[%swap3A_343], %swap3A_346 {strides = array<i32>} : memref<4112xi32, #tpu.memory_space<vmem>>, vector<16xi32>,
      %swap3A_347 = arith.constant 1376 : index
      %swap3A_348 = tpu.vector_load %arg6[%swap3A_347] {strides = array<i32>} : memref<4112xi32, #tpu.memory_space<vmem>>, vector<16xi32>,
      %swap3A_349 = vector.shape_cast %swap3A_348 : vector<16xi32> to vector<16xi32>
      %swap3A_350 = vector.shape_cast %broadcast_in_dim3A_3 : vector<16xi32> to vector<16xi32>
      tpu.vector_store %arg6[%swap3A_347], %swap3A_350 {strides = array<i32>} : memref<4112xi32, #tpu.memory_space<vmem>>, vector<16xi32>,
      %swap3A_351 = arith.constant 1392 : index
      %swap3A_352 = tpu.vector_load %arg6[%swap3A_351] {strides = array<i32>} : memref<4112xi32, #tpu.memory_space<vmem>>, vector<16xi32>,
      %swap3A_353 = vector.shape_cast %swap3A_352 : vector<16xi32> to vector<16xi32>
      %swap3A_354 = vector.shape_cast %broadcast_in_dim3A_3 : vector<16xi32> to vector<16xi32>
      tpu.vector_store %arg6[%swap3A_351], %swap3A_354 {strides = array<i32>} : memref<4112xi32, #tpu.memory_space<vmem>>, vector<16xi32>,
      %swap3A_355 = arith.constant 1408 : index
      %swap3A_356 = tpu.vector_load %arg6[%swap3A_355] {strides = array<i32>} : memref<4112xi32, #tpu.memory_space<vmem>>, vector<16xi32>,
      %swap3A_357 = vector.shape_cast %swap3A_356 : vector<16xi32> to vector<16xi32>
      %swap3A_358 = vector.shape_cast %broadcast_in_dim3A_3 : vector<16xi32> to vector<16xi32>
      tpu.vector_store %arg6[%swap3A_355], %swap3A_358 {strides = array<i32>} : memref<4112xi32, #tpu.memory_space<vmem>>, vector<16xi32>,
      %swap3A_359 = arith.constant 1424 : index
      %swap3A_360 = tpu.vector_load %arg6[%swap3A_359] {strides = array<i32>} : memref<4112xi32, #tpu.memory_space<vmem>>, vector<16xi32>,
      %swap3A_361 = vector.shape_cast %swap3A_360 : vector<16xi32> to vector<16xi32>
      %swap3A_362 = vector.shape_cast %broadcast_in_dim3A_3 : vector<16xi32> to vector<16xi32>
      tpu.vector_store %arg6[%swap3A_359], %swap3A_362 {strides = array<i32>} : memref<4112xi32, #tpu.memory_space<vmem>>, vector<16xi32>,
      %swap3A_363 = arith.constant 1440 : index
      %swap3A_364 = tpu.vector_load %arg6[%swap3A_363] {strides = array<i32>} : memref<4112xi32, #tpu.memory_space<vmem>>, vector<16xi32>,
      %swap3A_365 = vector.shape_cast %swap3A_364 : vector<16xi32> to vector<16xi32>
      %swap3A_366 = vector.shape_cast %broadcast_in_dim3A_3 : vector<16xi32> to vector<16xi32>
      tpu.vector_store %arg6[%swap3A_363], %swap3A_366 {strides = array<i32>} : memref<4112xi32, #tpu.memory_space<vmem>>, vector<16xi32>,
      %swap3A_367 = arith.constant 1456 : index
      %swap3A_368 = tpu.vector_load %arg6[%swap3A_367] {strides = array<i32>} : memref<4112xi32, #tpu.memory_space<vmem>>, vector<16xi32>,
      %swap3A_369 = vector.shape_cast %swap3A_368 : vector<16xi32> to vector<16xi32>
      %swap3A_370 = vector.shape_cast %broadcast_in_dim3A_3 : vector<16xi32> to vector<16xi32>
      tpu.vector_store %arg6[%swap3A_367], %swap3A_370 {strides = array<i32>} : memref<4112xi32, #tpu.memory_space<vmem>>, vector<16xi32>,
      %swap3A_371 = arith.constant 1472 : index
      %swap3A_372 = tpu.vector_load %arg6[%swap3A_371] {strides = array<i32>} : memref<4112xi32, #tpu.memory_space<vmem>>, vector<16xi32>,
      %swap3A_373 = vector.shape_cast %swap3A_372 : vector<16xi32> to vector<16xi32>
      %swap3A_374 = vector.shape_cast %broadcast_in_dim3A_3 : vector<16xi32> to vector<16xi32>
      tpu.vector_store %arg6[%swap3A_371], %swap3A_374 {strides = array<i32>} : memref<4112xi32, #tpu.memory_space<vmem>>, vector<16xi32>,
      %swap3A_375 = arith.constant 1488 : index
      %swap3A_376 = tpu.vector_load %arg6[%swap3A_375] {strides = array<i32>} : memref<4112xi32, #tpu.memory_space<vmem>>, vector<16xi32>,
      %swap3A_377 = vector.shape_cast %swap3A_376 : vector<16xi32> to vector<16xi32>
      %swap3A_378 = vector.shape_cast %broadcast_in_dim3A_3 : vector<16xi32> to vector<16xi32>
      tpu.vector_store %arg6[%swap3A_375], %swap3A_378 {strides = array<i32>} : memref<4112xi32, #tpu.memory_space<vmem>>, vector<16xi32>,
      %swap3A_379 = arith.constant 1504 : index
      %swap3A_380 = tpu.vector_load %arg6[%swap3A_379] {strides = array<i32>} : memref<4112xi32, #tpu.memory_space<vmem>>, vector<16xi32>,
      %swap3A_381 = vector.shape_cast %swap3A_380 : vector<16xi32> to vector<16xi32>
      %swap3A_382 = vector.shape_cast %broadcast_in_dim3A_3 : vector<16xi32> to vector<16xi32>
      tpu.vector_store %arg6[%swap3A_379], %swap3A_382 {strides = array<i32>} : memref<4112xi32, #tpu.memory_space<vmem>>, vector<16xi32>,
      %swap3A_383 = arith.constant 1520 : index
      %swap3A_384 = tpu.vector_load %arg6[%swap3A_383] {strides = array<i32>} : memref<4112xi32, #tpu.memory_space<vmem>>, vector<16xi32>,
      %swap3A_385 = vector.shape_cast %swap3A_384 : vector<16xi32> to vector<16xi32>
      %swap3A_386 = vector.shape_cast %broadcast_in_dim3A_3 : vector<16xi32> to vector<16xi32>
      tpu.vector_store %arg6[%swap3A_383], %swap3A_386 {strides = array<i32>} : memref<4112xi32, #tpu.memory_space<vmem>>, vector<16xi32>,
      %swap3A_387 = arith.constant 1536 : index
      %swap3A_388 = tpu.vector_load %arg6[%swap3A_387] {strides = array<i32>} : memref<4112xi32, #tpu.memory_space<vmem>>, vector<16xi32>,
      %swap3A_389 = vector.shape_cast %swap3A_388 : vector<16xi32> to vector<16xi32>
      %swap3A_390 = vector.shape_cast %broadcast_in_dim3A_3 : vector<16xi32> to vector<16xi32>
      tpu.vector_store %arg6[%swap3A_387], %swap3A_390 {strides = array<i32>} : memref<4112xi32, #tpu.memory_space<vmem>>, vector<16xi32>,
      %swap3A_391 = arith.constant 1552 : index
      %swap3A_392 = tpu.vector_load %arg6[%swap3A_391] {strides = array<i32>} : memref<4112xi32, #tpu.memory_space<vmem>>, vector<16xi32>,
      %swap3A_393 = vector.shape_cast %swap3A_392 : vector<16xi32> to vector<16xi32>
      %swap3A_394 = vector.shape_cast %broadcast_in_dim3A_3 : vector<16xi32> to vector<16xi32>
      tpu.vector_store %arg6[%swap3A_391], %swap3A_394 {strides = array<i32>} : memref<4112xi32, #tpu.memory_space<vmem>>, vector<16xi32>,
      %swap3A_395 = arith.constant 1568 : index
      %swap3A_396 = tpu.vector_load %arg6[%swap3A_395] {strides = array<i32>} : memref<4112xi32, #tpu.memory_space<vmem>>, vector<16xi32>,
      %swap3A_397 = vector.shape_cast %swap3A_396 : vector<16xi32> to vector<16xi32>
      %swap3A_398 = vector.shape_cast %broadcast_in_dim3A_3 : vector<16xi32> to vector<16xi32>
      tpu.vector_store %arg6[%swap3A_395], %swap3A_398 {strides = array<i32>} : memref<4112xi32, #tpu.memory_space<vmem>>, vector<16xi32>,
      %swap3A_399 = arith.constant 1584 : index
      %swap3A_400 = tpu.vector_load %arg6[%swap3A_399] {strides = array<i32>} : memref<4112xi32, #tpu.memory_space<vmem>>, vector<16xi32>,
      %swap3A_401 = vector.shape_cast %swap3A_400 : vector<16xi32> to vector<16xi32>
      %swap3A_402 = vector.shape_cast %broadcast_in_dim3A_3 : vector<16xi32> to vector<16xi32>
      tpu.vector_store %arg6[%swap3A_399], %swap3A_402 {strides = array<i32>} : memref<4112xi32, #tpu.memory_space<vmem>>, vector<16xi32>,
      %swap3A_403 = arith.constant 1600 : index
      %swap3A_404 = tpu.vector_load %arg6[%swap3A_403] {strides = array<i32>} : memref<4112xi32, #tpu.memory_space<vmem>>, vector<16xi32>,
      %swap3A_405 = vector.shape_cast %swap3A_404 : vector<16xi32> to vector<16xi32>
      %swap3A_406 = vector.shape_cast %broadcast_in_dim3A_3 : vector<16xi32> to vector<16xi32>
      tpu.vector_store %arg6[%swap3A_403], %swap3A_406 {strides = array<i32>} : memref<4112xi32, #tpu.memory_space<vmem>>, vector<16xi32>,
      %swap3A_407 = arith.constant 1616 : index
      %swap3A_408 = tpu.vector_load %arg6[%swap3A_407] {strides = array<i32>} : memref<4112xi32, #tpu.memory_space<vmem>>, vector<16xi32>,
      %swap3A_409 = vector.shape_cast %swap3A_408 : vector<16xi32> to vector<16xi32>
      %swap3A_410 = vector.shape_cast %broadcast_in_dim3A_3 : vector<16xi32> to vector<16xi32>
      tpu.vector_store %arg6[%swap3A_407], %swap3A_410 {strides = array<i32>} : memref<4112xi32, #tpu.memory_space<vmem>>, vector<16xi32>,
      %swap3A_411 = arith.constant 1632 : index
      %swap3A_412 = tpu.vector_load %arg6[%swap3A_411] {strides = array<i32>} : memref<4112xi32, #tpu.memory_space<vmem>>, vector<16xi32>,
      %swap3A_413 = vector.shape_cast %swap3A_412 : vector<16xi32> to vector<16xi32>
      %swap3A_414 = vector.shape_cast %broadcast_in_dim3A_3 : vector<16xi32> to vector<16xi32>
      tpu.vector_store %arg6[%swap3A_411], %swap3A_414 {strides = array<i32>} : memref<4112xi32, #tpu.memory_space<vmem>>, vector<16xi32>,
      %swap3A_415 = arith.constant 1648 : index
      %swap3A_416 = tpu.vector_load %arg6[%swap3A_415] {strides = array<i32>} : memref<4112xi32, #tpu.memory_space<vmem>>, vector<16xi32>,
      %swap3A_417 = vector.shape_cast %swap3A_416 : vector<16xi32> to vector<16xi32>
      %swap3A_418 = vector.shape_cast %broadcast_in_dim3A_3 : vector<16xi32> to vector<16xi32>
      tpu.vector_store %arg6[%swap3A_415], %swap3A_418 {strides = array<i32>} : memref<4112xi32, #tpu.memory_space<vmem>>, vector<16xi32>,
      %swap3A_419 = arith.constant 1664 : index
      %swap3A_420 = tpu.vector_load %arg6[%swap3A_419] {strides = array<i32>} : memref<4112xi32, #tpu.memory_space<vmem>>, vector<16xi32>,
      %swap3A_421 = vector.shape_cast %swap3A_420 : vector<16xi32> to vector<16xi32>
      %swap3A_422 = vector.shape_cast %broadcast_in_dim3A_3 : vector<16xi32> to vector<16xi32>
      tpu.vector_store %arg6[%swap3A_419], %swap3A_422 {strides = array<i32>} : memref<4112xi32, #tpu.memory_space<vmem>>, vector<16xi32>,
      %swap3A_423 = arith.constant 1680 : index
      %swap3A_424 = tpu.vector_load %arg6[%swap3A_423] {strides = array<i32>} : memref<4112xi32, #tpu.memory_space<vmem>>, vector<16xi32>,
      %swap3A_425 = vector.shape_cast %swap3A_424 : vector<16xi32> to vector<16xi32>
      %swap3A_426 = vector.shape_cast %broadcast_in_dim3A_3 : vector<16xi32> to vector<16xi32>
      tpu.vector_store %arg6[%swap3A_423], %swap3A_426 {strides = array<i32>} : memref<4112xi32, #tpu.memory_space<vmem>>, vector<16xi32>,
      %swap3A_427 = arith.constant 1696 : index
      %swap3A_428 = tpu.vector_load %arg6[%swap3A_427] {strides = array<i32>} : memref<4112xi32, #tpu.memory_space<vmem>>, vector<16xi32>,
      %swap3A_429 = vector.shape_cast %swap3A_428 : vector<16xi32> to vector<16xi32>
      %swap3A_430 = vector.shape_cast %broadcast_in_dim3A_3 : vector<16xi32> to vector<16xi32>
      tpu.vector_store %arg6[%swap3A_427], %swap3A_430 {strides = array<i32>} : memref<4112xi32, #tpu.memory_space<vmem>>, vector<16xi32>,
      %swap3A_431 = arith.constant 1712 : index
      %swap3A_432 = tpu.vector_load %arg6[%swap3A_431] {strides = array<i32>} : memref<4112xi32, #tpu.memory_space<vmem>>, vector<16xi32>,
      %swap3A_433 = vector.shape_cast %swap3A_432 : vector<16xi32> to vector<16xi32>
      %swap3A_434 = vector.shape_cast %broadcast_in_dim3A_3 : vector<16xi32> to vector<16xi32>
      tpu.vector_store %arg6[%swap3A_431], %swap3A_434 {strides = array<i32>} : memref<4112xi32, #tpu.memory_space<vmem>>, vector<16xi32>,
      %swap3A_435 = arith.constant 1728 : index
      %swap3A_436 = tpu.vector_load %arg6[%swap3A_435] {strides = array<i32>} : memref<4112xi32, #tpu.memory_space<vmem>>, vector<16xi32>,
      %swap3A_437 = vector.shape_cast %swap3A_436 : vector<16xi32> to vector<16xi32>
      %swap3A_438 = vector.shape_cast %broadcast_in_dim3A_3 : vector<16xi32> to vector<16xi32>
      tpu.vector_store %arg6[%swap3A_435], %swap3A_438 {strides = array<i32>} : memref<4112xi32, #tpu.memory_space<vmem>>, vector<16xi32>,
      %swap3A_439 = arith.constant 1744 : index
      %swap3A_440 = tpu.vector_load %arg6[%swap3A_439] {strides = array<i32>} : memref<4112xi32, #tpu.memory_space<vmem>>, vector<16xi32>,
      %swap3A_441 = vector.shape_cast %swap3A_440 : vector<16xi32> to vector<16xi32>
      %swap3A_442 = vector.shape_cast %broadcast_in_dim3A_3 : vector<16xi32> to vector<16xi32>
      tpu.vector_store %arg6[%swap3A_439], %swap3A_442 {strides = array<i32>} : memref<4112xi32, #tpu.memory_space<vmem>>, vector<16xi32>,
      %swap3A_443 = arith.constant 1760 : index
      %swap3A_444 = tpu.vector_load %arg6[%swap3A_443] {strides = array<i32>} : memref<4112xi32, #tpu.memory_space<vmem>>, vector<16xi32>,
      %swap3A_445 = vector.shape_cast %swap3A_444 : vector<16xi32> to vector<16xi32>
      %swap3A_446 = vector.shape_cast %broadcast_in_dim3A_3 : vector<16xi32> to vector<16xi32>
      tpu.vector_store %arg6[%swap3A_443], %swap3A_446 {strides = array<i32>} : memref<4112xi32, #tpu.memory_space<vmem>>, vector<16xi32>,
      %swap3A_447 = arith.constant 1776 : index
      %swap3A_448 = tpu.vector_load %arg6[%swap3A_447] {strides = array<i32>} : memref<4112xi32, #tpu.memory_space<vmem>>, vector<16xi32>,
      %swap3A_449 = vector.shape_cast %swap3A_448 : vector<16xi32> to vector<16xi32>
      %swap3A_450 = vector.shape_cast %broadcast_in_dim3A_3 : vector<16xi32> to vector<16xi32>
      tpu.vector_store %arg6[%swap3A_447], %swap3A_450 {strides = array<i32>} : memref<4112xi32, #tpu.memory_space<vmem>>, vector<16xi32>,
      %swap3A_451 = arith.constant 1792 : index
      %swap3A_452 = tpu.vector_load %arg6[%swap3A_451] {strides = array<i32>} : memref<4112xi32, #tpu.memory_space<vmem>>, vector<16xi32>,
      %swap3A_453 = vector.shape_cast %swap3A_452 : vector<16xi32> to vector<16xi32>
      %swap3A_454 = vector.shape_cast %broadcast_in_dim3A_3 : vector<16xi32> to vector<16xi32>
      tpu.vector_store %arg6[%swap3A_451], %swap3A_454 {strides = array<i32>} : memref<4112xi32, #tpu.memory_space<vmem>>, vector<16xi32>,
      %swap3A_455 = arith.constant 1808 : index
      %swap3A_456 = tpu.vector_load %arg6[%swap3A_455] {strides = array<i32>} : memref<4112xi32, #tpu.memory_space<vmem>>, vector<16xi32>,
      %swap3A_457 = vector.shape_cast %swap3A_456 : vector<16xi32> to vector<16xi32>
      %swap3A_458 = vector.shape_cast %broadcast_in_dim3A_3 : vector<16xi32> to vector<16xi32>
      tpu.vector_store %arg6[%swap3A_455], %swap3A_458 {strides = array<i32>} : memref<4112xi32, #tpu.memory_space<vmem>>, vector<16xi32>,
      %swap3A_459 = arith.constant 1824 : index
      %swap3A_460 = tpu.vector_load %arg6[%swap3A_459] {strides = array<i32>} : memref<4112xi32, #tpu.memory_space<vmem>>, vector<16xi32>,
      %swap3A_461 = vector.shape_cast %swap3A_460 : vector<16xi32> to vector<16xi32>
      %swap3A_462 = vector.shape_cast %broadcast_in_dim3A_3 : vector<16xi32> to vector<16xi32>
      tpu.vector_store %arg6[%swap3A_459], %swap3A_462 {strides = array<i32>} : memref<4112xi32, #tpu.memory_space<vmem>>, vector<16xi32>,
      %swap3A_463 = arith.constant 1840 : index
      %swap3A_464 = tpu.vector_load %arg6[%swap3A_463] {strides = array<i32>} : memref<4112xi32, #tpu.memory_space<vmem>>, vector<16xi32>,
      %swap3A_465 = vector.shape_cast %swap3A_464 : vector<16xi32> to vector<16xi32>
      %swap3A_466 = vector.shape_cast %broadcast_in_dim3A_3 : vector<16xi32> to vector<16xi32>
      tpu.vector_store %arg6[%swap3A_463], %swap3A_466 {strides = array<i32>} : memref<4112xi32, #tpu.memory_space<vmem>>, vector<16xi32>,
      %swap3A_467 = arith.constant 1856 : index
      %swap3A_468 = tpu.vector_load %arg6[%swap3A_467] {strides = array<i32>} : memref<4112xi32, #tpu.memory_space<vmem>>, vector<16xi32>,
      %swap3A_469 = vector.shape_cast %swap3A_468 : vector<16xi32> to vector<16xi32>
      %swap3A_470 = vector.shape_cast %broadcast_in_dim3A_3 : vector<16xi32> to vector<16xi32>
      tpu.vector_store %arg6[%swap3A_467], %swap3A_470 {strides = array<i32>} : memref<4112xi32, #tpu.memory_space<vmem>>, vector<16xi32>,
      %swap3A_471 = arith.constant 1872 : index
      %swap3A_472 = tpu.vector_load %arg6[%swap3A_471] {strides = array<i32>} : memref<4112xi32, #tpu.memory_space<vmem>>, vector<16xi32>,
      %swap3A_473 = vector.shape_cast %swap3A_472 : vector<16xi32> to vector<16xi32>
      %swap3A_474 = vector.shape_cast %broadcast_in_dim3A_3 : vector<16xi32> to vector<16xi32>
      tpu.vector_store %arg6[%swap3A_471], %swap3A_474 {strides = array<i32>} : memref<4112xi32, #tpu.memory_space<vmem>>, vector<16xi32>,
      %swap3A_475 = arith.constant 1888 : index
      %swap3A_476 = tpu.vector_load %arg6[%swap3A_475] {strides = array<i32>} : memref<4112xi32, #tpu.memory_space<vmem>>, vector<16xi32>,
      %swap3A_477 = vector.shape_cast %swap3A_476 : vector<16xi32> to vector<16xi32>
      %swap3A_478 = vector.shape_cast %broadcast_in_dim3A_3 : vector<16xi32> to vector<16xi32>
      tpu.vector_store %arg6[%swap3A_475], %swap3A_478 {strides = array<i32>} : memref<4112xi32, #tpu.memory_space<vmem>>, vector<16xi32>,
      %swap3A_479 = arith.constant 1904 : index
      %swap3A_480 = tpu.vector_load %arg6[%swap3A_479] {strides = array<i32>} : memref<4112xi32, #tpu.memory_space<vmem>>, vector<16xi32>,
      %swap3A_481 = vector.shape_cast %swap3A_480 : vector<16xi32> to vector<16xi32>
      %swap3A_482 = vector.shape_cast %broadcast_in_dim3A_3 : vector<16xi32> to vector<16xi32>
      tpu.vector_store %arg6[%swap3A_479], %swap3A_482 {strides = array<i32>} : memref<4112xi32, #tpu.memory_space<vmem>>, vector<16xi32>,
      %swap3A_483 = arith.constant 1920 : index
      %swap3A_484 = tpu.vector_load %arg6[%swap3A_483] {strides = array<i32>} : memref<4112xi32, #tpu.memory_space<vmem>>, vector<16xi32>,
      %swap3A_485 = vector.shape_cast %swap3A_484 : vector<16xi32> to vector<16xi32>
      %swap3A_486 = vector.shape_cast %broadcast_in_dim3A_3 : vector<16xi32> to vector<16xi32>
      tpu.vector_store %arg6[%swap3A_483], %swap3A_486 {strides = array<i32>} : memref<4112xi32, #tpu.memory_space<vmem>>, vector<16xi32>,
      %swap3A_487 = arith.constant 1936 : index
      %swap3A_488 = tpu.vector_load %arg6[%swap3A_487] {strides = array<i32>} : memref<4112xi32, #tpu.memory_space<vmem>>, vector<16xi32>,
      %swap3A_489 = vector.shape_cast %swap3A_488 : vector<16xi32> to vector<16xi32>
      %swap3A_490 = vector.shape_cast %broadcast_in_dim3A_3 : vector<16xi32> to vector<16xi32>
      tpu.vector_store %arg6[%swap3A_487], %swap3A_490 {strides = array<i32>} : memref<4112xi32, #tpu.memory_space<vmem>>, vector<16xi32>,
      %swap3A_491 = arith.constant 1952 : index
      %swap3A_492 = tpu.vector_load %arg6[%swap3A_491] {strides = array<i32>} : memref<4112xi32, #tpu.memory_space<vmem>>, vector<16xi32>,
      %swap3A_493 = vector.shape_cast %swap3A_492 : vector<16xi32> to vector<16xi32>
      %swap3A_494 = vector.shape_cast %broadcast_in_dim3A_3 : vector<16xi32> to vector<16xi32>
      tpu.vector_store %arg6[%swap3A_491], %swap3A_494 {strides = array<i32>} : memref<4112xi32, #tpu.memory_space<vmem>>, vector<16xi32>,
      %swap3A_495 = arith.constant 1968 : index
      %swap3A_496 = tpu.vector_load %arg6[%swap3A_495] {strides = array<i32>} : memref<4112xi32, #tpu.memory_space<vmem>>, vector<16xi32>,
      %swap3A_497 = vector.shape_cast %swap3A_496 : vector<16xi32> to vector<16xi32>
      %swap3A_498 = vector.shape_cast %broadcast_in_dim3A_3 : vector<16xi32> to vector<16xi32>
      tpu.vector_store %arg6[%swap3A_495], %swap3A_498 {strides = array<i32>} : memref<4112xi32, #tpu.memory_space<vmem>>, vector<16xi32>,
      %swap3A_499 = arith.constant 1984 : index
      %swap3A_500 = tpu.vector_load %arg6[%swap3A_499] {strides = array<i32>} : memref<4112xi32, #tpu.memory_space<vmem>>, vector<16xi32>,
      %swap3A_501 = vector.shape_cast %swap3A_500 : vector<16xi32> to vector<16xi32>
      %swap3A_502 = vector.shape_cast %broadcast_in_dim3A_3 : vector<16xi32> to vector<16xi32>
      tpu.vector_store %arg6[%swap3A_499], %swap3A_502 {strides = array<i32>} : memref<4112xi32, #tpu.memory_space<vmem>>, vector<16xi32>,
      %swap3A_503 = arith.constant 2000 : index
      %swap3A_504 = tpu.vector_load %arg6[%swap3A_503] {strides = array<i32>} : memref<4112xi32, #tpu.memory_space<vmem>>, vector<16xi32>,
      %swap3A_505 = vector.shape_cast %swap3A_504 : vector<16xi32> to vector<16xi32>
      %swap3A_506 = vector.shape_cast %broadcast_in_dim3A_3 : vector<16xi32> to vector<16xi32>
      tpu.vector_store %arg6[%swap3A_503], %swap3A_506 {strides = array<i32>} : memref<4112xi32, #tpu.memory_space<vmem>>, vector<16xi32>,
      %swap3A_507 = arith.constant 2016 : index
      %swap3A_508 = tpu.vector_load %arg6[%swap3A_507] {strides = array<i32>} : memref<4112xi32, #tpu.memory_space<vmem>>, vector<16xi32>,
      %swap3A_509 = vector.shape_cast %swap3A_508 : vector<16xi32> to vector<16xi32>
      %swap3A_510 = vector.shape_cast %broadcast_in_dim3A_3 : vector<16xi32> to vector<16xi32>
      tpu.vector_store %arg6[%swap3A_507], %swap3A_510 {strides = array<i32>} : memref<4112xi32, #tpu.memory_space<vmem>>, vector<16xi32>,
      %swap3A_511 = arith.constant 2032 : index
      %swap3A_512 = tpu.vector_load %arg6[%swap3A_511] {strides = array<i32>} : memref<4112xi32, #tpu.memory_space<vmem>>, vector<16xi32>,
      %swap3A_513 = vector.shape_cast %swap3A_512 : vector<16xi32> to vector<16xi32>
      %swap3A_514 = vector.shape_cast %broadcast_in_dim3A_3 : vector<16xi32> to vector<16xi32>
      tpu.vector_store %arg6[%swap3A_511], %swap3A_514 {strides = array<i32>} : memref<4112xi32, #tpu.memory_space<vmem>>, vector<16xi32>,
      %swap3A_515 = arith.constant 2048 : index
      %swap3A_516 = tpu.vector_load %arg6[%swap3A_515] {strides = array<i32>} : memref<4112xi32, #tpu.memory_space<vmem>>, vector<16xi32>,
      %swap3A_517 = vector.shape_cast %swap3A_516 : vector<16xi32> to vector<16xi32>
      %swap3A_518 = vector.shape_cast %broadcast_in_dim3A_3 : vector<16xi32> to vector<16xi32>
      tpu.vector_store %arg6[%swap3A_515], %swap3A_518 {strides = array<i32>} : memref<4112xi32, #tpu.memory_space<vmem>>, vector<16xi32>,
      %swap3A_519 = arith.constant 2064 : index
      %swap3A_520 = tpu.vector_load %arg6[%swap3A_519] {strides = array<i32>} : memref<4112xi32, #tpu.memory_space<vmem>>, vector<16xi32>,
      %swap3A_521 = vector.shape_cast %swap3A_520 : vector<16xi32> to vector<16xi32>
      %swap3A_522 = vector.shape_cast %broadcast_in_dim3A_3 : vector<16xi32> to vector<16xi32>
      tpu.vector_store %arg6[%swap3A_519], %swap3A_522 {strides = array<i32>} : memref<4112xi32, #tpu.memory_space<vmem>>, vector<16xi32>,
      %swap3A_523 = arith.constant 2080 : index
      %swap3A_524 = tpu.vector_load %arg6[%swap3A_523] {strides = array<i32>} : memref<4112xi32, #tpu.memory_space<vmem>>, vector<16xi32>,
      %swap3A_525 = vector.shape_cast %swap3A_524 : vector<16xi32> to vector<16xi32>
      %swap3A_526 = vector.shape_cast %broadcast_in_dim3A_3 : vector<16xi32> to vector<16xi32>
      tpu.vector_store %arg6[%swap3A_523], %swap3A_526 {strides = array<i32>} : memref<4112xi32, #tpu.memory_space<vmem>>, vector<16xi32>,
      %swap3A_527 = arith.constant 2096 : index
      %swap3A_528 = tpu.vector_load %arg6[%swap3A_527] {strides = array<i32>} : memref<4112xi32, #tpu.memory_space<vmem>>, vector<16xi32>,
      %swap3A_529 = vector.shape_cast %swap3A_528 : vector<16xi32> to vector<16xi32>
      %swap3A_530 = vector.shape_cast %broadcast_in_dim3A_3 : vector<16xi32> to vector<16xi32>
      tpu.vector_store %arg6[%swap3A_527], %swap3A_530 {strides = array<i32>} : memref<4112xi32, #tpu.memory_space<vmem>>, vector<16xi32>,
      %swap3A_531 = arith.constant 2112 : index
      %swap3A_532 = tpu.vector_load %arg6[%swap3A_531] {strides = array<i32>} : memref<4112xi32, #tpu.memory_space<vmem>>, vector<16xi32>,
      %swap3A_533 = vector.shape_cast %swap3A_532 : vector<16xi32> to vector<16xi32>
      %swap3A_534 = vector.shape_cast %broadcast_in_dim3A_3 : vector<16xi32> to vector<16xi32>
      tpu.vector_store %arg6[%swap3A_531], %swap3A_534 {strides = array<i32>} : memref<4112xi32, #tpu.memory_space<vmem>>, vector<16xi32>,
      %swap3A_535 = arith.constant 2128 : index
      %swap3A_536 = tpu.vector_load %arg6[%swap3A_535] {strides = array<i32>} : memref<4112xi32, #tpu.memory_space<vmem>>, vector<16xi32>,
      %swap3A_537 = vector.shape_cast %swap3A_536 : vector<16xi32> to vector<16xi32>
      %swap3A_538 = vector.shape_cast %broadcast_in_dim3A_3 : vector<16xi32> to vector<16xi32>
      tpu.vector_store %arg6[%swap3A_535], %swap3A_538 {strides = array<i32>} : memref<4112xi32, #tpu.memory_space<vmem>>, vector<16xi32>,
      %swap3A_539 = arith.constant 2144 : index
      %swap3A_540 = tpu.vector_load %arg6[%swap3A_539] {strides = array<i32>} : memref<4112xi32, #tpu.memory_space<vmem>>, vector<16xi32>,
      %swap3A_541 = vector.shape_cast %swap3A_540 : vector<16xi32> to vector<16xi32>
      %swap3A_542 = vector.shape_cast %broadcast_in_dim3A_3 : vector<16xi32> to vector<16xi32>
      tpu.vector_store %arg6[%swap3A_539], %swap3A_542 {strides = array<i32>} : memref<4112xi32, #tpu.memory_space<vmem>>, vector<16xi32>,
      %swap3A_543 = arith.constant 2160 : index
      %swap3A_544 = tpu.vector_load %arg6[%swap3A_543] {strides = array<i32>} : memref<4112xi32, #tpu.memory_space<vmem>>, vector<16xi32>,
      %swap3A_545 = vector.shape_cast %swap3A_544 : vector<16xi32> to vector<16xi32>
      %swap3A_546 = vector.shape_cast %broadcast_in_dim3A_3 : vector<16xi32> to vector<16xi32>
      tpu.vector_store %arg6[%swap3A_543], %swap3A_546 {strides = array<i32>} : memref<4112xi32, #tpu.memory_space<vmem>>, vector<16xi32>,
      %swap3A_547 = arith.constant 2176 : index
      %swap3A_548 = tpu.vector_load %arg6[%swap3A_547] {strides = array<i32>} : memref<4112xi32, #tpu.memory_space<vmem>>, vector<16xi32>,
      %swap3A_549 = vector.shape_cast %swap3A_548 : vector<16xi32> to vector<16xi32>
      %swap3A_550 = vector.shape_cast %broadcast_in_dim3A_3 : vector<16xi32> to vector<16xi32>
      tpu.vector_store %arg6[%swap3A_547], %swap3A_550 {strides = array<i32>} : memref<4112xi32, #tpu.memory_space<vmem>>, vector<16xi32>,
      %swap3A_551 = arith.constant 2192 : index
      %swap3A_552 = tpu.vector_load %arg6[%swap3A_551] {strides = array<i32>} : memref<4112xi32, #tpu.memory_space<vmem>>, vector<16xi32>,
      %swap3A_553 = vector.shape_cast %swap3A_552 : vector<16xi32> to vector<16xi32>
      %swap3A_554 = vector.shape_cast %broadcast_in_dim3A_3 : vector<16xi32> to vector<16xi32>
      tpu.vector_store %arg6[%swap3A_551], %swap3A_554 {strides = array<i32>} : memref<4112xi32, #tpu.memory_space<vmem>>, vector<16xi32>,
      %swap3A_555 = arith.constant 2208 : index
      %swap3A_556 = tpu.vector_load %arg6[%swap3A_555] {strides = array<i32>} : memref<4112xi32, #tpu.memory_space<vmem>>, vector<16xi32>,
      %swap3A_557 = vector.shape_cast %swap3A_556 : vector<16xi32> to vector<16xi32>
      %swap3A_558 = vector.shape_cast %broadcast_in_dim3A_3 : vector<16xi32> to vector<16xi32>
      tpu.vector_store %arg6[%swap3A_555], %swap3A_558 {strides = array<i32>} : memref<4112xi32, #tpu.memory_space<vmem>>, vector<16xi32>,
      %swap3A_559 = arith.constant 2224 : index
      %swap3A_560 = tpu.vector_load %arg6[%swap3A_559] {strides = array<i32>} : memref<4112xi32, #tpu.memory_space<vmem>>, vector<16xi32>,
      %swap3A_561 = vector.shape_cast %swap3A_560 : vector<16xi32> to vector<16xi32>
      %swap3A_562 = vector.shape_cast %broadcast_in_dim3A_3 : vector<16xi32> to vector<16xi32>
      tpu.vector_store %arg6[%swap3A_559], %swap3A_562 {strides = array<i32>} : memref<4112xi32, #tpu.memory_space<vmem>>, vector<16xi32>,
      %swap3A_563 = arith.constant 2240 : index
      %swap3A_564 = tpu.vector_load %arg6[%swap3A_563] {strides = array<i32>} : memref<4112xi32, #tpu.memory_space<vmem>>, vector<16xi32>,
      %swap3A_565 = vector.shape_cast %swap3A_564 : vector<16xi32> to vector<16xi32>
      %swap3A_566 = vector.shape_cast %broadcast_in_dim3A_3 : vector<16xi32> to vector<16xi32>
      tpu.vector_store %arg6[%swap3A_563], %swap3A_566 {strides = array<i32>} : memref<4112xi32, #tpu.memory_space<vmem>>, vector<16xi32>,
      %swap3A_567 = arith.constant 2256 : index
      %swap3A_568 = tpu.vector_load %arg6[%swap3A_567] {strides = array<i32>} : memref<4112xi32, #tpu.memory_space<vmem>>, vector<16xi32>,
      %swap3A_569 = vector.shape_cast %swap3A_568 : vector<16xi32> to vector<16xi32>
      %swap3A_570 = vector.shape_cast %broadcast_in_dim3A_3 : vector<16xi32> to vector<16xi32>
      tpu.vector_store %arg6[%swap3A_567], %swap3A_570 {strides = array<i32>} : memref<4112xi32, #tpu.memory_space<vmem>>, vector<16xi32>,
      %swap3A_571 = arith.constant 2272 : index
      %swap3A_572 = tpu.vector_load %arg6[%swap3A_571] {strides = array<i32>} : memref<4112xi32, #tpu.memory_space<vmem>>, vector<16xi32>,
      %swap3A_573 = vector.shape_cast %swap3A_572 : vector<16xi32> to vector<16xi32>
      %swap3A_574 = vector.shape_cast %broadcast_in_dim3A_3 : vector<16xi32> to vector<16xi32>
      tpu.vector_store %arg6[%swap3A_571], %swap3A_574 {strides = array<i32>} : memref<4112xi32, #tpu.memory_space<vmem>>, vector<16xi32>,
      %swap3A_575 = arith.constant 2288 : index
      %swap3A_576 = tpu.vector_load %arg6[%swap3A_575] {strides = array<i32>} : memref<4112xi32, #tpu.memory_space<vmem>>, vector<16xi32>,
      %swap3A_577 = vector.shape_cast %swap3A_576 : vector<16xi32> to vector<16xi32>
      %swap3A_578 = vector.shape_cast %broadcast_in_dim3A_3 : vector<16xi32> to vector<16xi32>
      tpu.vector_store %arg6[%swap3A_575], %swap3A_578 {strides = array<i32>} : memref<4112xi32, #tpu.memory_space<vmem>>, vector<16xi32>,
      %swap3A_579 = arith.constant 2304 : index
      %swap3A_580 = tpu.vector_load %arg6[%swap3A_579] {strides = array<i32>} : memref<4112xi32, #tpu.memory_space<vmem>>, vector<16xi32>,
      %swap3A_581 = vector.shape_cast %swap3A_580 : vector<16xi32> to vector<16xi32>
      %swap3A_582 = vector.shape_cast %broadcast_in_dim3A_3 : vector<16xi32> to vector<16xi32>
      tpu.vector_store %arg6[%swap3A_579], %swap3A_582 {strides = array<i32>} : memref<4112xi32, #tpu.memory_space<vmem>>, vector<16xi32>,
      %swap3A_583 = arith.constant 2320 : index
      %swap3A_584 = tpu.vector_load %arg6[%swap3A_583] {strides = array<i32>} : memref<4112xi32, #tpu.memory_space<vmem>>, vector<16xi32>,
      %swap3A_585 = vector.shape_cast %swap3A_584 : vector<16xi32> to vector<16xi32>
      %swap3A_586 = vector.shape_cast %broadcast_in_dim3A_3 : vector<16xi32> to vector<16xi32>
      tpu.vector_store %arg6[%swap3A_583], %swap3A_586 {strides = array<i32>} : memref<4112xi32, #tpu.memory_space<vmem>>, vector<16xi32>,
      %swap3A_587 = arith.constant 2336 : index
      %swap3A_588 = tpu.vector_load %arg6[%swap3A_587] {strides = array<i32>} : memref<4112xi32, #tpu.memory_space<vmem>>, vector<16xi32>,
      %swap3A_589 = vector.shape_cast %swap3A_588 : vector<16xi32> to vector<16xi32>
      %swap3A_590 = vector.shape_cast %broadcast_in_dim3A_3 : vector<16xi32> to vector<16xi32>
      tpu.vector_store %arg6[%swap3A_587], %swap3A_590 {strides = array<i32>} : memref<4112xi32, #tpu.memory_space<vmem>>, vector<16xi32>,
      %swap3A_591 = arith.constant 2352 : index
      %swap3A_592 = tpu.vector_load %arg6[%swap3A_591] {strides = array<i32>} : memref<4112xi32, #tpu.memory_space<vmem>>, vector<16xi32>,
      %swap3A_593 = vector.shape_cast %swap3A_592 : vector<16xi32> to vector<16xi32>
      %swap3A_594 = vector.shape_cast %broadcast_in_dim3A_3 : vector<16xi32> to vector<16xi32>
      tpu.vector_store %arg6[%swap3A_591], %swap3A_594 {strides = array<i32>} : memref<4112xi32, #tpu.memory_space<vmem>>, vector<16xi32>,
      %swap3A_595 = arith.constant 2368 : index
      %swap3A_596 = tpu.vector_load %arg6[%swap3A_595] {strides = array<i32>} : memref<4112xi32, #tpu.memory_space<vmem>>, vector<16xi32>,
      %swap3A_597 = vector.shape_cast %swap3A_596 : vector<16xi32> to vector<16xi32>
      %swap3A_598 = vector.shape_cast %broadcast_in_dim3A_3 : vector<16xi32> to vector<16xi32>
      tpu.vector_store %arg6[%swap3A_595], %swap3A_598 {strides = array<i32>} : memref<4112xi32, #tpu.memory_space<vmem>>, vector<16xi32>,
      %swap3A_599 = arith.constant 2384 : index
      %swap3A_600 = tpu.vector_load %arg6[%swap3A_599] {strides = array<i32>} : memref<4112xi32, #tpu.memory_space<vmem>>, vector<16xi32>,
      %swap3A_601 = vector.shape_cast %swap3A_600 : vector<16xi32> to vector<16xi32>
      %swap3A_602 = vector.shape_cast %broadcast_in_dim3A_3 : vector<16xi32> to vector<16xi32>
      tpu.vector_store %arg6[%swap3A_599], %swap3A_602 {strides = array<i32>} : memref<4112xi32, #tpu.memory_space<vmem>>, vector<16xi32>,
      %swap3A_603 = arith.constant 2400 : index
      %swap3A_604 = tpu.vector_load %arg6[%swap3A_603] {strides = array<i32>} : memref<4112xi32, #tpu.memory_space<vmem>>, vector<16xi32>,
      %swap3A_605 = vector.shape_cast %swap3A_604 : vector<16xi32> to vector<16xi32>
      %swap3A_606 = vector.shape_cast %broadcast_in_dim3A_3 : vector<16xi32> to vector<16xi32>
      tpu.vector_store %arg6[%swap3A_603], %swap3A_606 {strides = array<i32>} : memref<4112xi32, #tpu.memory_space<vmem>>, vector<16xi32>,
      %swap3A_607 = arith.constant 2416 : index
      %swap3A_608 = tpu.vector_load %arg6[%swap3A_607] {strides = array<i32>} : memref<4112xi32, #tpu.memory_space<vmem>>, vector<16xi32>,
      %swap3A_609 = vector.shape_cast %swap3A_608 : vector<16xi32> to vector<16xi32>
      %swap3A_610 = vector.shape_cast %broadcast_in_dim3A_3 : vector<16xi32> to vector<16xi32>
      tpu.vector_store %arg6[%swap3A_607], %swap3A_610 {strides = array<i32>} : memref<4112xi32, #tpu.memory_space<vmem>>, vector<16xi32>,
      %swap3A_611 = arith.constant 2432 : index
      %swap3A_612 = tpu.vector_load %arg6[%swap3A_611] {strides = array<i32>} : memref<4112xi32, #tpu.memory_space<vmem>>, vector<16xi32>,
      %swap3A_613 = vector.shape_cast %swap3A_612 : vector<16xi32> to vector<16xi32>
      %swap3A_614 = vector.shape_cast %broadcast_in_dim3A_3 : vector<16xi32> to vector<16xi32>
      tpu.vector_store %arg6[%swap3A_611], %swap3A_614 {strides = array<i32>} : memref<4112xi32, #tpu.memory_space<vmem>>, vector<16xi32>,
      %swap3A_615 = arith.constant 2448 : index
      %swap3A_616 = tpu.vector_load %arg6[%swap3A_615] {strides = array<i32>} : memref<4112xi32, #tpu.memory_space<vmem>>, vector<16xi32>,
      %swap3A_617 = vector.shape_cast %swap3A_616 : vector<16xi32> to vector<16xi32>
      %swap3A_618 = vector.shape_cast %broadcast_in_dim3A_3 : vector<16xi32> to vector<16xi32>
      tpu.vector_store %arg6[%swap3A_615], %swap3A_618 {strides = array<i32>} : memref<4112xi32, #tpu.memory_space<vmem>>, vector<16xi32>,
      %swap3A_619 = arith.constant 2464 : index
      %swap3A_620 = tpu.vector_load %arg6[%swap3A_619] {strides = array<i32>} : memref<4112xi32, #tpu.memory_space<vmem>>, vector<16xi32>,
      %swap3A_621 = vector.shape_cast %swap3A_620 : vector<16xi32> to vector<16xi32>
      %swap3A_622 = vector.shape_cast %broadcast_in_dim3A_3 : vector<16xi32> to vector<16xi32>
      tpu.vector_store %arg6[%swap3A_619], %swap3A_622 {strides = array<i32>} : memref<4112xi32, #tpu.memory_space<vmem>>, vector<16xi32>,
      %swap3A_623 = arith.constant 2480 : index
      %swap3A_624 = tpu.vector_load %arg6[%swap3A_623] {strides = array<i32>} : memref<4112xi32, #tpu.memory_space<vmem>>, vector<16xi32>,
      %swap3A_625 = vector.shape_cast %swap3A_624 : vector<16xi32> to vector<16xi32>
      %swap3A_626 = vector.shape_cast %broadcast_in_dim3A_3 : vector<16xi32> to vector<16xi32>
      tpu.vector_store %arg6[%swap3A_623], %swap3A_626 {strides = array<i32>} : memref<4112xi32, #tpu.memory_space<vmem>>, vector<16xi32>,
      %swap3A_627 = arith.constant 2496 : index
      %swap3A_628 = tpu.vector_load %arg6[%swap3A_627] {strides = array<i32>} : memref<4112xi32, #tpu.memory_space<vmem>>, vector<16xi32>,
      %swap3A_629 = vector.shape_cast %swap3A_628 : vector<16xi32> to vector<16xi32>
      %swap3A_630 = vector.shape_cast %broadcast_in_dim3A_3 : vector<16xi32> to vector<16xi32>
      tpu.vector_store %arg6[%swap3A_627], %swap3A_630 {strides = array<i32>} : memref<4112xi32, #tpu.memory_space<vmem>>, vector<16xi32>,
      %swap3A_631 = arith.constant 2512 : index
      %swap3A_632 = tpu.vector_load %arg6[%swap3A_631] {strides = array<i32>} : memref<4112xi32, #tpu.memory_space<vmem>>, vector<16xi32>,
      %swap3A_633 = vector.shape_cast %swap3A_632 : vector<16xi32> to vector<16xi32>
      %swap3A_634 = vector.shape_cast %broadcast_in_dim3A_3 : vector<16xi32> to vector<16xi32>
      tpu.vector_store %arg6[%swap3A_631], %swap3A_634 {strides = array<i32>} : memref<4112xi32, #tpu.memory_space<vmem>>, vector<16xi32>,
      %swap3A_635 = arith.constant 2528 : index
      %swap3A_636 = tpu.vector_load %arg6[%swap3A_635] {strides = array<i32>} : memref<4112xi32, #tpu.memory_space<vmem>>, vector<16xi32>,
      %swap3A_637 = vector.shape_cast %swap3A_636 : vector<16xi32> to vector<16xi32>
      %swap3A_638 = vector.shape_cast %broadcast_in_dim3A_3 : vector<16xi32> to vector<16xi32>
      tpu.vector_store %arg6[%swap3A_635], %swap3A_638 {strides = array<i32>} : memref<4112xi32, #tpu.memory_space<vmem>>, vector<16xi32>,
      %swap3A_639 = arith.constant 2544 : index
      %swap3A_640 = tpu.vector_load %arg6[%swap3A_639] {strides = array<i32>} : memref<4112xi32, #tpu.memory_space<vmem>>, vector<16xi32>,
      %swap3A_641 = vector.shape_cast %swap3A_640 : vector<16xi32> to vector<16xi32>
      %swap3A_642 = vector.shape_cast %broadcast_in_dim3A_3 : vector<16xi32> to vector<16xi32>
      tpu.vector_store %arg6[%swap3A_639], %swap3A_642 {strides = array<i32>} : memref<4112xi32, #tpu.memory_space<vmem>>, vector<16xi32>,
      %swap3A_643 = arith.constant 2560 : index
      %swap3A_644 = tpu.vector_load %arg6[%swap3A_643] {strides = array<i32>} : memref<4112xi32, #tpu.memory_space<vmem>>, vector<16xi32>,
      %swap3A_645 = vector.shape_cast %swap3A_644 : vector<16xi32> to vector<16xi32>
      %swap3A_646 = vector.shape_cast %broadcast_in_dim3A_3 : vector<16xi32> to vector<16xi32>
      tpu.vector_store %arg6[%swap3A_643], %swap3A_646 {strides = array<i32>} : memref<4112xi32, #tpu.memory_space<vmem>>, vector<16xi32>,
      %swap3A_647 = arith.constant 2576 : index
      %swap3A_648 = tpu.vector_load %arg6[%swap3A_647] {strides = array<i32>} : memref<4112xi32, #tpu.memory_space<vmem>>, vector<16xi32>,
      %swap3A_649 = vector.shape_cast %swap3A_648 : vector<16xi32> to vector<16xi32>
      %swap3A_650 = vector.shape_cast %broadcast_in_dim3A_3 : vector<16xi32> to vector<16xi32>
      tpu.vector_store %arg6[%swap3A_647], %swap3A_650 {strides = array<i32>} : memref<4112xi32, #tpu.memory_space<vmem>>, vector<16xi32>,
      %swap3A_651 = arith.constant 2592 : index
      %swap3A_652 = tpu.vector_load %arg6[%swap3A_651] {strides = array<i32>} : memref<4112xi32, #tpu.memory_space<vmem>>, vector<16xi32>,
      %swap3A_653 = vector.shape_cast %swap3A_652 : vector<16xi32> to vector<16xi32>
      %swap3A_654 = vector.shape_cast %broadcast_in_dim3A_3 : vector<16xi32> to vector<16xi32>
      tpu.vector_store %arg6[%swap3A_651], %swap3A_654 {strides = array<i32>} : memref<4112xi32, #tpu.memory_space<vmem>>, vector<16xi32>,
      %swap3A_655 = arith.constant 2608 : index
      %swap3A_656 = tpu.vector_load %arg6[%swap3A_655] {strides = array<i32>} : memref<4112xi32, #tpu.memory_space<vmem>>, vector<16xi32>,
      %swap3A_657 = vector.shape_cast %swap3A_656 : vector<16xi32> to vector<16xi32>
      %swap3A_658 = vector.shape_cast %broadcast_in_dim3A_3 : vector<16xi32> to vector<16xi32>
      tpu.vector_store %arg6[%swap3A_655], %swap3A_658 {strides = array<i32>} : memref<4112xi32, #tpu.memory_space<vmem>>, vector<16xi32>,
      %swap3A_659 = arith.constant 2624 : index
      %swap3A_660 = tpu.vector_load %arg6[%swap3A_659] {strides = array<i32>} : memref<4112xi32, #tpu.memory_space<vmem>>, vector<16xi32>,
      %swap3A_661 = vector.shape_cast %swap3A_660 : vector<16xi32> to vector<16xi32>
      %swap3A_662 = vector.shape_cast %broadcast_in_dim3A_3 : vector<16xi32> to vector<16xi32>
      tpu.vector_store %arg6[%swap3A_659], %swap3A_662 {strides = array<i32>} : memref<4112xi32, #tpu.memory_space<vmem>>, vector<16xi32>,
      %swap3A_663 = arith.constant 2640 : index
      %swap3A_664 = tpu.vector_load %arg6[%swap3A_663] {strides = array<i32>} : memref<4112xi32, #tpu.memory_space<vmem>>, vector<16xi32>,
      %swap3A_665 = vector.shape_cast %swap3A_664 : vector<16xi32> to vector<16xi32>
      %swap3A_666 = vector.shape_cast %broadcast_in_dim3A_3 : vector<16xi32> to vector<16xi32>
      tpu.vector_store %arg6[%swap3A_663], %swap3A_666 {strides = array<i32>} : memref<4112xi32, #tpu.memory_space<vmem>>, vector<16xi32>,
      %swap3A_667 = arith.constant 2656 : index
      %swap3A_668 = tpu.vector_load %arg6[%swap3A_667] {strides = array<i32>} : memref<4112xi32, #tpu.memory_space<vmem>>, vector<16xi32>,
      %swap3A_669 = vector.shape_cast %swap3A_668 : vector<16xi32> to vector<16xi32>
      %swap3A_670 = vector.shape_cast %broadcast_in_dim3A_3 : vector<16xi32> to vector<16xi32>
      tpu.vector_store %arg6[%swap3A_667], %swap3A_670 {strides = array<i32>} : memref<4112xi32, #tpu.memory_space<vmem>>, vector<16xi32>,
      %swap3A_671 = arith.constant 2672 : index
      %swap3A_672 = tpu.vector_load %arg6[%swap3A_671] {strides = array<i32>} : memref<4112xi32, #tpu.memory_space<vmem>>, vector<16xi32>,
      %swap3A_673 = vector.shape_cast %swap3A_672 : vector<16xi32> to vector<16xi32>
      %swap3A_674 = vector.shape_cast %broadcast_in_dim3A_3 : vector<16xi32> to vector<16xi32>
      tpu.vector_store %arg6[%swap3A_671], %swap3A_674 {strides = array<i32>} : memref<4112xi32, #tpu.memory_space<vmem>>, vector<16xi32>,
      %swap3A_675 = arith.constant 2688 : index
      %swap3A_676 = tpu.vector_load %arg6[%swap3A_675] {strides = array<i32>} : memref<4112xi32, #tpu.memory_space<vmem>>, vector<16xi32>,
      %swap3A_677 = vector.shape_cast %swap3A_676 : vector<16xi32> to vector<16xi32>
      %swap3A_678 = vector.shape_cast %broadcast_in_dim3A_3 : vector<16xi32> to vector<16xi32>
      tpu.vector_store %arg6[%swap3A_675], %swap3A_678 {strides = array<i32>} : memref<4112xi32, #tpu.memory_space<vmem>>, vector<16xi32>,
      %swap3A_679 = arith.constant 2704 : index
      %swap3A_680 = tpu.vector_load %arg6[%swap3A_679] {strides = array<i32>} : memref<4112xi32, #tpu.memory_space<vmem>>, vector<16xi32>,
      %swap3A_681 = vector.shape_cast %swap3A_680 : vector<16xi32> to vector<16xi32>
      %swap3A_682 = vector.shape_cast %broadcast_in_dim3A_3 : vector<16xi32> to vector<16xi32>
      tpu.vector_store %arg6[%swap3A_679], %swap3A_682 {strides = array<i32>} : memref<4112xi32, #tpu.memory_space<vmem>>, vector<16xi32>,
      %swap3A_683 = arith.constant 2720 : index
      %swap3A_684 = tpu.vector_load %arg6[%swap3A_683] {strides = array<i32>} : memref<4112xi32, #tpu.memory_space<vmem>>, vector<16xi32>,
      %swap3A_685 = vector.shape_cast %swap3A_684 : vector<16xi32> to vector<16xi32>
      %swap3A_686 = vector.shape_cast %broadcast_in_dim3A_3 : vector<16xi32> to vector<16xi32>
      tpu.vector_store %arg6[%swap3A_683], %swap3A_686 {strides = array<i32>} : memref<4112xi32, #tpu.memory_space<vmem>>, vector<16xi32>,
      %swap3A_687 = arith.constant 2736 : index
      %swap3A_688 = tpu.vector_load %arg6[%swap3A_687] {strides = array<i32>} : memref<4112xi32, #tpu.memory_space<vmem>>, vector<16xi32>,
      %swap3A_689 = vector.shape_cast %swap3A_688 : vector<16xi32> to vector<16xi32>
      %swap3A_690 = vector.shape_cast %broadcast_in_dim3A_3 : vector<16xi32> to vector<16xi32>
      tpu.vector_store %arg6[%swap3A_687], %swap3A_690 {strides = array<i32>} : memref<4112xi32, #tpu.memory_space<vmem>>, vector<16xi32>,
      %swap3A_691 = arith.constant 2752 : index
      %swap3A_692 = tpu.vector_load %arg6[%swap3A_691] {strides = array<i32>} : memref<4112xi32, #tpu.memory_space<vmem>>, vector<16xi32>,
      %swap3A_693 = vector.shape_cast %swap3A_692 : vector<16xi32> to vector<16xi32>
      %swap3A_694 = vector.shape_cast %broadcast_in_dim3A_3 : vector<16xi32> to vector<16xi32>
      tpu.vector_store %arg6[%swap3A_691], %swap3A_694 {strides = array<i32>} : memref<4112xi32, #tpu.memory_space<vmem>>, vector<16xi32>,
      %swap3A_695 = arith.constant 2768 : index
      %swap3A_696 = tpu.vector_load %arg6[%swap3A_695] {strides = array<i32>} : memref<4112xi32, #tpu.memory_space<vmem>>, vector<16xi32>,
      %swap3A_697 = vector.shape_cast %swap3A_696 : vector<16xi32> to vector<16xi32>
      %swap3A_698 = vector.shape_cast %broadcast_in_dim3A_3 : vector<16xi32> to vector<16xi32>
      tpu.vector_store %arg6[%swap3A_695], %swap3A_698 {strides = array<i32>} : memref<4112xi32, #tpu.memory_space<vmem>>, vector<16xi32>,
      %swap3A_699 = arith.constant 2784 : index
      %swap3A_700 = tpu.vector_load %arg6[%swap3A_699] {strides = array<i32>} : memref<4112xi32, #tpu.memory_space<vmem>>, vector<16xi32>,
      %swap3A_701 = vector.shape_cast %swap3A_700 : vector<16xi32> to vector<16xi32>
      %swap3A_702 = vector.shape_cast %broadcast_in_dim3A_3 : vector<16xi32> to vector<16xi32>
      tpu.vector_store %arg6[%swap3A_699], %swap3A_702 {strides = array<i32>} : memref<4112xi32, #tpu.memory_space<vmem>>, vector<16xi32>,
      %swap3A_703 = arith.constant 2800 : index
      %swap3A_704 = tpu.vector_load %arg6[%swap3A_703] {strides = array<i32>} : memref<4112xi32, #tpu.memory_space<vmem>>, vector<16xi32>,
      %swap3A_705 = vector.shape_cast %swap3A_704 : vector<16xi32> to vector<16xi32>
      %swap3A_706 = vector.shape_cast %broadcast_in_dim3A_3 : vector<16xi32> to vector<16xi32>
      tpu.vector_store %arg6[%swap3A_703], %swap3A_706 {strides = array<i32>} : memref<4112xi32, #tpu.memory_space<vmem>>, vector<16xi32>,
      %swap3A_707 = arith.constant 2816 : index
      %swap3A_708 = tpu.vector_load %arg6[%swap3A_707] {strides = array<i32>} : memref<4112xi32, #tpu.memory_space<vmem>>, vector<16xi32>,
      %swap3A_709 = vector.shape_cast %swap3A_708 : vector<16xi32> to vector<16xi32>
      %swap3A_710 = vector.shape_cast %broadcast_in_dim3A_3 : vector<16xi32> to vector<16xi32>
      tpu.vector_store %arg6[%swap3A_707], %swap3A_710 {strides = array<i32>} : memref<4112xi32, #tpu.memory_space<vmem>>, vector<16xi32>,
      %swap3A_711 = arith.constant 2832 : index
      %swap3A_712 = tpu.vector_load %arg6[%swap3A_711] {strides = array<i32>} : memref<4112xi32, #tpu.memory_space<vmem>>, vector<16xi32>,
      %swap3A_713 = vector.shape_cast %swap3A_712 : vector<16xi32> to vector<16xi32>
      %swap3A_714 = vector.shape_cast %broadcast_in_dim3A_3 : vector<16xi32> to vector<16xi32>
      tpu.vector_store %arg6[%swap3A_711], %swap3A_714 {strides = array<i32>} : memref<4112xi32, #tpu.memory_space<vmem>>, vector<16xi32>,
      %swap3A_715 = arith.constant 2848 : index
      %swap3A_716 = tpu.vector_load %arg6[%swap3A_715] {strides = array<i32>} : memref<4112xi32, #tpu.memory_space<vmem>>, vector<16xi32>,
      %swap3A_717 = vector.shape_cast %swap3A_716 : vector<16xi32> to vector<16xi32>
      %swap3A_718 = vector.shape_cast %broadcast_in_dim3A_3 : vector<16xi32> to vector<16xi32>
      tpu.vector_store %arg6[%swap3A_715], %swap3A_718 {strides = array<i32>} : memref<4112xi32, #tpu.memory_space<vmem>>, vector<16xi32>,
      %swap3A_719 = arith.constant 2864 : index
      %swap3A_720 = tpu.vector_load %arg6[%swap3A_719] {strides = array<i32>} : memref<4112xi32, #tpu.memory_space<vmem>>, vector<16xi32>,
      %swap3A_721 = vector.shape_cast %swap3A_720 : vector<16xi32> to vector<16xi32>
      %swap3A_722 = vector.shape_cast %broadcast_in_dim3A_3 : vector<16xi32> to vector<16xi32>
      tpu.vector_store %arg6[%swap3A_719], %swap3A_722 {strides = array<i32>} : memref<4112xi32, #tpu.memory_space<vmem>>, vector<16xi32>,
      %swap3A_723 = arith.constant 2880 : index
      %swap3A_724 = tpu.vector_load %arg6[%swap3A_723] {strides = array<i32>} : memref<4112xi32, #tpu.memory_space<vmem>>, vector<16xi32>,
      %swap3A_725 = vector.shape_cast %swap3A_724 : vector<16xi32> to vector<16xi32>
      %swap3A_726 = vector.shape_cast %broadcast_in_dim3A_3 : vector<16xi32> to vector<16xi32>
      tpu.vector_store %arg6[%swap3A_723], %swap3A_726 {strides = array<i32>} : memref<4112xi32, #tpu.memory_space<vmem>>, vector<16xi32>,
      %swap3A_727 = arith.constant 2896 : index
      %swap3A_728 = tpu.vector_load %arg6[%swap3A_727] {strides = array<i32>} : memref<4112xi32, #tpu.memory_space<vmem>>, vector<16xi32>,
      %swap3A_729 = vector.shape_cast %swap3A_728 : vector<16xi32> to vector<16xi32>
      %swap3A_730 = vector.shape_cast %broadcast_in_dim3A_3 : vector<16xi32> to vector<16xi32>
      tpu.vector_store %arg6[%swap3A_727], %swap3A_730 {strides = array<i32>} : memref<4112xi32, #tpu.memory_space<vmem>>, vector<16xi32>,
      %swap3A_731 = arith.constant 2912 : index
      %swap3A_732 = tpu.vector_load %arg6[%swap3A_731] {strides = array<i32>} : memref<4112xi32, #tpu.memory_space<vmem>>, vector<16xi32>,
      %swap3A_733 = vector.shape_cast %swap3A_732 : vector<16xi32> to vector<16xi32>
      %swap3A_734 = vector.shape_cast %broadcast_in_dim3A_3 : vector<16xi32> to vector<16xi32>
      tpu.vector_store %arg6[%swap3A_731], %swap3A_734 {strides = array<i32>} : memref<4112xi32, #tpu.memory_space<vmem>>, vector<16xi32>,
      %swap3A_735 = arith.constant 2928 : index
      %swap3A_736 = tpu.vector_load %arg6[%swap3A_735] {strides = array<i32>} : memref<4112xi32, #tpu.memory_space<vmem>>, vector<16xi32>,
      %swap3A_737 = vector.shape_cast %swap3A_736 : vector<16xi32> to vector<16xi32>
      %swap3A_738 = vector.shape_cast %broadcast_in_dim3A_3 : vector<16xi32> to vector<16xi32>
      tpu.vector_store %arg6[%swap3A_735], %swap3A_738 {strides = array<i32>} : memref<4112xi32, #tpu.memory_space<vmem>>, vector<16xi32>,
      %swap3A_739 = arith.constant 2944 : index
      %swap3A_740 = tpu.vector_load %arg6[%swap3A_739] {strides = array<i32>} : memref<4112xi32, #tpu.memory_space<vmem>>, vector<16xi32>,
      %swap3A_741 = vector.shape_cast %swap3A_740 : vector<16xi32> to vector<16xi32>
      %swap3A_742 = vector.shape_cast %broadcast_in_dim3A_3 : vector<16xi32> to vector<16xi32>
      tpu.vector_store %arg6[%swap3A_739], %swap3A_742 {strides = array<i32>} : memref<4112xi32, #tpu.memory_space<vmem>>, vector<16xi32>,
      %swap3A_743 = arith.constant 2960 : index
      %swap3A_744 = tpu.vector_load %arg6[%swap3A_743] {strides = array<i32>} : memref<4112xi32, #tpu.memory_space<vmem>>, vector<16xi32>,
      %swap3A_745 = vector.shape_cast %swap3A_744 : vector<16xi32> to vector<16xi32>
      %swap3A_746 = vector.shape_cast %broadcast_in_dim3A_3 : vector<16xi32> to vector<16xi32>
      tpu.vector_store %arg6[%swap3A_743], %swap3A_746 {strides = array<i32>} : memref<4112xi32, #tpu.memory_space<vmem>>, vector<16xi32>,
      %swap3A_747 = arith.constant 2976 : index
      %swap3A_748 = tpu.vector_load %arg6[%swap3A_747] {strides = array<i32>} : memref<4112xi32, #tpu.memory_space<vmem>>, vector<16xi32>,
      %swap3A_749 = vector.shape_cast %swap3A_748 : vector<16xi32> to vector<16xi32>
      %swap3A_750 = vector.shape_cast %broadcast_in_dim3A_3 : vector<16xi32> to vector<16xi32>
      tpu.vector_store %arg6[%swap3A_747], %swap3A_750 {strides = array<i32>} : memref<4112xi32, #tpu.memory_space<vmem>>, vector<16xi32>,
      %swap3A_751 = arith.constant 2992 : index
      %swap3A_752 = tpu.vector_load %arg6[%swap3A_751] {strides = array<i32>} : memref<4112xi32, #tpu.memory_space<vmem>>, vector<16xi32>,
      %swap3A_753 = vector.shape_cast %swap3A_752 : vector<16xi32> to vector<16xi32>
      %swap3A_754 = vector.shape_cast %broadcast_in_dim3A_3 : vector<16xi32> to vector<16xi32>
      tpu.vector_store %arg6[%swap3A_751], %swap3A_754 {strides = array<i32>} : memref<4112xi32, #tpu.memory_space<vmem>>, vector<16xi32>,
      %swap3A_755 = arith.constant 3008 : index
      %swap3A_756 = tpu.vector_load %arg6[%swap3A_755] {strides = array<i32>} : memref<4112xi32, #tpu.memory_space<vmem>>, vector<16xi32>,
      %swap3A_757 = vector.shape_cast %swap3A_756 : vector<16xi32> to vector<16xi32>
      %swap3A_758 = vector.shape_cast %broadcast_in_dim3A_3 : vector<16xi32> to vector<16xi32>
      tpu.vector_store %arg6[%swap3A_755], %swap3A_758 {strides = array<i32>} : memref<4112xi32, #tpu.memory_space<vmem>>, vector<16xi32>,
      %swap3A_759 = arith.constant 3024 : index
      %swap3A_760 = tpu.vector_load %arg6[%swap3A_759] {strides = array<i32>} : memref<4112xi32, #tpu.memory_space<vmem>>, vector<16xi32>,
      %swap3A_761 = vector.shape_cast %swap3A_760 : vector<16xi32> to vector<16xi32>
      %swap3A_762 = vector.shape_cast %broadcast_in_dim3A_3 : vector<16xi32> to vector<16xi32>
      tpu.vector_store %arg6[%swap3A_759], %swap3A_762 {strides = array<i32>} : memref<4112xi32, #tpu.memory_space<vmem>>, vector<16xi32>,
      %swap3A_763 = arith.constant 3040 : index
      %swap3A_764 = tpu.vector_load %arg6[%swap3A_763] {strides = array<i32>} : memref<4112xi32, #tpu.memory_space<vmem>>, vector<16xi32>,
      %swap3A_765 = vector.shape_cast %swap3A_764 : vector<16xi32> to vector<16xi32>
      %swap3A_766 = vector.shape_cast %broadcast_in_dim3A_3 : vector<16xi32> to vector<16xi32>
      tpu.vector_store %arg6[%swap3A_763], %swap3A_766 {strides = array<i32>} : memref<4112xi32, #tpu.memory_space<vmem>>, vector<16xi32>,
      %swap3A_767 = arith.constant 3056 : index
      %swap3A_768 = tpu.vector_load %arg6[%swap3A_767] {strides = array<i32>} : memref<4112xi32, #tpu.memory_space<vmem>>, vector<16xi32>,
      %swap3A_769 = vector.shape_cast %swap3A_768 : vector<16xi32> to vector<16xi32>
      %swap3A_770 = vector.shape_cast %broadcast_in_dim3A_3 : vector<16xi32> to vector<16xi32>
      tpu.vector_store %arg6[%swap3A_767], %swap3A_770 {strides = array<i32>} : memref<4112xi32, #tpu.memory_space<vmem>>, vector<16xi32>,
      %swap3A_771 = arith.constant 3072 : index
      %swap3A_772 = tpu.vector_load %arg6[%swap3A_771] {strides = array<i32>} : memref<4112xi32, #tpu.memory_space<vmem>>, vector<16xi32>,
      %swap3A_773 = vector.shape_cast %swap3A_772 : vector<16xi32> to vector<16xi32>
      %swap3A_774 = vector.shape_cast %broadcast_in_dim3A_3 : vector<16xi32> to vector<16xi32>
      tpu.vector_store %arg6[%swap3A_771], %swap3A_774 {strides = array<i32>} : memref<4112xi32, #tpu.memory_space<vmem>>, vector<16xi32>,
      %swap3A_775 = arith.constant 3088 : index
      %swap3A_776 = tpu.vector_load %arg6[%swap3A_775] {strides = array<i32>} : memref<4112xi32, #tpu.memory_space<vmem>>, vector<16xi32>,
      %swap3A_777 = vector.shape_cast %swap3A_776 : vector<16xi32> to vector<16xi32>
      %swap3A_778 = vector.shape_cast %broadcast_in_dim3A_3 : vector<16xi32> to vector<16xi32>
      tpu.vector_store %arg6[%swap3A_775], %swap3A_778 {strides = array<i32>} : memref<4112xi32, #tpu.memory_space<vmem>>, vector<16xi32>,
      %swap3A_779 = arith.constant 3104 : index
      %swap3A_780 = tpu.vector_load %arg6[%swap3A_779] {strides = array<i32>} : memref<4112xi32, #tpu.memory_space<vmem>>, vector<16xi32>,
      %swap3A_781 = vector.shape_cast %swap3A_780 : vector<16xi32> to vector<16xi32>
      %swap3A_782 = vector.shape_cast %broadcast_in_dim3A_3 : vector<16xi32> to vector<16xi32>
      tpu.vector_store %arg6[%swap3A_779], %swap3A_782 {strides = array<i32>} : memref<4112xi32, #tpu.memory_space<vmem>>, vector<16xi32>,
      %swap3A_783 = arith.constant 3120 : index
      %swap3A_784 = tpu.vector_load %arg6[%swap3A_783] {strides = array<i32>} : memref<4112xi32, #tpu.memory_space<vmem>>, vector<16xi32>,
      %swap3A_785 = vector.shape_cast %swap3A_784 : vector<16xi32> to vector<16xi32>
      %swap3A_786 = vector.shape_cast %broadcast_in_dim3A_3 : vector<16xi32> to vector<16xi32>
      tpu.vector_store %arg6[%swap3A_783], %swap3A_786 {strides = array<i32>} : memref<4112xi32, #tpu.memory_space<vmem>>, vector<16xi32>,
      %swap3A_787 = arith.constant 3136 : index
      %swap3A_788 = tpu.vector_load %arg6[%swap3A_787] {strides = array<i32>} : memref<4112xi32, #tpu.memory_space<vmem>>, vector<16xi32>,
      %swap3A_789 = vector.shape_cast %swap3A_788 : vector<16xi32> to vector<16xi32>
      %swap3A_790 = vector.shape_cast %broadcast_in_dim3A_3 : vector<16xi32> to vector<16xi32>
      tpu.vector_store %arg6[%swap3A_787], %swap3A_790 {strides = array<i32>} : memref<4112xi32, #tpu.memory_space<vmem>>, vector<16xi32>,
      %swap3A_791 = arith.constant 3152 : index
      %swap3A_792 = tpu.vector_load %arg6[%swap3A_791] {strides = array<i32>} : memref<4112xi32, #tpu.memory_space<vmem>>, vector<16xi32>,
      %swap3A_793 = vector.shape_cast %swap3A_792 : vector<16xi32> to vector<16xi32>
      %swap3A_794 = vector.shape_cast %broadcast_in_dim3A_3 : vector<16xi32> to vector<16xi32>
      tpu.vector_store %arg6[%swap3A_791], %swap3A_794 {strides = array<i32>} : memref<4112xi32, #tpu.memory_space<vmem>>, vector<16xi32>,
      %swap3A_795 = arith.constant 3168 : index
      %swap3A_796 = tpu.vector_load %arg6[%swap3A_795] {strides = array<i32>} : memref<4112xi32, #tpu.memory_space<vmem>>, vector<16xi32>,
      %swap3A_797 = vector.shape_cast %swap3A_796 : vector<16xi32> to vector<16xi32>
      %swap3A_798 = vector.shape_cast %broadcast_in_dim3A_3 : vector<16xi32> to vector<16xi32>
      tpu.vector_store %arg6[%swap3A_795], %swap3A_798 {strides = array<i32>} : memref<4112xi32, #tpu.memory_space<vmem>>, vector<16xi32>,
      %swap3A_799 = arith.constant 3184 : index
      %swap3A_800 = tpu.vector_load %arg6[%swap3A_799] {strides = array<i32>} : memref<4112xi32, #tpu.memory_space<vmem>>, vector<16xi32>,
      %swap3A_801 = vector.shape_cast %swap3A_800 : vector<16xi32> to vector<16xi32>
      %swap3A_802 = vector.shape_cast %broadcast_in_dim3A_3 : vector<16xi32> to vector<16xi32>
      tpu.vector_store %arg6[%swap3A_799], %swap3A_802 {strides = array<i32>} : memref<4112xi32, #tpu.memory_space<vmem>>, vector<16xi32>,
      %swap3A_803 = arith.constant 3200 : index
      %swap3A_804 = tpu.vector_load %arg6[%swap3A_803] {strides = array<i32>} : memref<4112xi32, #tpu.memory_space<vmem>>, vector<16xi32>,
      %swap3A_805 = vector.shape_cast %swap3A_804 : vector<16xi32> to vector<16xi32>
      %swap3A_806 = vector.shape_cast %broadcast_in_dim3A_3 : vector<16xi32> to vector<16xi32>
      tpu.vector_store %arg6[%swap3A_803], %swap3A_806 {strides = array<i32>} : memref<4112xi32, #tpu.memory_space<vmem>>, vector<16xi32>,
      %swap3A_807 = arith.constant 3216 : index
      %swap3A_808 = tpu.vector_load %arg6[%swap3A_807] {strides = array<i32>} : memref<4112xi32, #tpu.memory_space<vmem>>, vector<16xi32>,
      %swap3A_809 = vector.shape_cast %swap3A_808 : vector<16xi32> to vector<16xi32>
      %swap3A_810 = vector.shape_cast %broadcast_in_dim3A_3 : vector<16xi32> to vector<16xi32>
      tpu.vector_store %arg6[%swap3A_807], %swap3A_810 {strides = array<i32>} : memref<4112xi32, #tpu.memory_space<vmem>>, vector<16xi32>,
      %swap3A_811 = arith.constant 3232 : index
      %swap3A_812 = tpu.vector_load %arg6[%swap3A_811] {strides = array<i32>} : memref<4112xi32, #tpu.memory_space<vmem>>, vector<16xi32>,
      %swap3A_813 = vector.shape_cast %swap3A_812 : vector<16xi32> to vector<16xi32>
      %swap3A_814 = vector.shape_cast %broadcast_in_dim3A_3 : vector<16xi32> to vector<16xi32>
      tpu.vector_store %arg6[%swap3A_811], %swap3A_814 {strides = array<i32>} : memref<4112xi32, #tpu.memory_space<vmem>>, vector<16xi32>,
      %swap3A_815 = arith.constant 3248 : index
      %swap3A_816 = tpu.vector_load %arg6[%swap3A_815] {strides = array<i32>} : memref<4112xi32, #tpu.memory_space<vmem>>, vector<16xi32>,
      %swap3A_817 = vector.shape_cast %swap3A_816 : vector<16xi32> to vector<16xi32>
      %swap3A_818 = vector.shape_cast %broadcast_in_dim3A_3 : vector<16xi32> to vector<16xi32>
      tpu.vector_store %arg6[%swap3A_815], %swap3A_818 {strides = array<i32>} : memref<4112xi32, #tpu.memory_space<vmem>>, vector<16xi32>,
      %swap3A_819 = arith.constant 3264 : index
      %swap3A_820 = tpu.vector_load %arg6[%swap3A_819] {strides = array<i32>} : memref<4112xi32, #tpu.memory_space<vmem>>, vector<16xi32>,
      %swap3A_821 = vector.shape_cast %swap3A_820 : vector<16xi32> to vector<16xi32>
      %swap3A_822 = vector.shape_cast %broadcast_in_dim3A_3 : vector<16xi32> to vector<16xi32>
      tpu.vector_store %arg6[%swap3A_819], %swap3A_822 {strides = array<i32>} : memref<4112xi32, #tpu.memory_space<vmem>>, vector<16xi32>,
      %swap3A_823 = arith.constant 3280 : index
      %swap3A_824 = tpu.vector_load %arg6[%swap3A_823] {strides = array<i32>} : memref<4112xi32, #tpu.memory_space<vmem>>, vector<16xi32>,
      %swap3A_825 = vector.shape_cast %swap3A_824 : vector<16xi32> to vector<16xi32>
      %swap3A_826 = vector.shape_cast %broadcast_in_dim3A_3 : vector<16xi32> to vector<16xi32>
      tpu.vector_store %arg6[%swap3A_823], %swap3A_826 {strides = array<i32>} : memref<4112xi32, #tpu.memory_space<vmem>>, vector<16xi32>,
      %swap3A_827 = arith.constant 3296 : index
      %swap3A_828 = tpu.vector_load %arg6[%swap3A_827] {strides = array<i32>} : memref<4112xi32, #tpu.memory_space<vmem>>, vector<16xi32>,
      %swap3A_829 = vector.shape_cast %swap3A_828 : vector<16xi32> to vector<16xi32>
      %swap3A_830 = vector.shape_cast %broadcast_in_dim3A_3 : vector<16xi32> to vector<16xi32>
      tpu.vector_store %arg6[%swap3A_827], %swap3A_830 {strides = array<i32>} : memref<4112xi32, #tpu.memory_space<vmem>>, vector<16xi32>,
      %swap3A_831 = arith.constant 3312 : index
      %swap3A_832 = tpu.vector_load %arg6[%swap3A_831] {strides = array<i32>} : memref<4112xi32, #tpu.memory_space<vmem>>, vector<16xi32>,
      %swap3A_833 = vector.shape_cast %swap3A_832 : vector<16xi32> to vector<16xi32>
      %swap3A_834 = vector.shape_cast %broadcast_in_dim3A_3 : vector<16xi32> to vector<16xi32>
      tpu.vector_store %arg6[%swap3A_831], %swap3A_834 {strides = array<i32>} : memref<4112xi32, #tpu.memory_space<vmem>>, vector<16xi32>,
      %swap3A_835 = arith.constant 3328 : index
      %swap3A_836 = tpu.vector_load %arg6[%swap3A_835] {strides = array<i32>} : memref<4112xi32, #tpu.memory_space<vmem>>, vector<16xi32>,
      %swap3A_837 = vector.shape_cast %swap3A_836 : vector<16xi32> to vector<16xi32>
      %swap3A_838 = vector.shape_cast %broadcast_in_dim3A_3 : vector<16xi32> to vector<16xi32>
      tpu.vector_store %arg6[%swap3A_835], %swap3A_838 {strides = array<i32>} : memref<4112xi32, #tpu.memory_space<vmem>>, vector<16xi32>,
      %swap3A_839 = arith.constant 3344 : index
      %swap3A_840 = tpu.vector_load %arg6[%swap3A_839] {strides = array<i32>} : memref<4112xi32, #tpu.memory_space<vmem>>, vector<16xi32>,
      %swap3A_841 = vector.shape_cast %swap3A_840 : vector<16xi32> to vector<16xi32>
      %swap3A_842 = vector.shape_cast %broadcast_in_dim3A_3 : vector<16xi32> to vector<16xi32>
      tpu.vector_store %arg6[%swap3A_839], %swap3A_842 {strides = array<i32>} : memref<4112xi32, #tpu.memory_space<vmem>>, vector<16xi32>,
      %swap3A_843 = arith.constant 3360 : index
      %swap3A_844 = tpu.vector_load %arg6[%swap3A_843] {strides = array<i32>} : memref<4112xi32, #tpu.memory_space<vmem>>, vector<16xi32>,
      %swap3A_845 = vector.shape_cast %swap3A_844 : vector<16xi32> to vector<16xi32>
      %swap3A_846 = vector.shape_cast %broadcast_in_dim3A_3 : vector<16xi32> to vector<16xi32>
      tpu.vector_store %arg6[%swap3A_843], %swap3A_846 {strides = array<i32>} : memref<4112xi32, #tpu.memory_space<vmem>>, vector<16xi32>,
      %swap3A_847 = arith.constant 3376 : index
      %swap3A_848 = tpu.vector_load %arg6[%swap3A_847] {strides = array<i32>} : memref<4112xi32, #tpu.memory_space<vmem>>, vector<16xi32>,
      %swap3A_849 = vector.shape_cast %swap3A_848 : vector<16xi32> to vector<16xi32>
      %swap3A_850 = vector.shape_cast %broadcast_in_dim3A_3 : vector<16xi32> to vector<16xi32>
      tpu.vector_store %arg6[%swap3A_847], %swap3A_850 {strides = array<i32>} : memref<4112xi32, #tpu.memory_space<vmem>>, vector<16xi32>,
      %swap3A_851 = arith.constant 3392 : index
      %swap3A_852 = tpu.vector_load %arg6[%swap3A_851] {strides = array<i32>} : memref<4112xi32, #tpu.memory_space<vmem>>, vector<16xi32>,
      %swap3A_853 = vector.shape_cast %swap3A_852 : vector<16xi32> to vector<16xi32>
      %swap3A_854 = vector.shape_cast %broadcast_in_dim3A_3 : vector<16xi32> to vector<16xi32>
      tpu.vector_store %arg6[%swap3A_851], %swap3A_854 {strides = array<i32>} : memref<4112xi32, #tpu.memory_space<vmem>>, vector<16xi32>,
      %swap3A_855 = arith.constant 3408 : index
      %swap3A_856 = tpu.vector_load %arg6[%swap3A_855] {strides = array<i32>} : memref<4112xi32, #tpu.memory_space<vmem>>, vector<16xi32>,
      %swap3A_857 = vector.shape_cast %swap3A_856 : vector<16xi32> to vector<16xi32>
      %swap3A_858 = vector.shape_cast %broadcast_in_dim3A_3 : vector<16xi32> to vector<16xi32>
      tpu.vector_store %arg6[%swap3A_855], %swap3A_858 {strides = array<i32>} : memref<4112xi32, #tpu.memory_space<vmem>>, vector<16xi32>,
      %swap3A_859 = arith.constant 3424 : index
      %swap3A_860 = tpu.vector_load %arg6[%swap3A_859] {strides = array<i32>} : memref<4112xi32, #tpu.memory_space<vmem>>, vector<16xi32>,
      %swap3A_861 = vector.shape_cast %swap3A_860 : vector<16xi32> to vector<16xi32>
      %swap3A_862 = vector.shape_cast %broadcast_in_dim3A_3 : vector<16xi32> to vector<16xi32>
      tpu.vector_store %arg6[%swap3A_859], %swap3A_862 {strides = array<i32>} : memref<4112xi32, #tpu.memory_space<vmem>>, vector<16xi32>,
      %swap3A_863 = arith.constant 3440 : index
      %swap3A_864 = tpu.vector_load %arg6[%swap3A_863] {strides = array<i32>} : memref<4112xi32, #tpu.memory_space<vmem>>, vector<16xi32>,
      %swap3A_865 = vector.shape_cast %swap3A_864 : vector<16xi32> to vector<16xi32>
      %swap3A_866 = vector.shape_cast %broadcast_in_dim3A_3 : vector<16xi32> to vector<16xi32>
      tpu.vector_store %arg6[%swap3A_863], %swap3A_866 {strides = array<i32>} : memref<4112xi32, #tpu.memory_space<vmem>>, vector<16xi32>,
      %swap3A_867 = arith.constant 3456 : index
      %swap3A_868 = tpu.vector_load %arg6[%swap3A_867] {strides = array<i32>} : memref<4112xi32, #tpu.memory_space<vmem>>, vector<16xi32>,
      %swap3A_869 = vector.shape_cast %swap3A_868 : vector<16xi32> to vector<16xi32>
      %swap3A_870 = vector.shape_cast %broadcast_in_dim3A_3 : vector<16xi32> to vector<16xi32>
      tpu.vector_store %arg6[%swap3A_867], %swap3A_870 {strides = array<i32>} : memref<4112xi32, #tpu.memory_space<vmem>>, vector<16xi32>,
      %swap3A_871 = arith.constant 3472 : index
      %swap3A_872 = tpu.vector_load %arg6[%swap3A_871] {strides = array<i32>} : memref<4112xi32, #tpu.memory_space<vmem>>, vector<16xi32>,
      %swap3A_873 = vector.shape_cast %swap3A_872 : vector<16xi32> to vector<16xi32>
      %swap3A_874 = vector.shape_cast %broadcast_in_dim3A_3 : vector<16xi32> to vector<16xi32>
      tpu.vector_store %arg6[%swap3A_871], %swap3A_874 {strides = array<i32>} : memref<4112xi32, #tpu.memory_space<vmem>>, vector<16xi32>,
      %swap3A_875 = arith.constant 3488 : index
      %swap3A_876 = tpu.vector_load %arg6[%swap3A_875] {strides = array<i32>} : memref<4112xi32, #tpu.memory_space<vmem>>, vector<16xi32>,
      %swap3A_877 = vector.shape_cast %swap3A_876 : vector<16xi32> to vector<16xi32>
      %swap3A_878 = vector.shape_cast %broadcast_in_dim3A_3 : vector<16xi32> to vector<16xi32>
      tpu.vector_store %arg6[%swap3A_875], %swap3A_878 {strides = array<i32>} : memref<4112xi32, #tpu.memory_space<vmem>>, vector<16xi32>,
      %swap3A_879 = arith.constant 3504 : index
      %swap3A_880 = tpu.vector_load %arg6[%swap3A_879] {strides = array<i32>} : memref<4112xi32, #tpu.memory_space<vmem>>, vector<16xi32>,
      %swap3A_881 = vector.shape_cast %swap3A_880 : vector<16xi32> to vector<16xi32>
      %swap3A_882 = vector.shape_cast %broadcast_in_dim3A_3 : vector<16xi32> to vector<16xi32>
      tpu.vector_store %arg6[%swap3A_879], %swap3A_882 {strides = array<i32>} : memref<4112xi32, #tpu.memory_space<vmem>>, vector<16xi32>,
      %swap3A_883 = arith.constant 3520 : index
      %swap3A_884 = tpu.vector_load %arg6[%swap3A_883] {strides = array<i32>} : memref<4112xi32, #tpu.memory_space<vmem>>, vector<16xi32>,
      %swap3A_885 = vector.shape_cast %swap3A_884 : vector<16xi32> to vector<16xi32>
      %swap3A_886 = vector.shape_cast %broadcast_in_dim3A_3 : vector<16xi32> to vector<16xi32>
      tpu.vector_store %arg6[%swap3A_883], %swap3A_886 {strides = array<i32>} : memref<4112xi32, #tpu.memory_space<vmem>>, vector<16xi32>,
      %swap3A_887 = arith.constant 3536 : index
      %swap3A_888 = tpu.vector_load %arg6[%swap3A_887] {strides = array<i32>} : memref<4112xi32, #tpu.memory_space<vmem>>, vector<16xi32>,
      %swap3A_889 = vector.shape_cast %swap3A_888 : vector<16xi32> to vector<16xi32>
      %swap3A_890 = vector.shape_cast %broadcast_in_dim3A_3 : vector<16xi32> to vector<16xi32>
      tpu.vector_store %arg6[%swap3A_887], %swap3A_890 {strides = array<i32>} : memref<4112xi32, #tpu.memory_space<vmem>>, vector<16xi32>,
      %swap3A_891 = arith.constant 3552 : index
      %swap3A_892 = tpu.vector_load %arg6[%swap3A_891] {strides = array<i32>} : memref<4112xi32, #tpu.memory_space<vmem>>, vector<16xi32>,
      %swap3A_893 = vector.shape_cast %swap3A_892 : vector<16xi32> to vector<16xi32>
      %swap3A_894 = vector.shape_cast %broadcast_in_dim3A_3 : vector<16xi32> to vector<16xi32>
      tpu.vector_store %arg6[%swap3A_891], %swap3A_894 {strides = array<i32>} : memref<4112xi32, #tpu.memory_space<vmem>>, vector<16xi32>,
      %swap3A_895 = arith.constant 3568 : index
      %swap3A_896 = tpu.vector_load %arg6[%swap3A_895] {strides = array<i32>} : memref<4112xi32, #tpu.memory_space<vmem>>, vector<16xi32>,
      %swap3A_897 = vector.shape_cast %swap3A_896 : vector<16xi32> to vector<16xi32>
      %swap3A_898 = vector.shape_cast %broadcast_in_dim3A_3 : vector<16xi32> to vector<16xi32>
      tpu.vector_store %arg6[%swap3A_895], %swap3A_898 {strides = array<i32>} : memref<4112xi32, #tpu.memory_space<vmem>>, vector<16xi32>,
      %swap3A_899 = arith.constant 3584 : index
      %swap3A_900 = tpu.vector_load %arg6[%swap3A_899] {strides = array<i32>} : memref<4112xi32, #tpu.memory_space<vmem>>, vector<16xi32>,
      %swap3A_901 = vector.shape_cast %swap3A_900 : vector<16xi32> to vector<16xi32>
      %swap3A_902 = vector.shape_cast %broadcast_in_dim3A_3 : vector<16xi32> to vector<16xi32>
      tpu.vector_store %arg6[%swap3A_899], %swap3A_902 {strides = array<i32>} : memref<4112xi32, #tpu.memory_space<vmem>>, vector<16xi32>,
      %swap3A_903 = arith.constant 3600 : index
      %swap3A_904 = tpu.vector_load %arg6[%swap3A_903] {strides = array<i32>} : memref<4112xi32, #tpu.memory_space<vmem>>, vector<16xi32>,
      %swap3A_905 = vector.shape_cast %swap3A_904 : vector<16xi32> to vector<16xi32>
      %swap3A_906 = vector.shape_cast %broadcast_in_dim3A_3 : vector<16xi32> to vector<16xi32>
      tpu.vector_store %arg6[%swap3A_903], %swap3A_906 {strides = array<i32>} : memref<4112xi32, #tpu.memory_space<vmem>>, vector<16xi32>,
      %swap3A_907 = arith.constant 3616 : index
      %swap3A_908 = tpu.vector_load %arg6[%swap3A_907] {strides = array<i32>} : memref<4112xi32, #tpu.memory_space<vmem>>, vector<16xi32>,
      %swap3A_909 = vector.shape_cast %swap3A_908 : vector<16xi32> to vector<16xi32>
      %swap3A_910 = vector.shape_cast %broadcast_in_dim3A_3 : vector<16xi32> to vector<16xi32>
      tpu.vector_store %arg6[%swap3A_907], %swap3A_910 {strides = array<i32>} : memref<4112xi32, #tpu.memory_space<vmem>>, vector<16xi32>,
      %swap3A_911 = arith.constant 3632 : index
      %swap3A_912 = tpu.vector_load %arg6[%swap3A_911] {strides = array<i32>} : memref<4112xi32, #tpu.memory_space<vmem>>, vector<16xi32>,
      %swap3A_913 = vector.shape_cast %swap3A_912 : vector<16xi32> to vector<16xi32>
      %swap3A_914 = vector.shape_cast %broadcast_in_dim3A_3 : vector<16xi32> to vector<16xi32>
      tpu.vector_store %arg6[%swap3A_911], %swap3A_914 {strides = array<i32>} : memref<4112xi32, #tpu.memory_space<vmem>>, vector<16xi32>,
      %swap3A_915 = arith.constant 3648 : index
      %swap3A_916 = tpu.vector_load %arg6[%swap3A_915] {strides = array<i32>} : memref<4112xi32, #tpu.memory_space<vmem>>, vector<16xi32>,
      %swap3A_917 = vector.shape_cast %swap3A_916 : vector<16xi32> to vector<16xi32>
      %swap3A_918 = vector.shape_cast %broadcast_in_dim3A_3 : vector<16xi32> to vector<16xi32>
      tpu.vector_store %arg6[%swap3A_915], %swap3A_918 {strides = array<i32>} : memref<4112xi32, #tpu.memory_space<vmem>>, vector<16xi32>,
      %swap3A_919 = arith.constant 3664 : index
      %swap3A_920 = tpu.vector_load %arg6[%swap3A_919] {strides = array<i32>} : memref<4112xi32, #tpu.memory_space<vmem>>, vector<16xi32>,
      %swap3A_921 = vector.shape_cast %swap3A_920 : vector<16xi32> to vector<16xi32>
      %swap3A_922 = vector.shape_cast %broadcast_in_dim3A_3 : vector<16xi32> to vector<16xi32>
      tpu.vector_store %arg6[%swap3A_919], %swap3A_922 {strides = array<i32>} : memref<4112xi32, #tpu.memory_space<vmem>>, vector<16xi32>,
      %swap3A_923 = arith.constant 3680 : index
      %swap3A_924 = tpu.vector_load %arg6[%swap3A_923] {strides = array<i32>} : memref<4112xi32, #tpu.memory_space<vmem>>, vector<16xi32>,
      %swap3A_925 = vector.shape_cast %swap3A_924 : vector<16xi32> to vector<16xi32>
      %swap3A_926 = vector.shape_cast %broadcast_in_dim3A_3 : vector<16xi32> to vector<16xi32>
      tpu.vector_store %arg6[%swap3A_923], %swap3A_926 {strides = array<i32>} : memref<4112xi32, #tpu.memory_space<vmem>>, vector<16xi32>,
      %swap3A_927 = arith.constant 3696 : index
      %swap3A_928 = tpu.vector_load %arg6[%swap3A_927] {strides = array<i32>} : memref<4112xi32, #tpu.memory_space<vmem>>, vector<16xi32>,
      %swap3A_929 = vector.shape_cast %swap3A_928 : vector<16xi32> to vector<16xi32>
      %swap3A_930 = vector.shape_cast %broadcast_in_dim3A_3 : vector<16xi32> to vector<16xi32>
      tpu.vector_store %arg6[%swap3A_927], %swap3A_930 {strides = array<i32>} : memref<4112xi32, #tpu.memory_space<vmem>>, vector<16xi32>,
      %swap3A_931 = arith.constant 3712 : index
      %swap3A_932 = tpu.vector_load %arg6[%swap3A_931] {strides = array<i32>} : memref<4112xi32, #tpu.memory_space<vmem>>, vector<16xi32>,
      %swap3A_933 = vector.shape_cast %swap3A_932 : vector<16xi32> to vector<16xi32>
      %swap3A_934 = vector.shape_cast %broadcast_in_dim3A_3 : vector<16xi32> to vector<16xi32>
      tpu.vector_store %arg6[%swap3A_931], %swap3A_934 {strides = array<i32>} : memref<4112xi32, #tpu.memory_space<vmem>>, vector<16xi32>,
      %swap3A_935 = arith.constant 3728 : index
      %swap3A_936 = tpu.vector_load %arg6[%swap3A_935] {strides = array<i32>} : memref<4112xi32, #tpu.memory_space<vmem>>, vector<16xi32>,
      %swap3A_937 = vector.shape_cast %swap3A_936 : vector<16xi32> to vector<16xi32>
      %swap3A_938 = vector.shape_cast %broadcast_in_dim3A_3 : vector<16xi32> to vector<16xi32>
      tpu.vector_store %arg6[%swap3A_935], %swap3A_938 {strides = array<i32>} : memref<4112xi32, #tpu.memory_space<vmem>>, vector<16xi32>,
      %swap3A_939 = arith.constant 3744 : index
      %swap3A_940 = tpu.vector_load %arg6[%swap3A_939] {strides = array<i32>} : memref<4112xi32, #tpu.memory_space<vmem>>, vector<16xi32>,
      %swap3A_941 = vector.shape_cast %swap3A_940 : vector<16xi32> to vector<16xi32>
      %swap3A_942 = vector.shape_cast %broadcast_in_dim3A_3 : vector<16xi32> to vector<16xi32>
      tpu.vector_store %arg6[%swap3A_939], %swap3A_942 {strides = array<i32>} : memref<4112xi32, #tpu.memory_space<vmem>>, vector<16xi32>,
      %swap3A_943 = arith.constant 3760 : index
      %swap3A_944 = tpu.vector_load %arg6[%swap3A_943] {strides = array<i32>} : memref<4112xi32, #tpu.memory_space<vmem>>, vector<16xi32>,
      %swap3A_945 = vector.shape_cast %swap3A_944 : vector<16xi32> to vector<16xi32>
      %swap3A_946 = vector.shape_cast %broadcast_in_dim3A_3 : vector<16xi32> to vector<16xi32>
      tpu.vector_store %arg6[%swap3A_943], %swap3A_946 {strides = array<i32>} : memref<4112xi32, #tpu.memory_space<vmem>>, vector<16xi32>,
      %swap3A_947 = arith.constant 3776 : index
      %swap3A_948 = tpu.vector_load %arg6[%swap3A_947] {strides = array<i32>} : memref<4112xi32, #tpu.memory_space<vmem>>, vector<16xi32>,
      %swap3A_949 = vector.shape_cast %swap3A_948 : vector<16xi32> to vector<16xi32>
      %swap3A_950 = vector.shape_cast %broadcast_in_dim3A_3 : vector<16xi32> to vector<16xi32>
      tpu.vector_store %arg6[%swap3A_947], %swap3A_950 {strides = array<i32>} : memref<4112xi32, #tpu.memory_space<vmem>>, vector<16xi32>,
      %swap3A_951 = arith.constant 3792 : index
      %swap3A_952 = tpu.vector_load %arg6[%swap3A_951] {strides = array<i32>} : memref<4112xi32, #tpu.memory_space<vmem>>, vector<16xi32>,
      %swap3A_953 = vector.shape_cast %swap3A_952 : vector<16xi32> to vector<16xi32>
      %swap3A_954 = vector.shape_cast %broadcast_in_dim3A_3 : vector<16xi32> to vector<16xi32>
      tpu.vector_store %arg6[%swap3A_951], %swap3A_954 {strides = array<i32>} : memref<4112xi32, #tpu.memory_space<vmem>>, vector<16xi32>,
      %swap3A_955 = arith.constant 3808 : index
      %swap3A_956 = tpu.vector_load %arg6[%swap3A_955] {strides = array<i32>} : memref<4112xi32, #tpu.memory_space<vmem>>, vector<16xi32>,
      %swap3A_957 = vector.shape_cast %swap3A_956 : vector<16xi32> to vector<16xi32>
      %swap3A_958 = vector.shape_cast %broadcast_in_dim3A_3 : vector<16xi32> to vector<16xi32>
      tpu.vector_store %arg6[%swap3A_955], %swap3A_958 {strides = array<i32>} : memref<4112xi32, #tpu.memory_space<vmem>>, vector<16xi32>,
      %swap3A_959 = arith.constant 3824 : index
      %swap3A_960 = tpu.vector_load %arg6[%swap3A_959] {strides = array<i32>} : memref<4112xi32, #tpu.memory_space<vmem>>, vector<16xi32>,
      %swap3A_961 = vector.shape_cast %swap3A_960 : vector<16xi32> to vector<16xi32>
      %swap3A_962 = vector.shape_cast %broadcast_in_dim3A_3 : vector<16xi32> to vector<16xi32>
      tpu.vector_store %arg6[%swap3A_959], %swap3A_962 {strides = array<i32>} : memref<4112xi32, #tpu.memory_space<vmem>>, vector<16xi32>,
      %swap3A_963 = arith.constant 3840 : index
      %swap3A_964 = tpu.vector_load %arg6[%swap3A_963] {strides = array<i32>} : memref<4112xi32, #tpu.memory_space<vmem>>, vector<16xi32>,
      %swap3A_965 = vector.shape_cast %swap3A_964 : vector<16xi32> to vector<16xi32>
      %swap3A_966 = vector.shape_cast %broadcast_in_dim3A_3 : vector<16xi32> to vector<16xi32>
      tpu.vector_store %arg6[%swap3A_963], %swap3A_966 {strides = array<i32>} : memref<4112xi32, #tpu.memory_space<vmem>>, vector<16xi32>,
      %swap3A_967 = arith.constant 3856 : index
      %swap3A_968 = tpu.vector_load %arg6[%swap3A_967] {strides = array<i32>} : memref<4112xi32, #tpu.memory_space<vmem>>, vector<16xi32>,
      %swap3A_969 = vector.shape_cast %swap3A_968 : vector<16xi32> to vector<16xi32>
      %swap3A_970 = vector.shape_cast %broadcast_in_dim3A_3 : vector<16xi32> to vector<16xi32>
      tpu.vector_store %arg6[%swap3A_967], %swap3A_970 {strides = array<i32>} : memref<4112xi32, #tpu.memory_space<vmem>>, vector<16xi32>,
      %swap3A_971 = arith.constant 3872 : index
      %swap3A_972 = tpu.vector_load %arg6[%swap3A_971] {strides = array<i32>} : memref<4112xi32, #tpu.memory_space<vmem>>, vector<16xi32>,
      %swap3A_973 = vector.shape_cast %swap3A_972 : vector<16xi32> to vector<16xi32>
      %swap3A_974 = vector.shape_cast %broadcast_in_dim3A_3 : vector<16xi32> to vector<16xi32>
      tpu.vector_store %arg6[%swap3A_971], %swap3A_974 {strides = array<i32>} : memref<4112xi32, #tpu.memory_space<vmem>>, vector<16xi32>,
      %swap3A_975 = arith.constant 3888 : index
      %swap3A_976 = tpu.vector_load %arg6[%swap3A_975] {strides = array<i32>} : memref<4112xi32, #tpu.memory_space<vmem>>, vector<16xi32>,
      %swap3A_977 = vector.shape_cast %swap3A_976 : vector<16xi32> to vector<16xi32>
      %swap3A_978 = vector.shape_cast %broadcast_in_dim3A_3 : vector<16xi32> to vector<16xi32>
      tpu.vector_store %arg6[%swap3A_975], %swap3A_978 {strides = array<i32>} : memref<4112xi32, #tpu.memory_space<vmem>>, vector<16xi32>,
      %swap3A_979 = arith.constant 3904 : index
      %swap3A_980 = tpu.vector_load %arg6[%swap3A_979] {strides = array<i32>} : memref<4112xi32, #tpu.memory_space<vmem>>, vector<16xi32>,
      %swap3A_981 = vector.shape_cast %swap3A_980 : vector<16xi32> to vector<16xi32>
      %swap3A_982 = vector.shape_cast %broadcast_in_dim3A_3 : vector<16xi32> to vector<16xi32>
      tpu.vector_store %arg6[%swap3A_979], %swap3A_982 {strides = array<i32>} : memref<4112xi32, #tpu.memory_space<vmem>>, vector<16xi32>,
      %swap3A_983 = arith.constant 3920 : index
      %swap3A_984 = tpu.vector_load %arg6[%swap3A_983] {strides = array<i32>} : memref<4112xi32, #tpu.memory_space<vmem>>, vector<16xi32>,
      %swap3A_985 = vector.shape_cast %swap3A_984 : vector<16xi32> to vector<16xi32>
      %swap3A_986 = vector.shape_cast %broadcast_in_dim3A_3 : vector<16xi32> to vector<16xi32>
      tpu.vector_store %arg6[%swap3A_983], %swap3A_986 {strides = array<i32>} : memref<4112xi32, #tpu.memory_space<vmem>>, vector<16xi32>,
      %swap3A_987 = arith.constant 3936 : index
      %swap3A_988 = tpu.vector_load %arg6[%swap3A_987] {strides = array<i32>} : memref<4112xi32, #tpu.memory_space<vmem>>, vector<16xi32>,
      %swap3A_989 = vector.shape_cast %swap3A_988 : vector<16xi32> to vector<16xi32>
      %swap3A_990 = vector.shape_cast %broadcast_in_dim3A_3 : vector<16xi32> to vector<16xi32>
      tpu.vector_store %arg6[%swap3A_987], %swap3A_990 {strides = array<i32>} : memref<4112xi32, #tpu.memory_space<vmem>>, vector<16xi32>,
      %swap3A_991 = arith.constant 3952 : index
      %swap3A_992 = tpu.vector_load %arg6[%swap3A_991] {strides = array<i32>} : memref<4112xi32, #tpu.memory_space<vmem>>, vector<16xi32>,
      %swap3A_993 = vector.shape_cast %swap3A_992 : vector<16xi32> to vector<16xi32>
      %swap3A_994 = vector.shape_cast %broadcast_in_dim3A_3 : vector<16xi32> to vector<16xi32>
      tpu.vector_store %arg6[%swap3A_991], %swap3A_994 {strides = array<i32>} : memref<4112xi32, #tpu.memory_space<vmem>>, vector<16xi32>,
      %swap3A_995 = arith.constant 3968 : index
      %swap3A_996 = tpu.vector_load %arg6[%swap3A_995] {strides = array<i32>} : memref<4112xi32, #tpu.memory_space<vmem>>, vector<16xi32>,
      %swap3A_997 = vector.shape_cast %swap3A_996 : vector<16xi32> to vector<16xi32>
      %swap3A_998 = vector.shape_cast %broadcast_in_dim3A_3 : vector<16xi32> to vector<16xi32>
      tpu.vector_store %arg6[%swap3A_995], %swap3A_998 {strides = array<i32>} : memref<4112xi32, #tpu.memory_space<vmem>>, vector<16xi32>,
      %swap3A_999 = arith.constant 3984 : index
      %swap3A_1000 = tpu.vector_load %arg6[%swap3A_999] {strides = array<i32>} : memref<4112xi32, #tpu.memory_space<vmem>>, vector<16xi32>,
      %swap3A_1001 = vector.shape_cast %swap3A_1000 : vector<16xi32> to vector<16xi32>
      %swap3A_1002 = vector.shape_cast %broadcast_in_dim3A_3 : vector<16xi32> to vector<16xi32>
      tpu.vector_store %arg6[%swap3A_999], %swap3A_1002 {strides = array<i32>} : memref<4112xi32, #tpu.memory_space<vmem>>, vector<16xi32>,
      %swap3A_1003 = arith.constant 4000 : index
      %swap3A_1004 = tpu.vector_load %arg6[%swap3A_1003] {strides = array<i32>} : memref<4112xi32, #tpu.memory_space<vmem>>, vector<16xi32>,
      %swap3A_1005 = vector.shape_cast %swap3A_1004 : vector<16xi32> to vector<16xi32>
      %swap3A_1006 = vector.shape_cast %broadcast_in_dim3A_3 : vector<16xi32> to vector<16xi32>
      tpu.vector_store %arg6[%swap3A_1003], %swap3A_1006 {strides = array<i32>} : memref<4112xi32, #tpu.memory_space<vmem>>, vector<16xi32>,
      %swap3A_1007 = arith.constant 4016 : index
      %swap3A_1008 = tpu.vector_load %arg6[%swap3A_1007] {strides = array<i32>} : memref<4112xi32, #tpu.memory_space<vmem>>, vector<16xi32>,
      %swap3A_1009 = vector.shape_cast %swap3A_1008 : vector<16xi32> to vector<16xi32>
      %swap3A_1010 = vector.shape_cast %broadcast_in_dim3A_3 : vector<16xi32> to vector<16xi32>
      tpu.vector_store %arg6[%swap3A_1007], %swap3A_1010 {strides = array<i32>} : memref<4112xi32, #tpu.memory_space<vmem>>, vector<16xi32>,
      %swap3A_1011 = arith.constant 4032 : index
      %swap3A_1012 = tpu.vector_load %arg6[%swap3A_1011] {strides = array<i32>} : memref<4112xi32, #tpu.memory_space<vmem>>, vector<16xi32>,
      %swap3A_1013 = vector.shape_cast %swap3A_1012 : vector<16xi32> to vector<16xi32>
      %swap3A_1014 = vector.shape_cast %broadcast_in_dim3A_3 : vector<16xi32> to vector<16xi32>
      tpu.vector_store %arg6[%swap3A_1011], %swap3A_1014 {strides = array<i32>} : memref<4112xi32, #tpu.memory_space<vmem>>, vector<16xi32>,
      %swap3A_1015 = arith.constant 4048 : index
      %swap3A_1016 = tpu.vector_load %arg6[%swap3A_1015] {strides = array<i32>} : memref<4112xi32, #tpu.memory_space<vmem>>, vector<16xi32>,
      %swap3A_1017 = vector.shape_cast %swap3A_1016 : vector<16xi32> to vector<16xi32>
      %swap3A_1018 = vector.shape_cast %broadcast_in_dim3A_3 : vector<16xi32> to vector<16xi32>
      tpu.vector_store %arg6[%swap3A_1015], %swap3A_1018 {strides = array<i32>} : memref<4112xi32, #tpu.memory_space<vmem>>, vector<16xi32>,
      %swap3A_1019 = arith.constant 4064 : index
      %swap3A_1020 = tpu.vector_load %arg6[%swap3A_1019] {strides = array<i32>} : memref<4112xi32, #tpu.memory_space<vmem>>, vector<16xi32>,
      %swap3A_1021 = vector.shape_cast %swap3A_1020 : vector<16xi32> to vector<16xi32>
      %swap3A_1022 = vector.shape_cast %broadcast_in_dim3A_3 : vector<16xi32> to vector<16xi32>
      tpu.vector_store %arg6[%swap3A_1019], %swap3A_1022 {strides = array<i32>} : memref<4112xi32, #tpu.memory_space<vmem>>, vector<16xi32>,
      %swap3A_1023 = arith.constant 4080 : index
      %swap3A_1024 = tpu.vector_load %arg6[%swap3A_1023] {strides = array<i32>} : memref<4112xi32, #tpu.memory_space<vmem>>, vector<16xi32>,
      %swap3A_1025 = vector.shape_cast %swap3A_1024 : vector<16xi32> to vector<16xi32>
      %swap3A_1026 = vector.shape_cast %broadcast_in_dim3A_3 : vector<16xi32> to vector<16xi32>
      tpu.vector_store %arg6[%swap3A_1023], %swap3A_1026 {strides = array<i32>} : memref<4112xi32, #tpu.memory_space<vmem>>, vector<16xi32>,
      %swap3A_1027 = arith.constant 4096 : index
      %swap3A_1028 = tpu.vector_load %arg6[%swap3A_1027] {strides = array<i32>} : memref<4112xi32, #tpu.memory_space<vmem>>, vector<16xi32>,
      %swap3A_1029 = vector.shape_cast %swap3A_1028 : vector<16xi32> to vector<16xi32>
      %swap3A_1030 = vector.shape_cast %broadcast_in_dim3A_3 : vector<16xi32> to vector<16xi32>
      tpu.vector_store %arg6[%swap3A_1027], %swap3A_1030 {strides = array<i32>} : memref<4112xi32, #tpu.memory_space<vmem>>, vector<16xi32>,
      "tpu.region"() ({
        %run_scoped3A = tpu.sem_alloc : memref<!tpu.dma_semaphore, #tpu.memory_space<semaphore_mem>>
        tpu.enqueue_dma source(%arg6 : memref<4112xi32, #tpu.memory_space<vmem>>) target(%arg5 : memref<4112xi32, #tpu.memory_space<hbm>>) target_semaphore(%run_scoped3A : memref<!tpu.dma_semaphore, #tpu.memory_space<semaphore_mem>>)
        tpu.wait_dma2 semaphore(%run_scoped3A : memref<!tpu.dma_semaphore, #tpu.memory_space<semaphore_mem>>) src(%arg6 : memref<4112xi32, #tpu.memory_space<vmem>>) dst(%arg5 : memref<4112xi32, #tpu.memory_space<hbm>>)
        tpu.yield
      }) : () -> ()
      %dma_start3A = arith.constant 0 : i32
      %dma_start3A_1031 = arith.constant 0 : i32
      %dma_start3A_1032 = arith.constant 0 : i32
      %dma_start3A_1033 = tpu.memref_slice %arg9[%dma_start3A, %dma_start3A_1032] : memref<16x128xi32, #tpu.memory_space<vmem>> -> memref<1x128xi32, #tpu.memory_space<vmem>>
      %dma_start3A_1034 = tpu.memref_squeeze %dma_start3A_1033 : memref<1x128xi32, #tpu.memory_space<vmem>> -> memref<128xi32, #tpu.memory_space<vmem>>
      %dma_start3A_1035 = arith.constant 0 : i32
      %dma_start3A_1036 = tpu.memref_slice %arg7[%dma_start3A_1031, %dma_start3A_1035] : memref<16x128xi32, #tpu.memory_space<vmem>> -> memref<1x128xi32, #tpu.memory_space<vmem>>
      %dma_start3A_1037 = tpu.memref_squeeze %dma_start3A_1036 : memref<1x128xi32, #tpu.memory_space<vmem>> -> memref<128xi32, #tpu.memory_space<vmem>>
      %dma_start3A_1038 = arith.constant 0 : i32
      %dma_start3A_1039 = tpu.memref_slice %arg5[%dma_start3A_1038] : memref<4112xi32, #tpu.memory_space<hbm>> -> memref<4112xi32, #tpu.memory_space<hbm>>
      tpu.enqueue_indirect_dma source(%dma_start3A_1034 : memref<128xi32, #tpu.memory_space<vmem>>) target(%dma_start3A_1039 : memref<4112xi32, #tpu.memory_space<hbm>>) offsets(%dma_start3A_1037 : memref<128xi32, #tpu.memory_space<vmem>>) semaphore(%arg10 : memref<!tpu.dma_semaphore, #tpu.memory_space<semaphore_mem>>)
      %dma_wait3A = arith.constant 0 : i32
      %dma_wait3A_1040 = arith.constant 0 : i32
      %dma_wait3A_1041 = arith.constant 0 : i32
      %dma_wait3A_1042 = tpu.memref_slice %arg9[%dma_wait3A, %dma_wait3A_1041] : memref<16x128xi32, #tpu.memory_space<vmem>> -> memref<1x128xi32, #tpu.memory_space<vmem>>
      %dma_wait3A_1043 = tpu.memref_squeeze %dma_wait3A_1042 : memref<1x128xi32, #tpu.memory_space<vmem>> -> memref<128xi32, #tpu.memory_space<vmem>>
      %dma_wait3A_1044 = arith.constant 0 : i32
      %dma_wait3A_1045 = tpu.memref_slice %arg7[%dma_wait3A_1040, %dma_wait3A_1044] : memref<16x128xi32, #tpu.memory_space<vmem>> -> memref<1x128xi32, #tpu.memory_space<vmem>>
      %dma_wait3A_1046 = tpu.memref_squeeze %dma_wait3A_1045 : memref<1x128xi32, #tpu.memory_space<vmem>> -> memref<128xi32, #tpu.memory_space<vmem>>
      %dma_wait3A_1047 = arith.constant 0 : i32
      %dma_wait3A_1048 = tpu.memref_slice %arg5[%dma_wait3A_1047] : memref<4112xi32, #tpu.memory_space<hbm>> -> memref<4112xi32, #tpu.memory_space<hbm>>
      tpu.wait_indirect_dma semaphore(%arg10 : memref<!tpu.dma_semaphore, #tpu.memory_space<semaphore_mem>>) src(%dma_wait3A_1043 : memref<128xi32, #tpu.memory_space<vmem>>) dst(%dma_wait3A_1048 : memref<4112xi32, #tpu.memory_space<hbm>>)
      %dma_start3A_1049 = arith.constant 0 : i32
      %dma_start3A_1050 = arith.constant 0 : i32
      %dma_start3A_1051 = arith.constant 0 : i32
      %dma_start3A_1052 = tpu.memref_slice %arg9[%dma_start3A_1049, %dma_start3A_1051] : memref<16x128xi32, #tpu.memory_space<vmem>> -> memref<1x128xi32, #tpu.memory_space<vmem>>
      %dma_start3A_1053 = tpu.memref_squeeze %dma_start3A_1052 : memref<1x128xi32, #tpu.memory_space<vmem>> -> memref<128xi32, #tpu.memory_space<vmem>>
      %dma_start3A_1054 = arith.constant 0 : i32
      %dma_start3A_1055 = tpu.memref_slice %arg8[%dma_start3A_1050, %dma_start3A_1054] : memref<16x128xi32, #tpu.memory_space<vmem>> -> memref<1x128xi32, #tpu.memory_space<vmem>>
      %dma_start3A_1056 = tpu.memref_squeeze %dma_start3A_1055 : memref<1x128xi32, #tpu.memory_space<vmem>> -> memref<128xi32, #tpu.memory_space<vmem>>
      %dma_start3A_1057 = arith.constant 0 : i32
      %dma_start3A_1058 = tpu.memref_slice %arg5[%dma_start3A_1057] : memref<4112xi32, #tpu.memory_space<hbm>> -> memref<4112xi32, #tpu.memory_space<hbm>>
      tpu.enqueue_indirect_dma source(%dma_start3A_1053 : memref<128xi32, #tpu.memory_space<vmem>>) target(%dma_start3A_1058 : memref<4112xi32, #tpu.memory_space<hbm>>) offsets(%dma_start3A_1056 : memref<128xi32, #tpu.memory_space<vmem>>) semaphore(%arg10 : memref<!tpu.dma_semaphore, #tpu.memory_space<semaphore_mem>>)
      %dma_wait3A_1059 = arith.constant 0 : i32
      %dma_wait3A_1060 = arith.constant 0 : i32
      %dma_wait3A_1061 = arith.constant 0 : i32
      %dma_wait3A_1062 = tpu.memref_slice %arg9[%dma_wait3A_1059, %dma_wait3A_1061] : memref<16x128xi32, #tpu.memory_space<vmem>> -> memref<1x128xi32, #tpu.memory_space<vmem>>
      %dma_wait3A_1063 = tpu.memref_squeeze %dma_wait3A_1062 : memref<1x128xi32, #tpu.memory_space<vmem>> -> memref<128xi32, #tpu.memory_space<vmem>>
      %dma_wait3A_1064 = arith.constant 0 : i32
      %dma_wait3A_1065 = tpu.memref_slice %arg8[%dma_wait3A_1060, %dma_wait3A_1064] : memref<16x128xi32, #tpu.memory_space<vmem>> -> memref<1x128xi32, #tpu.memory_space<vmem>>
      %dma_wait3A_1066 = tpu.memref_squeeze %dma_wait3A_1065 : memref<1x128xi32, #tpu.memory_space<vmem>> -> memref<128xi32, #tpu.memory_space<vmem>>
      %dma_wait3A_1067 = arith.constant 0 : i32
      %dma_wait3A_1068 = tpu.memref_slice %arg5[%dma_wait3A_1067] : memref<4112xi32, #tpu.memory_space<hbm>> -> memref<4112xi32, #tpu.memory_space<hbm>>
      tpu.wait_indirect_dma semaphore(%arg10 : memref<!tpu.dma_semaphore, #tpu.memory_space<semaphore_mem>>) src(%dma_wait3A_1063 : memref<128xi32, #tpu.memory_space<vmem>>) dst(%dma_wait3A_1068 : memref<4112xi32, #tpu.memory_space<hbm>>)
      %dma_start3A_1069 = arith.constant 1 : i32
      %dma_start3A_1070 = arith.constant 1 : i32
      %dma_start3A_1071 = arith.constant 0 : i32
      %dma_start3A_1072 = tpu.memref_slice %arg9[%dma_start3A_1069, %dma_start3A_1071] : memref<16x128xi32, #tpu.memory_space<vmem>> -> memref<1x128xi32, #tpu.memory_space<vmem>>
      %dma_start3A_1073 = tpu.memref_squeeze %dma_start3A_1072 : memref<1x128xi32, #tpu.memory_space<vmem>> -> memref<128xi32, #tpu.memory_space<vmem>>
      %dma_start3A_1074 = arith.constant 0 : i32
      %dma_start3A_1075 = tpu.memref_slice %arg7[%dma_start3A_1070, %dma_start3A_1074] : memref<16x128xi32, #tpu.memory_space<vmem>> -> memref<1x128xi32, #tpu.memory_space<vmem>>
      %dma_start3A_1076 = tpu.memref_squeeze %dma_start3A_1075 : memref<1x128xi32, #tpu.memory_space<vmem>> -> memref<128xi32, #tpu.memory_space<vmem>>
      %dma_start3A_1077 = arith.constant 0 : i32
      %dma_start3A_1078 = tpu.memref_slice %arg5[%dma_start3A_1077] : memref<4112xi32, #tpu.memory_space<hbm>> -> memref<4112xi32, #tpu.memory_space<hbm>>
      tpu.enqueue_indirect_dma source(%dma_start3A_1073 : memref<128xi32, #tpu.memory_space<vmem>>) target(%dma_start3A_1078 : memref<4112xi32, #tpu.memory_space<hbm>>) offsets(%dma_start3A_1076 : memref<128xi32, #tpu.memory_space<vmem>>) semaphore(%arg10 : memref<!tpu.dma_semaphore, #tpu.memory_space<semaphore_mem>>)
      %dma_wait3A_1079 = arith.constant 1 : i32
      %dma_wait3A_1080 = arith.constant 1 : i32
      %dma_wait3A_1081 = arith.constant 0 : i32
      %dma_wait3A_1082 = tpu.memref_slice %arg9[%dma_wait3A_1079, %dma_wait3A_1081] : memref<16x128xi32, #tpu.memory_space<vmem>> -> memref<1x128xi32, #tpu.memory_space<vmem>>
      %dma_wait3A_1083 = tpu.memref_squeeze %dma_wait3A_1082 : memref<1x128xi32, #tpu.memory_space<vmem>> -> memref<128xi32, #tpu.memory_space<vmem>>
      %dma_wait3A_1084 = arith.constant 0 : i32
      %dma_wait3A_1085 = tpu.memref_slice %arg7[%dma_wait3A_1080, %dma_wait3A_1084] : memref<16x128xi32, #tpu.memory_space<vmem>> -> memref<1x128xi32, #tpu.memory_space<vmem>>
      %dma_wait3A_1086 = tpu.memref_squeeze %dma_wait3A_1085 : memref<1x128xi32, #tpu.memory_space<vmem>> -> memref<128xi32, #tpu.memory_space<vmem>>
      %dma_wait3A_1087 = arith.constant 0 : i32
      %dma_wait3A_1088 = tpu.memref_slice %arg5[%dma_wait3A_1087] : memref<4112xi32, #tpu.memory_space<hbm>> -> memref<4112xi32, #tpu.memory_space<hbm>>
      tpu.wait_indirect_dma semaphore(%arg10 : memref<!tpu.dma_semaphore, #tpu.memory_space<semaphore_mem>>) src(%dma_wait3A_1083 : memref<128xi32, #tpu.memory_space<vmem>>) dst(%dma_wait3A_1088 : memref<4112xi32, #tpu.memory_space<hbm>>)
      %dma_start3A_1089 = arith.constant 1 : i32
      %dma_start3A_1090 = arith.constant 1 : i32
      %dma_start3A_1091 = arith.constant 0 : i32
      %dma_start3A_1092 = tpu.memref_slice %arg9[%dma_start3A_1089, %dma_start3A_1091] : memref<16x128xi32, #tpu.memory_space<vmem>> -> memref<1x128xi32, #tpu.memory_space<vmem>>
      %dma_start3A_1093 = tpu.memref_squeeze %dma_start3A_1092 : memref<1x128xi32, #tpu.memory_space<vmem>> -> memref<128xi32, #tpu.memory_space<vmem>>
      %dma_start3A_1094 = arith.constant 0 : i32
      %dma_start3A_1095 = tpu.memref_slice %arg8[%dma_start3A_1090, %dma_start3A_1094] : memref<16x128xi32, #tpu.memory_space<vmem>> -> memref<1x128xi32, #tpu.memory_space<vmem>>
      %dma_start3A_1096 = tpu.memref_squeeze %dma_start3A_1095 : memref<1x128xi32, #tpu.memory_space<vmem>> -> memref<128xi32, #tpu.memory_space<vmem>>
      %dma_start3A_1097 = arith.constant 0 : i32
      %dma_start3A_1098 = tpu.memref_slice %arg5[%dma_start3A_1097] : memref<4112xi32, #tpu.memory_space<hbm>> -> memref<4112xi32, #tpu.memory_space<hbm>>
      tpu.enqueue_indirect_dma source(%dma_start3A_1093 : memref<128xi32, #tpu.memory_space<vmem>>) target(%dma_start3A_1098 : memref<4112xi32, #tpu.memory_space<hbm>>) offsets(%dma_start3A_1096 : memref<128xi32, #tpu.memory_space<vmem>>) semaphore(%arg10 : memref<!tpu.dma_semaphore, #tpu.memory_space<semaphore_mem>>)
      %dma_wait3A_1099 = arith.constant 1 : i32
      %dma_wait3A_1100 = arith.constant 1 : i32
      %dma_wait3A_1101 = arith.constant 0 : i32
      %dma_wait3A_1102 = tpu.memref_slice %arg9[%dma_wait3A_1099, %dma_wait3A_1101] : memref<16x128xi32, #tpu.memory_space<vmem>> -> memref<1x128xi32, #tpu.memory_space<vmem>>
      %dma_wait3A_1103 = tpu.memref_squeeze %dma_wait3A_1102 : memref<1x128xi32, #tpu.memory_space<vmem>> -> memref<128xi32, #tpu.memory_space<vmem>>
      %dma_wait3A_1104 = arith.constant 0 : i32
      %dma_wait3A_1105 = tpu.memref_slice %arg8[%dma_wait3A_1100, %dma_wait3A_1104] : memref<16x128xi32, #tpu.memory_space<vmem>> -> memref<1x128xi32, #tpu.memory_space<vmem>>
      %dma_wait3A_1106 = tpu.memref_squeeze %dma_wait3A_1105 : memref<1x128xi32, #tpu.memory_space<vmem>> -> memref<128xi32, #tpu.memory_space<vmem>>
      %dma_wait3A_1107 = arith.constant 0 : i32
      %dma_wait3A_1108 = tpu.memref_slice %arg5[%dma_wait3A_1107] : memref<4112xi32, #tpu.memory_space<hbm>> -> memref<4112xi32, #tpu.memory_space<hbm>>
      tpu.wait_indirect_dma semaphore(%arg10 : memref<!tpu.dma_semaphore, #tpu.memory_space<semaphore_mem>>) src(%dma_wait3A_1103 : memref<128xi32, #tpu.memory_space<vmem>>) dst(%dma_wait3A_1108 : memref<4112xi32, #tpu.memory_space<hbm>>)
      %dma_start3A_1109 = arith.constant 2 : i32
      %dma_start3A_1110 = arith.constant 2 : i32
      %dma_start3A_1111 = arith.constant 0 : i32
      %dma_start3A_1112 = tpu.memref_slice %arg9[%dma_start3A_1109, %dma_start3A_1111] : memref<16x128xi32, #tpu.memory_space<vmem>> -> memref<1x128xi32, #tpu.memory_space<vmem>>
      %dma_start3A_1113 = tpu.memref_squeeze %dma_start3A_1112 : memref<1x128xi32, #tpu.memory_space<vmem>> -> memref<128xi32, #tpu.memory_space<vmem>>
      %dma_start3A_1114 = arith.constant 0 : i32
      %dma_start3A_1115 = tpu.memref_slice %arg7[%dma_start3A_1110, %dma_start3A_1114] : memref<16x128xi32, #tpu.memory_space<vmem>> -> memref<1x128xi32, #tpu.memory_space<vmem>>
      %dma_start3A_1116 = tpu.memref_squeeze %dma_start3A_1115 : memref<1x128xi32, #tpu.memory_space<vmem>> -> memref<128xi32, #tpu.memory_space<vmem>>
      %dma_start3A_1117 = arith.constant 0 : i32
      %dma_start3A_1118 = tpu.memref_slice %arg5[%dma_start3A_1117] : memref<4112xi32, #tpu.memory_space<hbm>> -> memref<4112xi32, #tpu.memory_space<hbm>>
      tpu.enqueue_indirect_dma source(%dma_start3A_1113 : memref<128xi32, #tpu.memory_space<vmem>>) target(%dma_start3A_1118 : memref<4112xi32, #tpu.memory_space<hbm>>) offsets(%dma_start3A_1116 : memref<128xi32, #tpu.memory_space<vmem>>) semaphore(%arg10 : memref<!tpu.dma_semaphore, #tpu.memory_space<semaphore_mem>>)
      %dma_wait3A_1119 = arith.constant 2 : i32
      %dma_wait3A_1120 = arith.constant 2 : i32
      %dma_wait3A_1121 = arith.constant 0 : i32
      %dma_wait3A_1122 = tpu.memref_slice %arg9[%dma_wait3A_1119, %dma_wait3A_1121] : memref<16x128xi32, #tpu.memory_space<vmem>> -> memref<1x128xi32, #tpu.memory_space<vmem>>
      %dma_wait3A_1123 = tpu.memref_squeeze %dma_wait3A_1122 : memref<1x128xi32, #tpu.memory_space<vmem>> -> memref<128xi32, #tpu.memory_space<vmem>>
      %dma_wait3A_1124 = arith.constant 0 : i32
      %dma_wait3A_1125 = tpu.memref_slice %arg7[%dma_wait3A_1120, %dma_wait3A_1124] : memref<16x128xi32, #tpu.memory_space<vmem>> -> memref<1x128xi32, #tpu.memory_space<vmem>>
      %dma_wait3A_1126 = tpu.memref_squeeze %dma_wait3A_1125 : memref<1x128xi32, #tpu.memory_space<vmem>> -> memref<128xi32, #tpu.memory_space<vmem>>
      %dma_wait3A_1127 = arith.constant 0 : i32
      %dma_wait3A_1128 = tpu.memref_slice %arg5[%dma_wait3A_1127] : memref<4112xi32, #tpu.memory_space<hbm>> -> memref<4112xi32, #tpu.memory_space<hbm>>
      tpu.wait_indirect_dma semaphore(%arg10 : memref<!tpu.dma_semaphore, #tpu.memory_space<semaphore_mem>>) src(%dma_wait3A_1123 : memref<128xi32, #tpu.memory_space<vmem>>) dst(%dma_wait3A_1128 : memref<4112xi32, #tpu.memory_space<hbm>>)
      %dma_start3A_1129 = arith.constant 2 : i32
      %dma_start3A_1130 = arith.constant 2 : i32
      %dma_start3A_1131 = arith.constant 0 : i32
      %dma_start3A_1132 = tpu.memref_slice %arg9[%dma_start3A_1129, %dma_start3A_1131] : memref<16x128xi32, #tpu.memory_space<vmem>> -> memref<1x128xi32, #tpu.memory_space<vmem>>
      %dma_start3A_1133 = tpu.memref_squeeze %dma_start3A_1132 : memref<1x128xi32, #tpu.memory_space<vmem>> -> memref<128xi32, #tpu.memory_space<vmem>>
      %dma_start3A_1134 = arith.constant 0 : i32
      %dma_start3A_1135 = tpu.memref_slice %arg8[%dma_start3A_1130, %dma_start3A_1134] : memref<16x128xi32, #tpu.memory_space<vmem>> -> memref<1x128xi32, #tpu.memory_space<vmem>>
      %dma_start3A_1136 = tpu.memref_squeeze %dma_start3A_1135 : memref<1x128xi32, #tpu.memory_space<vmem>> -> memref<128xi32, #tpu.memory_space<vmem>>
      %dma_start3A_1137 = arith.constant 0 : i32
      %dma_start3A_1138 = tpu.memref_slice %arg5[%dma_start3A_1137] : memref<4112xi32, #tpu.memory_space<hbm>> -> memref<4112xi32, #tpu.memory_space<hbm>>
      tpu.enqueue_indirect_dma source(%dma_start3A_1133 : memref<128xi32, #tpu.memory_space<vmem>>) target(%dma_start3A_1138 : memref<4112xi32, #tpu.memory_space<hbm>>) offsets(%dma_start3A_1136 : memref<128xi32, #tpu.memory_space<vmem>>) semaphore(%arg10 : memref<!tpu.dma_semaphore, #tpu.memory_space<semaphore_mem>>)
      %dma_wait3A_1139 = arith.constant 2 : i32
      %dma_wait3A_1140 = arith.constant 2 : i32
      %dma_wait3A_1141 = arith.constant 0 : i32
      %dma_wait3A_1142 = tpu.memref_slice %arg9[%dma_wait3A_1139, %dma_wait3A_1141] : memref<16x128xi32, #tpu.memory_space<vmem>> -> memref<1x128xi32, #tpu.memory_space<vmem>>
      %dma_wait3A_1143 = tpu.memref_squeeze %dma_wait3A_1142 : memref<1x128xi32, #tpu.memory_space<vmem>> -> memref<128xi32, #tpu.memory_space<vmem>>
      %dma_wait3A_1144 = arith.constant 0 : i32
      %dma_wait3A_1145 = tpu.memref_slice %arg8[%dma_wait3A_1140, %dma_wait3A_1144] : memref<16x128xi32, #tpu.memory_space<vmem>> -> memref<1x128xi32, #tpu.memory_space<vmem>>
      %dma_wait3A_1146 = tpu.memref_squeeze %dma_wait3A_1145 : memref<1x128xi32, #tpu.memory_space<vmem>> -> memref<128xi32, #tpu.memory_space<vmem>>
      %dma_wait3A_1147 = arith.constant 0 : i32
      %dma_wait3A_1148 = tpu.memref_slice %arg5[%dma_wait3A_1147] : memref<4112xi32, #tpu.memory_space<hbm>> -> memref<4112xi32, #tpu.memory_space<hbm>>
      tpu.wait_indirect_dma semaphore(%arg10 : memref<!tpu.dma_semaphore, #tpu.memory_space<semaphore_mem>>) src(%dma_wait3A_1143 : memref<128xi32, #tpu.memory_space<vmem>>) dst(%dma_wait3A_1148 : memref<4112xi32, #tpu.memory_space<hbm>>)
      %dma_start3A_1149 = arith.constant 3 : i32
      %dma_start3A_1150 = arith.constant 3 : i32
      %dma_start3A_1151 = arith.constant 0 : i32
      %dma_start3A_1152 = tpu.memref_slice %arg9[%dma_start3A_1149, %dma_start3A_1151] : memref<16x128xi32, #tpu.memory_space<vmem>> -> memref<1x128xi32, #tpu.memory_space<vmem>>
      %dma_start3A_1153 = tpu.memref_squeeze %dma_start3A_1152 : memref<1x128xi32, #tpu.memory_space<vmem>> -> memref<128xi32, #tpu.memory_space<vmem>>
      %dma_start3A_1154 = arith.constant 0 : i32
      %dma_start3A_1155 = tpu.memref_slice %arg7[%dma_start3A_1150, %dma_start3A_1154] : memref<16x128xi32, #tpu.memory_space<vmem>> -> memref<1x128xi32, #tpu.memory_space<vmem>>
      %dma_start3A_1156 = tpu.memref_squeeze %dma_start3A_1155 : memref<1x128xi32, #tpu.memory_space<vmem>> -> memref<128xi32, #tpu.memory_space<vmem>>
      %dma_start3A_1157 = arith.constant 0 : i32
      %dma_start3A_1158 = tpu.memref_slice %arg5[%dma_start3A_1157] : memref<4112xi32, #tpu.memory_space<hbm>> -> memref<4112xi32, #tpu.memory_space<hbm>>
      tpu.enqueue_indirect_dma source(%dma_start3A_1153 : memref<128xi32, #tpu.memory_space<vmem>>) target(%dma_start3A_1158 : memref<4112xi32, #tpu.memory_space<hbm>>) offsets(%dma_start3A_1156 : memref<128xi32, #tpu.memory_space<vmem>>) semaphore(%arg10 : memref<!tpu.dma_semaphore, #tpu.memory_space<semaphore_mem>>)
      %dma_wait3A_1159 = arith.constant 3 : i32
      %dma_wait3A_1160 = arith.constant 3 : i32
      %dma_wait3A_1161 = arith.constant 0 : i32
      %dma_wait3A_1162 = tpu.memref_slice %arg9[%dma_wait3A_1159, %dma_wait3A_1161] : memref<16x128xi32, #tpu.memory_space<vmem>> -> memref<1x128xi32, #tpu.memory_space<vmem>>
      %dma_wait3A_1163 = tpu.memref_squeeze %dma_wait3A_1162 : memref<1x128xi32, #tpu.memory_space<vmem>> -> memref<128xi32, #tpu.memory_space<vmem>>
      %dma_wait3A_1164 = arith.constant 0 : i32
      %dma_wait3A_1165 = tpu.memref_slice %arg7[%dma_wait3A_1160, %dma_wait3A_1164] : memref<16x128xi32, #tpu.memory_space<vmem>> -> memref<1x128xi32, #tpu.memory_space<vmem>>
      %dma_wait3A_1166 = tpu.memref_squeeze %dma_wait3A_1165 : memref<1x128xi32, #tpu.memory_space<vmem>> -> memref<128xi32, #tpu.memory_space<vmem>>
      %dma_wait3A_1167 = arith.constant 0 : i32
      %dma_wait3A_1168 = tpu.memref_slice %arg5[%dma_wait3A_1167] : memref<4112xi32, #tpu.memory_space<hbm>> -> memref<4112xi32, #tpu.memory_space<hbm>>
      tpu.wait_indirect_dma semaphore(%arg10 : memref<!tpu.dma_semaphore, #tpu.memory_space<semaphore_mem>>) src(%dma_wait3A_1163 : memref<128xi32, #tpu.memory_space<vmem>>) dst(%dma_wait3A_1168 : memref<4112xi32, #tpu.memory_space<hbm>>)
      %dma_start3A_1169 = arith.constant 3 : i32
      %dma_start3A_1170 = arith.constant 3 : i32
      %dma_start3A_1171 = arith.constant 0 : i32
      %dma_start3A_1172 = tpu.memref_slice %arg9[%dma_start3A_1169, %dma_start3A_1171] : memref<16x128xi32, #tpu.memory_space<vmem>> -> memref<1x128xi32, #tpu.memory_space<vmem>>
      %dma_start3A_1173 = tpu.memref_squeeze %dma_start3A_1172 : memref<1x128xi32, #tpu.memory_space<vmem>> -> memref<128xi32, #tpu.memory_space<vmem>>
      %dma_start3A_1174 = arith.constant 0 : i32
      %dma_start3A_1175 = tpu.memref_slice %arg8[%dma_start3A_1170, %dma_start3A_1174] : memref<16x128xi32, #tpu.memory_space<vmem>> -> memref<1x128xi32, #tpu.memory_space<vmem>>
      %dma_start3A_1176 = tpu.memref_squeeze %dma_start3A_1175 : memref<1x128xi32, #tpu.memory_space<vmem>> -> memref<128xi32, #tpu.memory_space<vmem>>
      %dma_start3A_1177 = arith.constant 0 : i32
      %dma_start3A_1178 = tpu.memref_slice %arg5[%dma_start3A_1177] : memref<4112xi32, #tpu.memory_space<hbm>> -> memref<4112xi32, #tpu.memory_space<hbm>>
      tpu.enqueue_indirect_dma source(%dma_start3A_1173 : memref<128xi32, #tpu.memory_space<vmem>>) target(%dma_start3A_1178 : memref<4112xi32, #tpu.memory_space<hbm>>) offsets(%dma_start3A_1176 : memref<128xi32, #tpu.memory_space<vmem>>) semaphore(%arg10 : memref<!tpu.dma_semaphore, #tpu.memory_space<semaphore_mem>>)
      %dma_wait3A_1179 = arith.constant 3 : i32
      %dma_wait3A_1180 = arith.constant 3 : i32
      %dma_wait3A_1181 = arith.constant 0 : i32
      %dma_wait3A_1182 = tpu.memref_slice %arg9[%dma_wait3A_1179, %dma_wait3A_1181] : memref<16x128xi32, #tpu.memory_space<vmem>> -> memref<1x128xi32, #tpu.memory_space<vmem>>
      %dma_wait3A_1183 = tpu.memref_squeeze %dma_wait3A_1182 : memref<1x128xi32, #tpu.memory_space<vmem>> -> memref<128xi32, #tpu.memory_space<vmem>>
      %dma_wait3A_1184 = arith.constant 0 : i32
      %dma_wait3A_1185 = tpu.memref_slice %arg8[%dma_wait3A_1180, %dma_wait3A_1184] : memref<16x128xi32, #tpu.memory_space<vmem>> -> memref<1x128xi32, #tpu.memory_space<vmem>>
      %dma_wait3A_1186 = tpu.memref_squeeze %dma_wait3A_1185 : memref<1x128xi32, #tpu.memory_space<vmem>> -> memref<128xi32, #tpu.memory_space<vmem>>
      %dma_wait3A_1187 = arith.constant 0 : i32
      %dma_wait3A_1188 = tpu.memref_slice %arg5[%dma_wait3A_1187] : memref<4112xi32, #tpu.memory_space<hbm>> -> memref<4112xi32, #tpu.memory_space<hbm>>
      tpu.wait_indirect_dma semaphore(%arg10 : memref<!tpu.dma_semaphore, #tpu.memory_space<semaphore_mem>>) src(%dma_wait3A_1183 : memref<128xi32, #tpu.memory_space<vmem>>) dst(%dma_wait3A_1188 : memref<4112xi32, #tpu.memory_space<hbm>>)
      %dma_start3A_1189 = arith.constant 4 : i32
      %dma_start3A_1190 = arith.constant 4 : i32
      %dma_start3A_1191 = arith.constant 0 : i32
      %dma_start3A_1192 = tpu.memref_slice %arg9[%dma_start3A_1189, %dma_start3A_1191] : memref<16x128xi32, #tpu.memory_space<vmem>> -> memref<1x128xi32, #tpu.memory_space<vmem>>
      %dma_start3A_1193 = tpu.memref_squeeze %dma_start3A_1192 : memref<1x128xi32, #tpu.memory_space<vmem>> -> memref<128xi32, #tpu.memory_space<vmem>>
      %dma_start3A_1194 = arith.constant 0 : i32
      %dma_start3A_1195 = tpu.memref_slice %arg7[%dma_start3A_1190, %dma_start3A_1194] : memref<16x128xi32, #tpu.memory_space<vmem>> -> memref<1x128xi32, #tpu.memory_space<vmem>>
      %dma_start3A_1196 = tpu.memref_squeeze %dma_start3A_1195 : memref<1x128xi32, #tpu.memory_space<vmem>> -> memref<128xi32, #tpu.memory_space<vmem>>
      %dma_start3A_1197 = arith.constant 0 : i32
      %dma_start3A_1198 = tpu.memref_slice %arg5[%dma_start3A_1197] : memref<4112xi32, #tpu.memory_space<hbm>> -> memref<4112xi32, #tpu.memory_space<hbm>>
      tpu.enqueue_indirect_dma source(%dma_start3A_1193 : memref<128xi32, #tpu.memory_space<vmem>>) target(%dma_start3A_1198 : memref<4112xi32, #tpu.memory_space<hbm>>) offsets(%dma_start3A_1196 : memref<128xi32, #tpu.memory_space<vmem>>) semaphore(%arg10 : memref<!tpu.dma_semaphore, #tpu.memory_space<semaphore_mem>>)
      %dma_wait3A_1199 = arith.constant 4 : i32
      %dma_wait3A_1200 = arith.constant 4 : i32
      %dma_wait3A_1201 = arith.constant 0 : i32
      %dma_wait3A_1202 = tpu.memref_slice %arg9[%dma_wait3A_1199, %dma_wait3A_1201] : memref<16x128xi32, #tpu.memory_space<vmem>> -> memref<1x128xi32, #tpu.memory_space<vmem>>
      %dma_wait3A_1203 = tpu.memref_squeeze %dma_wait3A_1202 : memref<1x128xi32, #tpu.memory_space<vmem>> -> memref<128xi32, #tpu.memory_space<vmem>>
      %dma_wait3A_1204 = arith.constant 0 : i32
      %dma_wait3A_1205 = tpu.memref_slice %arg7[%dma_wait3A_1200, %dma_wait3A_1204] : memref<16x128xi32, #tpu.memory_space<vmem>> -> memref<1x128xi32, #tpu.memory_space<vmem>>
      %dma_wait3A_1206 = tpu.memref_squeeze %dma_wait3A_1205 : memref<1x128xi32, #tpu.memory_space<vmem>> -> memref<128xi32, #tpu.memory_space<vmem>>
      %dma_wait3A_1207 = arith.constant 0 : i32
      %dma_wait3A_1208 = tpu.memref_slice %arg5[%dma_wait3A_1207] : memref<4112xi32, #tpu.memory_space<hbm>> -> memref<4112xi32, #tpu.memory_space<hbm>>
      tpu.wait_indirect_dma semaphore(%arg10 : memref<!tpu.dma_semaphore, #tpu.memory_space<semaphore_mem>>) src(%dma_wait3A_1203 : memref<128xi32, #tpu.memory_space<vmem>>) dst(%dma_wait3A_1208 : memref<4112xi32, #tpu.memory_space<hbm>>)
      %dma_start3A_1209 = arith.constant 4 : i32
      %dma_start3A_1210 = arith.constant 4 : i32
      %dma_start3A_1211 = arith.constant 0 : i32
      %dma_start3A_1212 = tpu.memref_slice %arg9[%dma_start3A_1209, %dma_start3A_1211] : memref<16x128xi32, #tpu.memory_space<vmem>> -> memref<1x128xi32, #tpu.memory_space<vmem>>
      %dma_start3A_1213 = tpu.memref_squeeze %dma_start3A_1212 : memref<1x128xi32, #tpu.memory_space<vmem>> -> memref<128xi32, #tpu.memory_space<vmem>>
      %dma_start3A_1214 = arith.constant 0 : i32
      %dma_start3A_1215 = tpu.memref_slice %arg8[%dma_start3A_1210, %dma_start3A_1214] : memref<16x128xi32, #tpu.memory_space<vmem>> -> memref<1x128xi32, #tpu.memory_space<vmem>>
      %dma_start3A_1216 = tpu.memref_squeeze %dma_start3A_1215 : memref<1x128xi32, #tpu.memory_space<vmem>> -> memref<128xi32, #tpu.memory_space<vmem>>
      %dma_start3A_1217 = arith.constant 0 : i32
      %dma_start3A_1218 = tpu.memref_slice %arg5[%dma_start3A_1217] : memref<4112xi32, #tpu.memory_space<hbm>> -> memref<4112xi32, #tpu.memory_space<hbm>>
      tpu.enqueue_indirect_dma source(%dma_start3A_1213 : memref<128xi32, #tpu.memory_space<vmem>>) target(%dma_start3A_1218 : memref<4112xi32, #tpu.memory_space<hbm>>) offsets(%dma_start3A_1216 : memref<128xi32, #tpu.memory_space<vmem>>) semaphore(%arg10 : memref<!tpu.dma_semaphore, #tpu.memory_space<semaphore_mem>>)
      %dma_wait3A_1219 = arith.constant 4 : i32
      %dma_wait3A_1220 = arith.constant 4 : i32
      %dma_wait3A_1221 = arith.constant 0 : i32
      %dma_wait3A_1222 = tpu.memref_slice %arg9[%dma_wait3A_1219, %dma_wait3A_1221] : memref<16x128xi32, #tpu.memory_space<vmem>> -> memref<1x128xi32, #tpu.memory_space<vmem>>
      %dma_wait3A_1223 = tpu.memref_squeeze %dma_wait3A_1222 : memref<1x128xi32, #tpu.memory_space<vmem>> -> memref<128xi32, #tpu.memory_space<vmem>>
      %dma_wait3A_1224 = arith.constant 0 : i32
      %dma_wait3A_1225 = tpu.memref_slice %arg8[%dma_wait3A_1220, %dma_wait3A_1224] : memref<16x128xi32, #tpu.memory_space<vmem>> -> memref<1x128xi32, #tpu.memory_space<vmem>>
      %dma_wait3A_1226 = tpu.memref_squeeze %dma_wait3A_1225 : memref<1x128xi32, #tpu.memory_space<vmem>> -> memref<128xi32, #tpu.memory_space<vmem>>
      %dma_wait3A_1227 = arith.constant 0 : i32
      %dma_wait3A_1228 = tpu.memref_slice %arg5[%dma_wait3A_1227] : memref<4112xi32, #tpu.memory_space<hbm>> -> memref<4112xi32, #tpu.memory_space<hbm>>
      tpu.wait_indirect_dma semaphore(%arg10 : memref<!tpu.dma_semaphore, #tpu.memory_space<semaphore_mem>>) src(%dma_wait3A_1223 : memref<128xi32, #tpu.memory_space<vmem>>) dst(%dma_wait3A_1228 : memref<4112xi32, #tpu.memory_space<hbm>>)
      %dma_start3A_1229 = arith.constant 5 : i32
      %dma_start3A_1230 = arith.constant 5 : i32
      %dma_start3A_1231 = arith.constant 0 : i32
      %dma_start3A_1232 = tpu.memref_slice %arg9[%dma_start3A_1229, %dma_start3A_1231] : memref<16x128xi32, #tpu.memory_space<vmem>> -> memref<1x128xi32, #tpu.memory_space<vmem>>
      %dma_start3A_1233 = tpu.memref_squeeze %dma_start3A_1232 : memref<1x128xi32, #tpu.memory_space<vmem>> -> memref<128xi32, #tpu.memory_space<vmem>>
      %dma_start3A_1234 = arith.constant 0 : i32
      %dma_start3A_1235 = tpu.memref_slice %arg7[%dma_start3A_1230, %dma_start3A_1234] : memref<16x128xi32, #tpu.memory_space<vmem>> -> memref<1x128xi32, #tpu.memory_space<vmem>>
      %dma_start3A_1236 = tpu.memref_squeeze %dma_start3A_1235 : memref<1x128xi32, #tpu.memory_space<vmem>> -> memref<128xi32, #tpu.memory_space<vmem>>
      %dma_start3A_1237 = arith.constant 0 : i32
      %dma_start3A_1238 = tpu.memref_slice %arg5[%dma_start3A_1237] : memref<4112xi32, #tpu.memory_space<hbm>> -> memref<4112xi32, #tpu.memory_space<hbm>>
      tpu.enqueue_indirect_dma source(%dma_start3A_1233 : memref<128xi32, #tpu.memory_space<vmem>>) target(%dma_start3A_1238 : memref<4112xi32, #tpu.memory_space<hbm>>) offsets(%dma_start3A_1236 : memref<128xi32, #tpu.memory_space<vmem>>) semaphore(%arg10 : memref<!tpu.dma_semaphore, #tpu.memory_space<semaphore_mem>>)
      %dma_wait3A_1239 = arith.constant 5 : i32
      %dma_wait3A_1240 = arith.constant 5 : i32
      %dma_wait3A_1241 = arith.constant 0 : i32
      %dma_wait3A_1242 = tpu.memref_slice %arg9[%dma_wait3A_1239, %dma_wait3A_1241] : memref<16x128xi32, #tpu.memory_space<vmem>> -> memref<1x128xi32, #tpu.memory_space<vmem>>
      %dma_wait3A_1243 = tpu.memref_squeeze %dma_wait3A_1242 : memref<1x128xi32, #tpu.memory_space<vmem>> -> memref<128xi32, #tpu.memory_space<vmem>>
      %dma_wait3A_1244 = arith.constant 0 : i32
      %dma_wait3A_1245 = tpu.memref_slice %arg7[%dma_wait3A_1240, %dma_wait3A_1244] : memref<16x128xi32, #tpu.memory_space<vmem>> -> memref<1x128xi32, #tpu.memory_space<vmem>>
      %dma_wait3A_1246 = tpu.memref_squeeze %dma_wait3A_1245 : memref<1x128xi32, #tpu.memory_space<vmem>> -> memref<128xi32, #tpu.memory_space<vmem>>
      %dma_wait3A_1247 = arith.constant 0 : i32
      %dma_wait3A_1248 = tpu.memref_slice %arg5[%dma_wait3A_1247] : memref<4112xi32, #tpu.memory_space<hbm>> -> memref<4112xi32, #tpu.memory_space<hbm>>
      tpu.wait_indirect_dma semaphore(%arg10 : memref<!tpu.dma_semaphore, #tpu.memory_space<semaphore_mem>>) src(%dma_wait3A_1243 : memref<128xi32, #tpu.memory_space<vmem>>) dst(%dma_wait3A_1248 : memref<4112xi32, #tpu.memory_space<hbm>>)
      %dma_start3A_1249 = arith.constant 5 : i32
      %dma_start3A_1250 = arith.constant 5 : i32
      %dma_start3A_1251 = arith.constant 0 : i32
      %dma_start3A_1252 = tpu.memref_slice %arg9[%dma_start3A_1249, %dma_start3A_1251] : memref<16x128xi32, #tpu.memory_space<vmem>> -> memref<1x128xi32, #tpu.memory_space<vmem>>
      %dma_start3A_1253 = tpu.memref_squeeze %dma_start3A_1252 : memref<1x128xi32, #tpu.memory_space<vmem>> -> memref<128xi32, #tpu.memory_space<vmem>>
      %dma_start3A_1254 = arith.constant 0 : i32
      %dma_start3A_1255 = tpu.memref_slice %arg8[%dma_start3A_1250, %dma_start3A_1254] : memref<16x128xi32, #tpu.memory_space<vmem>> -> memref<1x128xi32, #tpu.memory_space<vmem>>
      %dma_start3A_1256 = tpu.memref_squeeze %dma_start3A_1255 : memref<1x128xi32, #tpu.memory_space<vmem>> -> memref<128xi32, #tpu.memory_space<vmem>>
      %dma_start3A_1257 = arith.constant 0 : i32
      %dma_start3A_1258 = tpu.memref_slice %arg5[%dma_start3A_1257] : memref<4112xi32, #tpu.memory_space<hbm>> -> memref<4112xi32, #tpu.memory_space<hbm>>
      tpu.enqueue_indirect_dma source(%dma_start3A_1253 : memref<128xi32, #tpu.memory_space<vmem>>) target(%dma_start3A_1258 : memref<4112xi32, #tpu.memory_space<hbm>>) offsets(%dma_start3A_1256 : memref<128xi32, #tpu.memory_space<vmem>>) semaphore(%arg10 : memref<!tpu.dma_semaphore, #tpu.memory_space<semaphore_mem>>)
      %dma_wait3A_1259 = arith.constant 5 : i32
      %dma_wait3A_1260 = arith.constant 5 : i32
      %dma_wait3A_1261 = arith.constant 0 : i32
      %dma_wait3A_1262 = tpu.memref_slice %arg9[%dma_wait3A_1259, %dma_wait3A_1261] : memref<16x128xi32, #tpu.memory_space<vmem>> -> memref<1x128xi32, #tpu.memory_space<vmem>>
      %dma_wait3A_1263 = tpu.memref_squeeze %dma_wait3A_1262 : memref<1x128xi32, #tpu.memory_space<vmem>> -> memref<128xi32, #tpu.memory_space<vmem>>
      %dma_wait3A_1264 = arith.constant 0 : i32
      %dma_wait3A_1265 = tpu.memref_slice %arg8[%dma_wait3A_1260, %dma_wait3A_1264] : memref<16x128xi32, #tpu.memory_space<vmem>> -> memref<1x128xi32, #tpu.memory_space<vmem>>
      %dma_wait3A_1266 = tpu.memref_squeeze %dma_wait3A_1265 : memref<1x128xi32, #tpu.memory_space<vmem>> -> memref<128xi32, #tpu.memory_space<vmem>>
      %dma_wait3A_1267 = arith.constant 0 : i32
      %dma_wait3A_1268 = tpu.memref_slice %arg5[%dma_wait3A_1267] : memref<4112xi32, #tpu.memory_space<hbm>> -> memref<4112xi32, #tpu.memory_space<hbm>>
      tpu.wait_indirect_dma semaphore(%arg10 : memref<!tpu.dma_semaphore, #tpu.memory_space<semaphore_mem>>) src(%dma_wait3A_1263 : memref<128xi32, #tpu.memory_space<vmem>>) dst(%dma_wait3A_1268 : memref<4112xi32, #tpu.memory_space<hbm>>)
      %dma_start3A_1269 = arith.constant 6 : i32
      %dma_start3A_1270 = arith.constant 6 : i32
      %dma_start3A_1271 = arith.constant 0 : i32
      %dma_start3A_1272 = tpu.memref_slice %arg9[%dma_start3A_1269, %dma_start3A_1271] : memref<16x128xi32, #tpu.memory_space<vmem>> -> memref<1x128xi32, #tpu.memory_space<vmem>>
      %dma_start3A_1273 = tpu.memref_squeeze %dma_start3A_1272 : memref<1x128xi32, #tpu.memory_space<vmem>> -> memref<128xi32, #tpu.memory_space<vmem>>
      %dma_start3A_1274 = arith.constant 0 : i32
      %dma_start3A_1275 = tpu.memref_slice %arg7[%dma_start3A_1270, %dma_start3A_1274] : memref<16x128xi32, #tpu.memory_space<vmem>> -> memref<1x128xi32, #tpu.memory_space<vmem>>
      %dma_start3A_1276 = tpu.memref_squeeze %dma_start3A_1275 : memref<1x128xi32, #tpu.memory_space<vmem>> -> memref<128xi32, #tpu.memory_space<vmem>>
      %dma_start3A_1277 = arith.constant 0 : i32
      %dma_start3A_1278 = tpu.memref_slice %arg5[%dma_start3A_1277] : memref<4112xi32, #tpu.memory_space<hbm>> -> memref<4112xi32, #tpu.memory_space<hbm>>
      tpu.enqueue_indirect_dma source(%dma_start3A_1273 : memref<128xi32, #tpu.memory_space<vmem>>) target(%dma_start3A_1278 : memref<4112xi32, #tpu.memory_space<hbm>>) offsets(%dma_start3A_1276 : memref<128xi32, #tpu.memory_space<vmem>>) semaphore(%arg10 : memref<!tpu.dma_semaphore, #tpu.memory_space<semaphore_mem>>)
      %dma_wait3A_1279 = arith.constant 6 : i32
      %dma_wait3A_1280 = arith.constant 6 : i32
      %dma_wait3A_1281 = arith.constant 0 : i32
      %dma_wait3A_1282 = tpu.memref_slice %arg9[%dma_wait3A_1279, %dma_wait3A_1281] : memref<16x128xi32, #tpu.memory_space<vmem>> -> memref<1x128xi32, #tpu.memory_space<vmem>>
      %dma_wait3A_1283 = tpu.memref_squeeze %dma_wait3A_1282 : memref<1x128xi32, #tpu.memory_space<vmem>> -> memref<128xi32, #tpu.memory_space<vmem>>
      %dma_wait3A_1284 = arith.constant 0 : i32
      %dma_wait3A_1285 = tpu.memref_slice %arg7[%dma_wait3A_1280, %dma_wait3A_1284] : memref<16x128xi32, #tpu.memory_space<vmem>> -> memref<1x128xi32, #tpu.memory_space<vmem>>
      %dma_wait3A_1286 = tpu.memref_squeeze %dma_wait3A_1285 : memref<1x128xi32, #tpu.memory_space<vmem>> -> memref<128xi32, #tpu.memory_space<vmem>>
      %dma_wait3A_1287 = arith.constant 0 : i32
      %dma_wait3A_1288 = tpu.memref_slice %arg5[%dma_wait3A_1287] : memref<4112xi32, #tpu.memory_space<hbm>> -> memref<4112xi32, #tpu.memory_space<hbm>>
      tpu.wait_indirect_dma semaphore(%arg10 : memref<!tpu.dma_semaphore, #tpu.memory_space<semaphore_mem>>) src(%dma_wait3A_1283 : memref<128xi32, #tpu.memory_space<vmem>>) dst(%dma_wait3A_1288 : memref<4112xi32, #tpu.memory_space<hbm>>)
      %dma_start3A_1289 = arith.constant 6 : i32
      %dma_start3A_1290 = arith.constant 6 : i32
      %dma_start3A_1291 = arith.constant 0 : i32
      %dma_start3A_1292 = tpu.memref_slice %arg9[%dma_start3A_1289, %dma_start3A_1291] : memref<16x128xi32, #tpu.memory_space<vmem>> -> memref<1x128xi32, #tpu.memory_space<vmem>>
      %dma_start3A_1293 = tpu.memref_squeeze %dma_start3A_1292 : memref<1x128xi32, #tpu.memory_space<vmem>> -> memref<128xi32, #tpu.memory_space<vmem>>
      %dma_start3A_1294 = arith.constant 0 : i32
      %dma_start3A_1295 = tpu.memref_slice %arg8[%dma_start3A_1290, %dma_start3A_1294] : memref<16x128xi32, #tpu.memory_space<vmem>> -> memref<1x128xi32, #tpu.memory_space<vmem>>
      %dma_start3A_1296 = tpu.memref_squeeze %dma_start3A_1295 : memref<1x128xi32, #tpu.memory_space<vmem>> -> memref<128xi32, #tpu.memory_space<vmem>>
      %dma_start3A_1297 = arith.constant 0 : i32
      %dma_start3A_1298 = tpu.memref_slice %arg5[%dma_start3A_1297] : memref<4112xi32, #tpu.memory_space<hbm>> -> memref<4112xi32, #tpu.memory_space<hbm>>
      tpu.enqueue_indirect_dma source(%dma_start3A_1293 : memref<128xi32, #tpu.memory_space<vmem>>) target(%dma_start3A_1298 : memref<4112xi32, #tpu.memory_space<hbm>>) offsets(%dma_start3A_1296 : memref<128xi32, #tpu.memory_space<vmem>>) semaphore(%arg10 : memref<!tpu.dma_semaphore, #tpu.memory_space<semaphore_mem>>)
      %dma_wait3A_1299 = arith.constant 6 : i32
      %dma_wait3A_1300 = arith.constant 6 : i32
      %dma_wait3A_1301 = arith.constant 0 : i32
      %dma_wait3A_1302 = tpu.memref_slice %arg9[%dma_wait3A_1299, %dma_wait3A_1301] : memref<16x128xi32, #tpu.memory_space<vmem>> -> memref<1x128xi32, #tpu.memory_space<vmem>>
      %dma_wait3A_1303 = tpu.memref_squeeze %dma_wait3A_1302 : memref<1x128xi32, #tpu.memory_space<vmem>> -> memref<128xi32, #tpu.memory_space<vmem>>
      %dma_wait3A_1304 = arith.constant 0 : i32
      %dma_wait3A_1305 = tpu.memref_slice %arg8[%dma_wait3A_1300, %dma_wait3A_1304] : memref<16x128xi32, #tpu.memory_space<vmem>> -> memref<1x128xi32, #tpu.memory_space<vmem>>
      %dma_wait3A_1306 = tpu.memref_squeeze %dma_wait3A_1305 : memref<1x128xi32, #tpu.memory_space<vmem>> -> memref<128xi32, #tpu.memory_space<vmem>>
      %dma_wait3A_1307 = arith.constant 0 : i32
      %dma_wait3A_1308 = tpu.memref_slice %arg5[%dma_wait3A_1307] : memref<4112xi32, #tpu.memory_space<hbm>> -> memref<4112xi32, #tpu.memory_space<hbm>>
      tpu.wait_indirect_dma semaphore(%arg10 : memref<!tpu.dma_semaphore, #tpu.memory_space<semaphore_mem>>) src(%dma_wait3A_1303 : memref<128xi32, #tpu.memory_space<vmem>>) dst(%dma_wait3A_1308 : memref<4112xi32, #tpu.memory_space<hbm>>)
      %dma_start3A_1309 = arith.constant 7 : i32
      %dma_start3A_1310 = arith.constant 7 : i32
      %dma_start3A_1311 = arith.constant 0 : i32
      %dma_start3A_1312 = tpu.memref_slice %arg9[%dma_start3A_1309, %dma_start3A_1311] : memref<16x128xi32, #tpu.memory_space<vmem>> -> memref<1x128xi32, #tpu.memory_space<vmem>>
      %dma_start3A_1313 = tpu.memref_squeeze %dma_start3A_1312 : memref<1x128xi32, #tpu.memory_space<vmem>> -> memref<128xi32, #tpu.memory_space<vmem>>
      %dma_start3A_1314 = arith.constant 0 : i32
      %dma_start3A_1315 = tpu.memref_slice %arg7[%dma_start3A_1310, %dma_start3A_1314] : memref<16x128xi32, #tpu.memory_space<vmem>> -> memref<1x128xi32, #tpu.memory_space<vmem>>
      %dma_start3A_1316 = tpu.memref_squeeze %dma_start3A_1315 : memref<1x128xi32, #tpu.memory_space<vmem>> -> memref<128xi32, #tpu.memory_space<vmem>>
      %dma_start3A_1317 = arith.constant 0 : i32
      %dma_start3A_1318 = tpu.memref_slice %arg5[%dma_start3A_1317] : memref<4112xi32, #tpu.memory_space<hbm>> -> memref<4112xi32, #tpu.memory_space<hbm>>
      tpu.enqueue_indirect_dma source(%dma_start3A_1313 : memref<128xi32, #tpu.memory_space<vmem>>) target(%dma_start3A_1318 : memref<4112xi32, #tpu.memory_space<hbm>>) offsets(%dma_start3A_1316 : memref<128xi32, #tpu.memory_space<vmem>>) semaphore(%arg10 : memref<!tpu.dma_semaphore, #tpu.memory_space<semaphore_mem>>)
      %dma_wait3A_1319 = arith.constant 7 : i32
      %dma_wait3A_1320 = arith.constant 7 : i32
      %dma_wait3A_1321 = arith.constant 0 : i32
      %dma_wait3A_1322 = tpu.memref_slice %arg9[%dma_wait3A_1319, %dma_wait3A_1321] : memref<16x128xi32, #tpu.memory_space<vmem>> -> memref<1x128xi32, #tpu.memory_space<vmem>>
      %dma_wait3A_1323 = tpu.memref_squeeze %dma_wait3A_1322 : memref<1x128xi32, #tpu.memory_space<vmem>> -> memref<128xi32, #tpu.memory_space<vmem>>
      %dma_wait3A_1324 = arith.constant 0 : i32
      %dma_wait3A_1325 = tpu.memref_slice %arg7[%dma_wait3A_1320, %dma_wait3A_1324] : memref<16x128xi32, #tpu.memory_space<vmem>> -> memref<1x128xi32, #tpu.memory_space<vmem>>
      %dma_wait3A_1326 = tpu.memref_squeeze %dma_wait3A_1325 : memref<1x128xi32, #tpu.memory_space<vmem>> -> memref<128xi32, #tpu.memory_space<vmem>>
      %dma_wait3A_1327 = arith.constant 0 : i32
      %dma_wait3A_1328 = tpu.memref_slice %arg5[%dma_wait3A_1327] : memref<4112xi32, #tpu.memory_space<hbm>> -> memref<4112xi32, #tpu.memory_space<hbm>>
      tpu.wait_indirect_dma semaphore(%arg10 : memref<!tpu.dma_semaphore, #tpu.memory_space<semaphore_mem>>) src(%dma_wait3A_1323 : memref<128xi32, #tpu.memory_space<vmem>>) dst(%dma_wait3A_1328 : memref<4112xi32, #tpu.memory_space<hbm>>)
      %dma_start3A_1329 = arith.constant 7 : i32
      %dma_start3A_1330 = arith.constant 7 : i32
      %dma_start3A_1331 = arith.constant 0 : i32
      %dma_start3A_1332 = tpu.memref_slice %arg9[%dma_start3A_1329, %dma_start3A_1331] : memref<16x128xi32, #tpu.memory_space<vmem>> -> memref<1x128xi32, #tpu.memory_space<vmem>>
      %dma_start3A_1333 = tpu.memref_squeeze %dma_start3A_1332 : memref<1x128xi32, #tpu.memory_space<vmem>> -> memref<128xi32, #tpu.memory_space<vmem>>
      %dma_start3A_1334 = arith.constant 0 : i32
      %dma_start3A_1335 = tpu.memref_slice %arg8[%dma_start3A_1330, %dma_start3A_1334] : memref<16x128xi32, #tpu.memory_space<vmem>> -> memref<1x128xi32, #tpu.memory_space<vmem>>
      %dma_start3A_1336 = tpu.memref_squeeze %dma_start3A_1335 : memref<1x128xi32, #tpu.memory_space<vmem>> -> memref<128xi32, #tpu.memory_space<vmem>>
      %dma_start3A_1337 = arith.constant 0 : i32
      %dma_start3A_1338 = tpu.memref_slice %arg5[%dma_start3A_1337] : memref<4112xi32, #tpu.memory_space<hbm>> -> memref<4112xi32, #tpu.memory_space<hbm>>
      tpu.enqueue_indirect_dma source(%dma_start3A_1333 : memref<128xi32, #tpu.memory_space<vmem>>) target(%dma_start3A_1338 : memref<4112xi32, #tpu.memory_space<hbm>>) offsets(%dma_start3A_1336 : memref<128xi32, #tpu.memory_space<vmem>>) semaphore(%arg10 : memref<!tpu.dma_semaphore, #tpu.memory_space<semaphore_mem>>)
      %dma_wait3A_1339 = arith.constant 7 : i32
      %dma_wait3A_1340 = arith.constant 7 : i32
      %dma_wait3A_1341 = arith.constant 0 : i32
      %dma_wait3A_1342 = tpu.memref_slice %arg9[%dma_wait3A_1339, %dma_wait3A_1341] : memref<16x128xi32, #tpu.memory_space<vmem>> -> memref<1x128xi32, #tpu.memory_space<vmem>>
      %dma_wait3A_1343 = tpu.memref_squeeze %dma_wait3A_1342 : memref<1x128xi32, #tpu.memory_space<vmem>> -> memref<128xi32, #tpu.memory_space<vmem>>
      %dma_wait3A_1344 = arith.constant 0 : i32
      %dma_wait3A_1345 = tpu.memref_slice %arg8[%dma_wait3A_1340, %dma_wait3A_1344] : memref<16x128xi32, #tpu.memory_space<vmem>> -> memref<1x128xi32, #tpu.memory_space<vmem>>
      %dma_wait3A_1346 = tpu.memref_squeeze %dma_wait3A_1345 : memref<1x128xi32, #tpu.memory_space<vmem>> -> memref<128xi32, #tpu.memory_space<vmem>>
      %dma_wait3A_1347 = arith.constant 0 : i32
      %dma_wait3A_1348 = tpu.memref_slice %arg5[%dma_wait3A_1347] : memref<4112xi32, #tpu.memory_space<hbm>> -> memref<4112xi32, #tpu.memory_space<hbm>>
      tpu.wait_indirect_dma semaphore(%arg10 : memref<!tpu.dma_semaphore, #tpu.memory_space<semaphore_mem>>) src(%dma_wait3A_1343 : memref<128xi32, #tpu.memory_space<vmem>>) dst(%dma_wait3A_1348 : memref<4112xi32, #tpu.memory_space<hbm>>)
      %dma_start3A_1349 = arith.constant 8 : i32
      %dma_start3A_1350 = arith.constant 8 : i32
      %dma_start3A_1351 = arith.constant 0 : i32
      %dma_start3A_1352 = tpu.memref_slice %arg9[%dma_start3A_1349, %dma_start3A_1351] : memref<16x128xi32, #tpu.memory_space<vmem>> -> memref<1x128xi32, #tpu.memory_space<vmem>>
      %dma_start3A_1353 = tpu.memref_squeeze %dma_start3A_1352 : memref<1x128xi32, #tpu.memory_space<vmem>> -> memref<128xi32, #tpu.memory_space<vmem>>
      %dma_start3A_1354 = arith.constant 0 : i32
      %dma_start3A_1355 = tpu.memref_slice %arg7[%dma_start3A_1350, %dma_start3A_1354] : memref<16x128xi32, #tpu.memory_space<vmem>> -> memref<1x128xi32, #tpu.memory_space<vmem>>
      %dma_start3A_1356 = tpu.memref_squeeze %dma_start3A_1355 : memref<1x128xi32, #tpu.memory_space<vmem>> -> memref<128xi32, #tpu.memory_space<vmem>>
      %dma_start3A_1357 = arith.constant 0 : i32
      %dma_start3A_1358 = tpu.memref_slice %arg5[%dma_start3A_1357] : memref<4112xi32, #tpu.memory_space<hbm>> -> memref<4112xi32, #tpu.memory_space<hbm>>
      tpu.enqueue_indirect_dma source(%dma_start3A_1353 : memref<128xi32, #tpu.memory_space<vmem>>) target(%dma_start3A_1358 : memref<4112xi32, #tpu.memory_space<hbm>>) offsets(%dma_start3A_1356 : memref<128xi32, #tpu.memory_space<vmem>>) semaphore(%arg10 : memref<!tpu.dma_semaphore, #tpu.memory_space<semaphore_mem>>)
      %dma_wait3A_1359 = arith.constant 8 : i32
      %dma_wait3A_1360 = arith.constant 8 : i32
      %dma_wait3A_1361 = arith.constant 0 : i32
      %dma_wait3A_1362 = tpu.memref_slice %arg9[%dma_wait3A_1359, %dma_wait3A_1361] : memref<16x128xi32, #tpu.memory_space<vmem>> -> memref<1x128xi32, #tpu.memory_space<vmem>>
      %dma_wait3A_1363 = tpu.memref_squeeze %dma_wait3A_1362 : memref<1x128xi32, #tpu.memory_space<vmem>> -> memref<128xi32, #tpu.memory_space<vmem>>
      %dma_wait3A_1364 = arith.constant 0 : i32
      %dma_wait3A_1365 = tpu.memref_slice %arg7[%dma_wait3A_1360, %dma_wait3A_1364] : memref<16x128xi32, #tpu.memory_space<vmem>> -> memref<1x128xi32, #tpu.memory_space<vmem>>
      %dma_wait3A_1366 = tpu.memref_squeeze %dma_wait3A_1365 : memref<1x128xi32, #tpu.memory_space<vmem>> -> memref<128xi32, #tpu.memory_space<vmem>>
      %dma_wait3A_1367 = arith.constant 0 : i32
      %dma_wait3A_1368 = tpu.memref_slice %arg5[%dma_wait3A_1367] : memref<4112xi32, #tpu.memory_space<hbm>> -> memref<4112xi32, #tpu.memory_space<hbm>>
      tpu.wait_indirect_dma semaphore(%arg10 : memref<!tpu.dma_semaphore, #tpu.memory_space<semaphore_mem>>) src(%dma_wait3A_1363 : memref<128xi32, #tpu.memory_space<vmem>>) dst(%dma_wait3A_1368 : memref<4112xi32, #tpu.memory_space<hbm>>)
      %dma_start3A_1369 = arith.constant 8 : i32
      %dma_start3A_1370 = arith.constant 8 : i32
      %dma_start3A_1371 = arith.constant 0 : i32
      %dma_start3A_1372 = tpu.memref_slice %arg9[%dma_start3A_1369, %dma_start3A_1371] : memref<16x128xi32, #tpu.memory_space<vmem>> -> memref<1x128xi32, #tpu.memory_space<vmem>>
      %dma_start3A_1373 = tpu.memref_squeeze %dma_start3A_1372 : memref<1x128xi32, #tpu.memory_space<vmem>> -> memref<128xi32, #tpu.memory_space<vmem>>
      %dma_start3A_1374 = arith.constant 0 : i32
      %dma_start3A_1375 = tpu.memref_slice %arg8[%dma_start3A_1370, %dma_start3A_1374] : memref<16x128xi32, #tpu.memory_space<vmem>> -> memref<1x128xi32, #tpu.memory_space<vmem>>
      %dma_start3A_1376 = tpu.memref_squeeze %dma_start3A_1375 : memref<1x128xi32, #tpu.memory_space<vmem>> -> memref<128xi32, #tpu.memory_space<vmem>>
      %dma_start3A_1377 = arith.constant 0 : i32
      %dma_start3A_1378 = tpu.memref_slice %arg5[%dma_start3A_1377] : memref<4112xi32, #tpu.memory_space<hbm>> -> memref<4112xi32, #tpu.memory_space<hbm>>
      tpu.enqueue_indirect_dma source(%dma_start3A_1373 : memref<128xi32, #tpu.memory_space<vmem>>) target(%dma_start3A_1378 : memref<4112xi32, #tpu.memory_space<hbm>>) offsets(%dma_start3A_1376 : memref<128xi32, #tpu.memory_space<vmem>>) semaphore(%arg10 : memref<!tpu.dma_semaphore, #tpu.memory_space<semaphore_mem>>)
      %dma_wait3A_1379 = arith.constant 8 : i32
      %dma_wait3A_1380 = arith.constant 8 : i32
      %dma_wait3A_1381 = arith.constant 0 : i32
      %dma_wait3A_1382 = tpu.memref_slice %arg9[%dma_wait3A_1379, %dma_wait3A_1381] : memref<16x128xi32, #tpu.memory_space<vmem>> -> memref<1x128xi32, #tpu.memory_space<vmem>>
      %dma_wait3A_1383 = tpu.memref_squeeze %dma_wait3A_1382 : memref<1x128xi32, #tpu.memory_space<vmem>> -> memref<128xi32, #tpu.memory_space<vmem>>
      %dma_wait3A_1384 = arith.constant 0 : i32
      %dma_wait3A_1385 = tpu.memref_slice %arg8[%dma_wait3A_1380, %dma_wait3A_1384] : memref<16x128xi32, #tpu.memory_space<vmem>> -> memref<1x128xi32, #tpu.memory_space<vmem>>
      %dma_wait3A_1386 = tpu.memref_squeeze %dma_wait3A_1385 : memref<1x128xi32, #tpu.memory_space<vmem>> -> memref<128xi32, #tpu.memory_space<vmem>>
      %dma_wait3A_1387 = arith.constant 0 : i32
      %dma_wait3A_1388 = tpu.memref_slice %arg5[%dma_wait3A_1387] : memref<4112xi32, #tpu.memory_space<hbm>> -> memref<4112xi32, #tpu.memory_space<hbm>>
      tpu.wait_indirect_dma semaphore(%arg10 : memref<!tpu.dma_semaphore, #tpu.memory_space<semaphore_mem>>) src(%dma_wait3A_1383 : memref<128xi32, #tpu.memory_space<vmem>>) dst(%dma_wait3A_1388 : memref<4112xi32, #tpu.memory_space<hbm>>)
      %dma_start3A_1389 = arith.constant 9 : i32
      %dma_start3A_1390 = arith.constant 9 : i32
      %dma_start3A_1391 = arith.constant 0 : i32
      %dma_start3A_1392 = tpu.memref_slice %arg9[%dma_start3A_1389, %dma_start3A_1391] : memref<16x128xi32, #tpu.memory_space<vmem>> -> memref<1x128xi32, #tpu.memory_space<vmem>>
      %dma_start3A_1393 = tpu.memref_squeeze %dma_start3A_1392 : memref<1x128xi32, #tpu.memory_space<vmem>> -> memref<128xi32, #tpu.memory_space<vmem>>
      %dma_start3A_1394 = arith.constant 0 : i32
      %dma_start3A_1395 = tpu.memref_slice %arg7[%dma_start3A_1390, %dma_start3A_1394] : memref<16x128xi32, #tpu.memory_space<vmem>> -> memref<1x128xi32, #tpu.memory_space<vmem>>
      %dma_start3A_1396 = tpu.memref_squeeze %dma_start3A_1395 : memref<1x128xi32, #tpu.memory_space<vmem>> -> memref<128xi32, #tpu.memory_space<vmem>>
      %dma_start3A_1397 = arith.constant 0 : i32
      %dma_start3A_1398 = tpu.memref_slice %arg5[%dma_start3A_1397] : memref<4112xi32, #tpu.memory_space<hbm>> -> memref<4112xi32, #tpu.memory_space<hbm>>
      tpu.enqueue_indirect_dma source(%dma_start3A_1393 : memref<128xi32, #tpu.memory_space<vmem>>) target(%dma_start3A_1398 : memref<4112xi32, #tpu.memory_space<hbm>>) offsets(%dma_start3A_1396 : memref<128xi32, #tpu.memory_space<vmem>>) semaphore(%arg10 : memref<!tpu.dma_semaphore, #tpu.memory_space<semaphore_mem>>)
      %dma_wait3A_1399 = arith.constant 9 : i32
      %dma_wait3A_1400 = arith.constant 9 : i32
      %dma_wait3A_1401 = arith.constant 0 : i32
      %dma_wait3A_1402 = tpu.memref_slice %arg9[%dma_wait3A_1399, %dma_wait3A_1401] : memref<16x128xi32, #tpu.memory_space<vmem>> -> memref<1x128xi32, #tpu.memory_space<vmem>>
      %dma_wait3A_1403 = tpu.memref_squeeze %dma_wait3A_1402 : memref<1x128xi32, #tpu.memory_space<vmem>> -> memref<128xi32, #tpu.memory_space<vmem>>
      %dma_wait3A_1404 = arith.constant 0 : i32
      %dma_wait3A_1405 = tpu.memref_slice %arg7[%dma_wait3A_1400, %dma_wait3A_1404] : memref<16x128xi32, #tpu.memory_space<vmem>> -> memref<1x128xi32, #tpu.memory_space<vmem>>
      %dma_wait3A_1406 = tpu.memref_squeeze %dma_wait3A_1405 : memref<1x128xi32, #tpu.memory_space<vmem>> -> memref<128xi32, #tpu.memory_space<vmem>>
      %dma_wait3A_1407 = arith.constant 0 : i32
      %dma_wait3A_1408 = tpu.memref_slice %arg5[%dma_wait3A_1407] : memref<4112xi32, #tpu.memory_space<hbm>> -> memref<4112xi32, #tpu.memory_space<hbm>>
      tpu.wait_indirect_dma semaphore(%arg10 : memref<!tpu.dma_semaphore, #tpu.memory_space<semaphore_mem>>) src(%dma_wait3A_1403 : memref<128xi32, #tpu.memory_space<vmem>>) dst(%dma_wait3A_1408 : memref<4112xi32, #tpu.memory_space<hbm>>)
      %dma_start3A_1409 = arith.constant 9 : i32
      %dma_start3A_1410 = arith.constant 9 : i32
      %dma_start3A_1411 = arith.constant 0 : i32
      %dma_start3A_1412 = tpu.memref_slice %arg9[%dma_start3A_1409, %dma_start3A_1411] : memref<16x128xi32, #tpu.memory_space<vmem>> -> memref<1x128xi32, #tpu.memory_space<vmem>>
      %dma_start3A_1413 = tpu.memref_squeeze %dma_start3A_1412 : memref<1x128xi32, #tpu.memory_space<vmem>> -> memref<128xi32, #tpu.memory_space<vmem>>
      %dma_start3A_1414 = arith.constant 0 : i32
      %dma_start3A_1415 = tpu.memref_slice %arg8[%dma_start3A_1410, %dma_start3A_1414] : memref<16x128xi32, #tpu.memory_space<vmem>> -> memref<1x128xi32, #tpu.memory_space<vmem>>
      %dma_start3A_1416 = tpu.memref_squeeze %dma_start3A_1415 : memref<1x128xi32, #tpu.memory_space<vmem>> -> memref<128xi32, #tpu.memory_space<vmem>>
      %dma_start3A_1417 = arith.constant 0 : i32
      %dma_start3A_1418 = tpu.memref_slice %arg5[%dma_start3A_1417] : memref<4112xi32, #tpu.memory_space<hbm>> -> memref<4112xi32, #tpu.memory_space<hbm>>
      tpu.enqueue_indirect_dma source(%dma_start3A_1413 : memref<128xi32, #tpu.memory_space<vmem>>) target(%dma_start3A_1418 : memref<4112xi32, #tpu.memory_space<hbm>>) offsets(%dma_start3A_1416 : memref<128xi32, #tpu.memory_space<vmem>>) semaphore(%arg10 : memref<!tpu.dma_semaphore, #tpu.memory_space<semaphore_mem>>)
      %dma_wait3A_1419 = arith.constant 9 : i32
      %dma_wait3A_1420 = arith.constant 9 : i32
      %dma_wait3A_1421 = arith.constant 0 : i32
      %dma_wait3A_1422 = tpu.memref_slice %arg9[%dma_wait3A_1419, %dma_wait3A_1421] : memref<16x128xi32, #tpu.memory_space<vmem>> -> memref<1x128xi32, #tpu.memory_space<vmem>>
      %dma_wait3A_1423 = tpu.memref_squeeze %dma_wait3A_1422 : memref<1x128xi32, #tpu.memory_space<vmem>> -> memref<128xi32, #tpu.memory_space<vmem>>
      %dma_wait3A_1424 = arith.constant 0 : i32
      %dma_wait3A_1425 = tpu.memref_slice %arg8[%dma_wait3A_1420, %dma_wait3A_1424] : memref<16x128xi32, #tpu.memory_space<vmem>> -> memref<1x128xi32, #tpu.memory_space<vmem>>
      %dma_wait3A_1426 = tpu.memref_squeeze %dma_wait3A_1425 : memref<1x128xi32, #tpu.memory_space<vmem>> -> memref<128xi32, #tpu.memory_space<vmem>>
      %dma_wait3A_1427 = arith.constant 0 : i32
      %dma_wait3A_1428 = tpu.memref_slice %arg5[%dma_wait3A_1427] : memref<4112xi32, #tpu.memory_space<hbm>> -> memref<4112xi32, #tpu.memory_space<hbm>>
      tpu.wait_indirect_dma semaphore(%arg10 : memref<!tpu.dma_semaphore, #tpu.memory_space<semaphore_mem>>) src(%dma_wait3A_1423 : memref<128xi32, #tpu.memory_space<vmem>>) dst(%dma_wait3A_1428 : memref<4112xi32, #tpu.memory_space<hbm>>)
      %dma_start3A_1429 = arith.constant 10 : i32
      %dma_start3A_1430 = arith.constant 10 : i32
      %dma_start3A_1431 = arith.constant 0 : i32
      %dma_start3A_1432 = tpu.memref_slice %arg9[%dma_start3A_1429, %dma_start3A_1431] : memref<16x128xi32, #tpu.memory_space<vmem>> -> memref<1x128xi32, #tpu.memory_space<vmem>>
      %dma_start3A_1433 = tpu.memref_squeeze %dma_start3A_1432 : memref<1x128xi32, #tpu.memory_space<vmem>> -> memref<128xi32, #tpu.memory_space<vmem>>
      %dma_start3A_1434 = arith.constant 0 : i32
      %dma_start3A_1435 = tpu.memref_slice %arg7[%dma_start3A_1430, %dma_start3A_1434] : memref<16x128xi32, #tpu.memory_space<vmem>> -> memref<1x128xi32, #tpu.memory_space<vmem>>
      %dma_start3A_1436 = tpu.memref_squeeze %dma_start3A_1435 : memref<1x128xi32, #tpu.memory_space<vmem>> -> memref<128xi32, #tpu.memory_space<vmem>>
      %dma_start3A_1437 = arith.constant 0 : i32
      %dma_start3A_1438 = tpu.memref_slice %arg5[%dma_start3A_1437] : memref<4112xi32, #tpu.memory_space<hbm>> -> memref<4112xi32, #tpu.memory_space<hbm>>
      tpu.enqueue_indirect_dma source(%dma_start3A_1433 : memref<128xi32, #tpu.memory_space<vmem>>) target(%dma_start3A_1438 : memref<4112xi32, #tpu.memory_space<hbm>>) offsets(%dma_start3A_1436 : memref<128xi32, #tpu.memory_space<vmem>>) semaphore(%arg10 : memref<!tpu.dma_semaphore, #tpu.memory_space<semaphore_mem>>)
      %dma_wait3A_1439 = arith.constant 10 : i32
      %dma_wait3A_1440 = arith.constant 10 : i32
      %dma_wait3A_1441 = arith.constant 0 : i32
      %dma_wait3A_1442 = tpu.memref_slice %arg9[%dma_wait3A_1439, %dma_wait3A_1441] : memref<16x128xi32, #tpu.memory_space<vmem>> -> memref<1x128xi32, #tpu.memory_space<vmem>>
      %dma_wait3A_1443 = tpu.memref_squeeze %dma_wait3A_1442 : memref<1x128xi32, #tpu.memory_space<vmem>> -> memref<128xi32, #tpu.memory_space<vmem>>
      %dma_wait3A_1444 = arith.constant 0 : i32
      %dma_wait3A_1445 = tpu.memref_slice %arg7[%dma_wait3A_1440, %dma_wait3A_1444] : memref<16x128xi32, #tpu.memory_space<vmem>> -> memref<1x128xi32, #tpu.memory_space<vmem>>
      %dma_wait3A_1446 = tpu.memref_squeeze %dma_wait3A_1445 : memref<1x128xi32, #tpu.memory_space<vmem>> -> memref<128xi32, #tpu.memory_space<vmem>>
      %dma_wait3A_1447 = arith.constant 0 : i32
      %dma_wait3A_1448 = tpu.memref_slice %arg5[%dma_wait3A_1447] : memref<4112xi32, #tpu.memory_space<hbm>> -> memref<4112xi32, #tpu.memory_space<hbm>>
      tpu.wait_indirect_dma semaphore(%arg10 : memref<!tpu.dma_semaphore, #tpu.memory_space<semaphore_mem>>) src(%dma_wait3A_1443 : memref<128xi32, #tpu.memory_space<vmem>>) dst(%dma_wait3A_1448 : memref<4112xi32, #tpu.memory_space<hbm>>)
      %dma_start3A_1449 = arith.constant 10 : i32
      %dma_start3A_1450 = arith.constant 10 : i32
      %dma_start3A_1451 = arith.constant 0 : i32
      %dma_start3A_1452 = tpu.memref_slice %arg9[%dma_start3A_1449, %dma_start3A_1451] : memref<16x128xi32, #tpu.memory_space<vmem>> -> memref<1x128xi32, #tpu.memory_space<vmem>>
      %dma_start3A_1453 = tpu.memref_squeeze %dma_start3A_1452 : memref<1x128xi32, #tpu.memory_space<vmem>> -> memref<128xi32, #tpu.memory_space<vmem>>
      %dma_start3A_1454 = arith.constant 0 : i32
      %dma_start3A_1455 = tpu.memref_slice %arg8[%dma_start3A_1450, %dma_start3A_1454] : memref<16x128xi32, #tpu.memory_space<vmem>> -> memref<1x128xi32, #tpu.memory_space<vmem>>
      %dma_start3A_1456 = tpu.memref_squeeze %dma_start3A_1455 : memref<1x128xi32, #tpu.memory_space<vmem>> -> memref<128xi32, #tpu.memory_space<vmem>>
      %dma_start3A_1457 = arith.constant 0 : i32
      %dma_start3A_1458 = tpu.memref_slice %arg5[%dma_start3A_1457] : memref<4112xi32, #tpu.memory_space<hbm>> -> memref<4112xi32, #tpu.memory_space<hbm>>
      tpu.enqueue_indirect_dma source(%dma_start3A_1453 : memref<128xi32, #tpu.memory_space<vmem>>) target(%dma_start3A_1458 : memref<4112xi32, #tpu.memory_space<hbm>>) offsets(%dma_start3A_1456 : memref<128xi32, #tpu.memory_space<vmem>>) semaphore(%arg10 : memref<!tpu.dma_semaphore, #tpu.memory_space<semaphore_mem>>)
      %dma_wait3A_1459 = arith.constant 10 : i32
      %dma_wait3A_1460 = arith.constant 10 : i32
      %dma_wait3A_1461 = arith.constant 0 : i32
      %dma_wait3A_1462 = tpu.memref_slice %arg9[%dma_wait3A_1459, %dma_wait3A_1461] : memref<16x128xi32, #tpu.memory_space<vmem>> -> memref<1x128xi32, #tpu.memory_space<vmem>>
      %dma_wait3A_1463 = tpu.memref_squeeze %dma_wait3A_1462 : memref<1x128xi32, #tpu.memory_space<vmem>> -> memref<128xi32, #tpu.memory_space<vmem>>
      %dma_wait3A_1464 = arith.constant 0 : i32
      %dma_wait3A_1465 = tpu.memref_slice %arg8[%dma_wait3A_1460, %dma_wait3A_1464] : memref<16x128xi32, #tpu.memory_space<vmem>> -> memref<1x128xi32, #tpu.memory_space<vmem>>
      %dma_wait3A_1466 = tpu.memref_squeeze %dma_wait3A_1465 : memref<1x128xi32, #tpu.memory_space<vmem>> -> memref<128xi32, #tpu.memory_space<vmem>>
      %dma_wait3A_1467 = arith.constant 0 : i32
      %dma_wait3A_1468 = tpu.memref_slice %arg5[%dma_wait3A_1467] : memref<4112xi32, #tpu.memory_space<hbm>> -> memref<4112xi32, #tpu.memory_space<hbm>>
      tpu.wait_indirect_dma semaphore(%arg10 : memref<!tpu.dma_semaphore, #tpu.memory_space<semaphore_mem>>) src(%dma_wait3A_1463 : memref<128xi32, #tpu.memory_space<vmem>>) dst(%dma_wait3A_1468 : memref<4112xi32, #tpu.memory_space<hbm>>)
      %dma_start3A_1469 = arith.constant 11 : i32
      %dma_start3A_1470 = arith.constant 11 : i32
      %dma_start3A_1471 = arith.constant 0 : i32
      %dma_start3A_1472 = tpu.memref_slice %arg9[%dma_start3A_1469, %dma_start3A_1471] : memref<16x128xi32, #tpu.memory_space<vmem>> -> memref<1x128xi32, #tpu.memory_space<vmem>>
      %dma_start3A_1473 = tpu.memref_squeeze %dma_start3A_1472 : memref<1x128xi32, #tpu.memory_space<vmem>> -> memref<128xi32, #tpu.memory_space<vmem>>
      %dma_start3A_1474 = arith.constant 0 : i32
      %dma_start3A_1475 = tpu.memref_slice %arg7[%dma_start3A_1470, %dma_start3A_1474] : memref<16x128xi32, #tpu.memory_space<vmem>> -> memref<1x128xi32, #tpu.memory_space<vmem>>
      %dma_start3A_1476 = tpu.memref_squeeze %dma_start3A_1475 : memref<1x128xi32, #tpu.memory_space<vmem>> -> memref<128xi32, #tpu.memory_space<vmem>>
      %dma_start3A_1477 = arith.constant 0 : i32
      %dma_start3A_1478 = tpu.memref_slice %arg5[%dma_start3A_1477] : memref<4112xi32, #tpu.memory_space<hbm>> -> memref<4112xi32, #tpu.memory_space<hbm>>
      tpu.enqueue_indirect_dma source(%dma_start3A_1473 : memref<128xi32, #tpu.memory_space<vmem>>) target(%dma_start3A_1478 : memref<4112xi32, #tpu.memory_space<hbm>>) offsets(%dma_start3A_1476 : memref<128xi32, #tpu.memory_space<vmem>>) semaphore(%arg10 : memref<!tpu.dma_semaphore, #tpu.memory_space<semaphore_mem>>)
      %dma_wait3A_1479 = arith.constant 11 : i32
      %dma_wait3A_1480 = arith.constant 11 : i32
      %dma_wait3A_1481 = arith.constant 0 : i32
      %dma_wait3A_1482 = tpu.memref_slice %arg9[%dma_wait3A_1479, %dma_wait3A_1481] : memref<16x128xi32, #tpu.memory_space<vmem>> -> memref<1x128xi32, #tpu.memory_space<vmem>>
      %dma_wait3A_1483 = tpu.memref_squeeze %dma_wait3A_1482 : memref<1x128xi32, #tpu.memory_space<vmem>> -> memref<128xi32, #tpu.memory_space<vmem>>
      %dma_wait3A_1484 = arith.constant 0 : i32
      %dma_wait3A_1485 = tpu.memref_slice %arg7[%dma_wait3A_1480, %dma_wait3A_1484] : memref<16x128xi32, #tpu.memory_space<vmem>> -> memref<1x128xi32, #tpu.memory_space<vmem>>
      %dma_wait3A_1486 = tpu.memref_squeeze %dma_wait3A_1485 : memref<1x128xi32, #tpu.memory_space<vmem>> -> memref<128xi32, #tpu.memory_space<vmem>>
      %dma_wait3A_1487 = arith.constant 0 : i32
      %dma_wait3A_1488 = tpu.memref_slice %arg5[%dma_wait3A_1487] : memref<4112xi32, #tpu.memory_space<hbm>> -> memref<4112xi32, #tpu.memory_space<hbm>>
      tpu.wait_indirect_dma semaphore(%arg10 : memref<!tpu.dma_semaphore, #tpu.memory_space<semaphore_mem>>) src(%dma_wait3A_1483 : memref<128xi32, #tpu.memory_space<vmem>>) dst(%dma_wait3A_1488 : memref<4112xi32, #tpu.memory_space<hbm>>)
      %dma_start3A_1489 = arith.constant 11 : i32
      %dma_start3A_1490 = arith.constant 11 : i32
      %dma_start3A_1491 = arith.constant 0 : i32
      %dma_start3A_1492 = tpu.memref_slice %arg9[%dma_start3A_1489, %dma_start3A_1491] : memref<16x128xi32, #tpu.memory_space<vmem>> -> memref<1x128xi32, #tpu.memory_space<vmem>>
      %dma_start3A_1493 = tpu.memref_squeeze %dma_start3A_1492 : memref<1x128xi32, #tpu.memory_space<vmem>> -> memref<128xi32, #tpu.memory_space<vmem>>
      %dma_start3A_1494 = arith.constant 0 : i32
      %dma_start3A_1495 = tpu.memref_slice %arg8[%dma_start3A_1490, %dma_start3A_1494] : memref<16x128xi32, #tpu.memory_space<vmem>> -> memref<1x128xi32, #tpu.memory_space<vmem>>
      %dma_start3A_1496 = tpu.memref_squeeze %dma_start3A_1495 : memref<1x128xi32, #tpu.memory_space<vmem>> -> memref<128xi32, #tpu.memory_space<vmem>>
      %dma_start3A_1497 = arith.constant 0 : i32
      %dma_start3A_1498 = tpu.memref_slice %arg5[%dma_start3A_1497] : memref<4112xi32, #tpu.memory_space<hbm>> -> memref<4112xi32, #tpu.memory_space<hbm>>
      tpu.enqueue_indirect_dma source(%dma_start3A_1493 : memref<128xi32, #tpu.memory_space<vmem>>) target(%dma_start3A_1498 : memref<4112xi32, #tpu.memory_space<hbm>>) offsets(%dma_start3A_1496 : memref<128xi32, #tpu.memory_space<vmem>>) semaphore(%arg10 : memref<!tpu.dma_semaphore, #tpu.memory_space<semaphore_mem>>)
      %dma_wait3A_1499 = arith.constant 11 : i32
      %dma_wait3A_1500 = arith.constant 11 : i32
      %dma_wait3A_1501 = arith.constant 0 : i32
      %dma_wait3A_1502 = tpu.memref_slice %arg9[%dma_wait3A_1499, %dma_wait3A_1501] : memref<16x128xi32, #tpu.memory_space<vmem>> -> memref<1x128xi32, #tpu.memory_space<vmem>>
      %dma_wait3A_1503 = tpu.memref_squeeze %dma_wait3A_1502 : memref<1x128xi32, #tpu.memory_space<vmem>> -> memref<128xi32, #tpu.memory_space<vmem>>
      %dma_wait3A_1504 = arith.constant 0 : i32
      %dma_wait3A_1505 = tpu.memref_slice %arg8[%dma_wait3A_1500, %dma_wait3A_1504] : memref<16x128xi32, #tpu.memory_space<vmem>> -> memref<1x128xi32, #tpu.memory_space<vmem>>
      %dma_wait3A_1506 = tpu.memref_squeeze %dma_wait3A_1505 : memref<1x128xi32, #tpu.memory_space<vmem>> -> memref<128xi32, #tpu.memory_space<vmem>>
      %dma_wait3A_1507 = arith.constant 0 : i32
      %dma_wait3A_1508 = tpu.memref_slice %arg5[%dma_wait3A_1507] : memref<4112xi32, #tpu.memory_space<hbm>> -> memref<4112xi32, #tpu.memory_space<hbm>>
      tpu.wait_indirect_dma semaphore(%arg10 : memref<!tpu.dma_semaphore, #tpu.memory_space<semaphore_mem>>) src(%dma_wait3A_1503 : memref<128xi32, #tpu.memory_space<vmem>>) dst(%dma_wait3A_1508 : memref<4112xi32, #tpu.memory_space<hbm>>)
      %dma_start3A_1509 = arith.constant 12 : i32
      %dma_start3A_1510 = arith.constant 12 : i32
      %dma_start3A_1511 = arith.constant 0 : i32
      %dma_start3A_1512 = tpu.memref_slice %arg9[%dma_start3A_1509, %dma_start3A_1511] : memref<16x128xi32, #tpu.memory_space<vmem>> -> memref<1x128xi32, #tpu.memory_space<vmem>>
      %dma_start3A_1513 = tpu.memref_squeeze %dma_start3A_1512 : memref<1x128xi32, #tpu.memory_space<vmem>> -> memref<128xi32, #tpu.memory_space<vmem>>
      %dma_start3A_1514 = arith.constant 0 : i32
      %dma_start3A_1515 = tpu.memref_slice %arg7[%dma_start3A_1510, %dma_start3A_1514] : memref<16x128xi32, #tpu.memory_space<vmem>> -> memref<1x128xi32, #tpu.memory_space<vmem>>
      %dma_start3A_1516 = tpu.memref_squeeze %dma_start3A_1515 : memref<1x128xi32, #tpu.memory_space<vmem>> -> memref<128xi32, #tpu.memory_space<vmem>>
      %dma_start3A_1517 = arith.constant 0 : i32
      %dma_start3A_1518 = tpu.memref_slice %arg5[%dma_start3A_1517] : memref<4112xi32, #tpu.memory_space<hbm>> -> memref<4112xi32, #tpu.memory_space<hbm>>
      tpu.enqueue_indirect_dma source(%dma_start3A_1513 : memref<128xi32, #tpu.memory_space<vmem>>) target(%dma_start3A_1518 : memref<4112xi32, #tpu.memory_space<hbm>>) offsets(%dma_start3A_1516 : memref<128xi32, #tpu.memory_space<vmem>>) semaphore(%arg10 : memref<!tpu.dma_semaphore, #tpu.memory_space<semaphore_mem>>)
      %dma_wait3A_1519 = arith.constant 12 : i32
      %dma_wait3A_1520 = arith.constant 12 : i32
      %dma_wait3A_1521 = arith.constant 0 : i32
      %dma_wait3A_1522 = tpu.memref_slice %arg9[%dma_wait3A_1519, %dma_wait3A_1521] : memref<16x128xi32, #tpu.memory_space<vmem>> -> memref<1x128xi32, #tpu.memory_space<vmem>>
      %dma_wait3A_1523 = tpu.memref_squeeze %dma_wait3A_1522 : memref<1x128xi32, #tpu.memory_space<vmem>> -> memref<128xi32, #tpu.memory_space<vmem>>
      %dma_wait3A_1524 = arith.constant 0 : i32
      %dma_wait3A_1525 = tpu.memref_slice %arg7[%dma_wait3A_1520, %dma_wait3A_1524] : memref<16x128xi32, #tpu.memory_space<vmem>> -> memref<1x128xi32, #tpu.memory_space<vmem>>
      %dma_wait3A_1526 = tpu.memref_squeeze %dma_wait3A_1525 : memref<1x128xi32, #tpu.memory_space<vmem>> -> memref<128xi32, #tpu.memory_space<vmem>>
      %dma_wait3A_1527 = arith.constant 0 : i32
      %dma_wait3A_1528 = tpu.memref_slice %arg5[%dma_wait3A_1527] : memref<4112xi32, #tpu.memory_space<hbm>> -> memref<4112xi32, #tpu.memory_space<hbm>>
      tpu.wait_indirect_dma semaphore(%arg10 : memref<!tpu.dma_semaphore, #tpu.memory_space<semaphore_mem>>) src(%dma_wait3A_1523 : memref<128xi32, #tpu.memory_space<vmem>>) dst(%dma_wait3A_1528 : memref<4112xi32, #tpu.memory_space<hbm>>)
      %dma_start3A_1529 = arith.constant 12 : i32
      %dma_start3A_1530 = arith.constant 12 : i32
      %dma_start3A_1531 = arith.constant 0 : i32
      %dma_start3A_1532 = tpu.memref_slice %arg9[%dma_start3A_1529, %dma_start3A_1531] : memref<16x128xi32, #tpu.memory_space<vmem>> -> memref<1x128xi32, #tpu.memory_space<vmem>>
      %dma_start3A_1533 = tpu.memref_squeeze %dma_start3A_1532 : memref<1x128xi32, #tpu.memory_space<vmem>> -> memref<128xi32, #tpu.memory_space<vmem>>
      %dma_start3A_1534 = arith.constant 0 : i32
      %dma_start3A_1535 = tpu.memref_slice %arg8[%dma_start3A_1530, %dma_start3A_1534] : memref<16x128xi32, #tpu.memory_space<vmem>> -> memref<1x128xi32, #tpu.memory_space<vmem>>
      %dma_start3A_1536 = tpu.memref_squeeze %dma_start3A_1535 : memref<1x128xi32, #tpu.memory_space<vmem>> -> memref<128xi32, #tpu.memory_space<vmem>>
      %dma_start3A_1537 = arith.constant 0 : i32
      %dma_start3A_1538 = tpu.memref_slice %arg5[%dma_start3A_1537] : memref<4112xi32, #tpu.memory_space<hbm>> -> memref<4112xi32, #tpu.memory_space<hbm>>
      tpu.enqueue_indirect_dma source(%dma_start3A_1533 : memref<128xi32, #tpu.memory_space<vmem>>) target(%dma_start3A_1538 : memref<4112xi32, #tpu.memory_space<hbm>>) offsets(%dma_start3A_1536 : memref<128xi32, #tpu.memory_space<vmem>>) semaphore(%arg10 : memref<!tpu.dma_semaphore, #tpu.memory_space<semaphore_mem>>)
      %dma_wait3A_1539 = arith.constant 12 : i32
      %dma_wait3A_1540 = arith.constant 12 : i32
      %dma_wait3A_1541 = arith.constant 0 : i32
      %dma_wait3A_1542 = tpu.memref_slice %arg9[%dma_wait3A_1539, %dma_wait3A_1541] : memref<16x128xi32, #tpu.memory_space<vmem>> -> memref<1x128xi32, #tpu.memory_space<vmem>>
      %dma_wait3A_1543 = tpu.memref_squeeze %dma_wait3A_1542 : memref<1x128xi32, #tpu.memory_space<vmem>> -> memref<128xi32, #tpu.memory_space<vmem>>
      %dma_wait3A_1544 = arith.constant 0 : i32
      %dma_wait3A_1545 = tpu.memref_slice %arg8[%dma_wait3A_1540, %dma_wait3A_1544] : memref<16x128xi32, #tpu.memory_space<vmem>> -> memref<1x128xi32, #tpu.memory_space<vmem>>
      %dma_wait3A_1546 = tpu.memref_squeeze %dma_wait3A_1545 : memref<1x128xi32, #tpu.memory_space<vmem>> -> memref<128xi32, #tpu.memory_space<vmem>>
      %dma_wait3A_1547 = arith.constant 0 : i32
      %dma_wait3A_1548 = tpu.memref_slice %arg5[%dma_wait3A_1547] : memref<4112xi32, #tpu.memory_space<hbm>> -> memref<4112xi32, #tpu.memory_space<hbm>>
      tpu.wait_indirect_dma semaphore(%arg10 : memref<!tpu.dma_semaphore, #tpu.memory_space<semaphore_mem>>) src(%dma_wait3A_1543 : memref<128xi32, #tpu.memory_space<vmem>>) dst(%dma_wait3A_1548 : memref<4112xi32, #tpu.memory_space<hbm>>)
      %dma_start3A_1549 = arith.constant 13 : i32
      %dma_start3A_1550 = arith.constant 13 : i32
      %dma_start3A_1551 = arith.constant 0 : i32
      %dma_start3A_1552 = tpu.memref_slice %arg9[%dma_start3A_1549, %dma_start3A_1551] : memref<16x128xi32, #tpu.memory_space<vmem>> -> memref<1x128xi32, #tpu.memory_space<vmem>>
      %dma_start3A_1553 = tpu.memref_squeeze %dma_start3A_1552 : memref<1x128xi32, #tpu.memory_space<vmem>> -> memref<128xi32, #tpu.memory_space<vmem>>
      %dma_start3A_1554 = arith.constant 0 : i32
      %dma_start3A_1555 = tpu.memref_slice %arg7[%dma_start3A_1550, %dma_start3A_1554] : memref<16x128xi32, #tpu.memory_space<vmem>> -> memref<1x128xi32, #tpu.memory_space<vmem>>
      %dma_start3A_1556 = tpu.memref_squeeze %dma_start3A_1555 : memref<1x128xi32, #tpu.memory_space<vmem>> -> memref<128xi32, #tpu.memory_space<vmem>>
      %dma_start3A_1557 = arith.constant 0 : i32
      %dma_start3A_1558 = tpu.memref_slice %arg5[%dma_start3A_1557] : memref<4112xi32, #tpu.memory_space<hbm>> -> memref<4112xi32, #tpu.memory_space<hbm>>
      tpu.enqueue_indirect_dma source(%dma_start3A_1553 : memref<128xi32, #tpu.memory_space<vmem>>) target(%dma_start3A_1558 : memref<4112xi32, #tpu.memory_space<hbm>>) offsets(%dma_start3A_1556 : memref<128xi32, #tpu.memory_space<vmem>>) semaphore(%arg10 : memref<!tpu.dma_semaphore, #tpu.memory_space<semaphore_mem>>)
      %dma_wait3A_1559 = arith.constant 13 : i32
      %dma_wait3A_1560 = arith.constant 13 : i32
      %dma_wait3A_1561 = arith.constant 0 : i32
      %dma_wait3A_1562 = tpu.memref_slice %arg9[%dma_wait3A_1559, %dma_wait3A_1561] : memref<16x128xi32, #tpu.memory_space<vmem>> -> memref<1x128xi32, #tpu.memory_space<vmem>>
      %dma_wait3A_1563 = tpu.memref_squeeze %dma_wait3A_1562 : memref<1x128xi32, #tpu.memory_space<vmem>> -> memref<128xi32, #tpu.memory_space<vmem>>
      %dma_wait3A_1564 = arith.constant 0 : i32
      %dma_wait3A_1565 = tpu.memref_slice %arg7[%dma_wait3A_1560, %dma_wait3A_1564] : memref<16x128xi32, #tpu.memory_space<vmem>> -> memref<1x128xi32, #tpu.memory_space<vmem>>
      %dma_wait3A_1566 = tpu.memref_squeeze %dma_wait3A_1565 : memref<1x128xi32, #tpu.memory_space<vmem>> -> memref<128xi32, #tpu.memory_space<vmem>>
      %dma_wait3A_1567 = arith.constant 0 : i32
      %dma_wait3A_1568 = tpu.memref_slice %arg5[%dma_wait3A_1567] : memref<4112xi32, #tpu.memory_space<hbm>> -> memref<4112xi32, #tpu.memory_space<hbm>>
      tpu.wait_indirect_dma semaphore(%arg10 : memref<!tpu.dma_semaphore, #tpu.memory_space<semaphore_mem>>) src(%dma_wait3A_1563 : memref<128xi32, #tpu.memory_space<vmem>>) dst(%dma_wait3A_1568 : memref<4112xi32, #tpu.memory_space<hbm>>)
      %dma_start3A_1569 = arith.constant 13 : i32
      %dma_start3A_1570 = arith.constant 13 : i32
      %dma_start3A_1571 = arith.constant 0 : i32
      %dma_start3A_1572 = tpu.memref_slice %arg9[%dma_start3A_1569, %dma_start3A_1571] : memref<16x128xi32, #tpu.memory_space<vmem>> -> memref<1x128xi32, #tpu.memory_space<vmem>>
      %dma_start3A_1573 = tpu.memref_squeeze %dma_start3A_1572 : memref<1x128xi32, #tpu.memory_space<vmem>> -> memref<128xi32, #tpu.memory_space<vmem>>
      %dma_start3A_1574 = arith.constant 0 : i32
      %dma_start3A_1575 = tpu.memref_slice %arg8[%dma_start3A_1570, %dma_start3A_1574] : memref<16x128xi32, #tpu.memory_space<vmem>> -> memref<1x128xi32, #tpu.memory_space<vmem>>
      %dma_start3A_1576 = tpu.memref_squeeze %dma_start3A_1575 : memref<1x128xi32, #tpu.memory_space<vmem>> -> memref<128xi32, #tpu.memory_space<vmem>>
      %dma_start3A_1577 = arith.constant 0 : i32
      %dma_start3A_1578 = tpu.memref_slice %arg5[%dma_start3A_1577] : memref<4112xi32, #tpu.memory_space<hbm>> -> memref<4112xi32, #tpu.memory_space<hbm>>
      tpu.enqueue_indirect_dma source(%dma_start3A_1573 : memref<128xi32, #tpu.memory_space<vmem>>) target(%dma_start3A_1578 : memref<4112xi32, #tpu.memory_space<hbm>>) offsets(%dma_start3A_1576 : memref<128xi32, #tpu.memory_space<vmem>>) semaphore(%arg10 : memref<!tpu.dma_semaphore, #tpu.memory_space<semaphore_mem>>)
      %dma_wait3A_1579 = arith.constant 13 : i32
      %dma_wait3A_1580 = arith.constant 13 : i32
      %dma_wait3A_1581 = arith.constant 0 : i32
      %dma_wait3A_1582 = tpu.memref_slice %arg9[%dma_wait3A_1579, %dma_wait3A_1581] : memref<16x128xi32, #tpu.memory_space<vmem>> -> memref<1x128xi32, #tpu.memory_space<vmem>>
      %dma_wait3A_1583 = tpu.memref_squeeze %dma_wait3A_1582 : memref<1x128xi32, #tpu.memory_space<vmem>> -> memref<128xi32, #tpu.memory_space<vmem>>
      %dma_wait3A_1584 = arith.constant 0 : i32
      %dma_wait3A_1585 = tpu.memref_slice %arg8[%dma_wait3A_1580, %dma_wait3A_1584] : memref<16x128xi32, #tpu.memory_space<vmem>> -> memref<1x128xi32, #tpu.memory_space<vmem>>
      %dma_wait3A_1586 = tpu.memref_squeeze %dma_wait3A_1585 : memref<1x128xi32, #tpu.memory_space<vmem>> -> memref<128xi32, #tpu.memory_space<vmem>>
      %dma_wait3A_1587 = arith.constant 0 : i32
      %dma_wait3A_1588 = tpu.memref_slice %arg5[%dma_wait3A_1587] : memref<4112xi32, #tpu.memory_space<hbm>> -> memref<4112xi32, #tpu.memory_space<hbm>>
      tpu.wait_indirect_dma semaphore(%arg10 : memref<!tpu.dma_semaphore, #tpu.memory_space<semaphore_mem>>) src(%dma_wait3A_1583 : memref<128xi32, #tpu.memory_space<vmem>>) dst(%dma_wait3A_1588 : memref<4112xi32, #tpu.memory_space<hbm>>)
      %dma_start3A_1589 = arith.constant 14 : i32
      %dma_start3A_1590 = arith.constant 14 : i32
      %dma_start3A_1591 = arith.constant 0 : i32
      %dma_start3A_1592 = tpu.memref_slice %arg9[%dma_start3A_1589, %dma_start3A_1591] : memref<16x128xi32, #tpu.memory_space<vmem>> -> memref<1x128xi32, #tpu.memory_space<vmem>>
      %dma_start3A_1593 = tpu.memref_squeeze %dma_start3A_1592 : memref<1x128xi32, #tpu.memory_space<vmem>> -> memref<128xi32, #tpu.memory_space<vmem>>
      %dma_start3A_1594 = arith.constant 0 : i32
      %dma_start3A_1595 = tpu.memref_slice %arg7[%dma_start3A_1590, %dma_start3A_1594] : memref<16x128xi32, #tpu.memory_space<vmem>> -> memref<1x128xi32, #tpu.memory_space<vmem>>
      %dma_start3A_1596 = tpu.memref_squeeze %dma_start3A_1595 : memref<1x128xi32, #tpu.memory_space<vmem>> -> memref<128xi32, #tpu.memory_space<vmem>>
      %dma_start3A_1597 = arith.constant 0 : i32
      %dma_start3A_1598 = tpu.memref_slice %arg5[%dma_start3A_1597] : memref<4112xi32, #tpu.memory_space<hbm>> -> memref<4112xi32, #tpu.memory_space<hbm>>
      tpu.enqueue_indirect_dma source(%dma_start3A_1593 : memref<128xi32, #tpu.memory_space<vmem>>) target(%dma_start3A_1598 : memref<4112xi32, #tpu.memory_space<hbm>>) offsets(%dma_start3A_1596 : memref<128xi32, #tpu.memory_space<vmem>>) semaphore(%arg10 : memref<!tpu.dma_semaphore, #tpu.memory_space<semaphore_mem>>)
      %dma_wait3A_1599 = arith.constant 14 : i32
      %dma_wait3A_1600 = arith.constant 14 : i32
      %dma_wait3A_1601 = arith.constant 0 : i32
      %dma_wait3A_1602 = tpu.memref_slice %arg9[%dma_wait3A_1599, %dma_wait3A_1601] : memref<16x128xi32, #tpu.memory_space<vmem>> -> memref<1x128xi32, #tpu.memory_space<vmem>>
      %dma_wait3A_1603 = tpu.memref_squeeze %dma_wait3A_1602 : memref<1x128xi32, #tpu.memory_space<vmem>> -> memref<128xi32, #tpu.memory_space<vmem>>
      %dma_wait3A_1604 = arith.constant 0 : i32
      %dma_wait3A_1605 = tpu.memref_slice %arg7[%dma_wait3A_1600, %dma_wait3A_1604] : memref<16x128xi32, #tpu.memory_space<vmem>> -> memref<1x128xi32, #tpu.memory_space<vmem>>
      %dma_wait3A_1606 = tpu.memref_squeeze %dma_wait3A_1605 : memref<1x128xi32, #tpu.memory_space<vmem>> -> memref<128xi32, #tpu.memory_space<vmem>>
      %dma_wait3A_1607 = arith.constant 0 : i32
      %dma_wait3A_1608 = tpu.memref_slice %arg5[%dma_wait3A_1607] : memref<4112xi32, #tpu.memory_space<hbm>> -> memref<4112xi32, #tpu.memory_space<hbm>>
      tpu.wait_indirect_dma semaphore(%arg10 : memref<!tpu.dma_semaphore, #tpu.memory_space<semaphore_mem>>) src(%dma_wait3A_1603 : memref<128xi32, #tpu.memory_space<vmem>>) dst(%dma_wait3A_1608 : memref<4112xi32, #tpu.memory_space<hbm>>)
      %dma_start3A_1609 = arith.constant 14 : i32
      %dma_start3A_1610 = arith.constant 14 : i32
      %dma_start3A_1611 = arith.constant 0 : i32
      %dma_start3A_1612 = tpu.memref_slice %arg9[%dma_start3A_1609, %dma_start3A_1611] : memref<16x128xi32, #tpu.memory_space<vmem>> -> memref<1x128xi32, #tpu.memory_space<vmem>>
      %dma_start3A_1613 = tpu.memref_squeeze %dma_start3A_1612 : memref<1x128xi32, #tpu.memory_space<vmem>> -> memref<128xi32, #tpu.memory_space<vmem>>
      %dma_start3A_1614 = arith.constant 0 : i32
      %dma_start3A_1615 = tpu.memref_slice %arg8[%dma_start3A_1610, %dma_start3A_1614] : memref<16x128xi32, #tpu.memory_space<vmem>> -> memref<1x128xi32, #tpu.memory_space<vmem>>
      %dma_start3A_1616 = tpu.memref_squeeze %dma_start3A_1615 : memref<1x128xi32, #tpu.memory_space<vmem>> -> memref<128xi32, #tpu.memory_space<vmem>>
      %dma_start3A_1617 = arith.constant 0 : i32
      %dma_start3A_1618 = tpu.memref_slice %arg5[%dma_start3A_1617] : memref<4112xi32, #tpu.memory_space<hbm>> -> memref<4112xi32, #tpu.memory_space<hbm>>
      tpu.enqueue_indirect_dma source(%dma_start3A_1613 : memref<128xi32, #tpu.memory_space<vmem>>) target(%dma_start3A_1618 : memref<4112xi32, #tpu.memory_space<hbm>>) offsets(%dma_start3A_1616 : memref<128xi32, #tpu.memory_space<vmem>>) semaphore(%arg10 : memref<!tpu.dma_semaphore, #tpu.memory_space<semaphore_mem>>)
      %dma_wait3A_1619 = arith.constant 14 : i32
      %dma_wait3A_1620 = arith.constant 14 : i32
      %dma_wait3A_1621 = arith.constant 0 : i32
      %dma_wait3A_1622 = tpu.memref_slice %arg9[%dma_wait3A_1619, %dma_wait3A_1621] : memref<16x128xi32, #tpu.memory_space<vmem>> -> memref<1x128xi32, #tpu.memory_space<vmem>>
      %dma_wait3A_1623 = tpu.memref_squeeze %dma_wait3A_1622 : memref<1x128xi32, #tpu.memory_space<vmem>> -> memref<128xi32, #tpu.memory_space<vmem>>
      %dma_wait3A_1624 = arith.constant 0 : i32
      %dma_wait3A_1625 = tpu.memref_slice %arg8[%dma_wait3A_1620, %dma_wait3A_1624] : memref<16x128xi32, #tpu.memory_space<vmem>> -> memref<1x128xi32, #tpu.memory_space<vmem>>
      %dma_wait3A_1626 = tpu.memref_squeeze %dma_wait3A_1625 : memref<1x128xi32, #tpu.memory_space<vmem>> -> memref<128xi32, #tpu.memory_space<vmem>>
      %dma_wait3A_1627 = arith.constant 0 : i32
      %dma_wait3A_1628 = tpu.memref_slice %arg5[%dma_wait3A_1627] : memref<4112xi32, #tpu.memory_space<hbm>> -> memref<4112xi32, #tpu.memory_space<hbm>>
      tpu.wait_indirect_dma semaphore(%arg10 : memref<!tpu.dma_semaphore, #tpu.memory_space<semaphore_mem>>) src(%dma_wait3A_1623 : memref<128xi32, #tpu.memory_space<vmem>>) dst(%dma_wait3A_1628 : memref<4112xi32, #tpu.memory_space<hbm>>)
      %dma_start3A_1629 = arith.constant 15 : i32
      %dma_start3A_1630 = arith.constant 15 : i32
      %dma_start3A_1631 = arith.constant 0 : i32
      %dma_start3A_1632 = tpu.memref_slice %arg9[%dma_start3A_1629, %dma_start3A_1631] : memref<16x128xi32, #tpu.memory_space<vmem>> -> memref<1x128xi32, #tpu.memory_space<vmem>>
      %dma_start3A_1633 = tpu.memref_squeeze %dma_start3A_1632 : memref<1x128xi32, #tpu.memory_space<vmem>> -> memref<128xi32, #tpu.memory_space<vmem>>
      %dma_start3A_1634 = arith.constant 0 : i32
      %dma_start3A_1635 = tpu.memref_slice %arg7[%dma_start3A_1630, %dma_start3A_1634] : memref<16x128xi32, #tpu.memory_space<vmem>> -> memref<1x128xi32, #tpu.memory_space<vmem>>
      %dma_start3A_1636 = tpu.memref_squeeze %dma_start3A_1635 : memref<1x128xi32, #tpu.memory_space<vmem>> -> memref<128xi32, #tpu.memory_space<vmem>>
      %dma_start3A_1637 = arith.constant 0 : i32
      %dma_start3A_1638 = tpu.memref_slice %arg5[%dma_start3A_1637] : memref<4112xi32, #tpu.memory_space<hbm>> -> memref<4112xi32, #tpu.memory_space<hbm>>
      tpu.enqueue_indirect_dma source(%dma_start3A_1633 : memref<128xi32, #tpu.memory_space<vmem>>) target(%dma_start3A_1638 : memref<4112xi32, #tpu.memory_space<hbm>>) offsets(%dma_start3A_1636 : memref<128xi32, #tpu.memory_space<vmem>>) semaphore(%arg10 : memref<!tpu.dma_semaphore, #tpu.memory_space<semaphore_mem>>)
      %dma_wait3A_1639 = arith.constant 15 : i32
      %dma_wait3A_1640 = arith.constant 15 : i32
      %dma_wait3A_1641 = arith.constant 0 : i32
      %dma_wait3A_1642 = tpu.memref_slice %arg9[%dma_wait3A_1639, %dma_wait3A_1641] : memref<16x128xi32, #tpu.memory_space<vmem>> -> memref<1x128xi32, #tpu.memory_space<vmem>>
      %dma_wait3A_1643 = tpu.memref_squeeze %dma_wait3A_1642 : memref<1x128xi32, #tpu.memory_space<vmem>> -> memref<128xi32, #tpu.memory_space<vmem>>
      %dma_wait3A_1644 = arith.constant 0 : i32
      %dma_wait3A_1645 = tpu.memref_slice %arg7[%dma_wait3A_1640, %dma_wait3A_1644] : memref<16x128xi32, #tpu.memory_space<vmem>> -> memref<1x128xi32, #tpu.memory_space<vmem>>
      %dma_wait3A_1646 = tpu.memref_squeeze %dma_wait3A_1645 : memref<1x128xi32, #tpu.memory_space<vmem>> -> memref<128xi32, #tpu.memory_space<vmem>>
      %dma_wait3A_1647 = arith.constant 0 : i32
      %dma_wait3A_1648 = tpu.memref_slice %arg5[%dma_wait3A_1647] : memref<4112xi32, #tpu.memory_space<hbm>> -> memref<4112xi32, #tpu.memory_space<hbm>>
      tpu.wait_indirect_dma semaphore(%arg10 : memref<!tpu.dma_semaphore, #tpu.memory_space<semaphore_mem>>) src(%dma_wait3A_1643 : memref<128xi32, #tpu.memory_space<vmem>>) dst(%dma_wait3A_1648 : memref<4112xi32, #tpu.memory_space<hbm>>)
      %dma_start3A_1649 = arith.constant 15 : i32
      %dma_start3A_1650 = arith.constant 15 : i32
      %dma_start3A_1651 = arith.constant 0 : i32
      %dma_start3A_1652 = tpu.memref_slice %arg9[%dma_start3A_1649, %dma_start3A_1651] : memref<16x128xi32, #tpu.memory_space<vmem>> -> memref<1x128xi32, #tpu.memory_space<vmem>>
      %dma_start3A_1653 = tpu.memref_squeeze %dma_start3A_1652 : memref<1x128xi32, #tpu.memory_space<vmem>> -> memref<128xi32, #tpu.memory_space<vmem>>
      %dma_start3A_1654 = arith.constant 0 : i32
      %dma_start3A_1655 = tpu.memref_slice %arg8[%dma_start3A_1650, %dma_start3A_1654] : memref<16x128xi32, #tpu.memory_space<vmem>> -> memref<1x128xi32, #tpu.memory_space<vmem>>
      %dma_start3A_1656 = tpu.memref_squeeze %dma_start3A_1655 : memref<1x128xi32, #tpu.memory_space<vmem>> -> memref<128xi32, #tpu.memory_space<vmem>>
      %dma_start3A_1657 = arith.constant 0 : i32
      %dma_start3A_1658 = tpu.memref_slice %arg5[%dma_start3A_1657] : memref<4112xi32, #tpu.memory_space<hbm>> -> memref<4112xi32, #tpu.memory_space<hbm>>
      tpu.enqueue_indirect_dma source(%dma_start3A_1653 : memref<128xi32, #tpu.memory_space<vmem>>) target(%dma_start3A_1658 : memref<4112xi32, #tpu.memory_space<hbm>>) offsets(%dma_start3A_1656 : memref<128xi32, #tpu.memory_space<vmem>>) semaphore(%arg10 : memref<!tpu.dma_semaphore, #tpu.memory_space<semaphore_mem>>)
      %dma_wait3A_1659 = arith.constant 15 : i32
      %dma_wait3A_1660 = arith.constant 15 : i32
      %dma_wait3A_1661 = arith.constant 0 : i32
      %dma_wait3A_1662 = tpu.memref_slice %arg9[%dma_wait3A_1659, %dma_wait3A_1661] : memref<16x128xi32, #tpu.memory_space<vmem>> -> memref<1x128xi32, #tpu.memory_space<vmem>>
      %dma_wait3A_1663 = tpu.memref_squeeze %dma_wait3A_1662 : memref<1x128xi32, #tpu.memory_space<vmem>> -> memref<128xi32, #tpu.memory_space<vmem>>
      %dma_wait3A_1664 = arith.constant 0 : i32
      %dma_wait3A_1665 = tpu.memref_slice %arg8[%dma_wait3A_1660, %dma_wait3A_1664] : memref<16x128xi32, #tpu.memory_space<vmem>> -> memref<1x128xi32, #tpu.memory_space<vmem>>
      %dma_wait3A_1666 = tpu.memref_squeeze %dma_wait3A_1665 : memref<1x128xi32, #tpu.memory_space<vmem>> -> memref<128xi32, #tpu.memory_space<vmem>>
      %dma_wait3A_1667 = arith.constant 0 : i32
      %dma_wait3A_1668 = tpu.memref_slice %arg5[%dma_wait3A_1667] : memref<4112xi32, #tpu.memory_space<hbm>> -> memref<4112xi32, #tpu.memory_space<hbm>>
      tpu.wait_indirect_dma semaphore(%arg10 : memref<!tpu.dma_semaphore, #tpu.memory_space<semaphore_mem>>) src(%dma_wait3A_1663 : memref<128xi32, #tpu.memory_space<vmem>>) dst(%dma_wait3A_1668 : memref<4112xi32, #tpu.memory_space<hbm>>)
    } else {
    }
    return
  }
}

#map = affine_map<(d0, d1) -> (0, 0)>
#map1 = affine_map<(d0, d1) -> (0)>
module attributes {stable_mosaic.version = 14 : i64} {
  func.func @k(%arg0: i32, %arg1: i32, %arg2: memref<32000x768xf32, #tpu.memory_space<hbm>>, %arg3: memref<2048xi32, #tpu.memory_space<hbm>>, %arg4: memref<2048x768xf32, #tpu.memory_space<hbm>>, %arg5: memref<64xi32, #tpu.memory_space<vmem>>, %arg6: memref<64x768xf32, #tpu.memory_space<vmem>>, %arg7: memref<!tpu.dma_semaphore, #tpu.memory_space<semaphore_mem>>) attributes {dimension_semantics = [#tpu.dimension_semantics<core_parallel>, #tpu.dimension_semantics<subcore_parallel>], iteration_bounds = array<i64: 2, 16>, scalar_prefetch = 0 : i64, scratch_operands = 3 : i64, tpu.core_type = #tpu.core_type<sc_vector_subcore>, window_params = [{transform_indices = #map}, {transform_indices = #map1}, {transform_indices = #map}]} {
    %mul3A = arith.constant 2 : i32
    %mul3A_0 = arith.muli %arg1, %mul3A : i32
    %add3A = arith.addi %mul3A_0, %arg0 : i32
    %mul3A_1 = arith.constant 64 : i32
    %mul3A_2 = arith.muli %add3A, %mul3A_1 : i32
    "tpu.region"() ({
      %run_scoped3A = tpu.sem_alloc : memref<!tpu.dma_semaphore, #tpu.memory_space<semaphore_mem>>
      %dma_start3A_7 = tpu.memref_slice %arg3[%mul3A_2] : memref<2048xi32, #tpu.memory_space<hbm>> -> memref<64xi32, #tpu.memory_space<hbm>>
      %dma_start3A_8 = tpu.memref_slice %arg3[%mul3A_2] : memref<2048xi32, #tpu.memory_space<hbm>> -> memref<64xi32, #tpu.memory_space<hbm>>
      tpu.enqueue_dma source(%dma_start3A_8 : memref<64xi32, #tpu.memory_space<hbm>>) target(%arg5 : memref<64xi32, #tpu.memory_space<vmem>>) target_semaphore(%run_scoped3A : memref<!tpu.dma_semaphore, #tpu.memory_space<semaphore_mem>>)
      %dma_wait3A_9 = tpu.memref_slice %arg3[%mul3A_2] : memref<2048xi32, #tpu.memory_space<hbm>> -> memref<64xi32, #tpu.memory_space<hbm>>
      %dma_wait3A_10 = tpu.memref_slice %arg3[%mul3A_2] : memref<2048xi32, #tpu.memory_space<hbm>> -> memref<64xi32, #tpu.memory_space<hbm>>
      tpu.wait_dma2 semaphore(%run_scoped3A : memref<!tpu.dma_semaphore, #tpu.memory_space<semaphore_mem>>) src(%dma_wait3A_10 : memref<64xi32, #tpu.memory_space<hbm>>) dst(%arg5 : memref<64xi32, #tpu.memory_space<vmem>>)
      tpu.yield
    }) : () -> ()
    %dma_start3A = arith.constant 0 : i32
    %dma_start3A_3 = arith.constant 0 : i32
    %dma_start3A_4 = tpu.memref_slice %arg2[%dma_start3A, %dma_start3A_3] : memref<32000x768xf32, #tpu.memory_space<hbm>> -> memref<32000x768xf32, #tpu.memory_space<hbm>>
    tpu.enqueue_indirect_dma source(%dma_start3A_4 : memref<32000x768xf32, #tpu.memory_space<hbm>>) target(%arg6 : memref<64x768xf32, #tpu.memory_space<vmem>>) offsets(%arg5 : memref<64xi32, #tpu.memory_space<vmem>>) semaphore(%arg7 : memref<!tpu.dma_semaphore, #tpu.memory_space<semaphore_mem>>)
    %dma_wait3A = arith.constant 0 : i32
    %dma_wait3A_5 = arith.constant 0 : i32
    %dma_wait3A_6 = tpu.memref_slice %arg2[%dma_wait3A, %dma_wait3A_5] : memref<32000x768xf32, #tpu.memory_space<hbm>> -> memref<32000x768xf32, #tpu.memory_space<hbm>>
    tpu.wait_indirect_dma semaphore(%arg7 : memref<!tpu.dma_semaphore, #tpu.memory_space<semaphore_mem>>) src(%dma_wait3A_6 : memref<32000x768xf32, #tpu.memory_space<hbm>>) dst(%arg6 : memref<64x768xf32, #tpu.memory_space<vmem>>)
    "tpu.region"() ({
      %run_scoped3A = tpu.sem_alloc : memref<!tpu.dma_semaphore, #tpu.memory_space<semaphore_mem>>
      %dma_start3A_7 = arith.constant 0 : i32
      %dma_start3A_8 = tpu.memref_slice %arg4[%mul3A_2, %dma_start3A_7] : memref<2048x768xf32, #tpu.memory_space<hbm>> -> memref<64x768xf32, #tpu.memory_space<hbm>>
      %dma_start3A_9 = arith.constant 0 : i32
      %dma_start3A_10 = tpu.memref_slice %arg4[%mul3A_2, %dma_start3A_9] : memref<2048x768xf32, #tpu.memory_space<hbm>> -> memref<64x768xf32, #tpu.memory_space<hbm>>
      tpu.enqueue_dma source(%arg6 : memref<64x768xf32, #tpu.memory_space<vmem>>) target(%dma_start3A_10 : memref<64x768xf32, #tpu.memory_space<hbm>>) target_semaphore(%run_scoped3A : memref<!tpu.dma_semaphore, #tpu.memory_space<semaphore_mem>>)
      %dma_wait3A_11 = arith.constant 0 : i32
      %dma_wait3A_12 = tpu.memref_slice %arg4[%mul3A_2, %dma_wait3A_11] : memref<2048x768xf32, #tpu.memory_space<hbm>> -> memref<64x768xf32, #tpu.memory_space<hbm>>
      %dma_wait3A_13 = arith.constant 0 : i32
      %dma_wait3A_14 = tpu.memref_slice %arg4[%mul3A_2, %dma_wait3A_13] : memref<2048x768xf32, #tpu.memory_space<hbm>> -> memref<64x768xf32, #tpu.memory_space<hbm>>
      tpu.wait_dma2 semaphore(%run_scoped3A : memref<!tpu.dma_semaphore, #tpu.memory_space<semaphore_mem>>) src(%arg6 : memref<64x768xf32, #tpu.memory_space<vmem>>) dst(%dma_wait3A_14 : memref<64x768xf32, #tpu.memory_space<hbm>>)
      tpu.yield
    }) : () -> ()
    return
  }
}

#map = affine_map<(d0, d1) -> (0, 0)>
#map1 = affine_map<(d0, d1) -> (0)>
module attributes {stable_mosaic.version = 14 : i64} {
  func.func @k(%arg0: i32, %arg1: i32, %arg2: memref<4104x768xf32, #tpu.memory_space<hbm>>, %arg3: memref<2048xi32, #tpu.memory_space<hbm>>, %arg4: memref<2048x768xf32, #tpu.memory_space<hbm>>, %arg5: memref<64xi32, #tpu.memory_space<vmem>>, %arg6: memref<64x768xf32, #tpu.memory_space<vmem>>, %arg7: memref<!tpu.dma_semaphore, #tpu.memory_space<semaphore_mem>>) attributes {dimension_semantics = [#tpu.dimension_semantics<core_parallel>, #tpu.dimension_semantics<subcore_parallel>], iteration_bounds = array<i64: 2, 16>, scalar_prefetch = 0 : i64, scratch_operands = 3 : i64, tpu.core_type = #tpu.core_type<sc_vector_subcore>, window_params = [{transform_indices = #map}, {transform_indices = #map1}, {transform_indices = #map}]} {
    %mul3A = arith.constant 2 : i32
    %mul3A_0 = arith.muli %arg1, %mul3A : i32
    %add3A = arith.addi %mul3A_0, %arg0 : i32
    %mul3A_1 = arith.constant 64 : i32
    %mul3A_2 = arith.muli %add3A, %mul3A_1 : i32
    "tpu.region"() ({
      %run_scoped3A = tpu.sem_alloc : memref<!tpu.dma_semaphore, #tpu.memory_space<semaphore_mem>>
      %dma_start3A_7 = tpu.memref_slice %arg3[%mul3A_2] : memref<2048xi32, #tpu.memory_space<hbm>> -> memref<64xi32, #tpu.memory_space<hbm>>
      %dma_start3A_8 = tpu.memref_slice %arg3[%mul3A_2] : memref<2048xi32, #tpu.memory_space<hbm>> -> memref<64xi32, #tpu.memory_space<hbm>>
      tpu.enqueue_dma source(%dma_start3A_8 : memref<64xi32, #tpu.memory_space<hbm>>) target(%arg5 : memref<64xi32, #tpu.memory_space<vmem>>) target_semaphore(%run_scoped3A : memref<!tpu.dma_semaphore, #tpu.memory_space<semaphore_mem>>)
      %dma_wait3A_9 = tpu.memref_slice %arg3[%mul3A_2] : memref<2048xi32, #tpu.memory_space<hbm>> -> memref<64xi32, #tpu.memory_space<hbm>>
      %dma_wait3A_10 = tpu.memref_slice %arg3[%mul3A_2] : memref<2048xi32, #tpu.memory_space<hbm>> -> memref<64xi32, #tpu.memory_space<hbm>>
      tpu.wait_dma2 semaphore(%run_scoped3A : memref<!tpu.dma_semaphore, #tpu.memory_space<semaphore_mem>>) src(%dma_wait3A_10 : memref<64xi32, #tpu.memory_space<hbm>>) dst(%arg5 : memref<64xi32, #tpu.memory_space<vmem>>)
      tpu.yield
    }) : () -> ()
    %dma_start3A = arith.constant 0 : i32
    %dma_start3A_3 = arith.constant 0 : i32
    %dma_start3A_4 = tpu.memref_slice %arg2[%dma_start3A, %dma_start3A_3] : memref<4104x768xf32, #tpu.memory_space<hbm>> -> memref<4104x768xf32, #tpu.memory_space<hbm>>
    tpu.enqueue_indirect_dma source(%dma_start3A_4 : memref<4104x768xf32, #tpu.memory_space<hbm>>) target(%arg6 : memref<64x768xf32, #tpu.memory_space<vmem>>) offsets(%arg5 : memref<64xi32, #tpu.memory_space<vmem>>) semaphore(%arg7 : memref<!tpu.dma_semaphore, #tpu.memory_space<semaphore_mem>>)
    %dma_wait3A = arith.constant 0 : i32
    %dma_wait3A_5 = arith.constant 0 : i32
    %dma_wait3A_6 = tpu.memref_slice %arg2[%dma_wait3A, %dma_wait3A_5] : memref<4104x768xf32, #tpu.memory_space<hbm>> -> memref<4104x768xf32, #tpu.memory_space<hbm>>
    tpu.wait_indirect_dma semaphore(%arg7 : memref<!tpu.dma_semaphore, #tpu.memory_space<semaphore_mem>>) src(%dma_wait3A_6 : memref<4104x768xf32, #tpu.memory_space<hbm>>) dst(%arg6 : memref<64x768xf32, #tpu.memory_space<vmem>>)
    "tpu.region"() ({
      %run_scoped3A = tpu.sem_alloc : memref<!tpu.dma_semaphore, #tpu.memory_space<semaphore_mem>>
      %dma_start3A_7 = arith.constant 0 : i32
      %dma_start3A_8 = tpu.memref_slice %arg4[%mul3A_2, %dma_start3A_7] : memref<2048x768xf32, #tpu.memory_space<hbm>> -> memref<64x768xf32, #tpu.memory_space<hbm>>
      %dma_start3A_9 = arith.constant 0 : i32
      %dma_start3A_10 = tpu.memref_slice %arg4[%mul3A_2, %dma_start3A_9] : memref<2048x768xf32, #tpu.memory_space<hbm>> -> memref<64x768xf32, #tpu.memory_space<hbm>>
      tpu.enqueue_dma source(%arg6 : memref<64x768xf32, #tpu.memory_space<vmem>>) target(%dma_start3A_10 : memref<64x768xf32, #tpu.memory_space<hbm>>) target_semaphore(%run_scoped3A : memref<!tpu.dma_semaphore, #tpu.memory_space<semaphore_mem>>)
      %dma_wait3A_11 = arith.constant 0 : i32
      %dma_wait3A_12 = tpu.memref_slice %arg4[%mul3A_2, %dma_wait3A_11] : memref<2048x768xf32, #tpu.memory_space<hbm>> -> memref<64x768xf32, #tpu.memory_space<hbm>>
      %dma_wait3A_13 = arith.constant 0 : i32
      %dma_wait3A_14 = tpu.memref_slice %arg4[%mul3A_2, %dma_wait3A_13] : memref<2048x768xf32, #tpu.memory_space<hbm>> -> memref<64x768xf32, #tpu.memory_space<hbm>>
      tpu.wait_dma2 semaphore(%run_scoped3A : memref<!tpu.dma_semaphore, #tpu.memory_space<semaphore_mem>>) src(%arg6 : memref<64x768xf32, #tpu.memory_space<vmem>>) dst(%dma_wait3A_14 : memref<64x768xf32, #tpu.memory_space<hbm>>)
      tpu.yield
    }) : () -> ()
    return
  }
}

module attributes {stable_mosaic.version = 14 : i64} {
  func.func @_scale_body(%arg0: i32, %arg1: memref<256x768xf32, #tpu.memory_space<vmem>>, %arg2: memref<256x768xf32, #tpu.memory_space<vmem>>) attributes {dimension_semantics = [#tpu.dimension_semantics<arbitrary>], iteration_bounds = array<i64: 8>, scalar_prefetch = 0 : i64, scratch_operands = 0 : i64, tpu.core_type = #tpu.core_type<tc>, window_params = [{transform_indices = @transform_0, window_bounds = array<i64: 256, 768>}, {transform_indices = @transform_1, window_bounds = array<i64: 256, 768>}]} {
    %get3A = arith.constant 0 : index
    %get3A_0 = arith.constant 0 : index
    %get3A_1 = vector.load %arg1[%get3A, %get3A_0] : memref<256x768xf32, #tpu.memory_space<vmem>>, vector<256x768xf32>
    %mul3A = arith.constant 27.7128124 : f32
    %mul3A_2 = vector.broadcast %mul3A : f32 to vector<256x768xf32>
    %mul3A_3 = arith.mulf %get3A_1, %mul3A_2 : vector<256x768xf32>
    %swap3A = arith.constant 0 : index
    %swap3A_4 = arith.constant 0 : index
    %swap3A_5 = vector.load %arg2[%swap3A, %swap3A_4] : memref<256x768xf32, #tpu.memory_space<vmem>>, vector<256x768xf32>
    tpu.vector_store %arg2[%swap3A, %swap3A_4], %mul3A_3 {strides = array<i32>} : memref<256x768xf32, #tpu.memory_space<vmem>>, vector<256x768xf32>,
    return
  }
  func.func @transform_0(%arg0: i32) -> (i32, i32) {
    %c0_i32 = arith.constant 0 : i32
    %c0_i32_0 = arith.constant 0 : i32
    return %arg0, %c0_i32 : i32, i32
  }
  func.func @transform_1(%arg0: i32) -> (i32, i32) {
    %c0_i32 = arith.constant 0 : i32
    %c0_i32_0 = arith.constant 0 : i32
    return %arg0, %c0_i32 : i32, i32
  }
}

module attributes {stable_mosaic.version = 14 : i64} {
  func.func @_ln_qkv_body(%arg0: i32, %arg1: memref<256x768xf32, #tpu.memory_space<vmem>>, %arg2: memref<1x768xf32, #tpu.memory_space<vmem>>, %arg3: memref<1x768xf32, #tpu.memory_space<vmem>>, %arg4: memref<768x2304xf32, #tpu.memory_space<vmem>>, %arg5: memref<1x2304xf32, #tpu.memory_space<vmem>>, %arg6: memref<256x2304xf32, #tpu.memory_space<vmem>>) attributes {dimension_semantics = [#tpu.dimension_semantics<arbitrary>], iteration_bounds = array<i64: 8>, scalar_prefetch = 0 : i64, scratch_operands = 0 : i64, tpu.core_type = #tpu.core_type<tc>, window_params = [{transform_indices = @transform_0, window_bounds = array<i64: 256, 768>}, {pipeline_mode = #tpu.pipeline_mode<synchronous>, transform_indices = @transform_1, window_bounds = array<i64: 1, 768>}, {pipeline_mode = #tpu.pipeline_mode<synchronous>, transform_indices = @transform_2, window_bounds = array<i64: 1, 768>}, {pipeline_mode = #tpu.pipeline_mode<synchronous>, transform_indices = @transform_3, window_bounds = array<i64: 768, 2304>}, {pipeline_mode = #tpu.pipeline_mode<synchronous>, transform_indices = @transform_4, window_bounds = array<i64: 1, 2304>}, {transform_indices = @transform_5, window_bounds = array<i64: 256, 2304>}]} {
    %get3A = arith.constant 0 : index
    %get3A_0 = arith.constant 0 : index
    %get3A_1 = vector.load %arg1[%get3A, %get3A_0] : memref<256x768xf32, #tpu.memory_space<vmem>>, vector<256x768xf32>
    %get3A_2 = arith.constant 0 : index
    %get3A_3 = arith.constant 0 : index
    %get3A_4 = vector.load %arg2[%get3A_2, %get3A_3] : memref<1x768xf32, #tpu.memory_space<vmem>>, vector<1x768xf32>
    %get3A_5 = arith.constant 0 : index
    %get3A_6 = arith.constant 0 : index
    %get3A_7 = vector.load %arg3[%get3A_5, %get3A_6] : memref<1x768xf32, #tpu.memory_space<vmem>>, vector<1x768xf32>
    %reduce_sum3A = arith.constant dense<0.000000e+00> : vector<256xf32>
    %reduce_sum3A_8 = vector.multi_reduction <add>, %get3A_1, %reduce_sum3A [1] : vector<256x768xf32> to vector<256xf32>
    %broadcast_in_dim3A = vector.shape_cast %reduce_sum3A_8 : vector<256xf32> to vector<256x1xf32>
    %div3A = arith.constant 7.680000e+02 : f32
    %div3A_9 = vector.broadcast %div3A : f32 to vector<256x1xf32>
    %div3A_10 = arith.divf %broadcast_in_dim3A, %div3A_9 : vector<256x1xf32>
    %sub3A = vector.broadcast %div3A_10 : vector<256x1xf32> to vector<256x768xf32>
    %sub3A_11 = arith.subf %get3A_1, %sub3A : vector<256x768xf32>
    %sub3A_12 = vector.broadcast %div3A_10 : vector<256x1xf32> to vector<256x768xf32>
    %sub3A_13 = arith.subf %get3A_1, %sub3A_12 : vector<256x768xf32>
    %mul3A = arith.mulf %sub3A_11, %sub3A_13 : vector<256x768xf32>
    %reduce_sum3A_14 = arith.constant dense<0.000000e+00> : vector<256xf32>
    %reduce_sum3A_15 = vector.multi_reduction <add>, %mul3A, %reduce_sum3A_14 [1] : vector<256x768xf32> to vector<256xf32>
    %broadcast_in_dim3A_16 = vector.shape_cast %reduce_sum3A_15 : vector<256xf32> to vector<256x1xf32>
    %div3A_17 = arith.constant 7.680000e+02 : f32
    %div3A_18 = vector.broadcast %div3A_17 : f32 to vector<256x1xf32>
    %div3A_19 = arith.divf %broadcast_in_dim3A_16, %div3A_18 : vector<256x1xf32>
    %sub3A_20 = vector.broadcast %div3A_10 : vector<256x1xf32> to vector<256x768xf32>
    %sub3A_21 = arith.subf %get3A_1, %sub3A_20 : vector<256x768xf32>
    %add3A = arith.constant 9.99999974E-6 : f32
    %add3A_22 = vector.broadcast %add3A : f32 to vector<256x1xf32>
    %add3A_23 = arith.addf %div3A_19, %add3A_22 : vector<256x1xf32>
    %rsqrt3A = math.rsqrt %add3A_23 : vector<256x1xf32>
    %mul3A_24 = vector.broadcast %rsqrt3A : vector<256x1xf32> to vector<256x768xf32>
    %mul3A_25 = arith.mulf %sub3A_21, %mul3A_24 : vector<256x768xf32>
    %mul3A_26 = vector.broadcast %get3A_4 : vector<1x768xf32> to vector<256x768xf32>
    %mul3A_27 = arith.mulf %mul3A_25, %mul3A_26 : vector<256x768xf32>
    %add3A_28 = vector.broadcast %get3A_7 : vector<1x768xf32> to vector<256x768xf32>
    %add3A_29 = arith.addf %mul3A_27, %add3A_28 : vector<256x768xf32>
    %get3A_30 = arith.constant 0 : index
    %get3A_31 = arith.constant 0 : index
    %get3A_32 = vector.load %arg4[%get3A_30, %get3A_31] : memref<768x2304xf32, #tpu.memory_space<vmem>>, vector<768x2304xf32>
    %dot_general3A = arith.constant dense<0.000000e+00> : vector<256x2304xf32>
    %dot_general3A_33 = tpu.matmul %add3A_29, %get3A_32, %dot_general3A {dimension_numbers = #tpu.dot_dimension_numbers<[1], [0], [0], [1], [0, 0, 1, 1], [], []>, transpose_lhs_hint = false} : vector<256x768xf32>, vector<768x2304xf32>, vector<256x2304xf32> -> vector<256x2304xf32>
    %get3A_34 = arith.constant 0 : index
    %get3A_35 = arith.constant 0 : index
    %get3A_36 = vector.load %arg5[%get3A_34, %get3A_35] : memref<1x2304xf32, #tpu.memory_space<vmem>>, vector<1x2304xf32>
    %add3A_37 = vector.broadcast %get3A_36 : vector<1x2304xf32> to vector<256x2304xf32>
    %add3A_38 = arith.addf %dot_general3A_33, %add3A_37 : vector<256x2304xf32>
    %swap3A = arith.constant 0 : index
    %swap3A_39 = arith.constant 0 : index
    %swap3A_40 = vector.load %arg6[%swap3A, %swap3A_39] : memref<256x2304xf32, #tpu.memory_space<vmem>>, vector<256x2304xf32>
    tpu.vector_store %arg6[%swap3A, %swap3A_39], %add3A_38 {strides = array<i32>} : memref<256x2304xf32, #tpu.memory_space<vmem>>, vector<256x2304xf32>,
    return
  }
  func.func @transform_0(%arg0: i32) -> (i32, i32) {
    %c0_i32 = arith.constant 0 : i32
    %c0_i32_0 = arith.constant 0 : i32
    return %arg0, %c0_i32 : i32, i32
  }
  func.func @transform_1(%arg0: i32) -> (i32, i32) {
    %c0_i32 = arith.constant 0 : i32
    %c0_i32_0 = arith.constant 0 : i32
    %c0_i32_1 = arith.constant 0 : i32
    return %c0_i32, %c0_i32_0 : i32, i32
  }
  func.func @transform_2(%arg0: i32) -> (i32, i32) {
    %c0_i32 = arith.constant 0 : i32
    %c0_i32_0 = arith.constant 0 : i32
    %c0_i32_1 = arith.constant 0 : i32
    return %c0_i32, %c0_i32_0 : i32, i32
  }
  func.func @transform_3(%arg0: i32) -> (i32, i32) {
    %c0_i32 = arith.constant 0 : i32
    %c0_i32_0 = arith.constant 0 : i32
    %c0_i32_1 = arith.constant 0 : i32
    return %c0_i32, %c0_i32_0 : i32, i32
  }
  func.func @transform_4(%arg0: i32) -> (i32, i32) {
    %c0_i32 = arith.constant 0 : i32
    %c0_i32_0 = arith.constant 0 : i32
    %c0_i32_1 = arith.constant 0 : i32
    return %c0_i32, %c0_i32_0 : i32, i32
  }
  func.func @transform_5(%arg0: i32) -> (i32, i32) {
    %c0_i32 = arith.constant 0 : i32
    %c0_i32_0 = arith.constant 0 : i32
    return %arg0, %c0_i32 : i32, i32
  }
}

module attributes {stable_mosaic.version = 14 : i64} {
  func.func @_attn_body(%arg0: i32, %arg1: i32, %arg2: memref<512x128xf32, #tpu.memory_space<vmem>>, %arg3: memref<2048x128xf32, #tpu.memory_space<vmem>>, %arg4: memref<2048x128xf32, #tpu.memory_space<vmem>>, %arg5: memref<512x128xf32, #tpu.memory_space<vmem>>) attributes {dimension_semantics = [#tpu.dimension_semantics<arbitrary>, #tpu.dimension_semantics<arbitrary>], iteration_bounds = array<i64: 6, 4>, scalar_prefetch = 0 : i64, scratch_operands = 0 : i64, tpu.core_type = #tpu.core_type<tc>, window_params = [{transform_indices = @transform_0, window_bounds = array<i64: 512, 128>}, {transform_indices = @transform_1, window_bounds = array<i64: 2048, 128>}, {transform_indices = @transform_2, window_bounds = array<i64: 2048, 128>}, {transform_indices = @transform_3, window_bounds = array<i64: 512, 128>}]} {
    %get3A = arith.constant 0 : index
    %get3A_0 = arith.constant 0 : index
    %get3A_1 = vector.load %arg2[%get3A, %get3A_0] : memref<512x128xf32, #tpu.memory_space<vmem>>, vector<512x64xf32>
    %get3A_2 = arith.constant 0 : index
    %get3A_3 = arith.constant 0 : index
    %get3A_4 = vector.load %arg3[%get3A_2, %get3A_3] : memref<2048x128xf32, #tpu.memory_space<vmem>>, vector<2048x64xf32>
    %dot_general3A = arith.constant dense<0.000000e+00> : vector<512x2048xf32>
    %dot_general3A_5 = tpu.matmul %get3A_1, %get3A_4, %dot_general3A {dimension_numbers = #tpu.dot_dimension_numbers<[1], [1], [0], [0], [0, 0, 1, 0], [], []>, transpose_lhs_hint = false} : vector<512x64xf32>, vector<2048x64xf32>, vector<512x2048xf32> -> vector<512x2048xf32>
    %mul3A = arith.constant 1.250000e-01 : f32
    %mul3A_6 = vector.broadcast %mul3A : f32 to vector<512x2048xf32>
    %mul3A_7 = arith.mulf %dot_general3A_5, %mul3A_6 : vector<512x2048xf32>
    %mul3A_8 = arith.constant 512 : i32
    %mul3A_9 = arith.muli %arg1, %mul3A_8 : i32
    %iota3A = tpu.iota {dimensions = array<i32: 0>} : vector<512x2048xi32>
    %add3A = vector.broadcast %mul3A_9 : i32 to vector<512x2048xi32>
    %add3A_10 = arith.addi %add3A, %iota3A : vector<512x2048xi32>
    %iota3A_11 = tpu.iota {dimensions = array<i32: 1>} : vector<512x2048xi32>
    %le3A = arith.cmpi sle, %iota3A_11, %add3A_10 : vector<512x2048xi32>
    %jit3A = arith.constant -1.000000e+09 : f32
    %broadcast_in_dim3A = vector.broadcast %jit3A : f32 to vector<512x2048xf32>
    %select_n3A = arith.select %le3A, %mul3A_7, %broadcast_in_dim3A : vector<512x2048xi1>, vector<512x2048xf32>
    %reduce_max3A = arith.constant dense<0xFF800000> : vector<512xf32>
    %reduce_max3A_12 = vector.multi_reduction <maximumf>, %select_n3A, %reduce_max3A [1] : vector<512x2048xf32> to vector<512xf32>
    %broadcast_in_dim3A_13 = vector.shape_cast %reduce_max3A_12 : vector<512xf32> to vector<512x1xf32>
    %sub3A = vector.broadcast %broadcast_in_dim3A_13 : vector<512x1xf32> to vector<512x2048xf32>
    %sub3A_14 = arith.subf %select_n3A, %sub3A : vector<512x2048xf32>
    %exp3A = math.exp %sub3A_14 : vector<512x2048xf32>
    %reduce_sum3A = arith.constant dense<0.000000e+00> : vector<512xf32>
    %reduce_sum3A_15 = vector.multi_reduction <add>, %exp3A, %reduce_sum3A [1] : vector<512x2048xf32> to vector<512xf32>
    %broadcast_in_dim3A_16 = vector.shape_cast %reduce_sum3A_15 : vector<512xf32> to vector<512x1xf32>
    %div3A = vector.broadcast %broadcast_in_dim3A_16 : vector<512x1xf32> to vector<512x2048xf32>
    %div3A_17 = arith.divf %exp3A, %div3A : vector<512x2048xf32>
    %get3A_18 = arith.constant 0 : index
    %get3A_19 = arith.constant 0 : index
    %get3A_20 = vector.load %arg4[%get3A_18, %get3A_19] : memref<2048x128xf32, #tpu.memory_space<vmem>>, vector<2048x64xf32>
    %dot_general3A_21 = arith.constant dense<0.000000e+00> : vector<512x64xf32>
    %dot_general3A_22 = tpu.matmul %div3A_17, %get3A_20, %dot_general3A_21 {dimension_numbers = #tpu.dot_dimension_numbers<[1], [0], [0], [1], [0, 0, 1, 1], [], []>, transpose_lhs_hint = false} : vector<512x2048xf32>, vector<2048x64xf32>, vector<512x64xf32> -> vector<512x64xf32>
    %swap3A = arith.constant 0 : index
    %swap3A_23 = arith.constant 0 : index
    %swap3A_24 = vector.load %arg5[%swap3A, %swap3A_23] : memref<512x128xf32, #tpu.memory_space<vmem>>, vector<512x64xf32>
    tpu.vector_store %arg5[%swap3A, %swap3A_23], %dot_general3A_22 {strides = array<i32>} : memref<512x128xf32, #tpu.memory_space<vmem>>, vector<512x64xf32>,
    %get3A_25 = arith.constant 0 : index
    %get3A_26 = arith.constant 64 : index
    %get3A_27 = vector.load %arg2[%get3A_25, %get3A_26] : memref<512x128xf32, #tpu.memory_space<vmem>>, vector<512x64xf32>
    %get3A_28 = arith.constant 0 : index
    %get3A_29 = arith.constant 64 : index
    %get3A_30 = vector.load %arg3[%get3A_28, %get3A_29] : memref<2048x128xf32, #tpu.memory_space<vmem>>, vector<2048x64xf32>
    %dot_general3A_31 = arith.constant dense<0.000000e+00> : vector<512x2048xf32>
    %dot_general3A_32 = tpu.matmul %get3A_27, %get3A_30, %dot_general3A_31 {dimension_numbers = #tpu.dot_dimension_numbers<[1], [1], [0], [0], [0, 0, 1, 0], [], []>, transpose_lhs_hint = false} : vector<512x64xf32>, vector<2048x64xf32>, vector<512x2048xf32> -> vector<512x2048xf32>
    %mul3A_33 = arith.constant 1.250000e-01 : f32
    %mul3A_34 = vector.broadcast %mul3A_33 : f32 to vector<512x2048xf32>
    %mul3A_35 = arith.mulf %dot_general3A_32, %mul3A_34 : vector<512x2048xf32>
    %mul3A_36 = arith.constant 512 : i32
    %mul3A_37 = arith.muli %arg1, %mul3A_36 : i32
    %iota3A_38 = tpu.iota {dimensions = array<i32: 0>} : vector<512x2048xi32>
    %add3A_39 = vector.broadcast %mul3A_37 : i32 to vector<512x2048xi32>
    %add3A_40 = arith.addi %add3A_39, %iota3A_38 : vector<512x2048xi32>
    %iota3A_41 = tpu.iota {dimensions = array<i32: 1>} : vector<512x2048xi32>
    %le3A_42 = arith.cmpi sle, %iota3A_41, %add3A_40 : vector<512x2048xi32>
    %jit3A_43 = arith.constant -1.000000e+09 : f32
    %broadcast_in_dim3A_44 = vector.broadcast %jit3A_43 : f32 to vector<512x2048xf32>
    %select_n3A_45 = arith.select %le3A_42, %mul3A_35, %broadcast_in_dim3A_44 : vector<512x2048xi1>, vector<512x2048xf32>
    %reduce_max3A_46 = arith.constant dense<0xFF800000> : vector<512xf32>
    %reduce_max3A_47 = vector.multi_reduction <maximumf>, %select_n3A_45, %reduce_max3A_46 [1] : vector<512x2048xf32> to vector<512xf32>
    %broadcast_in_dim3A_48 = vector.shape_cast %reduce_max3A_47 : vector<512xf32> to vector<512x1xf32>
    %sub3A_49 = vector.broadcast %broadcast_in_dim3A_48 : vector<512x1xf32> to vector<512x2048xf32>
    %sub3A_50 = arith.subf %select_n3A_45, %sub3A_49 : vector<512x2048xf32>
    %exp3A_51 = math.exp %sub3A_50 : vector<512x2048xf32>
    %reduce_sum3A_52 = arith.constant dense<0.000000e+00> : vector<512xf32>
    %reduce_sum3A_53 = vector.multi_reduction <add>, %exp3A_51, %reduce_sum3A_52 [1] : vector<512x2048xf32> to vector<512xf32>
    %broadcast_in_dim3A_54 = vector.shape_cast %reduce_sum3A_53 : vector<512xf32> to vector<512x1xf32>
    %div3A_55 = vector.broadcast %broadcast_in_dim3A_54 : vector<512x1xf32> to vector<512x2048xf32>
    %div3A_56 = arith.divf %exp3A_51, %div3A_55 : vector<512x2048xf32>
    %get3A_57 = arith.constant 0 : index
    %get3A_58 = arith.constant 64 : index
    %get3A_59 = vector.load %arg4[%get3A_57, %get3A_58] : memref<2048x128xf32, #tpu.memory_space<vmem>>, vector<2048x64xf32>
    %dot_general3A_60 = arith.constant dense<0.000000e+00> : vector<512x64xf32>
    %dot_general3A_61 = tpu.matmul %div3A_56, %get3A_59, %dot_general3A_60 {dimension_numbers = #tpu.dot_dimension_numbers<[1], [0], [0], [1], [0, 0, 1, 1], [], []>, transpose_lhs_hint = false} : vector<512x2048xf32>, vector<2048x64xf32>, vector<512x64xf32> -> vector<512x64xf32>
    %swap3A_62 = arith.constant 0 : index
    %swap3A_63 = arith.constant 64 : index
    %swap3A_64 = vector.load %arg5[%swap3A_62, %swap3A_63] : memref<512x128xf32, #tpu.memory_space<vmem>>, vector<512x64xf32>
    tpu.vector_store %arg5[%swap3A_62, %swap3A_63], %dot_general3A_61 {strides = array<i32>} : memref<512x128xf32, #tpu.memory_space<vmem>>, vector<512x64xf32>,
    return
  }
  func.func @transform_0(%arg0: i32, %arg1: i32) -> (i32, i32) {
    %c0_i32 = arith.constant 0 : i32
    return %arg1, %arg0 : i32, i32
  }
  func.func @transform_1(%arg0: i32, %arg1: i32) -> (i32, i32) {
    %add3A = arith.constant 6 : i32
    %add3A_0 = arith.addi %add3A, %arg0 : i32
    %c0_i32 = arith.constant 0 : i32
    %c0_i32_1 = arith.constant 0 : i32
    return %c0_i32, %add3A_0 : i32, i32
  }
  func.func @transform_2(%arg0: i32, %arg1: i32) -> (i32, i32) {
    %add3A = arith.constant 12 : i32
    %add3A_0 = arith.addi %add3A, %arg0 : i32
    %c0_i32 = arith.constant 0 : i32
    %c0_i32_1 = arith.constant 0 : i32
    return %c0_i32, %add3A_0 : i32, i32
  }
  func.func @transform_3(%arg0: i32, %arg1: i32) -> (i32, i32) {
    %c0_i32 = arith.constant 0 : i32
    return %arg1, %arg0 : i32, i32
  }
}

module attributes {stable_mosaic.version = 14 : i64} {
  func.func @_proj_res_body(%arg0: i32, %arg1: memref<256x768xf32, #tpu.memory_space<vmem>>, %arg2: memref<768x768xf32, #tpu.memory_space<vmem>>, %arg3: memref<1x768xf32, #tpu.memory_space<vmem>>, %arg4: memref<256x768xf32, #tpu.memory_space<vmem>>, %arg5: memref<256x768xf32, #tpu.memory_space<vmem>>) attributes {dimension_semantics = [#tpu.dimension_semantics<arbitrary>], iteration_bounds = array<i64: 8>, scalar_prefetch = 0 : i64, scratch_operands = 0 : i64, tpu.core_type = #tpu.core_type<tc>, window_params = [{transform_indices = @transform_0, window_bounds = array<i64: 256, 768>}, {pipeline_mode = #tpu.pipeline_mode<synchronous>, transform_indices = @transform_1, window_bounds = array<i64: 768, 768>}, {pipeline_mode = #tpu.pipeline_mode<synchronous>, transform_indices = @transform_2, window_bounds = array<i64: 1, 768>}, {transform_indices = @transform_3, window_bounds = array<i64: 256, 768>}, {transform_indices = @transform_4, window_bounds = array<i64: 256, 768>}]} {
    %get3A = arith.constant 0 : index
    %get3A_0 = arith.constant 0 : index
    %get3A_1 = vector.load %arg1[%get3A, %get3A_0] : memref<256x768xf32, #tpu.memory_space<vmem>>, vector<256x768xf32>
    %get3A_2 = arith.constant 0 : index
    %get3A_3 = arith.constant 0 : index
    %get3A_4 = vector.load %arg2[%get3A_2, %get3A_3] : memref<768x768xf32, #tpu.memory_space<vmem>>, vector<768x768xf32>
    %dot_general3A = arith.constant dense<0.000000e+00> : vector<256x768xf32>
    %dot_general3A_5 = tpu.matmul %get3A_1, %get3A_4, %dot_general3A {dimension_numbers = #tpu.dot_dimension_numbers<[1], [0], [0], [1], [0, 0, 1, 1], [], []>, transpose_lhs_hint = false} : vector<256x768xf32>, vector<768x768xf32>, vector<256x768xf32> -> vector<256x768xf32>
    %get3A_6 = arith.constant 0 : index
    %get3A_7 = arith.constant 0 : index
    %get3A_8 = vector.load %arg3[%get3A_6, %get3A_7] : memref<1x768xf32, #tpu.memory_space<vmem>>, vector<1x768xf32>
    %add3A = vector.broadcast %get3A_8 : vector<1x768xf32> to vector<256x768xf32>
    %add3A_9 = arith.addf %dot_general3A_5, %add3A : vector<256x768xf32>
    %get3A_10 = arith.constant 0 : index
    %get3A_11 = arith.constant 0 : index
    %get3A_12 = vector.load %arg4[%get3A_10, %get3A_11] : memref<256x768xf32, #tpu.memory_space<vmem>>, vector<256x768xf32>
    %mul3A = arith.constant 1.000000e+00 : f32
    %mul3A_13 = vector.broadcast %mul3A : f32 to vector<256x768xf32>
    %mul3A_14 = arith.mulf %mul3A_13, %get3A_12 : vector<256x768xf32>
    %add3A_15 = arith.addf %add3A_9, %mul3A_14 : vector<256x768xf32>
    %swap3A = arith.constant 0 : index
    %swap3A_16 = arith.constant 0 : index
    %swap3A_17 = vector.load %arg5[%swap3A, %swap3A_16] : memref<256x768xf32, #tpu.memory_space<vmem>>, vector<256x768xf32>
    tpu.vector_store %arg5[%swap3A, %swap3A_16], %add3A_15 {strides = array<i32>} : memref<256x768xf32, #tpu.memory_space<vmem>>, vector<256x768xf32>,
    return
  }
  func.func @transform_0(%arg0: i32) -> (i32, i32) {
    %c0_i32 = arith.constant 0 : i32
    %c0_i32_0 = arith.constant 0 : i32
    return %arg0, %c0_i32 : i32, i32
  }
  func.func @transform_1(%arg0: i32) -> (i32, i32) {
    %c0_i32 = arith.constant 0 : i32
    %c0_i32_0 = arith.constant 0 : i32
    %c0_i32_1 = arith.constant 0 : i32
    return %c0_i32, %c0_i32_0 : i32, i32
  }
  func.func @transform_2(%arg0: i32) -> (i32, i32) {
    %c0_i32 = arith.constant 0 : i32
    %c0_i32_0 = arith.constant 0 : i32
    %c0_i32_1 = arith.constant 0 : i32
    return %c0_i32, %c0_i32_0 : i32, i32
  }
  func.func @transform_3(%arg0: i32) -> (i32, i32) {
    %c0_i32 = arith.constant 0 : i32
    %c0_i32_0 = arith.constant 0 : i32
    return %arg0, %c0_i32 : i32, i32
  }
  func.func @transform_4(%arg0: i32) -> (i32, i32) {
    %c0_i32 = arith.constant 0 : i32
    %c0_i32_0 = arith.constant 0 : i32
    return %arg0, %c0_i32 : i32, i32
  }
}

module attributes {stable_mosaic.version = 14 : i64} {
  func.func @_ffn_body(%arg0: i32, %arg1: memref<256x768xf32, #tpu.memory_space<vmem>>, %arg2: memref<1x768xf32, #tpu.memory_space<vmem>>, %arg3: memref<1x768xf32, #tpu.memory_space<vmem>>, %arg4: memref<768x3072xf32, #tpu.memory_space<vmem>>, %arg5: memref<1x3072xf32, #tpu.memory_space<vmem>>, %arg6: memref<3072x768xf32, #tpu.memory_space<vmem>>, %arg7: memref<1x768xf32, #tpu.memory_space<vmem>>, %arg8: memref<256x768xf32, #tpu.memory_space<vmem>>) attributes {dimension_semantics = [#tpu.dimension_semantics<arbitrary>], iteration_bounds = array<i64: 8>, scalar_prefetch = 0 : i64, scratch_operands = 0 : i64, tpu.core_type = #tpu.core_type<tc>, window_params = [{transform_indices = @transform_0, window_bounds = array<i64: 256, 768>}, {pipeline_mode = #tpu.pipeline_mode<synchronous>, transform_indices = @transform_1, window_bounds = array<i64: 1, 768>}, {pipeline_mode = #tpu.pipeline_mode<synchronous>, transform_indices = @transform_2, window_bounds = array<i64: 1, 768>}, {pipeline_mode = #tpu.pipeline_mode<synchronous>, transform_indices = @transform_3, window_bounds = array<i64: 768, 3072>}, {pipeline_mode = #tpu.pipeline_mode<synchronous>, transform_indices = @transform_4, window_bounds = array<i64: 1, 3072>}, {pipeline_mode = #tpu.pipeline_mode<synchronous>, transform_indices = @transform_5, window_bounds = array<i64: 3072, 768>}, {pipeline_mode = #tpu.pipeline_mode<synchronous>, transform_indices = @transform_6, window_bounds = array<i64: 1, 768>}, {transform_indices = @transform_7, window_bounds = array<i64: 256, 768>}]} {
    %get3A = arith.constant 0 : index
    %get3A_0 = arith.constant 0 : index
    %get3A_1 = vector.load %arg1[%get3A, %get3A_0] : memref<256x768xf32, #tpu.memory_space<vmem>>, vector<256x768xf32>
    %get3A_2 = arith.constant 0 : index
    %get3A_3 = arith.constant 0 : index
    %get3A_4 = vector.load %arg2[%get3A_2, %get3A_3] : memref<1x768xf32, #tpu.memory_space<vmem>>, vector<1x768xf32>
    %get3A_5 = arith.constant 0 : index
    %get3A_6 = arith.constant 0 : index
    %get3A_7 = vector.load %arg3[%get3A_5, %get3A_6] : memref<1x768xf32, #tpu.memory_space<vmem>>, vector<1x768xf32>
    %reduce_sum3A = arith.constant dense<0.000000e+00> : vector<256xf32>
    %reduce_sum3A_8 = vector.multi_reduction <add>, %get3A_1, %reduce_sum3A [1] : vector<256x768xf32> to vector<256xf32>
    %broadcast_in_dim3A = vector.shape_cast %reduce_sum3A_8 : vector<256xf32> to vector<256x1xf32>
    %div3A = arith.constant 7.680000e+02 : f32
    %div3A_9 = vector.broadcast %div3A : f32 to vector<256x1xf32>
    %div3A_10 = arith.divf %broadcast_in_dim3A, %div3A_9 : vector<256x1xf32>
    %sub3A = vector.broadcast %div3A_10 : vector<256x1xf32> to vector<256x768xf32>
    %sub3A_11 = arith.subf %get3A_1, %sub3A : vector<256x768xf32>
    %sub3A_12 = vector.broadcast %div3A_10 : vector<256x1xf32> to vector<256x768xf32>
    %sub3A_13 = arith.subf %get3A_1, %sub3A_12 : vector<256x768xf32>
    %mul3A = arith.mulf %sub3A_11, %sub3A_13 : vector<256x768xf32>
    %reduce_sum3A_14 = arith.constant dense<0.000000e+00> : vector<256xf32>
    %reduce_sum3A_15 = vector.multi_reduction <add>, %mul3A, %reduce_sum3A_14 [1] : vector<256x768xf32> to vector<256xf32>
    %broadcast_in_dim3A_16 = vector.shape_cast %reduce_sum3A_15 : vector<256xf32> to vector<256x1xf32>
    %div3A_17 = arith.constant 7.680000e+02 : f32
    %div3A_18 = vector.broadcast %div3A_17 : f32 to vector<256x1xf32>
    %div3A_19 = arith.divf %broadcast_in_dim3A_16, %div3A_18 : vector<256x1xf32>
    %sub3A_20 = vector.broadcast %div3A_10 : vector<256x1xf32> to vector<256x768xf32>
    %sub3A_21 = arith.subf %get3A_1, %sub3A_20 : vector<256x768xf32>
    %add3A = arith.constant 9.99999974E-6 : f32
    %add3A_22 = vector.broadcast %add3A : f32 to vector<256x1xf32>
    %add3A_23 = arith.addf %div3A_19, %add3A_22 : vector<256x1xf32>
    %rsqrt3A = math.rsqrt %add3A_23 : vector<256x1xf32>
    %mul3A_24 = vector.broadcast %rsqrt3A : vector<256x1xf32> to vector<256x768xf32>
    %mul3A_25 = arith.mulf %sub3A_21, %mul3A_24 : vector<256x768xf32>
    %mul3A_26 = vector.broadcast %get3A_4 : vector<1x768xf32> to vector<256x768xf32>
    %mul3A_27 = arith.mulf %mul3A_25, %mul3A_26 : vector<256x768xf32>
    %add3A_28 = vector.broadcast %get3A_7 : vector<1x768xf32> to vector<256x768xf32>
    %add3A_29 = arith.addf %mul3A_27, %add3A_28 : vector<256x768xf32>
    %get3A_30 = arith.constant 0 : index
    %get3A_31 = arith.constant 0 : index
    %get3A_32 = vector.load %arg4[%get3A_30, %get3A_31] : memref<768x3072xf32, #tpu.memory_space<vmem>>, vector<768x3072xf32>
    %dot_general3A = arith.constant dense<0.000000e+00> : vector<256x3072xf32>
    %dot_general3A_33 = tpu.matmul %add3A_29, %get3A_32, %dot_general3A {dimension_numbers = #tpu.dot_dimension_numbers<[1], [0], [0], [1], [0, 0, 1, 1], [], []>, transpose_lhs_hint = false} : vector<256x768xf32>, vector<768x3072xf32>, vector<256x3072xf32> -> vector<256x3072xf32>
    %get3A_34 = arith.constant 0 : index
    %get3A_35 = arith.constant 0 : index
    %get3A_36 = vector.load %arg5[%get3A_34, %get3A_35] : memref<1x3072xf32, #tpu.memory_space<vmem>>, vector<1x3072xf32>
    %add3A_37 = vector.broadcast %get3A_36 : vector<1x3072xf32> to vector<256x3072xf32>
    %add3A_38 = arith.addf %dot_general3A_33, %add3A_37 : vector<256x3072xf32>
    %integer_pow3A = arith.mulf %add3A_38, %add3A_38 : vector<256x3072xf32>
    %integer_pow3A_39 = arith.mulf %add3A_38, %integer_pow3A : vector<256x3072xf32>
    %mul3A_40 = arith.constant 4.471500e-02 : f32
    %mul3A_41 = vector.broadcast %mul3A_40 : f32 to vector<256x3072xf32>
    %mul3A_42 = arith.mulf %mul3A_41, %integer_pow3A_39 : vector<256x3072xf32>
    %add3A_43 = arith.addf %add3A_38, %mul3A_42 : vector<256x3072xf32>
    %mul3A_44 = arith.constant 0.797884583 : f32
    %mul3A_45 = vector.broadcast %mul3A_44 : f32 to vector<256x3072xf32>
    %mul3A_46 = arith.mulf %mul3A_45, %add3A_43 : vector<256x3072xf32>
    %tanh3A = math.tanh %mul3A_46 : vector<256x3072xf32>
    %add3A_47 = arith.constant 1.000000e+00 : f32
    %add3A_48 = vector.broadcast %add3A_47 : f32 to vector<256x3072xf32>
    %add3A_49 = arith.addf %add3A_48, %tanh3A : vector<256x3072xf32>
    %mul3A_50 = arith.constant 5.000000e-01 : f32
    %mul3A_51 = vector.broadcast %mul3A_50 : f32 to vector<256x3072xf32>
    %mul3A_52 = arith.mulf %mul3A_51, %add3A_49 : vector<256x3072xf32>
    %mul3A_53 = arith.mulf %add3A_38, %mul3A_52 : vector<256x3072xf32>
    %get3A_54 = arith.constant 0 : index
    %get3A_55 = arith.constant 0 : index
    %get3A_56 = vector.load %arg6[%get3A_54, %get3A_55] : memref<3072x768xf32, #tpu.memory_space<vmem>>, vector<3072x768xf32>
    %dot_general3A_57 = arith.constant dense<0.000000e+00> : vector<256x768xf32>
    %dot_general3A_58 = tpu.matmul %mul3A_53, %get3A_56, %dot_general3A_57 {dimension_numbers = #tpu.dot_dimension_numbers<[1], [0], [0], [1], [0, 0, 1, 1], [], []>, transpose_lhs_hint = false} : vector<256x3072xf32>, vector<3072x768xf32>, vector<256x768xf32> -> vector<256x768xf32>
    %get3A_59 = arith.constant 0 : index
    %get3A_60 = arith.constant 0 : index
    %get3A_61 = vector.load %arg7[%get3A_59, %get3A_60] : memref<1x768xf32, #tpu.memory_space<vmem>>, vector<1x768xf32>
    %add3A_62 = vector.broadcast %get3A_61 : vector<1x768xf32> to vector<256x768xf32>
    %add3A_63 = arith.addf %dot_general3A_58, %add3A_62 : vector<256x768xf32>
    %get3A_64 = arith.constant 0 : index
    %get3A_65 = arith.constant 0 : index
    %get3A_66 = vector.load %arg1[%get3A_64, %get3A_65] : memref<256x768xf32, #tpu.memory_space<vmem>>, vector<256x768xf32>
    %add3A_67 = arith.addf %add3A_63, %get3A_66 : vector<256x768xf32>
    %swap3A = arith.constant 0 : index
    %swap3A_68 = arith.constant 0 : index
    %swap3A_69 = vector.load %arg8[%swap3A, %swap3A_68] : memref<256x768xf32, #tpu.memory_space<vmem>>, vector<256x768xf32>
    tpu.vector_store %arg8[%swap3A, %swap3A_68], %add3A_67 {strides = array<i32>} : memref<256x768xf32, #tpu.memory_space<vmem>>, vector<256x768xf32>,
    return
  }
  func.func @transform_0(%arg0: i32) -> (i32, i32) {
    %c0_i32 = arith.constant 0 : i32
    %c0_i32_0 = arith.constant 0 : i32
    return %arg0, %c0_i32 : i32, i32
  }
  func.func @transform_1(%arg0: i32) -> (i32, i32) {
    %c0_i32 = arith.constant 0 : i32
    %c0_i32_0 = arith.constant 0 : i32
    %c0_i32_1 = arith.constant 0 : i32
    return %c0_i32, %c0_i32_0 : i32, i32
  }
  func.func @transform_2(%arg0: i32) -> (i32, i32) {
    %c0_i32 = arith.constant 0 : i32
    %c0_i32_0 = arith.constant 0 : i32
    %c0_i32_1 = arith.constant 0 : i32
    return %c0_i32, %c0_i32_0 : i32, i32
  }
  func.func @transform_3(%arg0: i32) -> (i32, i32) {
    %c0_i32 = arith.constant 0 : i32
    %c0_i32_0 = arith.constant 0 : i32
    %c0_i32_1 = arith.constant 0 : i32
    return %c0_i32, %c0_i32_0 : i32, i32
  }
  func.func @transform_4(%arg0: i32) -> (i32, i32) {
    %c0_i32 = arith.constant 0 : i32
    %c0_i32_0 = arith.constant 0 : i32
    %c0_i32_1 = arith.constant 0 : i32
    return %c0_i32, %c0_i32_0 : i32, i32
  }
  func.func @transform_5(%arg0: i32) -> (i32, i32) {
    %c0_i32 = arith.constant 0 : i32
    %c0_i32_0 = arith.constant 0 : i32
    %c0_i32_1 = arith.constant 0 : i32
    return %c0_i32, %c0_i32_0 : i32, i32
  }
  func.func @transform_6(%arg0: i32) -> (i32, i32) {
    %c0_i32 = arith.constant 0 : i32
    %c0_i32_0 = arith.constant 0 : i32
    %c0_i32_1 = arith.constant 0 : i32
    return %c0_i32, %c0_i32_0 : i32, i32
  }
  func.func @transform_7(%arg0: i32) -> (i32, i32) {
    %c0_i32 = arith.constant 0 : i32
    %c0_i32_0 = arith.constant 0 : i32
    return %arg0, %c0_i32 : i32, i32
  }
}

module attributes {stable_mosaic.version = 14 : i64} {
  func.func @_route_body(%arg0: memref<2048x768xf32, #tpu.memory_space<vmem>>, %arg1: memref<1x768xf32, #tpu.memory_space<vmem>>, %arg2: memref<1x768xf32, #tpu.memory_space<vmem>>, %arg3: memref<768x128xf32, #tpu.memory_space<vmem>>, %arg4: memref<2056x768xf32, #tpu.memory_space<vmem>>, %arg5: memref<2048x1xi32, #tpu.memory_space<vmem>>, %arg6: memref<2048x1xi32, #tpu.memory_space<vmem>>, %arg7: memref<2048x1xi32, #tpu.memory_space<vmem>>, %arg8: memref<2048x1xi32, #tpu.memory_space<vmem>>, %arg9: memref<2048x1xf32, #tpu.memory_space<vmem>>, %arg10: memref<2048x1xf32, #tpu.memory_space<vmem>>, %arg11: memref<1x1xf32, #tpu.memory_space<vmem>>, %arg12: memref<2048x128xf32, #tpu.memory_space<vmem>>, %arg13: memref<2048x128xf32, #tpu.memory_space<vmem>>) attributes {dimension_semantics = [], scalar_prefetch = 0 : i64, scratch_operands = 2 : i64, tpu.core_type = #tpu.core_type<tc>} {
    %get3A = arith.constant 0 : index
    %get3A_0 = arith.constant 0 : index
    %get3A_1 = vector.load %arg0[%get3A, %get3A_0] : memref<2048x768xf32, #tpu.memory_space<vmem>>, vector<2048x768xf32>
    %get3A_2 = arith.constant 0 : index
    %get3A_3 = arith.constant 0 : index
    %get3A_4 = vector.load %arg1[%get3A_2, %get3A_3] : memref<1x768xf32, #tpu.memory_space<vmem>>, vector<1x768xf32>
    %get3A_5 = arith.constant 0 : index
    %get3A_6 = arith.constant 0 : index
    %get3A_7 = vector.load %arg2[%get3A_5, %get3A_6] : memref<1x768xf32, #tpu.memory_space<vmem>>, vector<1x768xf32>
    %reduce_sum3A = arith.constant dense<0.000000e+00> : vector<2048xf32>
    %reduce_sum3A_8 = vector.multi_reduction <add>, %get3A_1, %reduce_sum3A [1] : vector<2048x768xf32> to vector<2048xf32>
    %broadcast_in_dim3A = vector.shape_cast %reduce_sum3A_8 : vector<2048xf32> to vector<2048x1xf32>
    %div3A = arith.constant 7.680000e+02 : f32
    %div3A_9 = vector.broadcast %div3A : f32 to vector<2048x1xf32>
    %div3A_10 = arith.divf %broadcast_in_dim3A, %div3A_9 : vector<2048x1xf32>
    %sub3A = vector.broadcast %div3A_10 : vector<2048x1xf32> to vector<2048x768xf32>
    %sub3A_11 = arith.subf %get3A_1, %sub3A : vector<2048x768xf32>
    %sub3A_12 = vector.broadcast %div3A_10 : vector<2048x1xf32> to vector<2048x768xf32>
    %sub3A_13 = arith.subf %get3A_1, %sub3A_12 : vector<2048x768xf32>
    %mul3A = arith.mulf %sub3A_11, %sub3A_13 : vector<2048x768xf32>
    %reduce_sum3A_14 = arith.constant dense<0.000000e+00> : vector<2048xf32>
    %reduce_sum3A_15 = vector.multi_reduction <add>, %mul3A, %reduce_sum3A_14 [1] : vector<2048x768xf32> to vector<2048xf32>
    %broadcast_in_dim3A_16 = vector.shape_cast %reduce_sum3A_15 : vector<2048xf32> to vector<2048x1xf32>
    %div3A_17 = arith.constant 7.680000e+02 : f32
    %div3A_18 = vector.broadcast %div3A_17 : f32 to vector<2048x1xf32>
    %div3A_19 = arith.divf %broadcast_in_dim3A_16, %div3A_18 : vector<2048x1xf32>
    %sub3A_20 = vector.broadcast %div3A_10 : vector<2048x1xf32> to vector<2048x768xf32>
    %sub3A_21 = arith.subf %get3A_1, %sub3A_20 : vector<2048x768xf32>
    %add3A = arith.constant 9.99999974E-6 : f32
    %add3A_22 = vector.broadcast %add3A : f32 to vector<2048x1xf32>
    %add3A_23 = arith.addf %div3A_19, %add3A_22 : vector<2048x1xf32>
    %rsqrt3A = math.rsqrt %add3A_23 : vector<2048x1xf32>
    %mul3A_24 = vector.broadcast %rsqrt3A : vector<2048x1xf32> to vector<2048x768xf32>
    %mul3A_25 = arith.mulf %sub3A_21, %mul3A_24 : vector<2048x768xf32>
    %mul3A_26 = vector.broadcast %get3A_4 : vector<1x768xf32> to vector<2048x768xf32>
    %mul3A_27 = arith.mulf %mul3A_25, %mul3A_26 : vector<2048x768xf32>
    %add3A_28 = vector.broadcast %get3A_7 : vector<1x768xf32> to vector<2048x768xf32>
    %add3A_29 = arith.addf %mul3A_27, %add3A_28 : vector<2048x768xf32>
    %swap3A = arith.constant 0 : index
    %swap3A_30 = arith.constant 0 : index
    %swap3A_31 = vector.load %arg4[%swap3A, %swap3A_30] : memref<2056x768xf32, #tpu.memory_space<vmem>>, vector<2048x768xf32>
    tpu.vector_store %arg4[%swap3A, %swap3A_30], %add3A_29 {strides = array<i32>} : memref<2056x768xf32, #tpu.memory_space<vmem>>, vector<2048x768xf32>,
    %broadcast_in_dim3A_32 = arith.constant 0.000000e+00 : f32
    %broadcast_in_dim3A_33 = vector.broadcast %broadcast_in_dim3A_32 : f32 to vector<8x768xf32>
    %swap3A_34 = arith.constant 2048 : index
    %swap3A_35 = arith.constant 0 : index
    %swap3A_36 = vector.load %arg4[%swap3A_34, %swap3A_35] : memref<2056x768xf32, #tpu.memory_space<vmem>>, vector<8x768xf32>
    tpu.vector_store %arg4[%swap3A_34, %swap3A_35], %broadcast_in_dim3A_33 {strides = array<i32>} : memref<2056x768xf32, #tpu.memory_space<vmem>>, vector<8x768xf32>,
    %get3A_37 = arith.constant 0 : index
    %get3A_38 = arith.constant 0 : index
    %get3A_39 = vector.load %arg3[%get3A_37, %get3A_38] : memref<768x128xf32, #tpu.memory_space<vmem>>, vector<768x128xf32>
    %dot_general3A = arith.constant dense<0.000000e+00> : vector<2048x128xf32>
    %dot_general3A_40 = tpu.matmul %add3A_29, %get3A_39, %dot_general3A {dimension_numbers = #tpu.dot_dimension_numbers<[1], [0], [0], [1], [0, 0, 1, 1], [], []>, transpose_lhs_hint = false} : vector<2048x768xf32>, vector<768x128xf32>, vector<2048x128xf32> -> vector<2048x128xf32>
    %iota3A = tpu.iota {dimensions = array<i32: 1>} : vector<2048x128xi32>
    %lt3A = arith.constant 8 : i32
    %lt3A_41 = vector.broadcast %lt3A : i32 to vector<2048x128xi32>
    %lt3A_42 = arith.cmpi slt, %iota3A, %lt3A_41 : vector<2048x128xi32>
    %jit3A = arith.constant -1.000000e+09 : f32
    %broadcast_in_dim3A_43 = vector.broadcast %jit3A : f32 to vector<2048x128xf32>
    %select_n3A = arith.select %lt3A_42, %dot_general3A_40, %broadcast_in_dim3A_43 : vector<2048x128xi1>, vector<2048x128xf32>
    %reduce_max3A = arith.constant dense<0xFF800000> : vector<2048xf32>
    %reduce_max3A_44 = vector.multi_reduction <maximumf>, %select_n3A, %reduce_max3A [1] : vector<2048x128xf32> to vector<2048xf32>
    %broadcast_in_dim3A_45 = vector.shape_cast %reduce_max3A_44 : vector<2048xf32> to vector<2048x1xf32>
    %sub3A_46 = vector.broadcast %broadcast_in_dim3A_45 : vector<2048x1xf32> to vector<2048x128xf32>
    %sub3A_47 = arith.subf %dot_general3A_40, %sub3A_46 : vector<2048x128xf32>
    %exp3A = math.exp %sub3A_47 : vector<2048x128xf32>
    %jit3A_48 = arith.constant 0.000000e+00 : f32
    %broadcast_in_dim3A_49 = vector.broadcast %jit3A_48 : f32 to vector<2048x128xf32>
    %select_n3A_50 = arith.select %lt3A_42, %exp3A, %broadcast_in_dim3A_49 : vector<2048x128xi1>, vector<2048x128xf32>
    %reduce_sum3A_51 = arith.constant dense<0.000000e+00> : vector<2048xf32>
    %reduce_sum3A_52 = vector.multi_reduction <add>, %select_n3A_50, %reduce_sum3A_51 [1] : vector<2048x128xf32> to vector<2048xf32>
    %broadcast_in_dim3A_53 = vector.shape_cast %reduce_sum3A_52 : vector<2048xf32> to vector<2048x1xf32>
    %div3A_54 = vector.broadcast %broadcast_in_dim3A_53 : vector<2048x1xf32> to vector<2048x128xf32>
    %div3A_55 = arith.divf %select_n3A_50, %div3A_54 : vector<2048x128xf32>
    %reduce_max3A_56 = arith.constant dense<0xFF800000> : vector<2048xf32>
    %reduce_max3A_57 = vector.multi_reduction <maximumf>, %div3A_55, %reduce_max3A_56 [1] : vector<2048x128xf32> to vector<2048xf32>
    %broadcast_in_dim3A_58 = vector.shape_cast %reduce_max3A_57 : vector<2048xf32> to vector<2048x1xf32>
    %eq3A = vector.broadcast %broadcast_in_dim3A_58 : vector<2048x1xf32> to vector<2048x128xf32>
    %eq3A_59 = arith.cmpf oeq, %div3A_55, %eq3A : vector<2048x128xf32>
    %and3A = arith.andi %eq3A_59, %lt3A_42 : vector<2048x128xi1>
    %jit3A_60 = arith.constant 128 : i32
    %broadcast_in_dim3A_61 = vector.broadcast %jit3A_60 : i32 to vector<2048x128xi32>
    %select_n3A_62 = arith.select %and3A, %iota3A, %broadcast_in_dim3A_61 : vector<2048x128xi1>, vector<2048x128xi32>
    %reduce_min3A = arith.constant dense<2147483647> : vector<2048xi32>
    %reduce_min3A_63 = vector.multi_reduction <minsi>, %select_n3A_62, %reduce_min3A [1] : vector<2048x128xi32> to vector<2048xi32>
    %broadcast_in_dim3A_64 = vector.shape_cast %reduce_min3A_63 : vector<2048xi32> to vector<2048x1xi32>
    %eq3A_65 = vector.broadcast %broadcast_in_dim3A_64 : vector<2048x1xi32> to vector<2048x128xi32>
    %eq3A_66 = arith.cmpi eq, %iota3A, %eq3A_65 : vector<2048x128xi32>
    %convert_element_type3A = arith.extui %eq3A_66 : vector<2048x128xi1> to vector<2048x128xi32>
    %convert_element_type3A_67 = arith.sitofp %convert_element_type3A : vector<2048x128xi32> to vector<2048x128xf32>
    %sub3A_68 = arith.constant 1.000000e+00 : f32
    %sub3A_69 = vector.broadcast %sub3A_68 : f32 to vector<2048x128xf32>
    %sub3A_70 = arith.subf %sub3A_69, %convert_element_type3A_67 : vector<2048x128xf32>
    %mul3A_71 = arith.mulf %div3A_55, %sub3A_70 : vector<2048x128xf32>
    %reduce_max3A_72 = arith.constant dense<0xFF800000> : vector<2048xf32>
    %reduce_max3A_73 = vector.multi_reduction <maximumf>, %mul3A_71, %reduce_max3A_72 [1] : vector<2048x128xf32> to vector<2048xf32>
    %broadcast_in_dim3A_74 = vector.shape_cast %reduce_max3A_73 : vector<2048xf32> to vector<2048x1xf32>
    %eq3A_75 = vector.broadcast %broadcast_in_dim3A_74 : vector<2048x1xf32> to vector<2048x128xf32>
    %eq3A_76 = arith.cmpf oeq, %mul3A_71, %eq3A_75 : vector<2048x128xf32>
    %and3A_77 = arith.andi %eq3A_76, %lt3A_42 : vector<2048x128xi1>
    %jit3A_78 = arith.constant 128 : i32
    %broadcast_in_dim3A_79 = vector.broadcast %jit3A_78 : i32 to vector<2048x128xi32>
    %select_n3A_80 = arith.select %and3A_77, %iota3A, %broadcast_in_dim3A_79 : vector<2048x128xi1>, vector<2048x128xi32>
    %reduce_min3A_81 = arith.constant dense<2147483647> : vector<2048xi32>
    %reduce_min3A_82 = vector.multi_reduction <minsi>, %select_n3A_80, %reduce_min3A_81 [1] : vector<2048x128xi32> to vector<2048xi32>
    %broadcast_in_dim3A_83 = vector.shape_cast %reduce_min3A_82 : vector<2048xi32> to vector<2048x1xi32>
    %eq3A_84 = vector.broadcast %broadcast_in_dim3A_83 : vector<2048x1xi32> to vector<2048x128xi32>
    %eq3A_85 = arith.cmpi eq, %iota3A, %eq3A_84 : vector<2048x128xi32>
    %convert_element_type3A_86 = arith.extui %eq3A_85 : vector<2048x128xi1> to vector<2048x128xi32>
    %convert_element_type3A_87 = arith.sitofp %convert_element_type3A_86 : vector<2048x128xi32> to vector<2048x128xf32>
    %reduce_sum3A_88 = arith.constant dense<0.000000e+00> : vector<128xf32>
    %reduce_sum3A_89 = vector.multi_reduction <add>, %convert_element_type3A_67, %reduce_sum3A_88 [0] : vector<2048x128xf32> to vector<128xf32>
    %broadcast_in_dim3A_90 = vector.shape_cast %reduce_sum3A_89 : vector<128xf32> to vector<1x128xf32>
    %iota3A_91 = tpu.iota {dimensions = array<i32: 0>} : vector<128x128xi32>
    %iota3A_92 = tpu.iota {dimensions = array<i32: 1>} : vector<128x128xi32>
    %gt3A = arith.cmpi sgt, %iota3A_91, %iota3A_92 : vector<128x128xi32>
    %convert_element_type3A_93 = arith.extui %gt3A : vector<128x128xi1> to vector<128x128xi32>
    %convert_element_type3A_94 = arith.sitofp %convert_element_type3A_93 : vector<128x128xi32> to vector<128x128xf32>
    %broadcast_in_dim3A_95 = arith.constant 0.000000e+00 : f32
    %broadcast_in_dim3A_96 = vector.broadcast %broadcast_in_dim3A_95 : f32 to vector<1x128xf32>
    %slice3A = vector.extract_strided_slice %convert_element_type3A_67 {offsets = [0, 0], sizes = [128, 128], strides = [1, 1]} : vector<2048x128xf32> to vector<128x128xf32>
    %slice3A_97 = vector.extract_strided_slice %convert_element_type3A_87 {offsets = [0, 0], sizes = [128, 128], strides = [1, 1]} : vector<2048x128xf32> to vector<128x128xf32>
    %dot_general3A_98 = arith.constant dense<0.000000e+00> : vector<128x128xf32>
    %dot_general3A_99 = tpu.matmul %convert_element_type3A_94, %slice3A, %dot_general3A_98 {dimension_numbers = #tpu.dot_dimension_numbers<[1], [0], [0], [1], [0, 0, 1, 1], [], []>, transpose_lhs_hint = false} : vector<128x128xf32>, vector<128x128xf32>, vector<128x128xf32> -> vector<128x128xf32>
    %add3A_100 = vector.broadcast %broadcast_in_dim3A_96 : vector<1x128xf32> to vector<128x128xf32>
    %add3A_101 = arith.addf %dot_general3A_99, %add3A_100 : vector<128x128xf32>
    %swap3A_102 = arith.constant 0 : index
    %swap3A_103 = arith.constant 0 : index
    %swap3A_104 = vector.load %arg12[%swap3A_102, %swap3A_103] : memref<2048x128xf32, #tpu.memory_space<vmem>>, vector<128x128xf32>
    tpu.vector_store %arg12[%swap3A_102, %swap3A_103], %add3A_101 {strides = array<i32>} : memref<2048x128xf32, #tpu.memory_space<vmem>>, vector<128x128xf32>,
    %dot_general3A_105 = arith.constant dense<0.000000e+00> : vector<128x128xf32>
    %dot_general3A_106 = tpu.matmul %convert_element_type3A_94, %slice3A_97, %dot_general3A_105 {dimension_numbers = #tpu.dot_dimension_numbers<[1], [0], [0], [1], [0, 0, 1, 1], [], []>, transpose_lhs_hint = false} : vector<128x128xf32>, vector<128x128xf32>, vector<128x128xf32> -> vector<128x128xf32>
    %add3A_107 = vector.broadcast %broadcast_in_dim3A_90 : vector<1x128xf32> to vector<128x128xf32>
    %add3A_108 = arith.addf %dot_general3A_106, %add3A_107 : vector<128x128xf32>
    %swap3A_109 = arith.constant 0 : index
    %swap3A_110 = arith.constant 0 : index
    %swap3A_111 = vector.load %arg13[%swap3A_109, %swap3A_110] : memref<2048x128xf32, #tpu.memory_space<vmem>>, vector<128x128xf32>
    tpu.vector_store %arg13[%swap3A_109, %swap3A_110], %add3A_108 {strides = array<i32>} : memref<2048x128xf32, #tpu.memory_space<vmem>>, vector<128x128xf32>,
    %reduce_sum3A_112 = arith.constant dense<0.000000e+00> : vector<128xf32>
    %reduce_sum3A_113 = vector.multi_reduction <add>, %slice3A, %reduce_sum3A_112 [0] : vector<128x128xf32> to vector<128xf32>
    %broadcast_in_dim3A_114 = vector.shape_cast %reduce_sum3A_113 : vector<128xf32> to vector<1x128xf32>
    %add3A_115 = arith.addf %broadcast_in_dim3A_96, %broadcast_in_dim3A_114 : vector<1x128xf32>
    %reduce_sum3A_116 = arith.constant dense<0.000000e+00> : vector<128xf32>
    %reduce_sum3A_117 = vector.multi_reduction <add>, %slice3A_97, %reduce_sum3A_116 [0] : vector<128x128xf32> to vector<128xf32>
    %broadcast_in_dim3A_118 = vector.shape_cast %reduce_sum3A_117 : vector<128xf32> to vector<1x128xf32>
    %add3A_119 = arith.addf %broadcast_in_dim3A_90, %broadcast_in_dim3A_118 : vector<1x128xf32>
    %slice3A_120 = vector.extract_strided_slice %convert_element_type3A_67 {offsets = [128, 0], sizes = [128, 128], strides = [1, 1]} : vector<2048x128xf32> to vector<128x128xf32>
    %slice3A_121 = vector.extract_strided_slice %convert_element_type3A_87 {offsets = [128, 0], sizes = [128, 128], strides = [1, 1]} : vector<2048x128xf32> to vector<128x128xf32>
    %dot_general3A_122 = arith.constant dense<0.000000e+00> : vector<128x128xf32>
    %dot_general3A_123 = tpu.matmul %convert_element_type3A_94, %slice3A_120, %dot_general3A_122 {dimension_numbers = #tpu.dot_dimension_numbers<[1], [0], [0], [1], [0, 0, 1, 1], [], []>, transpose_lhs_hint = false} : vector<128x128xf32>, vector<128x128xf32>, vector<128x128xf32> -> vector<128x128xf32>
    %add3A_124 = vector.broadcast %add3A_115 : vector<1x128xf32> to vector<128x128xf32>
    %add3A_125 = arith.addf %dot_general3A_123, %add3A_124 : vector<128x128xf32>
    %swap3A_126 = arith.constant 128 : index
    %swap3A_127 = arith.constant 0 : index
    %swap3A_128 = vector.load %arg12[%swap3A_126, %swap3A_127] : memref<2048x128xf32, #tpu.memory_space<vmem>>, vector<128x128xf32>
    tpu.vector_store %arg12[%swap3A_126, %swap3A_127], %add3A_125 {strides = array<i32>} : memref<2048x128xf32, #tpu.memory_space<vmem>>, vector<128x128xf32>,
    %dot_general3A_129 = arith.constant dense<0.000000e+00> : vector<128x128xf32>
    %dot_general3A_130 = tpu.matmul %convert_element_type3A_94, %slice3A_121, %dot_general3A_129 {dimension_numbers = #tpu.dot_dimension_numbers<[1], [0], [0], [1], [0, 0, 1, 1], [], []>, transpose_lhs_hint = false} : vector<128x128xf32>, vector<128x128xf32>, vector<128x128xf32> -> vector<128x128xf32>
    %add3A_131 = vector.broadcast %add3A_119 : vector<1x128xf32> to vector<128x128xf32>
    %add3A_132 = arith.addf %dot_general3A_130, %add3A_131 : vector<128x128xf32>
    %swap3A_133 = arith.constant 128 : index
    %swap3A_134 = arith.constant 0 : index
    %swap3A_135 = vector.load %arg13[%swap3A_133, %swap3A_134] : memref<2048x128xf32, #tpu.memory_space<vmem>>, vector<128x128xf32>
    tpu.vector_store %arg13[%swap3A_133, %swap3A_134], %add3A_132 {strides = array<i32>} : memref<2048x128xf32, #tpu.memory_space<vmem>>, vector<128x128xf32>,
    %reduce_sum3A_136 = arith.constant dense<0.000000e+00> : vector<128xf32>
    %reduce_sum3A_137 = vector.multi_reduction <add>, %slice3A_120, %reduce_sum3A_136 [0] : vector<128x128xf32> to vector<128xf32>
    %broadcast_in_dim3A_138 = vector.shape_cast %reduce_sum3A_137 : vector<128xf32> to vector<1x128xf32>
    %add3A_139 = arith.addf %add3A_115, %broadcast_in_dim3A_138 : vector<1x128xf32>
    %reduce_sum3A_140 = arith.constant dense<0.000000e+00> : vector<128xf32>
    %reduce_sum3A_141 = vector.multi_reduction <add>, %slice3A_121, %reduce_sum3A_140 [0] : vector<128x128xf32> to vector<128xf32>
    %broadcast_in_dim3A_142 = vector.shape_cast %reduce_sum3A_141 : vector<128xf32> to vector<1x128xf32>
    %add3A_143 = arith.addf %add3A_119, %broadcast_in_dim3A_142 : vector<1x128xf32>
    %slice3A_144 = vector.extract_strided_slice %convert_element_type3A_67 {offsets = [256, 0], sizes = [128, 128], strides = [1, 1]} : vector<2048x128xf32> to vector<128x128xf32>
    %slice3A_145 = vector.extract_strided_slice %convert_element_type3A_87 {offsets = [256, 0], sizes = [128, 128], strides = [1, 1]} : vector<2048x128xf32> to vector<128x128xf32>
    %dot_general3A_146 = arith.constant dense<0.000000e+00> : vector<128x128xf32>
    %dot_general3A_147 = tpu.matmul %convert_element_type3A_94, %slice3A_144, %dot_general3A_146 {dimension_numbers = #tpu.dot_dimension_numbers<[1], [0], [0], [1], [0, 0, 1, 1], [], []>, transpose_lhs_hint = false} : vector<128x128xf32>, vector<128x128xf32>, vector<128x128xf32> -> vector<128x128xf32>
    %add3A_148 = vector.broadcast %add3A_139 : vector<1x128xf32> to vector<128x128xf32>
    %add3A_149 = arith.addf %dot_general3A_147, %add3A_148 : vector<128x128xf32>
    %swap3A_150 = arith.constant 256 : index
    %swap3A_151 = arith.constant 0 : index
    %swap3A_152 = vector.load %arg12[%swap3A_150, %swap3A_151] : memref<2048x128xf32, #tpu.memory_space<vmem>>, vector<128x128xf32>
    tpu.vector_store %arg12[%swap3A_150, %swap3A_151], %add3A_149 {strides = array<i32>} : memref<2048x128xf32, #tpu.memory_space<vmem>>, vector<128x128xf32>,
    %dot_general3A_153 = arith.constant dense<0.000000e+00> : vector<128x128xf32>
    %dot_general3A_154 = tpu.matmul %convert_element_type3A_94, %slice3A_145, %dot_general3A_153 {dimension_numbers = #tpu.dot_dimension_numbers<[1], [0], [0], [1], [0, 0, 1, 1], [], []>, transpose_lhs_hint = false} : vector<128x128xf32>, vector<128x128xf32>, vector<128x128xf32> -> vector<128x128xf32>
    %add3A_155 = vector.broadcast %add3A_143 : vector<1x128xf32> to vector<128x128xf32>
    %add3A_156 = arith.addf %dot_general3A_154, %add3A_155 : vector<128x128xf32>
    %swap3A_157 = arith.constant 256 : index
    %swap3A_158 = arith.constant 0 : index
    %swap3A_159 = vector.load %arg13[%swap3A_157, %swap3A_158] : memref<2048x128xf32, #tpu.memory_space<vmem>>, vector<128x128xf32>
    tpu.vector_store %arg13[%swap3A_157, %swap3A_158], %add3A_156 {strides = array<i32>} : memref<2048x128xf32, #tpu.memory_space<vmem>>, vector<128x128xf32>,
    %reduce_sum3A_160 = arith.constant dense<0.000000e+00> : vector<128xf32>
    %reduce_sum3A_161 = vector.multi_reduction <add>, %slice3A_144, %reduce_sum3A_160 [0] : vector<128x128xf32> to vector<128xf32>
    %broadcast_in_dim3A_162 = vector.shape_cast %reduce_sum3A_161 : vector<128xf32> to vector<1x128xf32>
    %add3A_163 = arith.addf %add3A_139, %broadcast_in_dim3A_162 : vector<1x128xf32>
    %reduce_sum3A_164 = arith.constant dense<0.000000e+00> : vector<128xf32>
    %reduce_sum3A_165 = vector.multi_reduction <add>, %slice3A_145, %reduce_sum3A_164 [0] : vector<128x128xf32> to vector<128xf32>
    %broadcast_in_dim3A_166 = vector.shape_cast %reduce_sum3A_165 : vector<128xf32> to vector<1x128xf32>
    %add3A_167 = arith.addf %add3A_143, %broadcast_in_dim3A_166 : vector<1x128xf32>
    %slice3A_168 = vector.extract_strided_slice %convert_element_type3A_67 {offsets = [384, 0], sizes = [128, 128], strides = [1, 1]} : vector<2048x128xf32> to vector<128x128xf32>
    %slice3A_169 = vector.extract_strided_slice %convert_element_type3A_87 {offsets = [384, 0], sizes = [128, 128], strides = [1, 1]} : vector<2048x128xf32> to vector<128x128xf32>
    %dot_general3A_170 = arith.constant dense<0.000000e+00> : vector<128x128xf32>
    %dot_general3A_171 = tpu.matmul %convert_element_type3A_94, %slice3A_168, %dot_general3A_170 {dimension_numbers = #tpu.dot_dimension_numbers<[1], [0], [0], [1], [0, 0, 1, 1], [], []>, transpose_lhs_hint = false} : vector<128x128xf32>, vector<128x128xf32>, vector<128x128xf32> -> vector<128x128xf32>
    %add3A_172 = vector.broadcast %add3A_163 : vector<1x128xf32> to vector<128x128xf32>
    %add3A_173 = arith.addf %dot_general3A_171, %add3A_172 : vector<128x128xf32>
    %swap3A_174 = arith.constant 384 : index
    %swap3A_175 = arith.constant 0 : index
    %swap3A_176 = vector.load %arg12[%swap3A_174, %swap3A_175] : memref<2048x128xf32, #tpu.memory_space<vmem>>, vector<128x128xf32>
    tpu.vector_store %arg12[%swap3A_174, %swap3A_175], %add3A_173 {strides = array<i32>} : memref<2048x128xf32, #tpu.memory_space<vmem>>, vector<128x128xf32>,
    %dot_general3A_177 = arith.constant dense<0.000000e+00> : vector<128x128xf32>
    %dot_general3A_178 = tpu.matmul %convert_element_type3A_94, %slice3A_169, %dot_general3A_177 {dimension_numbers = #tpu.dot_dimension_numbers<[1], [0], [0], [1], [0, 0, 1, 1], [], []>, transpose_lhs_hint = false} : vector<128x128xf32>, vector<128x128xf32>, vector<128x128xf32> -> vector<128x128xf32>
    %add3A_179 = vector.broadcast %add3A_167 : vector<1x128xf32> to vector<128x128xf32>
    %add3A_180 = arith.addf %dot_general3A_178, %add3A_179 : vector<128x128xf32>
    %swap3A_181 = arith.constant 384 : index
    %swap3A_182 = arith.constant 0 : index
    %swap3A_183 = vector.load %arg13[%swap3A_181, %swap3A_182] : memref<2048x128xf32, #tpu.memory_space<vmem>>, vector<128x128xf32>
    tpu.vector_store %arg13[%swap3A_181, %swap3A_182], %add3A_180 {strides = array<i32>} : memref<2048x128xf32, #tpu.memory_space<vmem>>, vector<128x128xf32>,
    %reduce_sum3A_184 = arith.constant dense<0.000000e+00> : vector<128xf32>
    %reduce_sum3A_185 = vector.multi_reduction <add>, %slice3A_168, %reduce_sum3A_184 [0] : vector<128x128xf32> to vector<128xf32>
    %broadcast_in_dim3A_186 = vector.shape_cast %reduce_sum3A_185 : vector<128xf32> to vector<1x128xf32>
    %add3A_187 = arith.addf %add3A_163, %broadcast_in_dim3A_186 : vector<1x128xf32>
    %reduce_sum3A_188 = arith.constant dense<0.000000e+00> : vector<128xf32>
    %reduce_sum3A_189 = vector.multi_reduction <add>, %slice3A_169, %reduce_sum3A_188 [0] : vector<128x128xf32> to vector<128xf32>
    %broadcast_in_dim3A_190 = vector.shape_cast %reduce_sum3A_189 : vector<128xf32> to vector<1x128xf32>
    %add3A_191 = arith.addf %add3A_167, %broadcast_in_dim3A_190 : vector<1x128xf32>
    %slice3A_192 = vector.extract_strided_slice %convert_element_type3A_67 {offsets = [512, 0], sizes = [128, 128], strides = [1, 1]} : vector<2048x128xf32> to vector<128x128xf32>
    %slice3A_193 = vector.extract_strided_slice %convert_element_type3A_87 {offsets = [512, 0], sizes = [128, 128], strides = [1, 1]} : vector<2048x128xf32> to vector<128x128xf32>
    %dot_general3A_194 = arith.constant dense<0.000000e+00> : vector<128x128xf32>
    %dot_general3A_195 = tpu.matmul %convert_element_type3A_94, %slice3A_192, %dot_general3A_194 {dimension_numbers = #tpu.dot_dimension_numbers<[1], [0], [0], [1], [0, 0, 1, 1], [], []>, transpose_lhs_hint = false} : vector<128x128xf32>, vector<128x128xf32>, vector<128x128xf32> -> vector<128x128xf32>
    %add3A_196 = vector.broadcast %add3A_187 : vector<1x128xf32> to vector<128x128xf32>
    %add3A_197 = arith.addf %dot_general3A_195, %add3A_196 : vector<128x128xf32>
    %swap3A_198 = arith.constant 512 : index
    %swap3A_199 = arith.constant 0 : index
    %swap3A_200 = vector.load %arg12[%swap3A_198, %swap3A_199] : memref<2048x128xf32, #tpu.memory_space<vmem>>, vector<128x128xf32>
    tpu.vector_store %arg12[%swap3A_198, %swap3A_199], %add3A_197 {strides = array<i32>} : memref<2048x128xf32, #tpu.memory_space<vmem>>, vector<128x128xf32>,
    %dot_general3A_201 = arith.constant dense<0.000000e+00> : vector<128x128xf32>
    %dot_general3A_202 = tpu.matmul %convert_element_type3A_94, %slice3A_193, %dot_general3A_201 {dimension_numbers = #tpu.dot_dimension_numbers<[1], [0], [0], [1], [0, 0, 1, 1], [], []>, transpose_lhs_hint = false} : vector<128x128xf32>, vector<128x128xf32>, vector<128x128xf32> -> vector<128x128xf32>
    %add3A_203 = vector.broadcast %add3A_191 : vector<1x128xf32> to vector<128x128xf32>
    %add3A_204 = arith.addf %dot_general3A_202, %add3A_203 : vector<128x128xf32>
    %swap3A_205 = arith.constant 512 : index
    %swap3A_206 = arith.constant 0 : index
    %swap3A_207 = vector.load %arg13[%swap3A_205, %swap3A_206] : memref<2048x128xf32, #tpu.memory_space<vmem>>, vector<128x128xf32>
    tpu.vector_store %arg13[%swap3A_205, %swap3A_206], %add3A_204 {strides = array<i32>} : memref<2048x128xf32, #tpu.memory_space<vmem>>, vector<128x128xf32>,
    %reduce_sum3A_208 = arith.constant dense<0.000000e+00> : vector<128xf32>
    %reduce_sum3A_209 = vector.multi_reduction <add>, %slice3A_192, %reduce_sum3A_208 [0] : vector<128x128xf32> to vector<128xf32>
    %broadcast_in_dim3A_210 = vector.shape_cast %reduce_sum3A_209 : vector<128xf32> to vector<1x128xf32>
    %add3A_211 = arith.addf %add3A_187, %broadcast_in_dim3A_210 : vector<1x128xf32>
    %reduce_sum3A_212 = arith.constant dense<0.000000e+00> : vector<128xf32>
    %reduce_sum3A_213 = vector.multi_reduction <add>, %slice3A_193, %reduce_sum3A_212 [0] : vector<128x128xf32> to vector<128xf32>
    %broadcast_in_dim3A_214 = vector.shape_cast %reduce_sum3A_213 : vector<128xf32> to vector<1x128xf32>
    %add3A_215 = arith.addf %add3A_191, %broadcast_in_dim3A_214 : vector<1x128xf32>
    %slice3A_216 = vector.extract_strided_slice %convert_element_type3A_67 {offsets = [640, 0], sizes = [128, 128], strides = [1, 1]} : vector<2048x128xf32> to vector<128x128xf32>
    %slice3A_217 = vector.extract_strided_slice %convert_element_type3A_87 {offsets = [640, 0], sizes = [128, 128], strides = [1, 1]} : vector<2048x128xf32> to vector<128x128xf32>
    %dot_general3A_218 = arith.constant dense<0.000000e+00> : vector<128x128xf32>
    %dot_general3A_219 = tpu.matmul %convert_element_type3A_94, %slice3A_216, %dot_general3A_218 {dimension_numbers = #tpu.dot_dimension_numbers<[1], [0], [0], [1], [0, 0, 1, 1], [], []>, transpose_lhs_hint = false} : vector<128x128xf32>, vector<128x128xf32>, vector<128x128xf32> -> vector<128x128xf32>
    %add3A_220 = vector.broadcast %add3A_211 : vector<1x128xf32> to vector<128x128xf32>
    %add3A_221 = arith.addf %dot_general3A_219, %add3A_220 : vector<128x128xf32>
    %swap3A_222 = arith.constant 640 : index
    %swap3A_223 = arith.constant 0 : index
    %swap3A_224 = vector.load %arg12[%swap3A_222, %swap3A_223] : memref<2048x128xf32, #tpu.memory_space<vmem>>, vector<128x128xf32>
    tpu.vector_store %arg12[%swap3A_222, %swap3A_223], %add3A_221 {strides = array<i32>} : memref<2048x128xf32, #tpu.memory_space<vmem>>, vector<128x128xf32>,
    %dot_general3A_225 = arith.constant dense<0.000000e+00> : vector<128x128xf32>
    %dot_general3A_226 = tpu.matmul %convert_element_type3A_94, %slice3A_217, %dot_general3A_225 {dimension_numbers = #tpu.dot_dimension_numbers<[1], [0], [0], [1], [0, 0, 1, 1], [], []>, transpose_lhs_hint = false} : vector<128x128xf32>, vector<128x128xf32>, vector<128x128xf32> -> vector<128x128xf32>
    %add3A_227 = vector.broadcast %add3A_215 : vector<1x128xf32> to vector<128x128xf32>
    %add3A_228 = arith.addf %dot_general3A_226, %add3A_227 : vector<128x128xf32>
    %swap3A_229 = arith.constant 640 : index
    %swap3A_230 = arith.constant 0 : index
    %swap3A_231 = vector.load %arg13[%swap3A_229, %swap3A_230] : memref<2048x128xf32, #tpu.memory_space<vmem>>, vector<128x128xf32>
    tpu.vector_store %arg13[%swap3A_229, %swap3A_230], %add3A_228 {strides = array<i32>} : memref<2048x128xf32, #tpu.memory_space<vmem>>, vector<128x128xf32>,
    %reduce_sum3A_232 = arith.constant dense<0.000000e+00> : vector<128xf32>
    %reduce_sum3A_233 = vector.multi_reduction <add>, %slice3A_216, %reduce_sum3A_232 [0] : vector<128x128xf32> to vector<128xf32>
    %broadcast_in_dim3A_234 = vector.shape_cast %reduce_sum3A_233 : vector<128xf32> to vector<1x128xf32>
    %add3A_235 = arith.addf %add3A_211, %broadcast_in_dim3A_234 : vector<1x128xf32>
    %reduce_sum3A_236 = arith.constant dense<0.000000e+00> : vector<128xf32>
    %reduce_sum3A_237 = vector.multi_reduction <add>, %slice3A_217, %reduce_sum3A_236 [0] : vector<128x128xf32> to vector<128xf32>
    %broadcast_in_dim3A_238 = vector.shape_cast %reduce_sum3A_237 : vector<128xf32> to vector<1x128xf32>
    %add3A_239 = arith.addf %add3A_215, %broadcast_in_dim3A_238 : vector<1x128xf32>
    %slice3A_240 = vector.extract_strided_slice %convert_element_type3A_67 {offsets = [768, 0], sizes = [128, 128], strides = [1, 1]} : vector<2048x128xf32> to vector<128x128xf32>
    %slice3A_241 = vector.extract_strided_slice %convert_element_type3A_87 {offsets = [768, 0], sizes = [128, 128], strides = [1, 1]} : vector<2048x128xf32> to vector<128x128xf32>
    %dot_general3A_242 = arith.constant dense<0.000000e+00> : vector<128x128xf32>
    %dot_general3A_243 = tpu.matmul %convert_element_type3A_94, %slice3A_240, %dot_general3A_242 {dimension_numbers = #tpu.dot_dimension_numbers<[1], [0], [0], [1], [0, 0, 1, 1], [], []>, transpose_lhs_hint = false} : vector<128x128xf32>, vector<128x128xf32>, vector<128x128xf32> -> vector<128x128xf32>
    %add3A_244 = vector.broadcast %add3A_235 : vector<1x128xf32> to vector<128x128xf32>
    %add3A_245 = arith.addf %dot_general3A_243, %add3A_244 : vector<128x128xf32>
    %swap3A_246 = arith.constant 768 : index
    %swap3A_247 = arith.constant 0 : index
    %swap3A_248 = vector.load %arg12[%swap3A_246, %swap3A_247] : memref<2048x128xf32, #tpu.memory_space<vmem>>, vector<128x128xf32>
    tpu.vector_store %arg12[%swap3A_246, %swap3A_247], %add3A_245 {strides = array<i32>} : memref<2048x128xf32, #tpu.memory_space<vmem>>, vector<128x128xf32>,
    %dot_general3A_249 = arith.constant dense<0.000000e+00> : vector<128x128xf32>
    %dot_general3A_250 = tpu.matmul %convert_element_type3A_94, %slice3A_241, %dot_general3A_249 {dimension_numbers = #tpu.dot_dimension_numbers<[1], [0], [0], [1], [0, 0, 1, 1], [], []>, transpose_lhs_hint = false} : vector<128x128xf32>, vector<128x128xf32>, vector<128x128xf32> -> vector<128x128xf32>
    %add3A_251 = vector.broadcast %add3A_239 : vector<1x128xf32> to vector<128x128xf32>
    %add3A_252 = arith.addf %dot_general3A_250, %add3A_251 : vector<128x128xf32>
    %swap3A_253 = arith.constant 768 : index
    %swap3A_254 = arith.constant 0 : index
    %swap3A_255 = vector.load %arg13[%swap3A_253, %swap3A_254] : memref<2048x128xf32, #tpu.memory_space<vmem>>, vector<128x128xf32>
    tpu.vector_store %arg13[%swap3A_253, %swap3A_254], %add3A_252 {strides = array<i32>} : memref<2048x128xf32, #tpu.memory_space<vmem>>, vector<128x128xf32>,
    %reduce_sum3A_256 = arith.constant dense<0.000000e+00> : vector<128xf32>
    %reduce_sum3A_257 = vector.multi_reduction <add>, %slice3A_240, %reduce_sum3A_256 [0] : vector<128x128xf32> to vector<128xf32>
    %broadcast_in_dim3A_258 = vector.shape_cast %reduce_sum3A_257 : vector<128xf32> to vector<1x128xf32>
    %add3A_259 = arith.addf %add3A_235, %broadcast_in_dim3A_258 : vector<1x128xf32>
    %reduce_sum3A_260 = arith.constant dense<0.000000e+00> : vector<128xf32>
    %reduce_sum3A_261 = vector.multi_reduction <add>, %slice3A_241, %reduce_sum3A_260 [0] : vector<128x128xf32> to vector<128xf32>
    %broadcast_in_dim3A_262 = vector.shape_cast %reduce_sum3A_261 : vector<128xf32> to vector<1x128xf32>
    %add3A_263 = arith.addf %add3A_239, %broadcast_in_dim3A_262 : vector<1x128xf32>
    %slice3A_264 = vector.extract_strided_slice %convert_element_type3A_67 {offsets = [896, 0], sizes = [128, 128], strides = [1, 1]} : vector<2048x128xf32> to vector<128x128xf32>
    %slice3A_265 = vector.extract_strided_slice %convert_element_type3A_87 {offsets = [896, 0], sizes = [128, 128], strides = [1, 1]} : vector<2048x128xf32> to vector<128x128xf32>
    %dot_general3A_266 = arith.constant dense<0.000000e+00> : vector<128x128xf32>
    %dot_general3A_267 = tpu.matmul %convert_element_type3A_94, %slice3A_264, %dot_general3A_266 {dimension_numbers = #tpu.dot_dimension_numbers<[1], [0], [0], [1], [0, 0, 1, 1], [], []>, transpose_lhs_hint = false} : vector<128x128xf32>, vector<128x128xf32>, vector<128x128xf32> -> vector<128x128xf32>
    %add3A_268 = vector.broadcast %add3A_259 : vector<1x128xf32> to vector<128x128xf32>
    %add3A_269 = arith.addf %dot_general3A_267, %add3A_268 : vector<128x128xf32>
    %swap3A_270 = arith.constant 896 : index
    %swap3A_271 = arith.constant 0 : index
    %swap3A_272 = vector.load %arg12[%swap3A_270, %swap3A_271] : memref<2048x128xf32, #tpu.memory_space<vmem>>, vector<128x128xf32>
    tpu.vector_store %arg12[%swap3A_270, %swap3A_271], %add3A_269 {strides = array<i32>} : memref<2048x128xf32, #tpu.memory_space<vmem>>, vector<128x128xf32>,
    %dot_general3A_273 = arith.constant dense<0.000000e+00> : vector<128x128xf32>
    %dot_general3A_274 = tpu.matmul %convert_element_type3A_94, %slice3A_265, %dot_general3A_273 {dimension_numbers = #tpu.dot_dimension_numbers<[1], [0], [0], [1], [0, 0, 1, 1], [], []>, transpose_lhs_hint = false} : vector<128x128xf32>, vector<128x128xf32>, vector<128x128xf32> -> vector<128x128xf32>
    %add3A_275 = vector.broadcast %add3A_263 : vector<1x128xf32> to vector<128x128xf32>
    %add3A_276 = arith.addf %dot_general3A_274, %add3A_275 : vector<128x128xf32>
    %swap3A_277 = arith.constant 896 : index
    %swap3A_278 = arith.constant 0 : index
    %swap3A_279 = vector.load %arg13[%swap3A_277, %swap3A_278] : memref<2048x128xf32, #tpu.memory_space<vmem>>, vector<128x128xf32>
    tpu.vector_store %arg13[%swap3A_277, %swap3A_278], %add3A_276 {strides = array<i32>} : memref<2048x128xf32, #tpu.memory_space<vmem>>, vector<128x128xf32>,
    %reduce_sum3A_280 = arith.constant dense<0.000000e+00> : vector<128xf32>
    %reduce_sum3A_281 = vector.multi_reduction <add>, %slice3A_264, %reduce_sum3A_280 [0] : vector<128x128xf32> to vector<128xf32>
    %broadcast_in_dim3A_282 = vector.shape_cast %reduce_sum3A_281 : vector<128xf32> to vector<1x128xf32>
    %add3A_283 = arith.addf %add3A_259, %broadcast_in_dim3A_282 : vector<1x128xf32>
    %reduce_sum3A_284 = arith.constant dense<0.000000e+00> : vector<128xf32>
    %reduce_sum3A_285 = vector.multi_reduction <add>, %slice3A_265, %reduce_sum3A_284 [0] : vector<128x128xf32> to vector<128xf32>
    %broadcast_in_dim3A_286 = vector.shape_cast %reduce_sum3A_285 : vector<128xf32> to vector<1x128xf32>
    %add3A_287 = arith.addf %add3A_263, %broadcast_in_dim3A_286 : vector<1x128xf32>
    %slice3A_288 = vector.extract_strided_slice %convert_element_type3A_67 {offsets = [1024, 0], sizes = [128, 128], strides = [1, 1]} : vector<2048x128xf32> to vector<128x128xf32>
    %slice3A_289 = vector.extract_strided_slice %convert_element_type3A_87 {offsets = [1024, 0], sizes = [128, 128], strides = [1, 1]} : vector<2048x128xf32> to vector<128x128xf32>
    %dot_general3A_290 = arith.constant dense<0.000000e+00> : vector<128x128xf32>
    %dot_general3A_291 = tpu.matmul %convert_element_type3A_94, %slice3A_288, %dot_general3A_290 {dimension_numbers = #tpu.dot_dimension_numbers<[1], [0], [0], [1], [0, 0, 1, 1], [], []>, transpose_lhs_hint = false} : vector<128x128xf32>, vector<128x128xf32>, vector<128x128xf32> -> vector<128x128xf32>
    %add3A_292 = vector.broadcast %add3A_283 : vector<1x128xf32> to vector<128x128xf32>
    %add3A_293 = arith.addf %dot_general3A_291, %add3A_292 : vector<128x128xf32>
    %swap3A_294 = arith.constant 1024 : index
    %swap3A_295 = arith.constant 0 : index
    %swap3A_296 = vector.load %arg12[%swap3A_294, %swap3A_295] : memref<2048x128xf32, #tpu.memory_space<vmem>>, vector<128x128xf32>
    tpu.vector_store %arg12[%swap3A_294, %swap3A_295], %add3A_293 {strides = array<i32>} : memref<2048x128xf32, #tpu.memory_space<vmem>>, vector<128x128xf32>,
    %dot_general3A_297 = arith.constant dense<0.000000e+00> : vector<128x128xf32>
    %dot_general3A_298 = tpu.matmul %convert_element_type3A_94, %slice3A_289, %dot_general3A_297 {dimension_numbers = #tpu.dot_dimension_numbers<[1], [0], [0], [1], [0, 0, 1, 1], [], []>, transpose_lhs_hint = false} : vector<128x128xf32>, vector<128x128xf32>, vector<128x128xf32> -> vector<128x128xf32>
    %add3A_299 = vector.broadcast %add3A_287 : vector<1x128xf32> to vector<128x128xf32>
    %add3A_300 = arith.addf %dot_general3A_298, %add3A_299 : vector<128x128xf32>
    %swap3A_301 = arith.constant 1024 : index
    %swap3A_302 = arith.constant 0 : index
    %swap3A_303 = vector.load %arg13[%swap3A_301, %swap3A_302] : memref<2048x128xf32, #tpu.memory_space<vmem>>, vector<128x128xf32>
    tpu.vector_store %arg13[%swap3A_301, %swap3A_302], %add3A_300 {strides = array<i32>} : memref<2048x128xf32, #tpu.memory_space<vmem>>, vector<128x128xf32>,
    %reduce_sum3A_304 = arith.constant dense<0.000000e+00> : vector<128xf32>
    %reduce_sum3A_305 = vector.multi_reduction <add>, %slice3A_288, %reduce_sum3A_304 [0] : vector<128x128xf32> to vector<128xf32>
    %broadcast_in_dim3A_306 = vector.shape_cast %reduce_sum3A_305 : vector<128xf32> to vector<1x128xf32>
    %add3A_307 = arith.addf %add3A_283, %broadcast_in_dim3A_306 : vector<1x128xf32>
    %reduce_sum3A_308 = arith.constant dense<0.000000e+00> : vector<128xf32>
    %reduce_sum3A_309 = vector.multi_reduction <add>, %slice3A_289, %reduce_sum3A_308 [0] : vector<128x128xf32> to vector<128xf32>
    %broadcast_in_dim3A_310 = vector.shape_cast %reduce_sum3A_309 : vector<128xf32> to vector<1x128xf32>
    %add3A_311 = arith.addf %add3A_287, %broadcast_in_dim3A_310 : vector<1x128xf32>
    %slice3A_312 = vector.extract_strided_slice %convert_element_type3A_67 {offsets = [1152, 0], sizes = [128, 128], strides = [1, 1]} : vector<2048x128xf32> to vector<128x128xf32>
    %slice3A_313 = vector.extract_strided_slice %convert_element_type3A_87 {offsets = [1152, 0], sizes = [128, 128], strides = [1, 1]} : vector<2048x128xf32> to vector<128x128xf32>
    %dot_general3A_314 = arith.constant dense<0.000000e+00> : vector<128x128xf32>
    %dot_general3A_315 = tpu.matmul %convert_element_type3A_94, %slice3A_312, %dot_general3A_314 {dimension_numbers = #tpu.dot_dimension_numbers<[1], [0], [0], [1], [0, 0, 1, 1], [], []>, transpose_lhs_hint = false} : vector<128x128xf32>, vector<128x128xf32>, vector<128x128xf32> -> vector<128x128xf32>
    %add3A_316 = vector.broadcast %add3A_307 : vector<1x128xf32> to vector<128x128xf32>
    %add3A_317 = arith.addf %dot_general3A_315, %add3A_316 : vector<128x128xf32>
    %swap3A_318 = arith.constant 1152 : index
    %swap3A_319 = arith.constant 0 : index
    %swap3A_320 = vector.load %arg12[%swap3A_318, %swap3A_319] : memref<2048x128xf32, #tpu.memory_space<vmem>>, vector<128x128xf32>
    tpu.vector_store %arg12[%swap3A_318, %swap3A_319], %add3A_317 {strides = array<i32>} : memref<2048x128xf32, #tpu.memory_space<vmem>>, vector<128x128xf32>,
    %dot_general3A_321 = arith.constant dense<0.000000e+00> : vector<128x128xf32>
    %dot_general3A_322 = tpu.matmul %convert_element_type3A_94, %slice3A_313, %dot_general3A_321 {dimension_numbers = #tpu.dot_dimension_numbers<[1], [0], [0], [1], [0, 0, 1, 1], [], []>, transpose_lhs_hint = false} : vector<128x128xf32>, vector<128x128xf32>, vector<128x128xf32> -> vector<128x128xf32>
    %add3A_323 = vector.broadcast %add3A_311 : vector<1x128xf32> to vector<128x128xf32>
    %add3A_324 = arith.addf %dot_general3A_322, %add3A_323 : vector<128x128xf32>
    %swap3A_325 = arith.constant 1152 : index
    %swap3A_326 = arith.constant 0 : index
    %swap3A_327 = vector.load %arg13[%swap3A_325, %swap3A_326] : memref<2048x128xf32, #tpu.memory_space<vmem>>, vector<128x128xf32>
    tpu.vector_store %arg13[%swap3A_325, %swap3A_326], %add3A_324 {strides = array<i32>} : memref<2048x128xf32, #tpu.memory_space<vmem>>, vector<128x128xf32>,
    %reduce_sum3A_328 = arith.constant dense<0.000000e+00> : vector<128xf32>
    %reduce_sum3A_329 = vector.multi_reduction <add>, %slice3A_312, %reduce_sum3A_328 [0] : vector<128x128xf32> to vector<128xf32>
    %broadcast_in_dim3A_330 = vector.shape_cast %reduce_sum3A_329 : vector<128xf32> to vector<1x128xf32>
    %add3A_331 = arith.addf %add3A_307, %broadcast_in_dim3A_330 : vector<1x128xf32>
    %reduce_sum3A_332 = arith.constant dense<0.000000e+00> : vector<128xf32>
    %reduce_sum3A_333 = vector.multi_reduction <add>, %slice3A_313, %reduce_sum3A_332 [0] : vector<128x128xf32> to vector<128xf32>
    %broadcast_in_dim3A_334 = vector.shape_cast %reduce_sum3A_333 : vector<128xf32> to vector<1x128xf32>
    %add3A_335 = arith.addf %add3A_311, %broadcast_in_dim3A_334 : vector<1x128xf32>
    %slice3A_336 = vector.extract_strided_slice %convert_element_type3A_67 {offsets = [1280, 0], sizes = [128, 128], strides = [1, 1]} : vector<2048x128xf32> to vector<128x128xf32>
    %slice3A_337 = vector.extract_strided_slice %convert_element_type3A_87 {offsets = [1280, 0], sizes = [128, 128], strides = [1, 1]} : vector<2048x128xf32> to vector<128x128xf32>
    %dot_general3A_338 = arith.constant dense<0.000000e+00> : vector<128x128xf32>
    %dot_general3A_339 = tpu.matmul %convert_element_type3A_94, %slice3A_336, %dot_general3A_338 {dimension_numbers = #tpu.dot_dimension_numbers<[1], [0], [0], [1], [0, 0, 1, 1], [], []>, transpose_lhs_hint = false} : vector<128x128xf32>, vector<128x128xf32>, vector<128x128xf32> -> vector<128x128xf32>
    %add3A_340 = vector.broadcast %add3A_331 : vector<1x128xf32> to vector<128x128xf32>
    %add3A_341 = arith.addf %dot_general3A_339, %add3A_340 : vector<128x128xf32>
    %swap3A_342 = arith.constant 1280 : index
    %swap3A_343 = arith.constant 0 : index
    %swap3A_344 = vector.load %arg12[%swap3A_342, %swap3A_343] : memref<2048x128xf32, #tpu.memory_space<vmem>>, vector<128x128xf32>
    tpu.vector_store %arg12[%swap3A_342, %swap3A_343], %add3A_341 {strides = array<i32>} : memref<2048x128xf32, #tpu.memory_space<vmem>>, vector<128x128xf32>,
    %dot_general3A_345 = arith.constant dense<0.000000e+00> : vector<128x128xf32>
    %dot_general3A_346 = tpu.matmul %convert_element_type3A_94, %slice3A_337, %dot_general3A_345 {dimension_numbers = #tpu.dot_dimension_numbers<[1], [0], [0], [1], [0, 0, 1, 1], [], []>, transpose_lhs_hint = false} : vector<128x128xf32>, vector<128x128xf32>, vector<128x128xf32> -> vector<128x128xf32>
    %add3A_347 = vector.broadcast %add3A_335 : vector<1x128xf32> to vector<128x128xf32>
    %add3A_348 = arith.addf %dot_general3A_346, %add3A_347 : vector<128x128xf32>
    %swap3A_349 = arith.constant 1280 : index
    %swap3A_350 = arith.constant 0 : index
    %swap3A_351 = vector.load %arg13[%swap3A_349, %swap3A_350] : memref<2048x128xf32, #tpu.memory_space<vmem>>, vector<128x128xf32>
    tpu.vector_store %arg13[%swap3A_349, %swap3A_350], %add3A_348 {strides = array<i32>} : memref<2048x128xf32, #tpu.memory_space<vmem>>, vector<128x128xf32>,
    %reduce_sum3A_352 = arith.constant dense<0.000000e+00> : vector<128xf32>
    %reduce_sum3A_353 = vector.multi_reduction <add>, %slice3A_336, %reduce_sum3A_352 [0] : vector<128x128xf32> to vector<128xf32>
    %broadcast_in_dim3A_354 = vector.shape_cast %reduce_sum3A_353 : vector<128xf32> to vector<1x128xf32>
    %add3A_355 = arith.addf %add3A_331, %broadcast_in_dim3A_354 : vector<1x128xf32>
    %reduce_sum3A_356 = arith.constant dense<0.000000e+00> : vector<128xf32>
    %reduce_sum3A_357 = vector.multi_reduction <add>, %slice3A_337, %reduce_sum3A_356 [0] : vector<128x128xf32> to vector<128xf32>
    %broadcast_in_dim3A_358 = vector.shape_cast %reduce_sum3A_357 : vector<128xf32> to vector<1x128xf32>
    %add3A_359 = arith.addf %add3A_335, %broadcast_in_dim3A_358 : vector<1x128xf32>
    %slice3A_360 = vector.extract_strided_slice %convert_element_type3A_67 {offsets = [1408, 0], sizes = [128, 128], strides = [1, 1]} : vector<2048x128xf32> to vector<128x128xf32>
    %slice3A_361 = vector.extract_strided_slice %convert_element_type3A_87 {offsets = [1408, 0], sizes = [128, 128], strides = [1, 1]} : vector<2048x128xf32> to vector<128x128xf32>
    %dot_general3A_362 = arith.constant dense<0.000000e+00> : vector<128x128xf32>
    %dot_general3A_363 = tpu.matmul %convert_element_type3A_94, %slice3A_360, %dot_general3A_362 {dimension_numbers = #tpu.dot_dimension_numbers<[1], [0], [0], [1], [0, 0, 1, 1], [], []>, transpose_lhs_hint = false} : vector<128x128xf32>, vector<128x128xf32>, vector<128x128xf32> -> vector<128x128xf32>
    %add3A_364 = vector.broadcast %add3A_355 : vector<1x128xf32> to vector<128x128xf32>
    %add3A_365 = arith.addf %dot_general3A_363, %add3A_364 : vector<128x128xf32>
    %swap3A_366 = arith.constant 1408 : index
    %swap3A_367 = arith.constant 0 : index
    %swap3A_368 = vector.load %arg12[%swap3A_366, %swap3A_367] : memref<2048x128xf32, #tpu.memory_space<vmem>>, vector<128x128xf32>
    tpu.vector_store %arg12[%swap3A_366, %swap3A_367], %add3A_365 {strides = array<i32>} : memref<2048x128xf32, #tpu.memory_space<vmem>>, vector<128x128xf32>,
    %dot_general3A_369 = arith.constant dense<0.000000e+00> : vector<128x128xf32>
    %dot_general3A_370 = tpu.matmul %convert_element_type3A_94, %slice3A_361, %dot_general3A_369 {dimension_numbers = #tpu.dot_dimension_numbers<[1], [0], [0], [1], [0, 0, 1, 1], [], []>, transpose_lhs_hint = false} : vector<128x128xf32>, vector<128x128xf32>, vector<128x128xf32> -> vector<128x128xf32>
    %add3A_371 = vector.broadcast %add3A_359 : vector<1x128xf32> to vector<128x128xf32>
    %add3A_372 = arith.addf %dot_general3A_370, %add3A_371 : vector<128x128xf32>
    %swap3A_373 = arith.constant 1408 : index
    %swap3A_374 = arith.constant 0 : index
    %swap3A_375 = vector.load %arg13[%swap3A_373, %swap3A_374] : memref<2048x128xf32, #tpu.memory_space<vmem>>, vector<128x128xf32>
    tpu.vector_store %arg13[%swap3A_373, %swap3A_374], %add3A_372 {strides = array<i32>} : memref<2048x128xf32, #tpu.memory_space<vmem>>, vector<128x128xf32>,
    %reduce_sum3A_376 = arith.constant dense<0.000000e+00> : vector<128xf32>
    %reduce_sum3A_377 = vector.multi_reduction <add>, %slice3A_360, %reduce_sum3A_376 [0] : vector<128x128xf32> to vector<128xf32>
    %broadcast_in_dim3A_378 = vector.shape_cast %reduce_sum3A_377 : vector<128xf32> to vector<1x128xf32>
    %add3A_379 = arith.addf %add3A_355, %broadcast_in_dim3A_378 : vector<1x128xf32>
    %reduce_sum3A_380 = arith.constant dense<0.000000e+00> : vector<128xf32>
    %reduce_sum3A_381 = vector.multi_reduction <add>, %slice3A_361, %reduce_sum3A_380 [0] : vector<128x128xf32> to vector<128xf32>
    %broadcast_in_dim3A_382 = vector.shape_cast %reduce_sum3A_381 : vector<128xf32> to vector<1x128xf32>
    %add3A_383 = arith.addf %add3A_359, %broadcast_in_dim3A_382 : vector<1x128xf32>
    %slice3A_384 = vector.extract_strided_slice %convert_element_type3A_67 {offsets = [1536, 0], sizes = [128, 128], strides = [1, 1]} : vector<2048x128xf32> to vector<128x128xf32>
    %slice3A_385 = vector.extract_strided_slice %convert_element_type3A_87 {offsets = [1536, 0], sizes = [128, 128], strides = [1, 1]} : vector<2048x128xf32> to vector<128x128xf32>
    %dot_general3A_386 = arith.constant dense<0.000000e+00> : vector<128x128xf32>
    %dot_general3A_387 = tpu.matmul %convert_element_type3A_94, %slice3A_384, %dot_general3A_386 {dimension_numbers = #tpu.dot_dimension_numbers<[1], [0], [0], [1], [0, 0, 1, 1], [], []>, transpose_lhs_hint = false} : vector<128x128xf32>, vector<128x128xf32>, vector<128x128xf32> -> vector<128x128xf32>
    %add3A_388 = vector.broadcast %add3A_379 : vector<1x128xf32> to vector<128x128xf32>
    %add3A_389 = arith.addf %dot_general3A_387, %add3A_388 : vector<128x128xf32>
    %swap3A_390 = arith.constant 1536 : index
    %swap3A_391 = arith.constant 0 : index
    %swap3A_392 = vector.load %arg12[%swap3A_390, %swap3A_391] : memref<2048x128xf32, #tpu.memory_space<vmem>>, vector<128x128xf32>
    tpu.vector_store %arg12[%swap3A_390, %swap3A_391], %add3A_389 {strides = array<i32>} : memref<2048x128xf32, #tpu.memory_space<vmem>>, vector<128x128xf32>,
    %dot_general3A_393 = arith.constant dense<0.000000e+00> : vector<128x128xf32>
    %dot_general3A_394 = tpu.matmul %convert_element_type3A_94, %slice3A_385, %dot_general3A_393 {dimension_numbers = #tpu.dot_dimension_numbers<[1], [0], [0], [1], [0, 0, 1, 1], [], []>, transpose_lhs_hint = false} : vector<128x128xf32>, vector<128x128xf32>, vector<128x128xf32> -> vector<128x128xf32>
    %add3A_395 = vector.broadcast %add3A_383 : vector<1x128xf32> to vector<128x128xf32>
    %add3A_396 = arith.addf %dot_general3A_394, %add3A_395 : vector<128x128xf32>
    %swap3A_397 = arith.constant 1536 : index
    %swap3A_398 = arith.constant 0 : index
    %swap3A_399 = vector.load %arg13[%swap3A_397, %swap3A_398] : memref<2048x128xf32, #tpu.memory_space<vmem>>, vector<128x128xf32>
    tpu.vector_store %arg13[%swap3A_397, %swap3A_398], %add3A_396 {strides = array<i32>} : memref<2048x128xf32, #tpu.memory_space<vmem>>, vector<128x128xf32>,
    %reduce_sum3A_400 = arith.constant dense<0.000000e+00> : vector<128xf32>
    %reduce_sum3A_401 = vector.multi_reduction <add>, %slice3A_384, %reduce_sum3A_400 [0] : vector<128x128xf32> to vector<128xf32>
    %broadcast_in_dim3A_402 = vector.shape_cast %reduce_sum3A_401 : vector<128xf32> to vector<1x128xf32>
    %add3A_403 = arith.addf %add3A_379, %broadcast_in_dim3A_402 : vector<1x128xf32>
    %reduce_sum3A_404 = arith.constant dense<0.000000e+00> : vector<128xf32>
    %reduce_sum3A_405 = vector.multi_reduction <add>, %slice3A_385, %reduce_sum3A_404 [0] : vector<128x128xf32> to vector<128xf32>
    %broadcast_in_dim3A_406 = vector.shape_cast %reduce_sum3A_405 : vector<128xf32> to vector<1x128xf32>
    %add3A_407 = arith.addf %add3A_383, %broadcast_in_dim3A_406 : vector<1x128xf32>
    %slice3A_408 = vector.extract_strided_slice %convert_element_type3A_67 {offsets = [1664, 0], sizes = [128, 128], strides = [1, 1]} : vector<2048x128xf32> to vector<128x128xf32>
    %slice3A_409 = vector.extract_strided_slice %convert_element_type3A_87 {offsets = [1664, 0], sizes = [128, 128], strides = [1, 1]} : vector<2048x128xf32> to vector<128x128xf32>
    %dot_general3A_410 = arith.constant dense<0.000000e+00> : vector<128x128xf32>
    %dot_general3A_411 = tpu.matmul %convert_element_type3A_94, %slice3A_408, %dot_general3A_410 {dimension_numbers = #tpu.dot_dimension_numbers<[1], [0], [0], [1], [0, 0, 1, 1], [], []>, transpose_lhs_hint = false} : vector<128x128xf32>, vector<128x128xf32>, vector<128x128xf32> -> vector<128x128xf32>
    %add3A_412 = vector.broadcast %add3A_403 : vector<1x128xf32> to vector<128x128xf32>
    %add3A_413 = arith.addf %dot_general3A_411, %add3A_412 : vector<128x128xf32>
    %swap3A_414 = arith.constant 1664 : index
    %swap3A_415 = arith.constant 0 : index
    %swap3A_416 = vector.load %arg12[%swap3A_414, %swap3A_415] : memref<2048x128xf32, #tpu.memory_space<vmem>>, vector<128x128xf32>
    tpu.vector_store %arg12[%swap3A_414, %swap3A_415], %add3A_413 {strides = array<i32>} : memref<2048x128xf32, #tpu.memory_space<vmem>>, vector<128x128xf32>,
    %dot_general3A_417 = arith.constant dense<0.000000e+00> : vector<128x128xf32>
    %dot_general3A_418 = tpu.matmul %convert_element_type3A_94, %slice3A_409, %dot_general3A_417 {dimension_numbers = #tpu.dot_dimension_numbers<[1], [0], [0], [1], [0, 0, 1, 1], [], []>, transpose_lhs_hint = false} : vector<128x128xf32>, vector<128x128xf32>, vector<128x128xf32> -> vector<128x128xf32>
    %add3A_419 = vector.broadcast %add3A_407 : vector<1x128xf32> to vector<128x128xf32>
    %add3A_420 = arith.addf %dot_general3A_418, %add3A_419 : vector<128x128xf32>
    %swap3A_421 = arith.constant 1664 : index
    %swap3A_422 = arith.constant 0 : index
    %swap3A_423 = vector.load %arg13[%swap3A_421, %swap3A_422] : memref<2048x128xf32, #tpu.memory_space<vmem>>, vector<128x128xf32>
    tpu.vector_store %arg13[%swap3A_421, %swap3A_422], %add3A_420 {strides = array<i32>} : memref<2048x128xf32, #tpu.memory_space<vmem>>, vector<128x128xf32>,
    %reduce_sum3A_424 = arith.constant dense<0.000000e+00> : vector<128xf32>
    %reduce_sum3A_425 = vector.multi_reduction <add>, %slice3A_408, %reduce_sum3A_424 [0] : vector<128x128xf32> to vector<128xf32>
    %broadcast_in_dim3A_426 = vector.shape_cast %reduce_sum3A_425 : vector<128xf32> to vector<1x128xf32>
    %add3A_427 = arith.addf %add3A_403, %broadcast_in_dim3A_426 : vector<1x128xf32>
    %reduce_sum3A_428 = arith.constant dense<0.000000e+00> : vector<128xf32>
    %reduce_sum3A_429 = vector.multi_reduction <add>, %slice3A_409, %reduce_sum3A_428 [0] : vector<128x128xf32> to vector<128xf32>
    %broadcast_in_dim3A_430 = vector.shape_cast %reduce_sum3A_429 : vector<128xf32> to vector<1x128xf32>
    %add3A_431 = arith.addf %add3A_407, %broadcast_in_dim3A_430 : vector<1x128xf32>
    %slice3A_432 = vector.extract_strided_slice %convert_element_type3A_67 {offsets = [1792, 0], sizes = [128, 128], strides = [1, 1]} : vector<2048x128xf32> to vector<128x128xf32>
    %slice3A_433 = vector.extract_strided_slice %convert_element_type3A_87 {offsets = [1792, 0], sizes = [128, 128], strides = [1, 1]} : vector<2048x128xf32> to vector<128x128xf32>
    %dot_general3A_434 = arith.constant dense<0.000000e+00> : vector<128x128xf32>
    %dot_general3A_435 = tpu.matmul %convert_element_type3A_94, %slice3A_432, %dot_general3A_434 {dimension_numbers = #tpu.dot_dimension_numbers<[1], [0], [0], [1], [0, 0, 1, 1], [], []>, transpose_lhs_hint = false} : vector<128x128xf32>, vector<128x128xf32>, vector<128x128xf32> -> vector<128x128xf32>
    %add3A_436 = vector.broadcast %add3A_427 : vector<1x128xf32> to vector<128x128xf32>
    %add3A_437 = arith.addf %dot_general3A_435, %add3A_436 : vector<128x128xf32>
    %swap3A_438 = arith.constant 1792 : index
    %swap3A_439 = arith.constant 0 : index
    %swap3A_440 = vector.load %arg12[%swap3A_438, %swap3A_439] : memref<2048x128xf32, #tpu.memory_space<vmem>>, vector<128x128xf32>
    tpu.vector_store %arg12[%swap3A_438, %swap3A_439], %add3A_437 {strides = array<i32>} : memref<2048x128xf32, #tpu.memory_space<vmem>>, vector<128x128xf32>,
    %dot_general3A_441 = arith.constant dense<0.000000e+00> : vector<128x128xf32>
    %dot_general3A_442 = tpu.matmul %convert_element_type3A_94, %slice3A_433, %dot_general3A_441 {dimension_numbers = #tpu.dot_dimension_numbers<[1], [0], [0], [1], [0, 0, 1, 1], [], []>, transpose_lhs_hint = false} : vector<128x128xf32>, vector<128x128xf32>, vector<128x128xf32> -> vector<128x128xf32>
    %add3A_443 = vector.broadcast %add3A_431 : vector<1x128xf32> to vector<128x128xf32>
    %add3A_444 = arith.addf %dot_general3A_442, %add3A_443 : vector<128x128xf32>
    %swap3A_445 = arith.constant 1792 : index
    %swap3A_446 = arith.constant 0 : index
    %swap3A_447 = vector.load %arg13[%swap3A_445, %swap3A_446] : memref<2048x128xf32, #tpu.memory_space<vmem>>, vector<128x128xf32>
    tpu.vector_store %arg13[%swap3A_445, %swap3A_446], %add3A_444 {strides = array<i32>} : memref<2048x128xf32, #tpu.memory_space<vmem>>, vector<128x128xf32>,
    %reduce_sum3A_448 = arith.constant dense<0.000000e+00> : vector<128xf32>
    %reduce_sum3A_449 = vector.multi_reduction <add>, %slice3A_432, %reduce_sum3A_448 [0] : vector<128x128xf32> to vector<128xf32>
    %broadcast_in_dim3A_450 = vector.shape_cast %reduce_sum3A_449 : vector<128xf32> to vector<1x128xf32>
    %add3A_451 = arith.addf %add3A_427, %broadcast_in_dim3A_450 : vector<1x128xf32>
    %reduce_sum3A_452 = arith.constant dense<0.000000e+00> : vector<128xf32>
    %reduce_sum3A_453 = vector.multi_reduction <add>, %slice3A_433, %reduce_sum3A_452 [0] : vector<128x128xf32> to vector<128xf32>
    %broadcast_in_dim3A_454 = vector.shape_cast %reduce_sum3A_453 : vector<128xf32> to vector<1x128xf32>
    %add3A_455 = arith.addf %add3A_431, %broadcast_in_dim3A_454 : vector<1x128xf32>
    %slice3A_456 = vector.extract_strided_slice %convert_element_type3A_67 {offsets = [1920, 0], sizes = [128, 128], strides = [1, 1]} : vector<2048x128xf32> to vector<128x128xf32>
    %slice3A_457 = vector.extract_strided_slice %convert_element_type3A_87 {offsets = [1920, 0], sizes = [128, 128], strides = [1, 1]} : vector<2048x128xf32> to vector<128x128xf32>
    %dot_general3A_458 = arith.constant dense<0.000000e+00> : vector<128x128xf32>
    %dot_general3A_459 = tpu.matmul %convert_element_type3A_94, %slice3A_456, %dot_general3A_458 {dimension_numbers = #tpu.dot_dimension_numbers<[1], [0], [0], [1], [0, 0, 1, 1], [], []>, transpose_lhs_hint = false} : vector<128x128xf32>, vector<128x128xf32>, vector<128x128xf32> -> vector<128x128xf32>
    %add3A_460 = vector.broadcast %add3A_451 : vector<1x128xf32> to vector<128x128xf32>
    %add3A_461 = arith.addf %dot_general3A_459, %add3A_460 : vector<128x128xf32>
    %swap3A_462 = arith.constant 1920 : index
    %swap3A_463 = arith.constant 0 : index
    %swap3A_464 = vector.load %arg12[%swap3A_462, %swap3A_463] : memref<2048x128xf32, #tpu.memory_space<vmem>>, vector<128x128xf32>
    tpu.vector_store %arg12[%swap3A_462, %swap3A_463], %add3A_461 {strides = array<i32>} : memref<2048x128xf32, #tpu.memory_space<vmem>>, vector<128x128xf32>,
    %dot_general3A_465 = arith.constant dense<0.000000e+00> : vector<128x128xf32>
    %dot_general3A_466 = tpu.matmul %convert_element_type3A_94, %slice3A_457, %dot_general3A_465 {dimension_numbers = #tpu.dot_dimension_numbers<[1], [0], [0], [1], [0, 0, 1, 1], [], []>, transpose_lhs_hint = false} : vector<128x128xf32>, vector<128x128xf32>, vector<128x128xf32> -> vector<128x128xf32>
    %add3A_467 = vector.broadcast %add3A_455 : vector<1x128xf32> to vector<128x128xf32>
    %add3A_468 = arith.addf %dot_general3A_466, %add3A_467 : vector<128x128xf32>
    %swap3A_469 = arith.constant 1920 : index
    %swap3A_470 = arith.constant 0 : index
    %swap3A_471 = vector.load %arg13[%swap3A_469, %swap3A_470] : memref<2048x128xf32, #tpu.memory_space<vmem>>, vector<128x128xf32>
    tpu.vector_store %arg13[%swap3A_469, %swap3A_470], %add3A_468 {strides = array<i32>} : memref<2048x128xf32, #tpu.memory_space<vmem>>, vector<128x128xf32>,
    %get3A_472 = arith.constant 0 : index
    %get3A_473 = arith.constant 0 : index
    %get3A_474 = vector.load %arg12[%get3A_472, %get3A_473] : memref<2048x128xf32, #tpu.memory_space<vmem>>, vector<2048x128xf32>
    %get3A_475 = arith.constant 0 : index
    %get3A_476 = arith.constant 0 : index
    %get3A_477 = vector.load %arg13[%get3A_475, %get3A_476] : memref<2048x128xf32, #tpu.memory_space<vmem>>, vector<2048x128xf32>
    %reduce_sum3A_478 = arith.constant dense<0.000000e+00> : vector<128xf32>
    %reduce_sum3A_479 = vector.multi_reduction <add>, %div3A_55, %reduce_sum3A_478 [0] : vector<2048x128xf32> to vector<128xf32>
    %broadcast_in_dim3A_480 = vector.shape_cast %reduce_sum3A_479 : vector<128xf32> to vector<1x128xf32>
    %div3A_481 = arith.constant 2.048000e+03 : f32
    %div3A_482 = vector.broadcast %div3A_481 : f32 to vector<1x128xf32>
    %div3A_483 = arith.divf %broadcast_in_dim3A_480, %div3A_482 : vector<1x128xf32>
    %reduce_sum3A_484 = arith.constant dense<0.000000e+00> : vector<128xf32>
    %reduce_sum3A_485 = vector.multi_reduction <add>, %convert_element_type3A_67, %reduce_sum3A_484 [0] : vector<2048x128xf32> to vector<128xf32>
    %broadcast_in_dim3A_486 = vector.shape_cast %reduce_sum3A_485 : vector<128xf32> to vector<1x128xf32>
    %div3A_487 = arith.constant 2.048000e+03 : f32
    %div3A_488 = vector.broadcast %div3A_487 : f32 to vector<1x128xf32>
    %div3A_489 = arith.divf %broadcast_in_dim3A_486, %div3A_488 : vector<1x128xf32>
    %mul3A_490 = arith.mulf %div3A_483, %div3A_489 : vector<1x128xf32>
    %reduce_sum3A_491 = vector.shape_cast %mul3A_490 : vector<1x128xf32> to vector<1x1x128xf32>
    %reduce_sum3A_492 = arith.constant dense<0.000000e+00> : vector<1xf32>
    %reduce_sum3A_493 = vector.multi_reduction <add>, %reduce_sum3A_491, %reduce_sum3A_492 [1, 2] : vector<1x1x128xf32> to vector<1xf32>
    %reduce_sum3A_494 = vector.shape_cast %reduce_sum3A_493 : vector<1xf32> to vector<1x1x1xf32>
    %reduce_sum3A_495 = vector.extract %reduce_sum3A_494[0, 0, 0] : f32 from vector<1x1x1xf32>
    %mul3A_496 = arith.constant 6.400000e+01 : f32
    %mul3A_497 = arith.mulf %reduce_sum3A_495, %mul3A_496 : f32
    %broadcast_in_dim3A_498 = vector.broadcast %mul3A_497 : f32 to vector<1x1xf32>
    %swap3A_499 = arith.constant 0 : index
    %swap3A_500 = arith.constant 0 : index
    %swap3A_501 = vector.load %arg11[%swap3A_499, %swap3A_500] : memref<1x1xf32, #tpu.memory_space<vmem>>, vector<1x1xf32>
    tpu.vector_store %arg11[%swap3A_499, %swap3A_500], %broadcast_in_dim3A_498 {strides = array<i32>} : memref<1x1xf32, #tpu.memory_space<vmem>>, vector<1x1xf32>,
    %lt3A_502 = arith.constant 5.120000e+02 : f32
    %lt3A_503 = vector.broadcast %lt3A_502 : f32 to vector<2048x128xf32>
    %lt3A_504 = arith.cmpf olt, %get3A_474, %lt3A_503 : vector<2048x128xf32>
    %convert_element_type3A_505 = arith.extui %lt3A_504 : vector<2048x128xi1> to vector<2048x128xi32>
    %convert_element_type3A_506 = arith.sitofp %convert_element_type3A_505 : vector<2048x128xi32> to vector<2048x128xf32>
    %mul3A_507 = arith.mulf %convert_element_type3A_67, %convert_element_type3A_506 : vector<2048x128xf32>
    %lt3A_508 = arith.constant 5.120000e+02 : f32
    %lt3A_509 = vector.broadcast %lt3A_508 : f32 to vector<2048x128xf32>
    %lt3A_510 = arith.cmpf olt, %get3A_477, %lt3A_509 : vector<2048x128xf32>
    %convert_element_type3A_511 = arith.extui %lt3A_510 : vector<2048x128xi1> to vector<2048x128xi32>
    %convert_element_type3A_512 = arith.sitofp %convert_element_type3A_511 : vector<2048x128xi32> to vector<2048x128xf32>
    %mul3A_513 = arith.mulf %convert_element_type3A_87, %convert_element_type3A_512 : vector<2048x128xf32>
    %mul3A_514 = arith.mulf %div3A_55, %mul3A_507 : vector<2048x128xf32>
    %reduce_sum3A_515 = arith.constant dense<0.000000e+00> : vector<2048xf32>
    %reduce_sum3A_516 = vector.multi_reduction <add>, %mul3A_514, %reduce_sum3A_515 [1] : vector<2048x128xf32> to vector<2048xf32>
    %broadcast_in_dim3A_517 = vector.shape_cast %reduce_sum3A_516 : vector<2048xf32> to vector<2048x1xf32>
    %mul3A_518 = arith.mulf %div3A_55, %mul3A_513 : vector<2048x128xf32>
    %reduce_sum3A_519 = arith.constant dense<0.000000e+00> : vector<2048xf32>
    %reduce_sum3A_520 = vector.multi_reduction <add>, %mul3A_518, %reduce_sum3A_519 [1] : vector<2048x128xf32> to vector<2048xf32>
    %broadcast_in_dim3A_521 = vector.shape_cast %reduce_sum3A_520 : vector<2048xf32> to vector<2048x1xf32>
    %add3A_522 = arith.addf %broadcast_in_dim3A_517, %broadcast_in_dim3A_521 : vector<2048x1xf32>
    %gt3A_523 = arith.constant 0.000000e+00 : f32
    %gt3A_524 = vector.broadcast %gt3A_523 : f32 to vector<2048x1xf32>
    %gt3A_525 = arith.cmpf ogt, %add3A_522, %gt3A_524 : vector<2048x1xf32>
    %jit3A_526 = arith.constant 1.000000e+00 : f32
    %broadcast_in_dim3A_527 = vector.broadcast %jit3A_526 : f32 to vector<2048x1xf32>
    %select_n3A_528 = arith.select %gt3A_525, %add3A_522, %broadcast_in_dim3A_527 : vector<2048x1xi1>, vector<2048x1xf32>
    %div3A_529 = arith.divf %broadcast_in_dim3A_517, %select_n3A_528 : vector<2048x1xf32>
    %swap3A_530 = arith.constant 0 : index
    %swap3A_531 = arith.constant 0 : index
    %swap3A_532 = vector.load %arg9[%swap3A_530, %swap3A_531] : memref<2048x1xf32, #tpu.memory_space<vmem>>, vector<2048x1xf32>
    tpu.vector_store %arg9[%swap3A_530, %swap3A_531], %div3A_529 {strides = array<i32>} : memref<2048x1xf32, #tpu.memory_space<vmem>>, vector<2048x1xf32>,
    %div3A_533 = arith.divf %broadcast_in_dim3A_521, %select_n3A_528 : vector<2048x1xf32>
    %swap3A_534 = arith.constant 0 : index
    %swap3A_535 = arith.constant 0 : index
    %swap3A_536 = vector.load %arg10[%swap3A_534, %swap3A_535] : memref<2048x1xf32, #tpu.memory_space<vmem>>, vector<2048x1xf32>
    tpu.vector_store %arg10[%swap3A_534, %swap3A_535], %div3A_533 {strides = array<i32>} : memref<2048x1xf32, #tpu.memory_space<vmem>>, vector<2048x1xf32>,
    %mul3A_537 = arith.mulf %get3A_474, %mul3A_507 : vector<2048x128xf32>
    %reduce_sum3A_538 = arith.constant dense<0.000000e+00> : vector<2048xf32>
    %reduce_sum3A_539 = vector.multi_reduction <add>, %mul3A_537, %reduce_sum3A_538 [1] : vector<2048x128xf32> to vector<2048xf32>
    %broadcast_in_dim3A_540 = vector.shape_cast %reduce_sum3A_539 : vector<2048xf32> to vector<2048x1xf32>
    %convert_element_type3A_541 = arith.fptosi %broadcast_in_dim3A_540 : vector<2048x1xf32> to vector<2048x1xi32>
    %mul3A_542 = arith.mulf %get3A_477, %mul3A_513 : vector<2048x128xf32>
    %reduce_sum3A_543 = arith.constant dense<0.000000e+00> : vector<2048xf32>
    %reduce_sum3A_544 = vector.multi_reduction <add>, %mul3A_542, %reduce_sum3A_543 [1] : vector<2048x128xf32> to vector<2048xf32>
    %broadcast_in_dim3A_545 = vector.shape_cast %reduce_sum3A_544 : vector<2048xf32> to vector<2048x1xf32>
    %convert_element_type3A_546 = arith.fptosi %broadcast_in_dim3A_545 : vector<2048x1xf32> to vector<2048x1xi32>
    %reduce_sum3A_547 = arith.constant dense<0.000000e+00> : vector<2048xf32>
    %reduce_sum3A_548 = vector.multi_reduction <add>, %mul3A_507, %reduce_sum3A_547 [1] : vector<2048x128xf32> to vector<2048xf32>
    %broadcast_in_dim3A_549 = vector.shape_cast %reduce_sum3A_548 : vector<2048xf32> to vector<2048x1xf32>
    %gt3A_550 = arith.constant 0.000000e+00 : f32
    %gt3A_551 = vector.broadcast %gt3A_550 : f32 to vector<2048x1xf32>
    %gt3A_552 = arith.cmpf ogt, %broadcast_in_dim3A_549, %gt3A_551 : vector<2048x1xf32>
    %reduce_sum3A_553 = arith.constant dense<0.000000e+00> : vector<2048xf32>
    %reduce_sum3A_554 = vector.multi_reduction <add>, %mul3A_513, %reduce_sum3A_553 [1] : vector<2048x128xf32> to vector<2048xf32>
    %broadcast_in_dim3A_555 = vector.shape_cast %reduce_sum3A_554 : vector<2048xf32> to vector<2048x1xf32>
    %gt3A_556 = arith.constant 0.000000e+00 : f32
    %gt3A_557 = vector.broadcast %gt3A_556 : f32 to vector<2048x1xf32>
    %gt3A_558 = arith.cmpf ogt, %broadcast_in_dim3A_555, %gt3A_557 : vector<2048x1xf32>
    %mul3A_559 = arith.constant 512 : i32
    %mul3A_560 = vector.broadcast %mul3A_559 : i32 to vector<2048x1xi32>
    %mul3A_561 = arith.muli %broadcast_in_dim3A_64, %mul3A_560 : vector<2048x1xi32>
    %add3A_562 = arith.addi %mul3A_561, %convert_element_type3A_541 : vector<2048x1xi32>
    %mul3A_563 = arith.constant 512 : i32
    %mul3A_564 = vector.broadcast %mul3A_563 : i32 to vector<2048x1xi32>
    %mul3A_565 = arith.muli %broadcast_in_dim3A_83, %mul3A_564 : vector<2048x1xi32>
    %add3A_566 = arith.addi %mul3A_565, %convert_element_type3A_546 : vector<2048x1xi32>
    %gt3A_567 = arith.constant 0.000000e+00 : f32
    %gt3A_568 = vector.broadcast %gt3A_567 : f32 to vector<2048x1xf32>
    %gt3A_569 = arith.cmpf ogt, %broadcast_in_dim3A_517, %gt3A_568 : vector<2048x1xf32>
    %and3A_570 = arith.andi %gt3A_552, %gt3A_569 : vector<2048x1xi1>
    %jit3A_571 = arith.constant 4096 : i32
    %broadcast_in_dim3A_572 = vector.broadcast %jit3A_571 : i32 to vector<2048x1xi32>
    %select_n3A_573 = arith.select %and3A_570, %add3A_562, %broadcast_in_dim3A_572 : vector<2048x1xi1>, vector<2048x1xi32>
    %swap3A_574 = arith.constant 0 : index
    %swap3A_575 = arith.constant 0 : index
    %swap3A_576 = vector.load %arg5[%swap3A_574, %swap3A_575] : memref<2048x1xi32, #tpu.memory_space<vmem>>, vector<2048x1xi32>
    tpu.vector_store %arg5[%swap3A_574, %swap3A_575], %select_n3A_573 {strides = array<i32>} : memref<2048x1xi32, #tpu.memory_space<vmem>>, vector<2048x1xi32>,
    %gt3A_577 = arith.constant 0.000000e+00 : f32
    %gt3A_578 = vector.broadcast %gt3A_577 : f32 to vector<2048x1xf32>
    %gt3A_579 = arith.cmpf ogt, %broadcast_in_dim3A_521, %gt3A_578 : vector<2048x1xf32>
    %and3A_580 = arith.andi %gt3A_558, %gt3A_579 : vector<2048x1xi1>
    %jit3A_581 = arith.constant 4096 : i32
    %broadcast_in_dim3A_582 = vector.broadcast %jit3A_581 : i32 to vector<2048x1xi32>
    %select_n3A_583 = arith.select %and3A_580, %add3A_566, %broadcast_in_dim3A_582 : vector<2048x1xi1>, vector<2048x1xi32>
    %swap3A_584 = arith.constant 0 : index
    %swap3A_585 = arith.constant 0 : index
    %swap3A_586 = vector.load %arg6[%swap3A_584, %swap3A_585] : memref<2048x1xi32, #tpu.memory_space<vmem>>, vector<2048x1xi32>
    tpu.vector_store %arg6[%swap3A_584, %swap3A_585], %select_n3A_583 {strides = array<i32>} : memref<2048x1xi32, #tpu.memory_space<vmem>>, vector<2048x1xi32>,
    %jit3A_587 = arith.constant 4096 : i32
    %broadcast_in_dim3A_588 = vector.broadcast %jit3A_587 : i32 to vector<2048x1xi32>
    %select_n3A_589 = arith.select %gt3A_552, %add3A_562, %broadcast_in_dim3A_588 : vector<2048x1xi1>, vector<2048x1xi32>
    %swap3A_590 = arith.constant 0 : index
    %swap3A_591 = arith.constant 0 : index
    %swap3A_592 = vector.load %arg7[%swap3A_590, %swap3A_591] : memref<2048x1xi32, #tpu.memory_space<vmem>>, vector<2048x1xi32>
    tpu.vector_store %arg7[%swap3A_590, %swap3A_591], %select_n3A_589 {strides = array<i32>} : memref<2048x1xi32, #tpu.memory_space<vmem>>, vector<2048x1xi32>,
    %jit3A_593 = arith.constant 4096 : i32
    %broadcast_in_dim3A_594 = vector.broadcast %jit3A_593 : i32 to vector<2048x1xi32>
    %select_n3A_595 = arith.select %gt3A_558, %add3A_566, %broadcast_in_dim3A_594 : vector<2048x1xi1>, vector<2048x1xi32>
    %swap3A_596 = arith.constant 0 : index
    %swap3A_597 = arith.constant 0 : index
    %swap3A_598 = vector.load %arg8[%swap3A_596, %swap3A_597] : memref<2048x1xi32, #tpu.memory_space<vmem>>, vector<2048x1xi32>
    tpu.vector_store %arg8[%swap3A_596, %swap3A_597], %select_n3A_595 {strides = array<i32>} : memref<2048x1xi32, #tpu.memory_space<vmem>>, vector<2048x1xi32>,
    return
  }
}

module attributes {stable_mosaic.version = 14 : i64} {
  func.func @_expert_ffn_body(%arg0: i32, %arg1: i32, %arg2: memref<1x512x768xf32, #tpu.memory_space<vmem>>, %arg3: memref<1x768x1536xf32, #tpu.memory_space<vmem>>, %arg4: memref<1x1x1536xf32, #tpu.memory_space<vmem>>, %arg5: memref<1x1536x768xf32, #tpu.memory_space<vmem>>, %arg6: memref<1x1x768xf32, #tpu.memory_space<vmem>>, %arg7: memref<1x512x768xf32, #tpu.memory_space<vmem>>) attributes {dimension_semantics = [#tpu.dimension_semantics<arbitrary>, #tpu.dimension_semantics<arbitrary>], iteration_bounds = array<i64: 8, 2>, scalar_prefetch = 0 : i64, scratch_operands = 0 : i64, tpu.core_type = #tpu.core_type<tc>, window_params = [{transform_indices = @transform_0, window_bounds = array<i64: 1, 512, 768>}, {transform_indices = @transform_1, window_bounds = array<i64: 1, 768, 1536>}, {transform_indices = @transform_2, window_bounds = array<i64: 1, 1, 1536>}, {transform_indices = @transform_3, window_bounds = array<i64: 1, 1536, 768>}, {transform_indices = @transform_4, window_bounds = array<i64: 1, 1, 768>}, {transform_indices = @transform_5, window_bounds = array<i64: 1, 512, 768>}]} {
    %get3A = arith.constant 0 : index
    %get3A_0 = arith.constant 0 : index
    %get3A_1 = arith.constant 0 : index
    %get3A_2 = vector.load %arg2[%get3A, %get3A_0, %get3A_1] : memref<1x512x768xf32, #tpu.memory_space<vmem>>, vector<1x512x768xf32>
    %get3A_3 = vector.shape_cast %get3A_2 : vector<1x512x768xf32> to vector<512x768xf32>
    %get3A_4 = arith.constant 0 : index
    %get3A_5 = arith.constant 0 : index
    %get3A_6 = arith.constant 0 : index
    %get3A_7 = vector.load %arg3[%get3A_4, %get3A_5, %get3A_6] : memref<1x768x1536xf32, #tpu.memory_space<vmem>>, vector<1x768x1536xf32>
    %get3A_8 = vector.shape_cast %get3A_7 : vector<1x768x1536xf32> to vector<768x1536xf32>
    %dot_general3A = arith.constant dense<0.000000e+00> : vector<512x1536xf32>
    %dot_general3A_9 = tpu.matmul %get3A_3, %get3A_8, %dot_general3A {dimension_numbers = #tpu.dot_dimension_numbers<[1], [0], [0], [1], [0, 0, 1, 1], [], []>, transpose_lhs_hint = false} : vector<512x768xf32>, vector<768x1536xf32>, vector<512x1536xf32> -> vector<512x1536xf32>
    %get3A_10 = arith.constant 0 : index
    %get3A_11 = arith.constant 0 : index
    %get3A_12 = arith.constant 0 : index
    %get3A_13 = vector.load %arg4[%get3A_10, %get3A_11, %get3A_12] : memref<1x1x1536xf32, #tpu.memory_space<vmem>>, vector<1x1x1536xf32>
    %get3A_14 = vector.shape_cast %get3A_13 : vector<1x1x1536xf32> to vector<1x1536xf32>
    %add3A = vector.broadcast %get3A_14 : vector<1x1536xf32> to vector<512x1536xf32>
    %add3A_15 = arith.addf %dot_general3A_9, %add3A : vector<512x1536xf32>
    %integer_pow3A = arith.mulf %add3A_15, %add3A_15 : vector<512x1536xf32>
    %integer_pow3A_16 = arith.mulf %add3A_15, %integer_pow3A : vector<512x1536xf32>
    %mul3A = arith.constant 4.471500e-02 : f32
    %mul3A_17 = vector.broadcast %mul3A : f32 to vector<512x1536xf32>
    %mul3A_18 = arith.mulf %mul3A_17, %integer_pow3A_16 : vector<512x1536xf32>
    %add3A_19 = arith.addf %add3A_15, %mul3A_18 : vector<512x1536xf32>
    %mul3A_20 = arith.constant 0.797884583 : f32
    %mul3A_21 = vector.broadcast %mul3A_20 : f32 to vector<512x1536xf32>
    %mul3A_22 = arith.mulf %mul3A_21, %add3A_19 : vector<512x1536xf32>
    %tanh3A = math.tanh %mul3A_22 : vector<512x1536xf32>
    %add3A_23 = arith.constant 1.000000e+00 : f32
    %add3A_24 = vector.broadcast %add3A_23 : f32 to vector<512x1536xf32>
    %add3A_25 = arith.addf %add3A_24, %tanh3A : vector<512x1536xf32>
    %mul3A_26 = arith.constant 5.000000e-01 : f32
    %mul3A_27 = vector.broadcast %mul3A_26 : f32 to vector<512x1536xf32>
    %mul3A_28 = arith.mulf %mul3A_27, %add3A_25 : vector<512x1536xf32>
    %mul3A_29 = arith.mulf %add3A_15, %mul3A_28 : vector<512x1536xf32>
    %get3A_30 = arith.constant 0 : index
    %get3A_31 = arith.constant 0 : index
    %get3A_32 = arith.constant 0 : index
    %get3A_33 = vector.load %arg5[%get3A_30, %get3A_31, %get3A_32] : memref<1x1536x768xf32, #tpu.memory_space<vmem>>, vector<1x1536x768xf32>
    %get3A_34 = vector.shape_cast %get3A_33 : vector<1x1536x768xf32> to vector<1536x768xf32>
    %dot_general3A_35 = arith.constant dense<0.000000e+00> : vector<512x768xf32>
    %dot_general3A_36 = tpu.matmul %mul3A_29, %get3A_34, %dot_general3A_35 {dimension_numbers = #tpu.dot_dimension_numbers<[1], [0], [0], [1], [0, 0, 1, 1], [], []>, transpose_lhs_hint = false} : vector<512x1536xf32>, vector<1536x768xf32>, vector<512x768xf32> -> vector<512x768xf32>
    %eq3A = arith.constant 0 : i32
    %eq3A_37 = arith.cmpi eq, %arg1, %eq3A : i32
    %convert_element_type3A = arith.extui %eq3A_37 : i1 to i32
    %cond3A = arith.constant 0 : i32
    %cond3A_38 = arith.cmpi ne, %convert_element_type3A, %cond3A : i32
    scf.if %cond3A_38 {
      %get3A_43 = arith.constant 0 : index
      %get3A_44 = arith.constant 0 : index
      %get3A_45 = arith.constant 0 : index
      %get3A_46 = vector.load %arg6[%get3A_43, %get3A_44, %get3A_45] : memref<1x1x768xf32, #tpu.memory_space<vmem>>, vector<1x1x768xf32>
      %get3A_47 = vector.shape_cast %get3A_46 : vector<1x1x768xf32> to vector<1x768xf32>
      %add3A_48 = vector.broadcast %get3A_47 : vector<1x768xf32> to vector<512x768xf32>
      %add3A_49 = arith.addf %dot_general3A_36, %add3A_48 : vector<512x768xf32>
      %swap3A = arith.constant 0 : index
      %swap3A_50 = arith.constant 0 : index
      %swap3A_51 = arith.constant 0 : index
      %swap3A_52 = vector.load %arg7[%swap3A, %swap3A_50, %swap3A_51] : memref<1x512x768xf32, #tpu.memory_space<vmem>>, vector<1x512x768xf32>
      %swap3A_53 = vector.shape_cast %swap3A_52 : vector<1x512x768xf32> to vector<512x768xf32>
      %swap3A_54 = vector.shape_cast %add3A_49 : vector<512x768xf32> to vector<1x512x768xf32>
      tpu.vector_store %arg7[%swap3A, %swap3A_50, %swap3A_51], %swap3A_54 {strides = array<i32>} : memref<1x512x768xf32, #tpu.memory_space<vmem>>, vector<1x512x768xf32>,
    } else {
    }
    %ne3A = arith.constant 0 : i32
    %ne3A_39 = arith.cmpi ne, %arg1, %ne3A : i32
    %convert_element_type3A_40 = arith.extui %ne3A_39 : i1 to i32
    %cond3A_41 = arith.constant 0 : i32
    %cond3A_42 = arith.cmpi ne, %convert_element_type3A_40, %cond3A_41 : i32
    scf.if %cond3A_42 {
      %get3A_43 = arith.constant 0 : index
      %get3A_44 = arith.constant 0 : index
      %get3A_45 = arith.constant 0 : index
      %get3A_46 = vector.load %arg7[%get3A_43, %get3A_44, %get3A_45] : memref<1x512x768xf32, #tpu.memory_space<vmem>>, vector<1x512x768xf32>
      %get3A_47 = vector.shape_cast %get3A_46 : vector<1x512x768xf32> to vector<512x768xf32>
      %add3A_48 = arith.addf %get3A_47, %dot_general3A_36 : vector<512x768xf32>
      %swap3A = arith.constant 0 : index
      %swap3A_49 = arith.constant 0 : index
      %swap3A_50 = arith.constant 0 : index
      %swap3A_51 = vector.load %arg7[%swap3A, %swap3A_49, %swap3A_50] : memref<1x512x768xf32, #tpu.memory_space<vmem>>, vector<1x512x768xf32>
      %swap3A_52 = vector.shape_cast %swap3A_51 : vector<1x512x768xf32> to vector<512x768xf32>
      %swap3A_53 = vector.shape_cast %add3A_48 : vector<512x768xf32> to vector<1x512x768xf32>
      tpu.vector_store %arg7[%swap3A, %swap3A_49, %swap3A_50], %swap3A_53 {strides = array<i32>} : memref<1x512x768xf32, #tpu.memory_space<vmem>>, vector<1x512x768xf32>,
    } else {
    }
    return
  }
  func.func @transform_0(%arg0: i32, %arg1: i32) -> (i32, i32, i32) {
    %c0_i32 = arith.constant 0 : i32
    %c0_i32_0 = arith.constant 0 : i32
    %c0_i32_1 = arith.constant 0 : i32
    return %arg0, %c0_i32, %c0_i32_0 : i32, i32, i32
  }
  func.func @transform_1(%arg0: i32, %arg1: i32) -> (i32, i32, i32) {
    %c0_i32 = arith.constant 0 : i32
    %c0_i32_0 = arith.constant 0 : i32
    return %arg0, %c0_i32, %arg1 : i32, i32, i32
  }
  func.func @transform_2(%arg0: i32, %arg1: i32) -> (i32, i32, i32) {
    %c0_i32 = arith.constant 0 : i32
    %c0_i32_0 = arith.constant 0 : i32
    return %arg0, %c0_i32, %arg1 : i32, i32, i32
  }
  func.func @transform_3(%arg0: i32, %arg1: i32) -> (i32, i32, i32) {
    %c0_i32 = arith.constant 0 : i32
    %c0_i32_0 = arith.constant 0 : i32
    return %arg0, %arg1, %c0_i32 : i32, i32, i32
  }
  func.func @transform_4(%arg0: i32, %arg1: i32) -> (i32, i32, i32) {
    %c0_i32 = arith.constant 0 : i32
    %c0_i32_0 = arith.constant 0 : i32
    %c0_i32_1 = arith.constant 0 : i32
    return %arg0, %c0_i32, %c0_i32_0 : i32, i32, i32
  }
  func.func @transform_5(%arg0: i32, %arg1: i32) -> (i32, i32, i32) {
    %c0_i32 = arith.constant 0 : i32
    %c0_i32_0 = arith.constant 0 : i32
    %c0_i32_1 = arith.constant 0 : i32
    return %arg0, %c0_i32, %c0_i32_0 : i32, i32, i32
  }
}

module attributes {stable_mosaic.version = 14 : i64} {
  func.func @_combine_ln_body(%arg0: i32, %arg1: memref<256x768xf32, #tpu.memory_space<vmem>>, %arg2: memref<256x768xf32, #tpu.memory_space<vmem>>, %arg3: memref<256x768xf32, #tpu.memory_space<vmem>>, %arg4: memref<256x1xf32, #tpu.memory_space<vmem>>, %arg5: memref<256x1xf32, #tpu.memory_space<vmem>>, %arg6: memref<1x768xf32, #tpu.memory_space<vmem>>, %arg7: memref<1x768xf32, #tpu.memory_space<vmem>>, %arg8: memref<256x768xf32, #tpu.memory_space<vmem>>) attributes {dimension_semantics = [#tpu.dimension_semantics<arbitrary>], iteration_bounds = array<i64: 8>, scalar_prefetch = 0 : i64, scratch_operands = 0 : i64, tpu.core_type = #tpu.core_type<tc>, window_params = [{transform_indices = @transform_0, window_bounds = array<i64: 256, 768>}, {transform_indices = @transform_1, window_bounds = array<i64: 256, 768>}, {transform_indices = @transform_2, window_bounds = array<i64: 256, 768>}, {transform_indices = @transform_3, window_bounds = array<i64: 256, 1>}, {transform_indices = @transform_4, window_bounds = array<i64: 256, 1>}, {pipeline_mode = #tpu.pipeline_mode<synchronous>, transform_indices = @transform_5, window_bounds = array<i64: 1, 768>}, {pipeline_mode = #tpu.pipeline_mode<synchronous>, transform_indices = @transform_6, window_bounds = array<i64: 1, 768>}, {transform_indices = @transform_7, window_bounds = array<i64: 256, 768>}]} {
    %get3A = arith.constant 0 : index
    %get3A_0 = arith.constant 0 : index
    %get3A_1 = vector.load %arg1[%get3A, %get3A_0] : memref<256x768xf32, #tpu.memory_space<vmem>>, vector<256x768xf32>
    %get3A_2 = arith.constant 0 : index
    %get3A_3 = arith.constant 0 : index
    %get3A_4 = vector.load %arg4[%get3A_2, %get3A_3] : memref<256x1xf32, #tpu.memory_space<vmem>>, vector<256x1xf32>
    %get3A_5 = arith.constant 0 : index
    %get3A_6 = arith.constant 0 : index
    %get3A_7 = vector.load %arg2[%get3A_5, %get3A_6] : memref<256x768xf32, #tpu.memory_space<vmem>>, vector<256x768xf32>
    %mul3A = vector.broadcast %get3A_4 : vector<256x1xf32> to vector<256x768xf32>
    %mul3A_8 = arith.mulf %mul3A, %get3A_7 : vector<256x768xf32>
    %add3A = arith.addf %get3A_1, %mul3A_8 : vector<256x768xf32>
    %get3A_9 = arith.constant 0 : index
    %get3A_10 = arith.constant 0 : index
    %get3A_11 = vector.load %arg5[%get3A_9, %get3A_10] : memref<256x1xf32, #tpu.memory_space<vmem>>, vector<256x1xf32>
    %get3A_12 = arith.constant 0 : index
    %get3A_13 = arith.constant 0 : index
    %get3A_14 = vector.load %arg3[%get3A_12, %get3A_13] : memref<256x768xf32, #tpu.memory_space<vmem>>, vector<256x768xf32>
    %mul3A_15 = vector.broadcast %get3A_11 : vector<256x1xf32> to vector<256x768xf32>
    %mul3A_16 = arith.mulf %mul3A_15, %get3A_14 : vector<256x768xf32>
    %add3A_17 = arith.addf %add3A, %mul3A_16 : vector<256x768xf32>
    %get3A_18 = arith.constant 0 : index
    %get3A_19 = arith.constant 0 : index
    %get3A_20 = vector.load %arg6[%get3A_18, %get3A_19] : memref<1x768xf32, #tpu.memory_space<vmem>>, vector<1x768xf32>
    %get3A_21 = arith.constant 0 : index
    %get3A_22 = arith.constant 0 : index
    %get3A_23 = vector.load %arg7[%get3A_21, %get3A_22] : memref<1x768xf32, #tpu.memory_space<vmem>>, vector<1x768xf32>
    %reduce_sum3A = arith.constant dense<0.000000e+00> : vector<256xf32>
    %reduce_sum3A_24 = vector.multi_reduction <add>, %add3A_17, %reduce_sum3A [1] : vector<256x768xf32> to vector<256xf32>
    %broadcast_in_dim3A = vector.shape_cast %reduce_sum3A_24 : vector<256xf32> to vector<256x1xf32>
    %div3A = arith.constant 7.680000e+02 : f32
    %div3A_25 = vector.broadcast %div3A : f32 to vector<256x1xf32>
    %div3A_26 = arith.divf %broadcast_in_dim3A, %div3A_25 : vector<256x1xf32>
    %sub3A = vector.broadcast %div3A_26 : vector<256x1xf32> to vector<256x768xf32>
    %sub3A_27 = arith.subf %add3A_17, %sub3A : vector<256x768xf32>
    %sub3A_28 = vector.broadcast %div3A_26 : vector<256x1xf32> to vector<256x768xf32>
    %sub3A_29 = arith.subf %add3A_17, %sub3A_28 : vector<256x768xf32>
    %mul3A_30 = arith.mulf %sub3A_27, %sub3A_29 : vector<256x768xf32>
    %reduce_sum3A_31 = arith.constant dense<0.000000e+00> : vector<256xf32>
    %reduce_sum3A_32 = vector.multi_reduction <add>, %mul3A_30, %reduce_sum3A_31 [1] : vector<256x768xf32> to vector<256xf32>
    %broadcast_in_dim3A_33 = vector.shape_cast %reduce_sum3A_32 : vector<256xf32> to vector<256x1xf32>
    %div3A_34 = arith.constant 7.680000e+02 : f32
    %div3A_35 = vector.broadcast %div3A_34 : f32 to vector<256x1xf32>
    %div3A_36 = arith.divf %broadcast_in_dim3A_33, %div3A_35 : vector<256x1xf32>
    %sub3A_37 = vector.broadcast %div3A_26 : vector<256x1xf32> to vector<256x768xf32>
    %sub3A_38 = arith.subf %add3A_17, %sub3A_37 : vector<256x768xf32>
    %add3A_39 = arith.constant 9.99999974E-6 : f32
    %add3A_40 = vector.broadcast %add3A_39 : f32 to vector<256x1xf32>
    %add3A_41 = arith.addf %div3A_36, %add3A_40 : vector<256x1xf32>
    %rsqrt3A = math.rsqrt %add3A_41 : vector<256x1xf32>
    %mul3A_42 = vector.broadcast %rsqrt3A : vector<256x1xf32> to vector<256x768xf32>
    %mul3A_43 = arith.mulf %sub3A_38, %mul3A_42 : vector<256x768xf32>
    %mul3A_44 = vector.broadcast %get3A_20 : vector<1x768xf32> to vector<256x768xf32>
    %mul3A_45 = arith.mulf %mul3A_43, %mul3A_44 : vector<256x768xf32>
    %add3A_46 = vector.broadcast %get3A_23 : vector<1x768xf32> to vector<256x768xf32>
    %add3A_47 = arith.addf %mul3A_45, %add3A_46 : vector<256x768xf32>
    %swap3A = arith.constant 0 : index
    %swap3A_48 = arith.constant 0 : index
    %swap3A_49 = vector.load %arg8[%swap3A, %swap3A_48] : memref<256x768xf32, #tpu.memory_space<vmem>>, vector<256x768xf32>
    tpu.vector_store %arg8[%swap3A, %swap3A_48], %add3A_47 {strides = array<i32>} : memref<256x768xf32, #tpu.memory_space<vmem>>, vector<256x768xf32>,
    return
  }
  func.func @transform_0(%arg0: i32) -> (i32, i32) {
    %c0_i32 = arith.constant 0 : i32
    %c0_i32_0 = arith.constant 0 : i32
    return %arg0, %c0_i32 : i32, i32
  }
  func.func @transform_1(%arg0: i32) -> (i32, i32) {
    %c0_i32 = arith.constant 0 : i32
    %c0_i32_0 = arith.constant 0 : i32
    return %arg0, %c0_i32 : i32, i32
  }
  func.func @transform_2(%arg0: i32) -> (i32, i32) {
    %c0_i32 = arith.constant 0 : i32
    %c0_i32_0 = arith.constant 0 : i32
    return %arg0, %c0_i32 : i32, i32
  }
  func.func @transform_3(%arg0: i32) -> (i32, i32) {
    %c0_i32 = arith.constant 0 : i32
    %c0_i32_0 = arith.constant 0 : i32
    return %arg0, %c0_i32 : i32, i32
  }
  func.func @transform_4(%arg0: i32) -> (i32, i32) {
    %c0_i32 = arith.constant 0 : i32
    %c0_i32_0 = arith.constant 0 : i32
    return %arg0, %c0_i32 : i32, i32
  }
  func.func @transform_5(%arg0: i32) -> (i32, i32) {
    %c0_i32 = arith.constant 0 : i32
    %c0_i32_0 = arith.constant 0 : i32
    %c0_i32_1 = arith.constant 0 : i32
    return %c0_i32, %c0_i32_0 : i32, i32
  }
  func.func @transform_6(%arg0: i32) -> (i32, i32) {
    %c0_i32 = arith.constant 0 : i32
    %c0_i32_0 = arith.constant 0 : i32
    %c0_i32_1 = arith.constant 0 : i32
    return %c0_i32, %c0_i32_0 : i32, i32
  }
  func.func @transform_7(%arg0: i32) -> (i32, i32) {
    %c0_i32 = arith.constant 0 : i32
    %c0_i32_0 = arith.constant 0 : i32
    return %arg0, %c0_i32 : i32, i32
  }
}

</mosaic_0001>

<sc_bundles>
// kernel: kernel.18.cloned.1.call-start
scs
__scs_entry_jumppad:
0x0: {  	(pc) =	sbr.rel $0x88, $3  }
0x1: {  	(tag) =	ssettag $0x0;
	lr =	simm.s32 $0x1  }
0x2: {  	[smem:$0x3F8C] =	sst lr;
	_ =	strace $0xD0000000  }
0x3: {  	_ = 	snop  }
0x4: {  	_ = 	snop  }
0x5: {  	_ = 	snop  }
0x6: {  	_ = 	snop  }
0x7: {  	_ = 	snop  }
__scs_overlays_trampoline_lowered:
0x8: {  	[smem:$0x3F9B] =	sst s0  }
0x9: {  	[smem:$0x3F9C] =	sst s1  }
0xa: {  	[smem:$0x3F9D] =	sst s2  }
0xb: {  	[smem:$0x3F9E] =	sst s3  }
0xc: {  	[smem:$0x3F9F] =	sst s4  }
0xd: {  	[smem:$0x3FA0] =	sst s5  }
0xe: {  	[smem:$0x3FA1] =	sst s6  }
0xf: {  	[smem:$0x3FA2] =	sst s7  }
0x10: {  	[smem:$0x3FA3] =	sst s8  }
0x11: {  	[smem:$0x3FA4] =	sst s9;
	s0 =	simm.s32 @!p0 $0x0  }
0x12: {  	s1 =	sld [smem:$0x3F8A];
	s0 =	simm.s32 @p0 $0x1  }
0x13: {  	[smem:$0x3FA5] =	sst s0;
	s0 =	simm.s32 @!p1 $0x0  }
0x14: {  	s2 =	sld [smem:$0x3F89];
	s0 =	simm.s32 @p1 $0x1  }
0x15: {  	[smem:$0x3FA6] =	sst s0;
	s0 =	simm.s32 @!p2 $0x0  }
0x16: {  	s3 =	sld [smem:$0x3FDB];
	s0 =	simm.s32 @p2 $0x1  }
0x17: {  	s4 =	simm.s32 $0x1BF5;
	[smem:$0x3FA8] =	sst s0  }
0x18: {  	s0 =	sld [smem:$0x3F8B];
	_ =	swait.ge [sflag:s4], $0x0  }
0x19: {  	s7 =	sld [smem:$0x3F8C]  }
0x1a: {  	s8 =	sadd.s32 $0xFFFFE003, lr  }
0x1b: {  	s9 =	sadd.s32 $0xFFFFFEF7, lr;
	s5 =	simm.s32 $0xFFFFFFFF;
	p2 =	slt.u32 s8, $0xFFFFF086  }
0x1c: {  	p1 =	slt.u32 s9, $0xF7A;
	s5 =	simm.s32 @!p2 $0x0  }
0x1d: {  	s5 =	simm.s32 @p1 $0x1;
	p0 =	seq.s32 s7, s2  }
0x1e: {  	s7 =	smul.u32 @!p0 $0xF7A, s2;
	p2 =	seq.s32 @!p0 s5, $0x0  }
0x1f: {  	s9 =	smul.u32 $0xF7A, s1;
	s8 =	simm.s32 @!p0 $0x1BF5;
	p2 =	por !p2, p0  }
0x20: {  	[sflag:s8] =	ssyncset.s32 @!p0 $0xFFFFF086;
	s6 =	sadd.s32 @!p0 s3, s7;
	s7 =	simm.s32 @!p0 $0x108  }
0x21: {  	s3 =	sadd.s32 s3, s9;
	s6 =	sadd.s32 @!p0 $0x88, s6;
	s7 =	simm.s32 @p2 $0x1082  }
0x22: {  	[simem:s7], [sflag:s8] =	dma.local @!p0 [hbm:s6], $0xF7A  }
0x23: {  	s9 =	sor.u32 $0xD0000000, s2;
	s6 =	simm.s32 $0x108;
	_ =	swait.ge @!p0 [sflag:s8], $0x0  }
0x24: {  	s3 =	sadd.s32 $0x88, s3;
	s6 =	simm.s32 @!p1 $0x1082;
	[sflag:s4] =	ssyncset.s32 $0xFFFFF086  }
0x25: {  	[simem:s6], [sflag:s4] =	dma.local [hbm:s3], $0xF7A  }
0x26: {  	[smem:$0x3F8C] =	sst s1;
	(tag) =	ssettag s2;
	_ =	strace s9  }
0x27: {  	s1 =	sld [smem:$0x3F9C]  }
0x28: {  	s2 =	sld [smem:$0x3F9D]  }
0x29: {  	s4 =	sld [smem:$0x3F9F]  }
0x2a: {  	p0 =	seq.s32 s5, $0x0;
	s5 =	sld [smem:$0x3FA0]  }
0x2b: {  	s6 =	sld [smem:$0x3FA1]  }
0x2c: {  	s7 =	sld [smem:$0x3FA2]  }
0x2d: {  	s3 =	simm.s32 $0x108;
	s8 =	sld [smem:$0x3FA3]  }
0x2e: {  	s3 =	simm.s32 @!p0 $0x1082;
	s9 =	sld [smem:$0x3FA4]  }
0x2f: {  	lr =	sadd.s32 s0, s3;
	s0 =	sld [smem:$0x3F9B]  }
0x30: {  	s3 =	sld [smem:$0x3F9E]  }
0x31: {  	[smem:$0x3FA7] =	sst s10  }
0x32: {  	s10 =	sld [smem:$0x3FA5];
	_ =	sdelay $0x3  }
0x33: {  	p0 =	seq.s32 s10, $0x1;
	s10 =	sld [smem:$0x3FA7];
	_ =	sdelay $0x3  }
0x34: {  	[smem:$0x3FA7] =	sst s10  }
0x35: {  	s10 =	sld [smem:$0x3FA6];
	_ =	sdelay $0x3  }
0x36: {  	p1 =	seq.s32 s10, $0x1;
	s10 =	sld [smem:$0x3FA7];
	_ =	sdelay $0x3  }
0x37: {  	[smem:$0x3FA7] =	sst s10  }
0x38: {  	s10 =	sld [smem:$0x3FA8]  }
0x39: {  	_ = 	snop;
	(pc) =	sbr.ind lr, $3  }
0x3a: {  	_ = 	snop  }
0x3b: {  	_ = 	snop  }
0x3c: {  	p2 =	seq.s32 s10, $0x1;
	s10 =	sld [smem:$0x3FA7]  }
0x3d: {  	_ =	shalt  }
0x3e: {  	_ =	shalt  }
0x3f: {  	_ =	shalt  }
0x40: {  	_ =	shalt  }
0x41: {  	_ =	shalt  }
0x42: {  	_ =	shalt  }
0x43: {  	_ =	shalt  }
0x44: {  	_ =	shalt  }
0x45: {  	_ =	shalt  }
0x46: {  	_ =	shalt  }
0x47: {  	_ =	shalt  }
0x48: {  	_ =	shalt  }
0x49: {  	_ =	shalt  }
0x4a: {  	_ =	shalt  }
0x4b: {  	_ =	shalt  }
0x4c: {  	_ =	shalt  }
0x4d: {  	_ =	shalt  }
0x4e: {  	_ =	shalt  }
0x4f: {  	_ =	shalt  }
0x50: {  	_ =	shalt  }
0x51: {  	_ =	shalt  }
0x52: {  	_ =	shalt  }
0x53: {  	_ =	shalt  }
0x54: {  	_ =	shalt  }
0x55: {  	_ =	shalt  }
0x56: {  	_ =	shalt  }
0x57: {  	_ =	shalt  }
0x58: {  	_ =	shalt  }
0x59: {  	_ =	shalt  }
0x5a: {  	_ =	shalt  }
0x5b: {  	_ =	shalt  }
0x5c: {  	_ =	shalt  }
0x5d: {  	_ =	shalt  }
0x5e: {  	_ =	shalt  }
0x5f: {  	_ =	shalt  }
0x60: {  	_ =	shalt  }
0x61: {  	_ =	shalt  }
0x62: {  	_ =	shalt  }
0x63: {  	_ =	shalt  }
0x64: {  	_ =	shalt  }
0x65: {  	_ =	shalt  }
0x66: {  	_ =	shalt  }
0x67: {  	_ =	shalt  }
0x68: {  	_ =	shalt  }
0x69: {  	_ =	shalt  }
0x6a: {  	_ =	shalt  }
0x6b: {  	_ =	shalt  }
0x6c: {  	_ =	shalt  }
0x6d: {  	_ =	shalt  }
0x6e: {  	_ =	shalt  }
0x6f: {  	_ =	shalt  }
0x70: {  	_ =	shalt  }
0x71: {  	_ =	shalt  }
0x72: {  	_ =	shalt  }
0x73: {  	_ =	shalt  }
0x74: {  	_ =	shalt  }
0x75: {  	_ =	shalt  }
0x76: {  	_ =	shalt  }
0x77: {  	_ =	shalt  }
0x78: {  	_ =	shalt  }
0x79: {  	_ =	shalt  }
0x7a: {  	_ =	shalt  }
0x7b: {  	_ =	shalt  }
0x7c: {  	_ =	shalt  }
0x7d: {  	_ =	shalt  }
0x7e: {  	_ =	shalt  }
0x7f: {  	_ =	shalt  }
0x80: {  	_ =	shalt  }
0x81: {  	_ =	shalt  }
0x82: {  	_ =	shalt  }
0x83: {  	_ =	shalt  }
0x84: {  	_ =	shalt  }
0x85: {  	_ =	shalt  }
0x86: {  	_ =	shalt  }
0x87: {  	_ =	shalt  }
.Lfunc_end0:
.L_simem_size_0:
called_computation_lowered:
.L_overlay_start_0:
0x88: {  	s2 =	sld [smem:$0x3FD9]  }
0x89: {  	s3 =	sld [smem:$0x3FFE];
	_ =	sdelay $0x1  }
0x8a: {  	s1 =	srdreg.scid  }
0x8b: {  	s0 =	sand.u32 $0x1, s1  }
0x8c: {  	s15 =	sshll.u32 s0, $0xA;
	s2 =	sadd.s32 s3, s2  }
0x8d: {  	s2 =	sadd.s32 s2, s15  }
0x8e: {  	[smem:$0x3FB3] =	sst s2  }
0x8f: {  	_ = 	snop  }
0x90: {  	s2 =	sld [smem:$0x3FD0];
	_ =	sdelay $0x1  }
0x91: {  	s16 =	sld [smem:$0x3FC9]  }
0x92: {  	s5 =	simm.s32 $0xB;
	s6 =	simm.s32 $0x10;
	s4 =	sld [smem:$0x3FC8]  }
0x93: {  	[smem:s6], [sflag:s5] =	dma.local [hbm:s2], $0x1  }
0x94: {  	_ =	swait.eq [sflag:s5], $0x1  }
0x95: {  	[sflag:s5] =	ssyncset.done $0x0  }
0x96: {  	[sflag:s5] =	ssyncadd.s32 $0xFFFFFFFF  }
0x97: {  	s17 =	sld [smem:$0x10];
	(tm) =	ssettm $0x1  }
0x98: {  	s18 =	sld [smem:$0x3FFB];
	_ =	sdelay $0x3  }
0x99: {  	_ =	strace s18  }
0x9a: {  	s5 =	sld [smem:$0x3FFC];
	_ =	sdelay $0x3  }
0x9b: {  	_ =	strace s5  }
0x9c: {  	s5 =	sld [smem:$0x3FFD];
	_ =	sdelay $0x3  }
0x9d: {  	_ =	strace s5  }
0x9e: {  	_ =	strace $0x8FFFFFFF  }
0x9f: {  	s19 =	sld [smem:$0x3FDB];
	_ =	sdelay $0x1  }
0xa0: {  	s20 =	simm.s32 $_scs_section_size  }
0xa1: {  	s7 =	simm.s32 $_size__tile_overlayer_lowered;
	s8 =	simm.s32 $_tile_overlayer_lowered  }
0xa2: {  	s23 =	simm.s32 $0x1BFF;
	s22 =	sshll.u32 s8, $0x1;
	s5 =	sadd.s32 s20, s19  }
0xa3: {  	s9 =	simm.s32 $0x0;
	s21 =	sshll.u32 s7, $0x1;
	s7 =	sadd.s32 s22, s5  }
0xa4: {  	[timem:s9], [sflag:s23] =	dma.local [hbm:s7], s21  }
0xa5: {  	_ =	swait.ge [sflag:s23], s21  }
0xa6: {  	s6 =	ssub.s32 $0x0, s21;
	[sflag:s23] =	ssyncset.done $0x0  }
0xa7: {  	[sflag:s23] =	ssyncadd.s32 s6;
	_ =	sdelay $0x1  }
0xa8: {  	s24 =	simm.s32 $0x1B8B  }
0xa9: {  	_ =	swait.ge [sflag:s24], $0x1  }
0xaa: {  	[sflag:s24] =	ssyncset.done $0x0  }
0xab: {  	s25 =	simm.s32 $0x1B8E;
	[sflag:s24] =	ssyncadd.s32 $0xFFFFFFFF  }
0xac: {  	s26 =	simm.s32 $execute0_lowered;
	[smem:$0x3FD2] =	sst s25  }
0xad: {  	s6 =	sshll.u32 s26, $0x1;
	_ =	strace $0x80000046;
	[dreg:$0x1] =	wrdreg $0xFFFFFFFF  }
0xae: {  	s28 =	simm.s32 $_size_execute0_lowered;
	s5 =	sadd.s32 s5, s6;
	[dreg:$0x0] =	wrdreg $0x0  }
0xaf: {  	s6 =	sshll.u32 s28, $0x1;
	[dreg:$0x2] =	wrdreg s5  }
0xb0: {  	[dreg:$0x3] =	wrdreg s6  }
0xb1: {  	[dreg:$0x4] =	wrdreg $0xC0  }
0xb2: {  	_ =	task [dreg:s9], $0x5FFFF  }
0xb3: {  	[dreg:$0x1] =	wrdreg $0xFFFFFFFF  }
0xb4: {  	[dreg:$0x0] =	wrdreg $0x60  }
0xb5: {  	[dreg:$0x2] =	wrdreg s4  }
0xb6: {  	[dreg:$0x3] =	wrdreg s16  }
0xb7: {  	[dreg:$0x4] =	wrdreg s17  }
0xb8: {  	[dreg:$0x5] =	wrdreg $0x9  }
0xb9: {  	_ =	task.clear_ibuf [dreg:s9], $0x6FFFF;
	_ =	strace $0x90000046  }
0xba: {  	s29 =	simm.s32 $0x9;
	_ =	strace $0x80000048  }
0xbb: {  	_ =	swait.ge [sflag:s29], $0x1  }
0xbc: {  	[sflag:s29] =	ssyncadd.s32 $0xFFFFFFFF  }
0xbd: {  	_ =	strace $0x90000048  }
0xbe: {  	_ =	sfence  }
0xbf: {  	s30 =	sld [smem:$0x0];
	_ =	sdelay $0x2  }
0xc0: {  	s31 =	sshll.u32 s1, $0xD;
	s1 =	sshrl.u32 s1, $0x2  }
0xc1: {  	s3 =	sand.u32 $0x4000, s31;
	s1 =	sadd.s32 s1, s30  }
0xc2: {  	s0 =	sor.u32 s3, s0;
	s1 =	sshll.u32 s1, $0x11  }
0xc3: {  	s0 =	sor.u32 s1, s0  }
0xc4: {  	s0 =	sadd.s32 $0x8F2B, s0  }
0xc5: {  	[sflag:s0] =	ssyncadd.remote.s32 $0x1  }
0xc6: {  	_ =	sfence.sel $0xFFFF  }
0xc7: {  	[dreg:$0x0] =	wrdreg $0xFFFFFFFF;
	(pc) =	sbr.abs _section_cstart, $3  }
0xc8: {  	[dreg:$0x1] =	wrdreg $0xFFFFFFFF  }
0xc9: {  	_ =	task.clear_ibuf [dreg:s9], $0x2FFFF;
	_ =	strace $0x9FFFFFFF  }
0xca: {  	(tm) =	ssettm $0x7FFFFFFF  }
0xcb: {  	_ =	shalt  }
tec
execute0_lowered:
.L_overlay_start_1:
0x0: {  	(tag) =	ssettag $0x1  }
0x1: {  	s2 =	rddreg [dreg:$0x0]  }
0x2: {  	s0 =	rddreg [dreg:$0x1];
	s3 =	srdreg.scid  }
0x3: {  	s5 =	rddreg [dreg:$0x2];
	s1 =	stileid.u32  }
0x4: {  	s26 =	simm.s32 $0x880;
	s9 =	simm.s32 $0x1080;
	s10 =	simm.s32 $0x1880  }
0x5: {  	s11 =	simm.s32 $0x2080;
	s12 =	simm.s32 $0x2880;
	s13 =	simm.s32 $0x3080  }
0x6: {  	s14 =	simm.s32 $0x3880;
	s15 =	simm.s32 $0x4080;
	s16 =	simm.s32 $0x4880  }
0x7: {  	s17 =	simm.s32 $0x5080;
	s18 =	simm.s32 $0x5880;
	s19 =	simm.s32 $0x6080  }
0x8: {  	s20 =	simm.s32 $0x6880;
	s21 =	simm.s32 $0x7080;
	s22 =	simm.s32 $0x7880  }
0x9: {  	s23 =	simm.s32 $0x8080;
	s28 =	simm.s32 $0xA080;
	s29 =	simm.s32 $0xA880  }
0xa: {  	s30 =	simm.s32 $0xB080;
	s31 =	simm.s32 $0xB880;
	s4 =	sand.u32 $0x1, s3  }
0xb: {  	s6 =	sshll.u32 s1, $0x4;
	s3 =	simm.s32 $0x0;
	s7 =	sshll.u32 s4, $0x3  }
0xc: {  	s4 =	ssub.s32 $0x2, s4;
	[smem:$0x7FF] =	sst s3;
	s6 =	sor.u32 s7, s6  }
0xd: {  	s24 =	sshrl.u32 s4, $0x1;
	_ =	strace $0x80000047;
	[dreg:$0x6] =	wrdreg s26  }
0xe: {  	s26 =	simm.s32 $0x9880;
	s8 =	smul.u32 $0x300, s6;
	s7 =	ssub.s32 s4, s24  }
0xf: {  	s0 =	sadd.s32 s0, s6;
	s4 =	sadd.s32 $0x100, s2;
	s24 =	simm.s32 $0x8880  }
0x10: {  	v2 =	vlaneseq.u32;
	[dreg:$0x4] =	wrdreg s0;
	s6 =	smax.u32 s7, $0x1;
	s7 =	simm.s32 $0x2  }
0x11: {  	vm0 =	vmmov $0xffff;
	v1 =	vshrl.u32 v2, $0x3;
	s0 =	simm.s32 $0x1;
	s25 =	sadd.s32 s5, s8;
	s5 =	sadd.s32 $0x200, s2  }
0x12: {  	v0 =	vand.u32 $0x7, v2;
	v2 =	vor.u32 $0x8, v2;
	v1 =	vmul.u32 $0x8, v1;
	s8 =	simm.s32 $0x80;
	[dreg:$0x5] =	wrdreg s25;
	s25 =	simm.s32 $0x9080  }
.LBB2_1:
0x13: {  	s1 =	rddreg [dreg:$0x4]  }
0x14: {  	[tilespmem:s3], [sflag:$0x2] =	stream.linear.gather [hbm4b:s1+s3], $0x40, $0x38;
	[tilespmem:$0xC080] =	vst v63  }
0x15: {  	_ =	swait.ge [sflag:s7], $0x40  }
0x16: {  	[sflag:s7] =	ssyncset.done $0x0  }
0x17: {  	[sflag:s7] =	ssyncadd.s32 $0xFFFFFFC0  }
0x18: {  	v3 =	vld [tilespmem:$0x0];
	_ =	sdelay $0x4  }
0x19: {  	v4 =	vshrl.u32 v3, $0x3  }
0x1a: {  	v4 =	vmul.u32 $0x30, v4  }
0x1b: {  	v3 =	vand.u32 $0x7, v3  }
0x1c: {  	v3 =	vor.u32 v3, v4  }
0x1d: {  	v4 =	vperm.xlane v3, v0;
	_ =	sdelay $0x1  }
0x1e: {  	v4 =	vadd.s32 v1, v4;
	_ =	sdelay $0x3  }
0x1f: {  	v3 =	vperm.xlane v3, v2  }
0x20: {  	[tilespmem:s8], [sflag:$0x1] =	stream.indirect_vreg.gather [hbm4b:s2+s3], $0x80, v4, vm0, $0xb8;
	[tilespmem:$0xC080] =	vst v63  }
0x21: {  	s1 =	rddreg [dreg:$0x6];
	v3 =	vadd.s32 v1, v3  }
0x22: {  	[tilespmem:s1], [sflag:$0x1] =	stream.indirect_vreg.gather [hbm4b:s4+s3], $0x80, v4, vm0, $0xb8;
	[tilespmem:$0xC080] =	vst v63  }
0x23: {  	_ = 	snop  }
0x24: {  	[tilespmem:s9], [sflag:$0x1] =	stream.indirect_vreg.gather [hbm4b:s5+s3], $0x80, v4, vm0, $0xb8;
	[tilespmem:$0xC080] =	vst v63  }
0x25: {  	_ = 	snop  }
0x26: {  	[tilespmem:s10], [sflag:$0x1] =	stream.indirect_vreg.gather [hbm4b:s2+s3], $0x80, v3, vm0, $0xb8;
	[tilespmem:$0xC080] =	vst v63  }
0x27: {  	_ = 	snop  }
0x28: {  	[tilespmem:s11], [sflag:$0x1] =	stream.indirect_vreg.gather [hbm4b:s4+s3], $0x80, v3, vm0, $0xb8;
	[tilespmem:$0xC080] =	vst v63  }
0x29: {  	_ = 	snop  }
0x2a: {  	[tilespmem:s12], [sflag:$0x1] =	stream.indirect_vreg.gather [hbm4b:s5+s3], $0x80, v3, vm0, $0xb8;
	[tilespmem:$0xC080] =	vst v63  }
0x2b: {  	v3 =	vld [tilespmem:$0x10];
	_ =	sdelay $0x4  }
0x2c: {  	v61 =	vshrl.u32 v3, $0x3  }
0x2d: {  	v4 =	vmul.u32 $0x30, v61  }
0x2e: {  	v3 =	vand.u32 $0x7, v3  }
0x2f: {  	v3 =	vor.u32 v3, v4  }
0x30: {  	v4 =	vperm.xlane v3, v0;
	_ =	sdelay $0x1  }
0x31: {  	v4 =	vadd.s32 v1, v4;
	_ =	sdelay $0x3  }
0x32: {  	v3 =	vperm.xlane v3, v2  }
0x33: {  	[tilespmem:s13], [sflag:$0x1] =	stream.indirect_vreg.gather [hbm4b:s2+s3], $0x80, v4, vm0, $0xb8;
	[tilespmem:$0xC080] =	vst v63  }
0x34: {  	v3 =	vadd.s32 v1, v3  }
0x35: {  	[tilespmem:s14], [sflag:$0x1] =	stream.indirect_vreg.gather [hbm4b:s4+s3], $0x80, v4, vm0, $0xb8;
	[tilespmem:$0xC080] =	vst v63  }
0x36: {  	_ = 	snop  }
0x37: {  	[tilespmem:s15], [sflag:$0x1] =	stream.indirect_vreg.gather [hbm4b:s5+s3], $0x80, v4, vm0, $0xb8;
	[tilespmem:$0xC080] =	vst v63  }
0x38: {  	_ = 	snop  }
0x39: {  	[tilespmem:s16], [sflag:$0x1] =	stream.indirect_vreg.gather [hbm4b:s2+s3], $0x80, v3, vm0, $0xb8;
	[tilespmem:$0xC080] =	vst v63  }
0x3a: {  	_ = 	snop  }
0x3b: {  	[tilespmem:s17], [sflag:$0x1] =	stream.indirect_vreg.gather [hbm4b:s4+s3], $0x80, v3, vm0, $0xb8;
	[tilespmem:$0xC080] =	vst v63  }
0x3c: {  	_ = 	snop  }
0x3d: {  	[tilespmem:s18], [sflag:$0x1] =	stream.indirect_vreg.gather [hbm4b:s5+s3], $0x80, v3, vm0, $0xb8;
	[tilespmem:$0xC080] =	vst v63  }
0x3e: {  	v3 =	vld [tilespmem:$0x20];
	_ =	sdelay $0x4  }
0x3f: {  	v62 =	vshrl.u32 v3, $0x3  }
0x40: {  	v4 =	vmul.u32 $0x30, v62  }
0x41: {  	v3 =	vand.u32 $0x7, v3  }
0x42: {  	v3 =	vor.u32 v3, v4  }
0x43: {  	v4 =	vperm.xlane v3, v0;
	_ =	sdelay $0x1  }
0x44: {  	v4 =	vadd.s32 v1, v4;
	_ =	sdelay $0x3  }
0x45: {  	v3 =	vperm.xlane v3, v2  }
0x46: {  	[tilespmem:s19], [sflag:$0x1] =	stream.indirect_vreg.gather [hbm4b:s2+s3], $0x80, v4, vm0, $0xb8;
	[tilespmem:$0xC080] =	vst v63  }
0x47: {  	v3 =	vadd.s32 v1, v3  }
0x48: {  	[tilespmem:s20], [sflag:$0x1] =	stream.indirect_vreg.gather [hbm4b:s4+s3], $0x80, v4, vm0, $0xb8;
	[tilespmem:$0xC080] =	vst v63  }
0x49: {  	_ = 	snop  }
0x4a: {  	[tilespmem:s21], [sflag:$0x1] =	stream.indirect_vreg.gather [hbm4b:s5+s3], $0x80, v4, vm0, $0xb8;
	[tilespmem:$0xC080] =	vst v63  }
0x4b: {  	_ = 	snop  }
0x4c: {  	[tilespmem:s22], [sflag:$0x1] =	stream.indirect_vreg.gather [hbm4b:s2+s3], $0x80, v3, vm0, $0xb8;
	[tilespmem:$0xC080] =	vst v63  }
0x4d: {  	_ = 	snop  }
0x4e: {  	[tilespmem:s23], [sflag:$0x1] =	stream.indirect_vreg.gather [hbm4b:s4+s3], $0x80, v3, vm0, $0xb8;
	[tilespmem:$0xC080] =	vst v63  }
0x4f: {  	_ = 	snop  }
0x50: {  	[tilespmem:s24], [sflag:$0x1] =	stream.indirect_vreg.gather [hbm4b:s5+s3], $0x80, v3, vm0, $0xb8;
	[tilespmem:$0xC080] =	vst v63  }
0x51: {  	v3 =	vld [tilespmem:$0x30];
	_ =	sdelay $0x4  }
0x52: {  	v63 =	vshrl.u32 v3, $0x3  }
0x53: {  	v4 =	vmul.u32 $0x30, v63  }
0x54: {  	v3 =	vand.u32 $0x7, v3  }
0x55: {  	v3 =	vor.u32 v3, v4  }
0x56: {  	v4 =	vperm.xlane v3, v0;
	_ =	sdelay $0x1  }
0x57: {  	v4 =	vadd.s32 v1, v4;
	_ =	sdelay $0x3  }
0x58: {  	v3 =	vperm.xlane v3, v2  }
0x59: {  	[tilespmem:s25], [sflag:$0x1] =	stream.indirect_vreg.gather [hbm4b:s2+s3], $0x80, v4, vm0, $0xb8;
	[tilespmem:$0xC080] =	vst v63  }
0x5a: {  	v3 =	vadd.s32 v1, v3  }
0x5b: {  	[tilespmem:s26], [sflag:$0x1] =	stream.indirect_vreg.gather [hbm4b:s4+s3], $0x80, v4, vm0, $0xb8;
	[tilespmem:$0xC080] =	vst v63  }
0x5c: {  	_ = 	snop  }
0x5d: {  	[tilespmem:s28], [sflag:$0x1] =	stream.indirect_vreg.gather [hbm4b:s5+s3], $0x80, v4, vm0, $0xb8;
	[tilespmem:$0xC080] =	vst v63  }
0x5e: {  	_ = 	snop  }
0x5f: {  	[tilespmem:s29], [sflag:$0x1] =	stream.indirect_vreg.gather [hbm4b:s2+s3], $0x80, v3, vm0, $0xb8;
	[tilespmem:$0xC080] =	vst v63  }
0x60: {  	_ = 	snop  }
0x61: {  	[tilespmem:s30], [sflag:$0x1] =	stream.indirect_vreg.gather [hbm4b:s4+s3], $0x80, v3, vm0, $0xb8;
	[tilespmem:$0xC080] =	vst v63  }
0x62: {  	_ = 	snop  }
0x63: {  	[tilespmem:s31], [sflag:$0x1] =	stream.indirect_vreg.gather [hbm4b:s5+s3], $0x80, v3, vm0, $0xb8;
	[tilespmem:$0xC080] =	vst v63  }
0x64: {  	_ =	swait.ge [sflag:s0], $0xC000  }
0x65: {  	p0 =	sne.s32 s6, $0x1;
	[sflag:s0] =	ssyncset.done $0x0  }
.Ltmp0:
0x66: {  	s1 =	rddreg [dreg:$0x5];
	[sflag:s0] =	ssyncadd.s32 $0xFFFF4000;
	(pc) =	sbr.rel @p0 .LBB2_1-.Ltmp0, $4  }
0x67: {  	[hbm4b:s1+s3] =	stream.linear.scatter [tilespmem:s8], [sflag:$0x2], $0xC000, $0x38;
	[tilespmem:$0xC080] =	vst v63  }
0x68: {  	_ =	swait.ge [sflag:s7], $0xC000  }
0x69: {  	[sflag:s7] =	ssyncset.done $0x0  }
0x6a: {  	s6 =	sadd.s32 $0xFFFFFFFF, s6;
	[sflag:s7] =	ssyncadd.s32 $0xFFFF4000  }
0x6b: {  	_ =	sfence.sel $0x180000  }
0x6c: {  	[bflag:$0x0] =	sbarrier.arrive $0xFFFF  }
0x6d: {  	_ =	strace $0x90000047  }
0x6e: {  	s0 =	stileid.u32;
	[bflag:$0x2] =	sbarrier.arrive $0xFFFF  }
0x6f: {  	p0 =	sne.s32 s0, $0x0;
	s0 =	rddreg [dreg:$0x3]  }
0x70: {  	s0 =	sadd.s32 @!p0 $0x100000, s0  }
0x71: {  	[sflag:s0] =	ssyncadd.tile.s32 @!p0 $0x1;
	_ =	shalt  }
.Lfunc_end2:
_tile_overlayer_lowered:
.L_overlay_start_2:
0x72: {  	(tag) =	ssettag $0x2  }
0x73: {  	s0 =	rddreg [dreg:$0x0];
	s2 =	stileid.u32  }
0x74: {  	s1 =	rddreg [dreg:$0x1];
	p0 =	sne.s32 s2, $0x0  }
0x75: {  	s3 =	rddreg [dreg:$0x2];
	[bflag:$0x3] =	sbarrier.arrive $0xFFFF;
	s2 =	simm.s32 @!p0 $0x1C02  }
0x76: {  	[timem:s3], [sflag:s2] =	dma.local @!p0 [hbm:s0], s1  }
0x77: {  	s0 =	simm.s32 @!p0 $0x2  }
0x78: {  	_ =	swait.ge @!p0 [sflag:s0], s1  }
0x79: {  	s1 =	ssub.s32 @!p0 $0x0, s1;
	[sflag:s0] =	ssyncset.done @!p0 $0x0  }
0x7a: {  	[sflag:s0] =	ssyncadd.s32 @!p0 s1  }
0x7b: {  	[bflag:$0x3] =	sbarrier.arrive $0xFFFF  }
0x7c: {  	_ =	shalt  }

// kernel: kernel.21.cloned.1.call-start
scs
__scs_entry_jumppad:
0x0: {  	(pc) =	sbr.rel $0x88, $3  }
0x1: {  	(tag) =	ssettag $0x0;
	lr =	simm.s32 $0x1  }
0x2: {  	[smem:$0x3F8C] =	sst lr;
	_ =	strace $0xD0000000  }
0x3: {  	_ = 	snop  }
0x4: {  	_ = 	snop  }
0x5: {  	_ = 	snop  }
0x6: {  	_ = 	snop  }
0x7: {  	_ = 	snop  }
__scs_overlays_trampoline_lowered:
0x8: {  	[smem:$0x3F9B] =	sst s0  }
0x9: {  	[smem:$0x3F9C] =	sst s1  }
0xa: {  	[smem:$0x3F9D] =	sst s2  }
0xb: {  	[smem:$0x3F9E] =	sst s3  }
0xc: {  	[smem:$0x3F9F] =	sst s4  }
0xd: {  	[smem:$0x3FA0] =	sst s5  }
0xe: {  	[smem:$0x3FA1] =	sst s6  }
0xf: {  	[smem:$0x3FA2] =	sst s7  }
0x10: {  	[smem:$0x3FA3] =	sst s8  }
0x11: {  	[smem:$0x3FA4] =	sst s9;
	s0 =	simm.s32 @!p0 $0x0  }
0x12: {  	s1 =	sld [smem:$0x3F8A];
	s0 =	simm.s32 @p0 $0x1  }
0x13: {  	[smem:$0x3FA5] =	sst s0;
	s0 =	simm.s32 @!p1 $0x0  }
0x14: {  	s2 =	sld [smem:$0x3F89];
	s0 =	simm.s32 @p1 $0x1  }
0x15: {  	[smem:$0x3FA6] =	sst s0;
	s0 =	simm.s32 @!p2 $0x0  }
0x16: {  	s3 =	sld [smem:$0x3FDB];
	s0 =	simm.s32 @p2 $0x1  }
0x17: {  	s4 =	simm.s32 $0x1BF5;
	[smem:$0x3FA8] =	sst s0  }
0x18: {  	s0 =	sld [smem:$0x3F8B];
	_ =	swait.ge [sflag:s4], $0x0  }
0x19: {  	s7 =	sld [smem:$0x3F8C]  }
0x1a: {  	s8 =	sadd.s32 $0xFFFFE003, lr  }
0x1b: {  	s9 =	sadd.s32 $0xFFFFFEF7, lr;
	s5 =	simm.s32 $0xFFFFFFFF;
	p2 =	slt.u32 s8, $0xFFFFF086  }
0x1c: {  	p1 =	slt.u32 s9, $0xF7A;
	s5 =	simm.s32 @!p2 $0x0  }
0x1d: {  	s5 =	simm.s32 @p1 $0x1;
	p0 =	seq.s32 s7, s2  }
0x1e: {  	s7 =	smul.u32 @!p0 $0xF7A, s2;
	p2 =	seq.s32 @!p0 s5, $0x0  }
0x1f: {  	s9 =	smul.u32 $0xF7A, s1;
	s8 =	simm.s32 @!p0 $0x1BF5;
	p2 =	por !p2, p0  }
0x20: {  	[sflag:s8] =	ssyncset.s32 @!p0 $0xFFFFF086;
	s6 =	sadd.s32 @!p0 s3, s7;
	s7 =	simm.s32 @!p0 $0x108  }
0x21: {  	s3 =	sadd.s32 s3, s9;
	s6 =	sadd.s32 @!p0 $0x88, s6;
	s7 =	simm.s32 @p2 $0x1082  }
0x22: {  	[simem:s7], [sflag:s8] =	dma.local @!p0 [hbm:s6], $0xF7A  }
0x23: {  	s9 =	sor.u32 $0xD0000000, s2;
	s6 =	simm.s32 $0x108;
	_ =	swait.ge @!p0 [sflag:s8], $0x0  }
0x24: {  	s3 =	sadd.s32 $0x88, s3;
	s6 =	simm.s32 @!p1 $0x1082;
	[sflag:s4] =	ssyncset.s32 $0xFFFFF086  }
0x25: {  	[simem:s6], [sflag:s4] =	dma.local [hbm:s3], $0xF7A  }
0x26: {  	[smem:$0x3F8C] =	sst s1;
	(tag) =	ssettag s2;
	_ =	strace s9  }
0x27: {  	s1 =	sld [smem:$0x3F9C]  }
0x28: {  	s2 =	sld [smem:$0x3F9D]  }
0x29: {  	s4 =	sld [smem:$0x3F9F]  }
0x2a: {  	p0 =	seq.s32 s5, $0x0;
	s5 =	sld [smem:$0x3FA0]  }
0x2b: {  	s6 =	sld [smem:$0x3FA1]  }
0x2c: {  	s7 =	sld [smem:$0x3FA2]  }
0x2d: {  	s3 =	simm.s32 $0x108;
	s8 =	sld [smem:$0x3FA3]  }
0x2e: {  	s3 =	simm.s32 @!p0 $0x1082;
	s9 =	sld [smem:$0x3FA4]  }
0x2f: {  	lr =	sadd.s32 s0, s3;
	s0 =	sld [smem:$0x3F9B]  }
0x30: {  	s3 =	sld [smem:$0x3F9E]  }
0x31: {  	[smem:$0x3FA7] =	sst s10  }
0x32: {  	s10 =	sld [smem:$0x3FA5];
	_ =	sdelay $0x3  }
0x33: {  	p0 =	seq.s32 s10, $0x1;
	s10 =	sld [smem:$0x3FA7];
	_ =	sdelay $0x3  }
0x34: {  	[smem:$0x3FA7] =	sst s10  }
0x35: {  	s10 =	sld [smem:$0x3FA6];
	_ =	sdelay $0x3  }
0x36: {  	p1 =	seq.s32 s10, $0x1;
	s10 =	sld [smem:$0x3FA7];
	_ =	sdelay $0x3  }
0x37: {  	[smem:$0x3FA7] =	sst s10  }
0x38: {  	s10 =	sld [smem:$0x3FA8]  }
0x39: {  	_ = 	snop;
	(pc) =	sbr.ind lr, $3  }
0x3a: {  	_ = 	snop  }
0x3b: {  	_ = 	snop  }
0x3c: {  	p2 =	seq.s32 s10, $0x1;
	s10 =	sld [smem:$0x3FA7]  }
0x3d: {  	_ =	shalt  }
0x3e: {  	_ =	shalt  }
0x3f: {  	_ =	shalt  }
0x40: {  	_ =	shalt  }
0x41: {  	_ =	shalt  }
0x42: {  	_ =	shalt  }
0x43: {  	_ =	shalt  }
0x44: {  	_ =	shalt  }
0x45: {  	_ =	shalt  }
0x46: {  	_ =	shalt  }
0x47: {  	_ =	shalt  }
0x48: {  	_ =	shalt  }
0x49: {  	_ =	shalt  }
0x4a: {  	_ =	shalt  }
0x4b: {  	_ =	shalt  }
0x4c: {  	_ =	shalt  }
0x4d: {  	_ =	shalt  }
0x4e: {  	_ =	shalt  }
0x4f: {  	_ =	shalt  }
0x50: {  	_ =	shalt  }
0x51: {  	_ =	shalt  }
0x52: {  	_ =	shalt  }
0x53: {  	_ =	shalt  }
0x54: {  	_ =	shalt  }
0x55: {  	_ =	shalt  }
0x56: {  	_ =	shalt  }
0x57: {  	_ =	shalt  }
0x58: {  	_ =	shalt  }
0x59: {  	_ =	shalt  }
0x5a: {  	_ =	shalt  }
0x5b: {  	_ =	shalt  }
0x5c: {  	_ =	shalt  }
0x5d: {  	_ =	shalt  }
0x5e: {  	_ =	shalt  }
0x5f: {  	_ =	shalt  }
0x60: {  	_ =	shalt  }
0x61: {  	_ =	shalt  }
0x62: {  	_ =	shalt  }
0x63: {  	_ =	shalt  }
0x64: {  	_ =	shalt  }
0x65: {  	_ =	shalt  }
0x66: {  	_ =	shalt  }
0x67: {  	_ =	shalt  }
0x68: {  	_ =	shalt  }
0x69: {  	_ =	shalt  }
0x6a: {  	_ =	shalt  }
0x6b: {  	_ =	shalt  }
0x6c: {  	_ =	shalt  }
0x6d: {  	_ =	shalt  }
0x6e: {  	_ =	shalt  }
0x6f: {  	_ =	shalt  }
0x70: {  	_ =	shalt  }
0x71: {  	_ =	shalt  }
0x72: {  	_ =	shalt  }
0x73: {  	_ =	shalt  }
0x74: {  	_ =	shalt  }
0x75: {  	_ =	shalt  }
0x76: {  	_ =	shalt  }
0x77: {  	_ =	shalt  }
0x78: {  	_ =	shalt  }
0x79: {  	_ =	shalt  }
0x7a: {  	_ =	shalt  }
0x7b: {  	_ =	shalt  }
0x7c: {  	_ =	shalt  }
0x7d: {  	_ =	shalt  }
0x7e: {  	_ =	shalt  }
0x7f: {  	_ =	shalt  }
0x80: {  	_ =	shalt  }
0x81: {  	_ =	shalt  }
0x82: {  	_ =	shalt  }
0x83: {  	_ =	shalt  }
0x84: {  	_ =	shalt  }
0x85: {  	_ =	shalt  }
0x86: {  	_ =	shalt  }
0x87: {  	_ =	shalt  }
.Lfunc_end0:
.L_simem_size_0:
called_computation.1_lowered:
.L_overlay_start_0:
0x88: {  	s2 =	sld [smem:$0x3FD9]  }
0x89: {  	s3 =	sld [smem:$0x3FFE];
	_ =	sdelay $0x1  }
0x8a: {  	s1 =	srdreg.scid  }
0x8b: {  	s0 =	sand.u32 $0x1, s1  }
0x8c: {  	s14 =	sshll.u32 s0, $0xA;
	s2 =	sadd.s32 s3, s2  }
0x8d: {  	s2 =	sadd.s32 s2, s14  }
0x8e: {  	[smem:$0x3FB3] =	sst s2  }
0x8f: {  	_ = 	snop  }
0x90: {  	s2 =	sld [smem:$0x3FD0];
	_ =	sdelay $0x2  }
0x91: {  	s15 =	simm.s32 $0xB;
	s4 =	simm.s32 $0x10  }
0x92: {  	[smem:s4], [sflag:s15] =	dma.local [hbm:s2], $0x1  }
0x93: {  	_ =	swait.eq [sflag:s15], $0x1  }
0x94: {  	[sflag:s15] =	ssyncset.done $0x0  }
0x95: {  	[sflag:s15] =	ssyncadd.s32 $0xFFFFFFFF  }
0x96: {  	s16 =	sld [smem:$0x10];
	(tm) =	ssettm $0x1  }
0x97: {  	s17 =	sld [smem:$0x3FFB];
	_ =	sdelay $0x3  }
0x98: {  	_ =	strace s17  }
0x99: {  	s3 =	sld [smem:$0x3FFC];
	_ =	sdelay $0x3  }
0x9a: {  	_ =	strace s3  }
0x9b: {  	s3 =	sld [smem:$0x3FFD];
	_ =	sdelay $0x3  }
0x9c: {  	_ =	strace s3  }
0x9d: {  	_ =	strace $0x8FFFFFFF  }
0x9e: {  	s18 =	sld [smem:$0x3FDB];
	_ =	sdelay $0x1  }
0x9f: {  	s19 =	simm.s32 $_scs_section_size  }
0xa0: {  	s5 =	simm.s32 $_size__tile_overlayer_lowered;
	s6 =	simm.s32 $_tile_overlayer_lowered  }
0xa1: {  	s22 =	simm.s32 $0x1BFF;
	s21 =	sshll.u32 s6, $0x1;
	s3 =	sadd.s32 s19, s18  }
0xa2: {  	s7 =	simm.s32 $0x0;
	s20 =	sshll.u32 s5, $0x1;
	s5 =	sadd.s32 s21, s3  }
0xa3: {  	[timem:s7], [sflag:s22] =	dma.local [hbm:s5], s20  }
0xa4: {  	_ =	swait.ge [sflag:s22], s20  }
0xa5: {  	s4 =	ssub.s32 $0x0, s20;
	[sflag:s22] =	ssyncset.done $0x0  }
0xa6: {  	[sflag:s22] =	ssyncadd.s32 s4;
	_ =	sdelay $0x1  }
0xa7: {  	s23 =	simm.s32 $0x1B8B  }
0xa8: {  	_ =	swait.ge [sflag:s23], $0x1  }
0xa9: {  	[sflag:s23] =	ssyncset.done $0x0  }
0xaa: {  	s25 =	simm.s32 $0x1B8E;
	s24 =	sld [smem:$0x3FFE];
	[sflag:s23] =	ssyncadd.s32 $0xFFFFFFFF  }
0xab: {  	s26 =	simm.s32 $execute0_lowered;
	[smem:$0x3FD2] =	sst s25  }
0xac: {  	s5 =	sshll.u32 s26, $0x1;
	_ =	strace $0x80000049;
	[dreg:$0x1] =	wrdreg $0xFFFFFFFF  }
0xad: {  	s28 =	simm.s32 $_size_execute0_lowered;
	s3 =	sadd.s32 s3, s5;
	[dreg:$0x0] =	wrdreg $0x0  }
0xae: {  	s5 =	sshll.u32 s28, $0x1;
	[dreg:$0x2] =	wrdreg s3  }
0xaf: {  	[dreg:$0x3] =	wrdreg s5  }
0xb0: {  	[dreg:$0x4] =	wrdreg $0xC0  }
0xb1: {  	_ =	task [dreg:s7], $0x5FFFF  }
0xb2: {  	[dreg:$0x1] =	wrdreg $0xFFFFFFFF  }
0xb3: {  	[dreg:$0x0] =	wrdreg $0x60  }
0xb4: {  	[dreg:$0x2] =	wrdreg s24  }
0xb5: {  	[dreg:$0x3] =	wrdreg s16  }
0xb6: {  	[dreg:$0x4] =	wrdreg $0x9  }
0xb7: {  	_ =	task.clear_ibuf [dreg:s7], $0x5FFFF;
	_ =	strace $0x90000049  }
0xb8: {  	s29 =	simm.s32 $0x9;
	_ =	strace $0x8000004B  }
0xb9: {  	_ =	swait.ge [sflag:s29], $0x1  }
0xba: {  	[sflag:s29] =	ssyncadd.s32 $0xFFFFFFFF  }
0xbb: {  	_ =	strace $0x9000004B  }
0xbc: {  	_ =	sfence  }
0xbd: {  	s30 =	sld [smem:$0x0];
	_ =	sdelay $0x2  }
0xbe: {  	s31 =	sshll.u32 s1, $0xD;
	s1 =	sshrl.u32 s1, $0x2  }
0xbf: {  	s3 =	sand.u32 $0x4000, s31;
	s1 =	sadd.s32 s1, s30  }
0xc0: {  	s0 =	sor.u32 s3, s0;
	s1 =	sshll.u32 s1, $0x11  }
0xc1: {  	s0 =	sor.u32 s1, s0  }
0xc2: {  	s0 =	sadd.s32 $0x8F2B, s0  }
0xc3: {  	[sflag:s0] =	ssyncadd.remote.s32 $0x1  }
0xc4: {  	_ =	sfence.sel $0xFFFF  }
0xc5: {  	[dreg:$0x0] =	wrdreg $0xFFFFFFFF;
	(pc) =	sbr.abs _section_cstart, $3  }
0xc6: {  	[dreg:$0x1] =	wrdreg $0xFFFFFFFF  }
0xc7: {  	_ =	task.clear_ibuf [dreg:s7], $0x2FFFF;
	_ =	strace $0x9FFFFFFF  }
0xc8: {  	(tm) =	ssettm $0x7FFFFFFF  }
0xc9: {  	_ =	shalt  }
tec
execute0_lowered:
.L_overlay_start_1:
0x0: {  	(tag) =	ssettag $0x1  }
0x1: {  	s0 =	srdreg.scid  }
0x2: {  	s31 =	stileid.u32;
	s1 =	sand.u32 $0x1, s0  }
0x3: {  	s4 =	sshll.u32 s31, $0x1;
	s5 =	ssub.s32 $0x0, s1  }
0x4: {  	p0 =	sne.s32 s4, s5  }
.Ltmp0:
0x5: {  	_ = 	snop;
	(pc) =	sbr.rel @p0 .LBB2_3-.Ltmp0, $3  }
0x6: {  	_ =	sdelay $0x1  }
0x7: {  	s3 =	rddreg [dreg:$0x0]  }
0x8: {  	s2 =	rddreg [dreg:$0x1];
	_ =	strace $0x8000004A  }
0x9: {  	s4 =	sadd.s32 $0x33E00, s3  }
0xa: {  	s24 =	sadd.s32 $0x34000, s3;
	[dreg:$0x3] =	wrdreg s4  }
0xb: {  	s25 =	sadd.s32 $0x3800, s3;
	[dreg:$0x4] =	wrdreg s24  }
0xc: {  	s26 =	simm.s32 $0x1100;
	s0 =	simm.s32 $0x1900;
	[dreg:$0x5] =	wrdreg s25  }
0xd: {  	s1 =	ssub.s32 $0x2, s1;
	s5 =	simm.s32 $0x1980;
	[dreg:$0x6] =	wrdreg s26  }
0xe: {  	s7 =	simm.s32 $0x1200;
	s8 =	simm.s32 $0x1A00;
	[dreg:$0x7] =	wrdreg s0  }
0xf: {  	s9 =	simm.s32 $0x1280;
	s10 =	simm.s32 $0x1A80;
	[dreg:$0x9] =	wrdreg s5  }
0x10: {  	s11 =	simm.s32 $0x1300;
	s12 =	simm.s32 $0x1B00;
	[dreg:$0xa] =	wrdreg s7  }
0x11: {  	s13 =	simm.s32 $0x1380;
	s14 =	simm.s32 $0x1B80;
	[dreg:$0xb] =	wrdreg s8  }
0x12: {  	s15 =	simm.s32 $0x1400;
	s16 =	simm.s32 $0x1C00;
	[dreg:$0xc] =	wrdreg s9  }
0x13: {  	s17 =	simm.s32 $0x1480;
	s18 =	simm.s32 $0x1C80;
	[dreg:$0xd] =	wrdreg s10  }
0x14: {  	s19 =	simm.s32 $0x1500;
	s20 =	simm.s32 $0x1D00;
	[dreg:$0xe] =	wrdreg s11  }
0x15: {  	s21 =	simm.s32 $0x1580;
	s22 =	simm.s32 $0x1D80;
	[dreg:$0xf] =	wrdreg s12  }
0x16: {  	s23 =	simm.s32 $0x1600;
	s28 =	simm.s32 $0x2780;
	[dreg:$0x10] =	wrdreg s13  }
0x17: {  	s29 =	simm.s32 $0x1F80;
	s30 =	simm.s32 $0x1800;
	[dreg:$0x11] =	wrdreg s14  }
0x18: {  	s31 =	simm.s32 $0x2800;
	s4 =	simm.s32 $0x1180;
	[dreg:$0x12] =	wrdreg s15  }
0x19: {  	s6 =	sshrl.u32 s1, $0x1;
	s5 =	simm.s32 $0x1080;
	[dreg:$0x13] =	wrdreg s16  }
0x1a: {  	s7 =	simm.s32 $0x1880;
	s8 =	simm.s32 $0x2080;
	[dreg:$0x14] =	wrdreg s17  }
0x1b: {  	s9 =	simm.s32 $0x80;
	s10 =	simm.s32 $0x1;
	[dreg:$0x15] =	wrdreg s18  }
0x1c: {  	s11 =	simm.s32 $0x2100;
	s12 =	simm.s32 $0x2180;
	[dreg:$0x16] =	wrdreg s19  }
0x1d: {  	s13 =	simm.s32 $0x2200;
	s14 =	simm.s32 $0x2280;
	[dreg:$0x17] =	wrdreg s20  }
0x1e: {  	s15 =	simm.s32 $0x2300;
	s16 =	simm.s32 $0x2380;
	[dreg:$0x18] =	wrdreg s21  }
0x1f: {  	s17 =	simm.s32 $0x2400;
	[dreg:$0x19] =	wrdreg s22;
	s18 =	simm.s32 $0x2480  }
0x20: {  	[dreg:$0x1a] =	wrdreg s23;
	s24 =	simm.s32 $0x1E00;
	s19 =	simm.s32 $0x2500  }
0x21: {  	s25 =	simm.s32 $0x1680;
	s20 =	simm.s32 $0x2580;
	s26 =	simm.s32 $0x1E80  }
0x22: {  	s21 =	simm.s32 $0x2600;
	s22 =	simm.s32 $0x2680;
	[dreg:$0x8] =	wrdreg s4  }
0x23: {  	s23 =	simm.s32 $0x1700;
	s1 =	ssub.s32 s1, s6;
	[dreg:$0x1b] =	wrdreg s24  }
0x24: {  	s4 =	simm.s32 $0x0;
	s6 =	simm.s32 $0x2;
	[dreg:$0x1c] =	wrdreg s25  }
0x25: {  	[dreg:$0x1d] =	wrdreg s26;
	s24 =	simm.s32 $0x2700;
	s25 =	simm.s32 $0x1F00  }
0x26: {  	v0 =	vimm.s32 $0x800;
	s26 =	simm.s32 $0x1780;
	s3 =	smax.u32 s1, $0x1;
	s1 =	simm.s32 $0x2000  }
.LBB2_2:
0x27: {  	s0 =	rddreg [dreg:$0x3]  }
0x28: {  	[tilespmem:s5], [sflag:$0x2] =	stream.linear.gather [hbm4b:s0+s4], $0x800, $0x38;
	[tilespmem:$0x2880] =	vst v63  }
0x29: {  	_ =	swait.ge [sflag:s6], $0x800  }
0x2a: {  	[sflag:s6] =	ssyncset.done $0x0  }
0x2b: {  	s0 =	rddreg [dreg:$0x4];
	[sflag:s6] =	ssyncadd.s32 $0xFFFFF800  }
0x2c: {  	[tilespmem:s7], [sflag:$0x2] =	stream.linear.gather [hbm4b:s0+s4], $0x800, $0x38;
	[tilespmem:$0x2880] =	vst v63  }
0x2d: {  	_ =	swait.ge [sflag:s6], $0x800  }
0x2e: {  	[sflag:s6] =	ssyncset.done $0x0  }
0x2f: {  	s0 =	rddreg [dreg:$0x5];
	[sflag:s6] =	ssyncadd.s32 $0xFFFFF800  }
0x30: {  	[tilespmem:s8], [sflag:$0x2] =	stream.linear.gather [hbm4b:s0+s4], $0x800, $0x38;
	[tilespmem:$0x2880] =	vst v63  }
0x31: {  	_ =	swait.ge [sflag:s6], $0x800  }
0x32: {  	[sflag:s6] =	ssyncset.done $0x0  }
0x33: {  	[sflag:s6] =	ssyncadd.s32 $0xFFFFF800  }
0x34: {  	[tilespmem:$0x0] =	vst v0  }
0x35: {  	[tilespmem:$0x10] =	vst v0  }
0x36: {  	[tilespmem:$0x20] =	vst v0  }
0x37: {  	[tilespmem:$0x30] =	vst v0  }
0x38: {  	[tilespmem:$0x40] =	vst v0  }
0x39: {  	[tilespmem:$0x50] =	vst v0  }
0x3a: {  	[tilespmem:$0x60] =	vst v0  }
0x3b: {  	[tilespmem:$0x70] =	vst v0  }
0x3c: {  	[tilespmem:$0x80] =	vst v0  }
0x3d: {  	[tilespmem:$0x90] =	vst v0  }
0x3e: {  	[tilespmem:$0xA0] =	vst v0  }
0x3f: {  	[tilespmem:$0xB0] =	vst v0  }
0x40: {  	[tilespmem:$0xC0] =	vst v0  }
0x41: {  	[tilespmem:$0xD0] =	vst v0  }
0x42: {  	[tilespmem:$0xE0] =	vst v0  }
0x43: {  	[tilespmem:$0xF0] =	vst v0  }
0x44: {  	[tilespmem:$0x100] =	vst v0  }
0x45: {  	[tilespmem:$0x110] =	vst v0  }
0x46: {  	[tilespmem:$0x120] =	vst v0  }
0x47: {  	[tilespmem:$0x130] =	vst v0  }
0x48: {  	[tilespmem:$0x140] =	vst v0  }
0x49: {  	[tilespmem:$0x150] =	vst v0  }
0x4a: {  	[tilespmem:$0x160] =	vst v0  }
0x4b: {  	[tilespmem:$0x170] =	vst v0  }
0x4c: {  	[tilespmem:$0x180] =	vst v0  }
0x4d: {  	[tilespmem:$0x190] =	vst v0  }
0x4e: {  	[tilespmem:$0x1A0] =	vst v0  }
0x4f: {  	[tilespmem:$0x1B0] =	vst v0  }
0x50: {  	[tilespmem:$0x1C0] =	vst v0  }
0x51: {  	[tilespmem:$0x1D0] =	vst v0  }
0x52: {  	[tilespmem:$0x1E0] =	vst v0  }
0x53: {  	[tilespmem:$0x1F0] =	vst v0  }
0x54: {  	[tilespmem:$0x200] =	vst v0  }
0x55: {  	[tilespmem:$0x210] =	vst v0  }
0x56: {  	[tilespmem:$0x220] =	vst v0  }
0x57: {  	[tilespmem:$0x230] =	vst v0  }
0x58: {  	[tilespmem:$0x240] =	vst v0  }
0x59: {  	[tilespmem:$0x250] =	vst v0  }
0x5a: {  	[tilespmem:$0x260] =	vst v0  }
0x5b: {  	[tilespmem:$0x270] =	vst v0  }
0x5c: {  	[tilespmem:$0x280] =	vst v0  }
0x5d: {  	[tilespmem:$0x290] =	vst v0  }
0x5e: {  	[tilespmem:$0x2A0] =	vst v0  }
0x5f: {  	[tilespmem:$0x2B0] =	vst v0  }
0x60: {  	[tilespmem:$0x2C0] =	vst v0  }
0x61: {  	[tilespmem:$0x2D0] =	vst v0  }
0x62: {  	[tilespmem:$0x2E0] =	vst v0  }
0x63: {  	[tilespmem:$0x2F0] =	vst v0  }
0x64: {  	[tilespmem:$0x300] =	vst v0  }
0x65: {  	[tilespmem:$0x310] =	vst v0  }
0x66: {  	[tilespmem:$0x320] =	vst v0  }
0x67: {  	[tilespmem:$0x330] =	vst v0  }
0x68: {  	[tilespmem:$0x340] =	vst v0  }
0x69: {  	[tilespmem:$0x350] =	vst v0  }
0x6a: {  	[tilespmem:$0x360] =	vst v0  }
0x6b: {  	[tilespmem:$0x370] =	vst v0  }
0x6c: {  	[tilespmem:$0x380] =	vst v0  }
0x6d: {  	[tilespmem:$0x390] =	vst v0  }
0x6e: {  	[tilespmem:$0x3A0] =	vst v0  }
0x6f: {  	[tilespmem:$0x3B0] =	vst v0  }
0x70: {  	[tilespmem:$0x3C0] =	vst v0  }
0x71: {  	[tilespmem:$0x3D0] =	vst v0  }
0x72: {  	[tilespmem:$0x3E0] =	vst v0  }
0x73: {  	[tilespmem:$0x3F0] =	vst v0  }
0x74: {  	[tilespmem:$0x400] =	vst v0  }
0x75: {  	[tilespmem:$0x410] =	vst v0  }
0x76: {  	[tilespmem:$0x420] =	vst v0  }
0x77: {  	[tilespmem:$0x430] =	vst v0  }
0x78: {  	[tilespmem:$0x440] =	vst v0  }
0x79: {  	[tilespmem:$0x450] =	vst v0  }
0x7a: {  	[tilespmem:$0x460] =	vst v0  }
0x7b: {  	[tilespmem:$0x470] =	vst v0  }
0x7c: {  	[tilespmem:$0x480] =	vst v0  }
0x7d: {  	[tilespmem:$0x490] =	vst v0  }
0x7e: {  	[tilespmem:$0x4A0] =	vst v0  }
0x7f: {  	[tilespmem:$0x4B0] =	vst v0  }
0x80: {  	[tilespmem:$0x4C0] =	vst v0  }
0x81: {  	[tilespmem:$0x4D0] =	vst v0  }
0x82: {  	[tilespmem:$0x4E0] =	vst v0  }
0x83: {  	[tilespmem:$0x4F0] =	vst v0  }
0x84: {  	[tilespmem:$0x500] =	vst v0  }
0x85: {  	[tilespmem:$0x510] =	vst v0  }
0x86: {  	[tilespmem:$0x520] =	vst v0  }
0x87: {  	[tilespmem:$0x530] =	vst v0  }
0x88: {  	[tilespmem:$0x540] =	vst v0  }
0x89: {  	[tilespmem:$0x550] =	vst v0  }
0x8a: {  	[tilespmem:$0x560] =	vst v0  }
0x8b: {  	[tilespmem:$0x570] =	vst v0  }
0x8c: {  	[tilespmem:$0x580] =	vst v0  }
0x8d: {  	[tilespmem:$0x590] =	vst v0  }
0x8e: {  	[tilespmem:$0x5A0] =	vst v0  }
0x8f: {  	[tilespmem:$0x5B0] =	vst v0  }
0x90: {  	[tilespmem:$0x5C0] =	vst v0  }
0x91: {  	[tilespmem:$0x5D0] =	vst v0  }
0x92: {  	[tilespmem:$0x5E0] =	vst v0  }
0x93: {  	[tilespmem:$0x5F0] =	vst v0  }
0x94: {  	[tilespmem:$0x600] =	vst v0  }
0x95: {  	[tilespmem:$0x610] =	vst v0  }
0x96: {  	[tilespmem:$0x620] =	vst v0  }
0x97: {  	[tilespmem:$0x630] =	vst v0  }
0x98: {  	[tilespmem:$0x640] =	vst v0  }
0x99: {  	[tilespmem:$0x650] =	vst v0  }
0x9a: {  	[tilespmem:$0x660] =	vst v0  }
0x9b: {  	[tilespmem:$0x670] =	vst v0  }
0x9c: {  	[tilespmem:$0x680] =	vst v0  }
0x9d: {  	[tilespmem:$0x690] =	vst v0  }
0x9e: {  	[tilespmem:$0x6A0] =	vst v0  }
0x9f: {  	[tilespmem:$0x6B0] =	vst v0  }
0xa0: {  	[tilespmem:$0x6C0] =	vst v0  }
0xa1: {  	[tilespmem:$0x6D0] =	vst v0  }
0xa2: {  	[tilespmem:$0x6E0] =	vst v0  }
0xa3: {  	[tilespmem:$0x6F0] =	vst v0  }
0xa4: {  	[tilespmem:$0x700] =	vst v0  }
0xa5: {  	[tilespmem:$0x710] =	vst v0  }
0xa6: {  	[tilespmem:$0x720] =	vst v0  }
0xa7: {  	[tilespmem:$0x730] =	vst v0  }
0xa8: {  	[tilespmem:$0x740] =	vst v0  }
0xa9: {  	[tilespmem:$0x750] =	vst v0  }
0xaa: {  	[tilespmem:$0x760] =	vst v0  }
0xab: {  	[tilespmem:$0x770] =	vst v0  }
0xac: {  	[tilespmem:$0x780] =	vst v0  }
0xad: {  	[tilespmem:$0x790] =	vst v0  }
0xae: {  	[tilespmem:$0x7A0] =	vst v0  }
0xaf: {  	[tilespmem:$0x7B0] =	vst v0  }
0xb0: {  	[tilespmem:$0x7C0] =	vst v0  }
0xb1: {  	[tilespmem:$0x7D0] =	vst v0  }
0xb2: {  	[tilespmem:$0x7E0] =	vst v0  }
0xb3: {  	[tilespmem:$0x7F0] =	vst v0  }
0xb4: {  	[tilespmem:$0x800] =	vst v0  }
0xb5: {  	[tilespmem:$0x810] =	vst v0  }
0xb6: {  	[tilespmem:$0x820] =	vst v0  }
0xb7: {  	[tilespmem:$0x830] =	vst v0  }
0xb8: {  	[tilespmem:$0x840] =	vst v0  }
0xb9: {  	[tilespmem:$0x850] =	vst v0  }
0xba: {  	[tilespmem:$0x860] =	vst v0  }
0xbb: {  	[tilespmem:$0x870] =	vst v0  }
0xbc: {  	[tilespmem:$0x880] =	vst v0  }
0xbd: {  	[tilespmem:$0x890] =	vst v0  }
0xbe: {  	[tilespmem:$0x8A0] =	vst v0  }
0xbf: {  	[tilespmem:$0x8B0] =	vst v0  }
0xc0: {  	[tilespmem:$0x8C0] =	vst v0  }
0xc1: {  	[tilespmem:$0x8D0] =	vst v0  }
0xc2: {  	[tilespmem:$0x8E0] =	vst v0  }
0xc3: {  	[tilespmem:$0x8F0] =	vst v0  }
0xc4: {  	[tilespmem:$0x900] =	vst v0  }
0xc5: {  	[tilespmem:$0x910] =	vst v0  }
0xc6: {  	[tilespmem:$0x920] =	vst v0  }
0xc7: {  	[tilespmem:$0x930] =	vst v0  }
0xc8: {  	[tilespmem:$0x940] =	vst v0  }
0xc9: {  	[tilespmem:$0x950] =	vst v0  }
0xca: {  	[tilespmem:$0x960] =	vst v0  }
0xcb: {  	[tilespmem:$0x970] =	vst v0  }
0xcc: {  	[tilespmem:$0x980] =	vst v0  }
0xcd: {  	[tilespmem:$0x990] =	vst v0  }
0xce: {  	[tilespmem:$0x9A0] =	vst v0  }
0xcf: {  	[tilespmem:$0x9B0] =	vst v0  }
0xd0: {  	[tilespmem:$0x9C0] =	vst v0  }
0xd1: {  	[tilespmem:$0x9D0] =	vst v0  }
0xd2: {  	[tilespmem:$0x9E0] =	vst v0  }
0xd3: {  	[tilespmem:$0x9F0] =	vst v0  }
0xd4: {  	[tilespmem:$0xA00] =	vst v0  }
0xd5: {  	[tilespmem:$0xA10] =	vst v0  }
0xd6: {  	[tilespmem:$0xA20] =	vst v0  }
0xd7: {  	[tilespmem:$0xA30] =	vst v0  }
0xd8: {  	[tilespmem:$0xA40] =	vst v0  }
0xd9: {  	[tilespmem:$0xA50] =	vst v0  }
0xda: {  	[tilespmem:$0xA60] =	vst v0  }
0xdb: {  	[tilespmem:$0xA70] =	vst v0  }
0xdc: {  	[tilespmem:$0xA80] =	vst v0  }
0xdd: {  	[tilespmem:$0xA90] =	vst v0  }
0xde: {  	[tilespmem:$0xAA0] =	vst v0  }
0xdf: {  	[tilespmem:$0xAB0] =	vst v0  }
0xe0: {  	[tilespmem:$0xAC0] =	vst v0  }
0xe1: {  	[tilespmem:$0xAD0] =	vst v0  }
0xe2: {  	[tilespmem:$0xAE0] =	vst v0  }
0xe3: {  	[tilespmem:$0xAF0] =	vst v0  }
0xe4: {  	[tilespmem:$0xB00] =	vst v0  }
0xe5: {  	[tilespmem:$0xB10] =	vst v0  }
0xe6: {  	[tilespmem:$0xB20] =	vst v0  }
0xe7: {  	[tilespmem:$0xB30] =	vst v0  }
0xe8: {  	[tilespmem:$0xB40] =	vst v0  }
0xe9: {  	[tilespmem:$0xB50] =	vst v0  }
0xea: {  	[tilespmem:$0xB60] =	vst v0  }
0xeb: {  	[tilespmem:$0xB70] =	vst v0  }
0xec: {  	[tilespmem:$0xB80] =	vst v0  }
0xed: {  	[tilespmem:$0xB90] =	vst v0  }
0xee: {  	[tilespmem:$0xBA0] =	vst v0  }
0xef: {  	[tilespmem:$0xBB0] =	vst v0  }
0xf0: {  	[tilespmem:$0xBC0] =	vst v0  }
0xf1: {  	[tilespmem:$0xBD0] =	vst v0  }
0xf2: {  	[tilespmem:$0xBE0] =	vst v0  }
0xf3: {  	[tilespmem:$0xBF0] =	vst v0  }
0xf4: {  	[tilespmem:$0xC00] =	vst v0  }
0xf5: {  	[tilespmem:$0xC10] =	vst v0  }
0xf6: {  	[tilespmem:$0xC20] =	vst v0  }
0xf7: {  	[tilespmem:$0xC30] =	vst v0  }
0xf8: {  	[tilespmem:$0xC40] =	vst v0  }
0xf9: {  	[tilespmem:$0xC50] =	vst v0  }
0xfa: {  	[tilespmem:$0xC60] =	vst v0  }
0xfb: {  	[tilespmem:$0xC70] =	vst v0  }
0xfc: {  	[tilespmem:$0xC80] =	vst v0  }
0xfd: {  	[tilespmem:$0xC90] =	vst v0  }
0xfe: {  	[tilespmem:$0xCA0] =	vst v0  }
0xff: {  	[tilespmem:$0xCB0] =	vst v0  }
0x100: {  	[tilespmem:$0xCC0] =	vst v0  }
0x101: {  	[tilespmem:$0xCD0] =	vst v0  }
0x102: {  	[tilespmem:$0xCE0] =	vst v0  }
0x103: {  	[tilespmem:$0xCF0] =	vst v0  }
0x104: {  	[tilespmem:$0xD00] =	vst v0  }
0x105: {  	[tilespmem:$0xD10] =	vst v0  }
0x106: {  	[tilespmem:$0xD20] =	vst v0  }
0x107: {  	[tilespmem:$0xD30] =	vst v0  }
0x108: {  	[tilespmem:$0xD40] =	vst v0  }
0x109: {  	[tilespmem:$0xD50] =	vst v0  }
0x10a: {  	[tilespmem:$0xD60] =	vst v0  }
0x10b: {  	[tilespmem:$0xD70] =	vst v0  }
0x10c: {  	[tilespmem:$0xD80] =	vst v0  }
0x10d: {  	[tilespmem:$0xD90] =	vst v0  }
0x10e: {  	[tilespmem:$0xDA0] =	vst v0  }
0x10f: {  	[tilespmem:$0xDB0] =	vst v0  }
0x110: {  	[tilespmem:$0xDC0] =	vst v0  }
0x111: {  	[tilespmem:$0xDD0] =	vst v0  }
0x112: {  	[tilespmem:$0xDE0] =	vst v0  }
0x113: {  	[tilespmem:$0xDF0] =	vst v0  }
0x114: {  	[tilespmem:$0xE00] =	vst v0  }
0x115: {  	[tilespmem:$0xE10] =	vst v0  }
0x116: {  	[tilespmem:$0xE20] =	vst v0  }
0x117: {  	[tilespmem:$0xE30] =	vst v0  }
0x118: {  	[tilespmem:$0xE40] =	vst v0  }
0x119: {  	[tilespmem:$0xE50] =	vst v0  }
0x11a: {  	[tilespmem:$0xE60] =	vst v0  }
0x11b: {  	[tilespmem:$0xE70] =	vst v0  }
0x11c: {  	[tilespmem:$0xE80] =	vst v0  }
0x11d: {  	[tilespmem:$0xE90] =	vst v0  }
0x11e: {  	[tilespmem:$0xEA0] =	vst v0  }
0x11f: {  	[tilespmem:$0xEB0] =	vst v0  }
0x120: {  	[tilespmem:$0xEC0] =	vst v0  }
0x121: {  	[tilespmem:$0xED0] =	vst v0  }
0x122: {  	[tilespmem:$0xEE0] =	vst v0  }
0x123: {  	[tilespmem:$0xEF0] =	vst v0  }
0x124: {  	[tilespmem:$0xF00] =	vst v0  }
0x125: {  	[tilespmem:$0xF10] =	vst v0  }
0x126: {  	[tilespmem:$0xF20] =	vst v0  }
0x127: {  	[tilespmem:$0xF30] =	vst v0  }
0x128: {  	[tilespmem:$0xF40] =	vst v0  }
0x129: {  	[tilespmem:$0xF50] =	vst v0  }
0x12a: {  	[tilespmem:$0xF60] =	vst v0  }
0x12b: {  	[tilespmem:$0xF70] =	vst v0  }
0x12c: {  	[tilespmem:$0xF80] =	vst v0  }
0x12d: {  	[tilespmem:$0xF90] =	vst v0  }
0x12e: {  	[tilespmem:$0xFA0] =	vst v0  }
0x12f: {  	[tilespmem:$0xFB0] =	vst v0  }
0x130: {  	[tilespmem:$0xFC0] =	vst v0  }
0x131: {  	[tilespmem:$0xFD0] =	vst v0  }
0x132: {  	[tilespmem:$0xFE0] =	vst v0  }
0x133: {  	[tilespmem:$0xFF0] =	vst v0  }
0x134: {  	[tilespmem:$0x1000] =	vst v0  }
0x135: {  	[hbm4b:s2+s4] =	stream.linear.scatter [tilespmem:s4], [sflag:$0x2], $0x1080, $0x38;
	[tilespmem:$0x2880] =	vst v63  }
0x136: {  	_ =	swait.ge [sflag:s6], $0x1080  }
0x137: {  	[sflag:s6] =	ssyncset.done $0x0  }
0x138: {  	[sflag:s6] =	ssyncadd.s32 $0xFFFFEF80  }
0x139: {  	[hbm4b:s2+s9] =	stream.indirect.scatter [tilespmem:s8], [sflag:$0x1], $0x1, s5, s9, $0xb8;
	[tilespmem:$0x2880] =	vst v63  }
0x13a: {  	_ =	swait.ge [sflag:s10], $0x80  }
0x13b: {  	[sflag:s10] =	ssyncset.done $0x0  }
0x13c: {  	[sflag:s10] =	ssyncadd.s32 $0xFFFFFF80  }
0x13d: {  	[hbm4b:s2+s9] =	stream.indirect.scatter [tilespmem:s8], [sflag:$0x1], $0x1, s7, s9, $0xb8;
	[tilespmem:$0x2880] =	vst v63  }
0x13e: {  	_ =	swait.ge [sflag:s10], $0x80  }
0x13f: {  	[sflag:s10] =	ssyncset.done $0x0  }
0x140: {  	s0 =	rddreg [dreg:$0x6];
	[sflag:s10] =	ssyncadd.s32 $0xFFFFFF80  }
0x141: {  	[hbm4b:s2+s9] =	stream.indirect.scatter [tilespmem:s11], [sflag:$0x1], $0x1, s0, s9, $0xb8;
	[tilespmem:$0x2880] =	vst v63  }
0x142: {  	_ =	swait.ge [sflag:s10], $0x80  }
0x143: {  	[sflag:s10] =	ssyncset.done $0x0  }
0x144: {  	s0 =	rddreg [dreg:$0x7];
	[sflag:s10] =	ssyncadd.s32 $0xFFFFFF80  }
0x145: {  	[hbm4b:s2+s9] =	stream.indirect.scatter [tilespmem:s11], [sflag:$0x1], $0x1, s0, s9, $0xb8;
	[tilespmem:$0x2880] =	vst v63  }
0x146: {  	_ =	swait.ge [sflag:s10], $0x80  }
0x147: {  	[sflag:s10] =	ssyncset.done $0x0  }
0x148: {  	s0 =	rddreg [dreg:$0x8];
	[sflag:s10] =	ssyncadd.s32 $0xFFFFFF80  }
0x149: {  	[hbm4b:s2+s9] =	stream.indirect.scatter [tilespmem:s12], [sflag:$0x1], $0x1, s0, s9, $0xb8;
	[tilespmem:$0x2880] =	vst v63  }
0x14a: {  	_ =	swait.ge [sflag:s10], $0x80  }
0x14b: {  	[sflag:s10] =	ssyncset.done $0x0  }
0x14c: {  	s0 =	rddreg [dreg:$0x9];
	[sflag:s10] =	ssyncadd.s32 $0xFFFFFF80  }
0x14d: {  	[hbm4b:s2+s9] =	stream.indirect.scatter [tilespmem:s12], [sflag:$0x1], $0x1, s0, s9, $0xb8;
	[tilespmem:$0x2880] =	vst v63  }
0x14e: {  	_ =	swait.ge [sflag:s10], $0x80  }
0x14f: {  	[sflag:s10] =	ssyncset.done $0x0  }
0x150: {  	s0 =	rddreg [dreg:$0xa];
	[sflag:s10] =	ssyncadd.s32 $0xFFFFFF80  }
0x151: {  	[hbm4b:s2+s9] =	stream.indirect.scatter [tilespmem:s13], [sflag:$0x1], $0x1, s0, s9, $0xb8;
	[tilespmem:$0x2880] =	vst v63  }
0x152: {  	_ =	swait.ge [sflag:s10], $0x80  }
0x153: {  	[sflag:s10] =	ssyncset.done $0x0  }
0x154: {  	s0 =	rddreg [dreg:$0xb];
	[sflag:s10] =	ssyncadd.s32 $0xFFFFFF80  }
0x155: {  	[hbm4b:s2+s9] =	stream.indirect.scatter [tilespmem:s13], [sflag:$0x1], $0x1, s0, s9, $0xb8;
	[tilespmem:$0x2880] =	vst v63  }
0x156: {  	_ =	swait.ge [sflag:s10], $0x80  }
0x157: {  	[sflag:s10] =	ssyncset.done $0x0  }
0x158: {  	s0 =	rddreg [dreg:$0xc];
	[sflag:s10] =	ssyncadd.s32 $0xFFFFFF80  }
0x159: {  	[hbm4b:s2+s9] =	stream.indirect.scatter [tilespmem:s14], [sflag:$0x1], $0x1, s0, s9, $0xb8;
	[tilespmem:$0x2880] =	vst v63  }
0x15a: {  	_ =	swait.ge [sflag:s10], $0x80  }
0x15b: {  	[sflag:s10] =	ssyncset.done $0x0  }
0x15c: {  	s0 =	rddreg [dreg:$0xd];
	[sflag:s10] =	ssyncadd.s32 $0xFFFFFF80  }
0x15d: {  	[hbm4b:s2+s9] =	stream.indirect.scatter [tilespmem:s14], [sflag:$0x1], $0x1, s0, s9, $0xb8;
	[tilespmem:$0x2880] =	vst v63  }
0x15e: {  	_ =	swait.ge [sflag:s10], $0x80  }
0x15f: {  	[sflag:s10] =	ssyncset.done $0x0  }
0x160: {  	s0 =	rddreg [dreg:$0xe];
	[sflag:s10] =	ssyncadd.s32 $0xFFFFFF80  }
0x161: {  	[hbm4b:s2+s9] =	stream.indirect.scatter [tilespmem:s15], [sflag:$0x1], $0x1, s0, s9, $0xb8;
	[tilespmem:$0x2880] =	vst v63  }
0x162: {  	_ =	swait.ge [sflag:s10], $0x80  }
0x163: {  	[sflag:s10] =	ssyncset.done $0x0  }
0x164: {  	s0 =	rddreg [dreg:$0xf];
	[sflag:s10] =	ssyncadd.s32 $0xFFFFFF80  }
0x165: {  	[hbm4b:s2+s9] =	stream.indirect.scatter [tilespmem:s15], [sflag:$0x1], $0x1, s0, s9, $0xb8;
	[tilespmem:$0x2880] =	vst v63  }
0x166: {  	_ =	swait.ge [sflag:s10], $0x80  }
0x167: {  	[sflag:s10] =	ssyncset.done $0x0  }
0x168: {  	s0 =	rddreg [dreg:$0x10];
	[sflag:s10] =	ssyncadd.s32 $0xFFFFFF80  }
0x169: {  	[hbm4b:s2+s9] =	stream.indirect.scatter [tilespmem:s16], [sflag:$0x1], $0x1, s0, s9, $0xb8;
	[tilespmem:$0x2880] =	vst v63  }
0x16a: {  	_ =	swait.ge [sflag:s10], $0x80  }
0x16b: {  	[sflag:s10] =	ssyncset.done $0x0  }
0x16c: {  	s0 =	rddreg [dreg:$0x11];
	[sflag:s10] =	ssyncadd.s32 $0xFFFFFF80  }
0x16d: {  	[hbm4b:s2+s9] =	stream.indirect.scatter [tilespmem:s16], [sflag:$0x1], $0x1, s0, s9, $0xb8;
	[tilespmem:$0x2880] =	vst v63  }
0x16e: {  	_ =	swait.ge [sflag:s10], $0x80  }
0x16f: {  	[sflag:s10] =	ssyncset.done $0x0  }
0x170: {  	s0 =	rddreg [dreg:$0x12];
	[sflag:s10] =	ssyncadd.s32 $0xFFFFFF80  }
0x171: {  	[hbm4b:s2+s9] =	stream.indirect.scatter [tilespmem:s17], [sflag:$0x1], $0x1, s0, s9, $0xb8;
	[tilespmem:$0x2880] =	vst v63  }
0x172: {  	_ =	swait.ge [sflag:s10], $0x80  }
0x173: {  	[sflag:s10] =	ssyncset.done $0x0  }
0x174: {  	s0 =	rddreg [dreg:$0x13];
	[sflag:s10] =	ssyncadd.s32 $0xFFFFFF80  }
0x175: {  	[hbm4b:s2+s9] =	stream.indirect.scatter [tilespmem:s17], [sflag:$0x1], $0x1, s0, s9, $0xb8;
	[tilespmem:$0x2880] =	vst v63  }
0x176: {  	_ =	swait.ge [sflag:s10], $0x80  }
0x177: {  	[sflag:s10] =	ssyncset.done $0x0  }
0x178: {  	s0 =	rddreg [dreg:$0x14];
	[sflag:s10] =	ssyncadd.s32 $0xFFFFFF80  }
0x179: {  	[hbm4b:s2+s9] =	stream.indirect.scatter [tilespmem:s18], [sflag:$0x1], $0x1, s0, s9, $0xb8;
	[tilespmem:$0x2880] =	vst v63  }
0x17a: {  	_ =	swait.ge [sflag:s10], $0x80  }
0x17b: {  	[sflag:s10] =	ssyncset.done $0x0  }
0x17c: {  	s0 =	rddreg [dreg:$0x15];
	[sflag:s10] =	ssyncadd.s32 $0xFFFFFF80  }
0x17d: {  	[hbm4b:s2+s9] =	stream.indirect.scatter [tilespmem:s18], [sflag:$0x1], $0x1, s0, s9, $0xb8;
	[tilespmem:$0x2880] =	vst v63  }
0x17e: {  	_ =	swait.ge [sflag:s10], $0x80  }
0x17f: {  	[sflag:s10] =	ssyncset.done $0x0  }
0x180: {  	s0 =	rddreg [dreg:$0x16];
	[sflag:s10] =	ssyncadd.s32 $0xFFFFFF80  }
0x181: {  	[hbm4b:s2+s9] =	stream.indirect.scatter [tilespmem:s19], [sflag:$0x1], $0x1, s0, s9, $0xb8;
	[tilespmem:$0x2880] =	vst v63  }
0x182: {  	_ =	swait.ge [sflag:s10], $0x80  }
0x183: {  	[sflag:s10] =	ssyncset.done $0x0  }
0x184: {  	s0 =	rddreg [dreg:$0x17];
	[sflag:s10] =	ssyncadd.s32 $0xFFFFFF80  }
0x185: {  	[hbm4b:s2+s9] =	stream.indirect.scatter [tilespmem:s19], [sflag:$0x1], $0x1, s0, s9, $0xb8;
	[tilespmem:$0x2880] =	vst v63  }
0x186: {  	_ =	swait.ge [sflag:s10], $0x80  }
0x187: {  	[sflag:s10] =	ssyncset.done $0x0  }
0x188: {  	s0 =	rddreg [dreg:$0x18];
	[sflag:s10] =	ssyncadd.s32 $0xFFFFFF80  }
0x189: {  	[hbm4b:s2+s9] =	stream.indirect.scatter [tilespmem:s20], [sflag:$0x1], $0x1, s0, s9, $0xb8;
	[tilespmem:$0x2880] =	vst v63  }
0x18a: {  	_ =	swait.ge [sflag:s10], $0x80  }
0x18b: {  	[sflag:s10] =	ssyncset.done $0x0  }
0x18c: {  	s0 =	rddreg [dreg:$0x19];
	[sflag:s10] =	ssyncadd.s32 $0xFFFFFF80  }
0x18d: {  	[hbm4b:s2+s9] =	stream.indirect.scatter [tilespmem:s20], [sflag:$0x1], $0x1, s0, s9, $0xb8;
	[tilespmem:$0x2880] =	vst v63  }
0x18e: {  	_ =	swait.ge [sflag:s10], $0x80  }
0x18f: {  	[sflag:s10] =	ssyncset.done $0x0  }
0x190: {  	s0 =	rddreg [dreg:$0x1a];
	[sflag:s10] =	ssyncadd.s32 $0xFFFFFF80  }
0x191: {  	[hbm4b:s2+s9] =	stream.indirect.scatter [tilespmem:s21], [sflag:$0x1], $0x1, s0, s9, $0xb8;
	[tilespmem:$0x2880] =	vst v63  }
0x192: {  	_ =	swait.ge [sflag:s10], $0x80  }
0x193: {  	[sflag:s10] =	ssyncset.done $0x0  }
0x194: {  	s0 =	rddreg [dreg:$0x1b];
	[sflag:s10] =	ssyncadd.s32 $0xFFFFFF80  }
0x195: {  	[hbm4b:s2+s9] =	stream.indirect.scatter [tilespmem:s21], [sflag:$0x1], $0x1, s0, s9, $0xb8;
	[tilespmem:$0x2880] =	vst v63  }
0x196: {  	_ =	swait.ge [sflag:s10], $0x80  }
0x197: {  	[sflag:s10] =	ssyncset.done $0x0  }
0x198: {  	s0 =	rddreg [dreg:$0x1c];
	[sflag:s10] =	ssyncadd.s32 $0xFFFFFF80  }
0x199: {  	[hbm4b:s2+s9] =	stream.indirect.scatter [tilespmem:s22], [sflag:$0x1], $0x1, s0, s9, $0xb8;
	[tilespmem:$0x2880] =	vst v63  }
0x19a: {  	_ =	swait.ge [sflag:s10], $0x80  }
0x19b: {  	[sflag:s10] =	ssyncset.done $0x0  }
0x19c: {  	s0 =	rddreg [dreg:$0x1d];
	[sflag:s10] =	ssyncadd.s32 $0xFFFFFF80  }
0x19d: {  	[hbm4b:s2+s9] =	stream.indirect.scatter [tilespmem:s22], [sflag:$0x1], $0x1, s0, s9, $0xb8;
	[tilespmem:$0x2880] =	vst v63  }
0x19e: {  	_ =	swait.ge [sflag:s10], $0x80  }
0x19f: {  	[sflag:s10] =	ssyncset.done $0x0  }
0x1a0: {  	[sflag:s10] =	ssyncadd.s32 $0xFFFFFF80  }
0x1a1: {  	[hbm4b:s2+s9] =	stream.indirect.scatter [tilespmem:s24], [sflag:$0x1], $0x1, s23, s9, $0xb8;
	[tilespmem:$0x2880] =	vst v63  }
0x1a2: {  	_ =	swait.ge [sflag:s10], $0x80  }
0x1a3: {  	[sflag:s10] =	ssyncset.done $0x0  }
0x1a4: {  	[sflag:s10] =	ssyncadd.s32 $0xFFFFFF80  }
0x1a5: {  	[hbm4b:s2+s9] =	stream.indirect.scatter [tilespmem:s24], [sflag:$0x1], $0x1, s25, s9, $0xb8;
	[tilespmem:$0x2880] =	vst v63  }
0x1a6: {  	_ =	swait.ge [sflag:s10], $0x80  }
0x1a7: {  	[sflag:s10] =	ssyncset.done $0x0  }
0x1a8: {  	[sflag:s10] =	ssyncadd.s32 $0xFFFFFF80  }
0x1a9: {  	[hbm4b:s2+s9] =	stream.indirect.scatter [tilespmem:s28], [sflag:$0x1], $0x1, s26, s9, $0xb8;
	[tilespmem:$0x2880] =	vst v63  }
0x1aa: {  	_ =	swait.ge [sflag:s10], $0x80  }
0x1ab: {  	[sflag:s10] =	ssyncset.done $0x0  }
0x1ac: {  	[sflag:s10] =	ssyncadd.s32 $0xFFFFFF80  }
0x1ad: {  	[hbm4b:s2+s9] =	stream.indirect.scatter [tilespmem:s28], [sflag:$0x1], $0x1, s29, s9, $0xb8;
	[tilespmem:$0x2880] =	vst v63  }
0x1ae: {  	_ =	swait.ge [sflag:s10], $0x80  }
0x1af: {  	[sflag:s10] =	ssyncset.done $0x0  }
0x1b0: {  	[sflag:s10] =	ssyncadd.s32 $0xFFFFFF80  }
0x1b1: {  	[hbm4b:s2+s9] =	stream.indirect.scatter [tilespmem:s31], [sflag:$0x1], $0x1, s30, s9, $0xb8;
	[tilespmem:$0x2880] =	vst v63  }
0x1b2: {  	_ =	swait.ge [sflag:s10], $0x80  }
0x1b3: {  	p0 =	sne.s32 s3, $0x1;
	[sflag:s10] =	ssyncset.done $0x0  }
.Ltmp1:
0x1b4: {  	[sflag:s10] =	ssyncadd.s32 $0xFFFFFF80;
	(pc) =	sbr.rel @p0 .LBB2_2-.Ltmp1, $4  }
0x1b5: {  	[hbm4b:s2+s9] =	stream.indirect.scatter [tilespmem:s31], [sflag:$0x1], $0x1, s1, s9, $0xb8;
	[tilespmem:$0x2880] =	vst v63  }
0x1b6: {  	_ =	swait.ge [sflag:s10], $0x80  }
0x1b7: {  	[sflag:s10] =	ssyncset.done $0x0  }
0x1b8: {  	s3 =	sadd.s32 $0xFFFFFFFF, s3;
	[sflag:s10] =	ssyncadd.s32 $0xFFFFFF80  }
.LBB2_3:
0x1b9: {  	_ =	sfence.sel $0x180000  }
0x1ba: {  	[bflag:$0x0] =	sbarrier.arrive $0xFFFF  }
0x1bb: {  	_ =	strace $0x9000004A  }
0x1bc: {  	s0 =	stileid.u32;
	[bflag:$0x2] =	sbarrier.arrive $0xFFFF  }
0x1bd: {  	p0 =	sne.s32 s0, $0x0;
	s0 =	rddreg [dreg:$0x2]  }
0x1be: {  	s0 =	sadd.s32 @!p0 $0x100000, s0  }
0x1bf: {  	[sflag:s0] =	ssyncadd.tile.s32 @!p0 $0x1;
	_ =	shalt  }
.Lfunc_end2:
_tile_overlayer_lowered:
.L_overlay_start_2:
0x1c0: {  	(tag) =	ssettag $0x2  }
0x1c1: {  	s0 =	rddreg [dreg:$0x0];
	s2 =	stileid.u32  }
0x1c2: {  	s1 =	rddreg [dreg:$0x1];
	p0 =	sne.s32 s2, $0x0  }
0x1c3: {  	s3 =	rddreg [dreg:$0x2];
	[bflag:$0x3] =	sbarrier.arrive $0xFFFF;
	s2 =	simm.s32 @!p0 $0x1C02  }
0x1c4: {  	[timem:s3], [sflag:s2] =	dma.local @!p0 [hbm:s0], s1  }
0x1c5: {  	s0 =	simm.s32 @!p0 $0x2  }
0x1c6: {  	_ =	swait.ge @!p0 [sflag:s0], s1  }
0x1c7: {  	s1 =	ssub.s32 @!p0 $0x0, s1;
	[sflag:s0] =	ssyncset.done @!p0 $0x0  }
0x1c8: {  	[sflag:s0] =	ssyncadd.s32 @!p0 s1  }
0x1c9: {  	[bflag:$0x3] =	sbarrier.arrive $0xFFFF  }
0x1ca: {  	_ =	shalt  }

// kernel: kernel.24.cloned.1.call-start
scs
__scs_entry_jumppad:
0x0: {  	(pc) =	sbr.rel $0x88, $3  }
0x1: {  	(tag) =	ssettag $0x0;
	lr =	simm.s32 $0x1  }
0x2: {  	[smem:$0x3F8C] =	sst lr;
	_ =	strace $0xD0000000  }
0x3: {  	_ = 	snop  }
0x4: {  	_ = 	snop  }
0x5: {  	_ = 	snop  }
0x6: {  	_ = 	snop  }
0x7: {  	_ = 	snop  }
__scs_overlays_trampoline_lowered:
0x8: {  	[smem:$0x3F9B] =	sst s0  }
0x9: {  	[smem:$0x3F9C] =	sst s1  }
0xa: {  	[smem:$0x3F9D] =	sst s2  }
0xb: {  	[smem:$0x3F9E] =	sst s3  }
0xc: {  	[smem:$0x3F9F] =	sst s4  }
0xd: {  	[smem:$0x3FA0] =	sst s5  }
0xe: {  	[smem:$0x3FA1] =	sst s6  }
0xf: {  	[smem:$0x3FA2] =	sst s7  }
0x10: {  	[smem:$0x3FA3] =	sst s8  }
0x11: {  	[smem:$0x3FA4] =	sst s9;
	s0 =	simm.s32 @!p0 $0x0  }
0x12: {  	s1 =	sld [smem:$0x3F8A];
	s0 =	simm.s32 @p0 $0x1  }
0x13: {  	[smem:$0x3FA5] =	sst s0;
	s0 =	simm.s32 @!p1 $0x0  }
0x14: {  	s2 =	sld [smem:$0x3F89];
	s0 =	simm.s32 @p1 $0x1  }
0x15: {  	[smem:$0x3FA6] =	sst s0;
	s0 =	simm.s32 @!p2 $0x0  }
0x16: {  	s3 =	sld [smem:$0x3FDB];
	s0 =	simm.s32 @p2 $0x1  }
0x17: {  	s4 =	simm.s32 $0x1BF5;
	[smem:$0x3FA8] =	sst s0  }
0x18: {  	s0 =	sld [smem:$0x3F8B];
	_ =	swait.ge [sflag:s4], $0x0  }
0x19: {  	s7 =	sld [smem:$0x3F8C]  }
0x1a: {  	s8 =	sadd.s32 $0xFFFFE003, lr  }
0x1b: {  	s9 =	sadd.s32 $0xFFFFFEF7, lr;
	s5 =	simm.s32 $0xFFFFFFFF;
	p2 =	slt.u32 s8, $0xFFFFF086  }
0x1c: {  	p1 =	slt.u32 s9, $0xF7A;
	s5 =	simm.s32 @!p2 $0x0  }
0x1d: {  	s5 =	simm.s32 @p1 $0x1;
	p0 =	seq.s32 s7, s2  }
0x1e: {  	s7 =	smul.u32 @!p0 $0xF7A, s2;
	p2 =	seq.s32 @!p0 s5, $0x0  }
0x1f: {  	s9 =	smul.u32 $0xF7A, s1;
	s8 =	simm.s32 @!p0 $0x1BF5;
	p2 =	por !p2, p0  }
0x20: {  	[sflag:s8] =	ssyncset.s32 @!p0 $0xFFFFF086;
	s6 =	sadd.s32 @!p0 s3, s7;
	s7 =	simm.s32 @!p0 $0x108  }
0x21: {  	s3 =	sadd.s32 s3, s9;
	s6 =	sadd.s32 @!p0 $0x88, s6;
	s7 =	simm.s32 @p2 $0x1082  }
0x22: {  	[simem:s7], [sflag:s8] =	dma.local @!p0 [hbm:s6], $0xF7A  }
0x23: {  	s9 =	sor.u32 $0xD0000000, s2;
	s6 =	simm.s32 $0x108;
	_ =	swait.ge @!p0 [sflag:s8], $0x0  }
0x24: {  	s3 =	sadd.s32 $0x88, s3;
	s6 =	simm.s32 @!p1 $0x1082;
	[sflag:s4] =	ssyncset.s32 $0xFFFFF086  }
0x25: {  	[simem:s6], [sflag:s4] =	dma.local [hbm:s3], $0xF7A  }
0x26: {  	[smem:$0x3F8C] =	sst s1;
	(tag) =	ssettag s2;
	_ =	strace s9  }
0x27: {  	s1 =	sld [smem:$0x3F9C]  }
0x28: {  	s2 =	sld [smem:$0x3F9D]  }
0x29: {  	s4 =	sld [smem:$0x3F9F]  }
0x2a: {  	p0 =	seq.s32 s5, $0x0;
	s5 =	sld [smem:$0x3FA0]  }
0x2b: {  	s6 =	sld [smem:$0x3FA1]  }
0x2c: {  	s7 =	sld [smem:$0x3FA2]  }
0x2d: {  	s3 =	simm.s32 $0x108;
	s8 =	sld [smem:$0x3FA3]  }
0x2e: {  	s3 =	simm.s32 @!p0 $0x1082;
	s9 =	sld [smem:$0x3FA4]  }
0x2f: {  	lr =	sadd.s32 s0, s3;
	s0 =	sld [smem:$0x3F9B]  }
0x30: {  	s3 =	sld [smem:$0x3F9E]  }
0x31: {  	[smem:$0x3FA7] =	sst s10  }
0x32: {  	s10 =	sld [smem:$0x3FA5];
	_ =	sdelay $0x3  }
0x33: {  	p0 =	seq.s32 s10, $0x1;
	s10 =	sld [smem:$0x3FA7];
	_ =	sdelay $0x3  }
0x34: {  	[smem:$0x3FA7] =	sst s10  }
0x35: {  	s10 =	sld [smem:$0x3FA6];
	_ =	sdelay $0x3  }
0x36: {  	p1 =	seq.s32 s10, $0x1;
	s10 =	sld [smem:$0x3FA7];
	_ =	sdelay $0x3  }
0x37: {  	[smem:$0x3FA7] =	sst s10  }
0x38: {  	s10 =	sld [smem:$0x3FA8]  }
0x39: {  	_ = 	snop;
	(pc) =	sbr.ind lr, $3  }
0x3a: {  	_ = 	snop  }
0x3b: {  	_ = 	snop  }
0x3c: {  	p2 =	seq.s32 s10, $0x1;
	s10 =	sld [smem:$0x3FA7]  }
0x3d: {  	_ =	shalt  }
0x3e: {  	_ =	shalt  }
0x3f: {  	_ =	shalt  }
0x40: {  	_ =	shalt  }
0x41: {  	_ =	shalt  }
0x42: {  	_ =	shalt  }
0x43: {  	_ =	shalt  }
0x44: {  	_ =	shalt  }
0x45: {  	_ =	shalt  }
0x46: {  	_ =	shalt  }
0x47: {  	_ =	shalt  }
0x48: {  	_ =	shalt  }
0x49: {  	_ =	shalt  }
0x4a: {  	_ =	shalt  }
0x4b: {  	_ =	shalt  }
0x4c: {  	_ =	shalt  }
0x4d: {  	_ =	shalt  }
0x4e: {  	_ =	shalt  }
0x4f: {  	_ =	shalt  }
0x50: {  	_ =	shalt  }
0x51: {  	_ =	shalt  }
0x52: {  	_ =	shalt  }
0x53: {  	_ =	shalt  }
0x54: {  	_ =	shalt  }
0x55: {  	_ =	shalt  }
0x56: {  	_ =	shalt  }
0x57: {  	_ =	shalt  }
0x58: {  	_ =	shalt  }
0x59: {  	_ =	shalt  }
0x5a: {  	_ =	shalt  }
0x5b: {  	_ =	shalt  }
0x5c: {  	_ =	shalt  }
0x5d: {  	_ =	shalt  }
0x5e: {  	_ =	shalt  }
0x5f: {  	_ =	shalt  }
0x60: {  	_ =	shalt  }
0x61: {  	_ =	shalt  }
0x62: {  	_ =	shalt  }
0x63: {  	_ =	shalt  }
0x64: {  	_ =	shalt  }
0x65: {  	_ =	shalt  }
0x66: {  	_ =	shalt  }
0x67: {  	_ =	shalt  }
0x68: {  	_ =	shalt  }
0x69: {  	_ =	shalt  }
0x6a: {  	_ =	shalt  }
0x6b: {  	_ =	shalt  }
0x6c: {  	_ =	shalt  }
0x6d: {  	_ =	shalt  }
0x6e: {  	_ =	shalt  }
0x6f: {  	_ =	shalt  }
0x70: {  	_ =	shalt  }
0x71: {  	_ =	shalt  }
0x72: {  	_ =	shalt  }
0x73: {  	_ =	shalt  }
0x74: {  	_ =	shalt  }
0x75: {  	_ =	shalt  }
0x76: {  	_ =	shalt  }
0x77: {  	_ =	shalt  }
0x78: {  	_ =	shalt  }
0x79: {  	_ =	shalt  }
0x7a: {  	_ =	shalt  }
0x7b: {  	_ =	shalt  }
0x7c: {  	_ =	shalt  }
0x7d: {  	_ =	shalt  }
0x7e: {  	_ =	shalt  }
0x7f: {  	_ =	shalt  }
0x80: {  	_ =	shalt  }
0x81: {  	_ =	shalt  }
0x82: {  	_ =	shalt  }
0x83: {  	_ =	shalt  }
0x84: {  	_ =	shalt  }
0x85: {  	_ =	shalt  }
0x86: {  	_ =	shalt  }
0x87: {  	_ =	shalt  }
.Lfunc_end0:
.L_simem_size_0:
called_computation.2_lowered:
.L_overlay_start_0:
0x88: {  	s2 =	sld [smem:$0x3FD9]  }
0x89: {  	s3 =	sld [smem:$0x3FFE];
	_ =	sdelay $0x1  }
0x8a: {  	s1 =	srdreg.scid  }
0x8b: {  	s0 =	sand.u32 $0x1, s1  }
0x8c: {  	s16 =	sshll.u32 s0, $0xA;
	s2 =	sadd.s32 s3, s2  }
0x8d: {  	s2 =	sadd.s32 s2, s16  }
0x8e: {  	[smem:$0x3FB3] =	sst s2  }
0x8f: {  	_ = 	snop  }
0x90: {  	(tm) =	ssettm $0x1  }
0x91: {  	s17 =	sld [smem:$0x3FFB];
	_ =	sdelay $0x3  }
0x92: {  	_ =	strace s17  }
0x93: {  	s2 =	sld [smem:$0x3FFC];
	_ =	sdelay $0x3  }
0x94: {  	_ =	strace s2  }
0x95: {  	s2 =	sld [smem:$0x3FFD];
	_ =	sdelay $0x3  }
0x96: {  	_ =	strace s2  }
0x97: {  	_ =	strace $0x8FFFFFFF  }
0x98: {  	s18 =	sld [smem:$0x3FDB];
	_ =	sdelay $0x1  }
0x99: {  	s19 =	simm.s32 $_scs_section_size  }
0x9a: {  	s4 =	simm.s32 $_size__tile_overlayer_lowered;
	s5 =	simm.s32 $_tile_overlayer_lowered  }
0x9b: {  	s22 =	simm.s32 $0x1BFF;
	s21 =	sshll.u32 s5, $0x1;
	s2 =	sadd.s32 s19, s18  }
0x9c: {  	s6 =	simm.s32 $0x0;
	s20 =	sshll.u32 s4, $0x1;
	s4 =	sadd.s32 s21, s2  }
0x9d: {  	[timem:s6], [sflag:s22] =	dma.local [hbm:s4], s20  }
0x9e: {  	_ =	swait.ge [sflag:s22], s20  }
0x9f: {  	s3 =	ssub.s32 $0x0, s20;
	[sflag:s22] =	ssyncset.done $0x0  }
0xa0: {  	[sflag:s22] =	ssyncadd.s32 s3;
	_ =	sdelay $0x1  }
0xa1: {  	s23 =	simm.s32 $0x1B8B  }
0xa2: {  	_ =	swait.ge [sflag:s23], $0x1  }
0xa3: {  	[sflag:s23] =	ssyncset.done $0x0  }
0xa4: {  	s25 =	simm.s32 $0x1B8E;
	s24 =	sld [smem:$0x3FFE];
	[sflag:s23] =	ssyncadd.s32 $0xFFFFFFFF  }
0xa5: {  	s26 =	simm.s32 $execute0_lowered;
	[smem:$0x3FD2] =	sst s25  }
0xa6: {  	s4 =	sshll.u32 s26, $0x1;
	_ =	strace $0x8000004C;
	[dreg:$0x1] =	wrdreg $0xFFFFFFFF  }
0xa7: {  	s28 =	simm.s32 $_size_execute0_lowered;
	s2 =	sadd.s32 s2, s4;
	[dreg:$0x0] =	wrdreg $0x0  }
0xa8: {  	s4 =	sshll.u32 s28, $0x1;
	[dreg:$0x2] =	wrdreg s2  }
0xa9: {  	[dreg:$0x3] =	wrdreg s4  }
0xaa: {  	[dreg:$0x4] =	wrdreg $0xC0  }
0xab: {  	_ =	task [dreg:s6], $0x5FFFF  }
0xac: {  	[dreg:$0x1] =	wrdreg $0xFFFFFFFF  }
0xad: {  	[dreg:$0x0] =	wrdreg $0x60  }
0xae: {  	[dreg:$0x2] =	wrdreg s24  }
0xaf: {  	[dreg:$0x3] =	wrdreg $0x9  }
0xb0: {  	_ =	task.clear_ibuf [dreg:s6], $0x4FFFF;
	_ =	strace $0x9000004C  }
0xb1: {  	s29 =	simm.s32 $0x9;
	_ =	strace $0x8000004E  }
0xb2: {  	_ =	swait.ge [sflag:s29], $0x1  }
0xb3: {  	[sflag:s29] =	ssyncadd.s32 $0xFFFFFFFF  }
0xb4: {  	_ =	strace $0x9000004E  }
0xb5: {  	_ =	sfence  }
0xb6: {  	s30 =	sld [smem:$0x0];
	_ =	sdelay $0x2  }
0xb7: {  	s31 =	sshll.u32 s1, $0xD;
	s1 =	sshrl.u32 s1, $0x2  }
0xb8: {  	s3 =	sand.u32 $0x4000, s31;
	s1 =	sadd.s32 s1, s30  }
0xb9: {  	s0 =	sor.u32 s3, s0;
	s1 =	sshll.u32 s1, $0x11  }
0xba: {  	s0 =	sor.u32 s1, s0  }
0xbb: {  	s0 =	sadd.s32 $0x8F2B, s0  }
0xbc: {  	[sflag:s0] =	ssyncadd.remote.s32 $0x1  }
0xbd: {  	_ =	sfence.sel $0xFFFF  }
0xbe: {  	[dreg:$0x0] =	wrdreg $0xFFFFFFFF;
	(pc) =	sbr.abs _section_cstart, $3  }
0xbf: {  	[dreg:$0x1] =	wrdreg $0xFFFFFFFF  }
0xc0: {  	_ =	task.clear_ibuf [dreg:s6], $0x2FFFF;
	_ =	strace $0x9FFFFFFF  }
0xc1: {  	(tm) =	ssettm $0x7FFFFFFF  }
tec
execute0_lowered:
.L_overlay_start_1:
0x0: {  	(tag) =	ssettag $0x1  }
0x1: {  	s1 =	srdreg.scid  }
0x2: {  	s0 =	stileid.u32;
	s1 =	sand.u32 $0x1, s1  }
0x3: {  	s2 =	sshll.u32 s0, $0x5;
	s3 =	sshll.u32 s1, $0x4  }
0x4: {  	s5 =	rddreg [dreg:$0x0];
	s3 =	sor.u32 s3, s2;
	s2 =	simm.s32 $0x0  }
0x5: {  	s26 =	simm.s32 $0x880;
	[smem:$0x7FF] =	sst s2  }
0x6: {  	s0 =	simm.s32 $0x1080;
	_ =	strace $0x8000004D;
	[dreg:$0x4] =	wrdreg s26  }
0x7: {  	s6 =	simm.s32 $0x2080;
	[dreg:$0x5] =	wrdreg s0  }
0x8: {  	s7 =	simm.s32 $0x2880;
	[dreg:$0x7] =	wrdreg s6  }
0x9: {  	s8 =	simm.s32 $0x3080;
	[dreg:$0x8] =	wrdreg s7  }
0xa: {  	s9 =	simm.s32 $0x3880;
	[dreg:$0x9] =	wrdreg s8  }
0xb: {  	s10 =	simm.s32 $0x4080;
	[dreg:$0xa] =	wrdreg s9  }
0xc: {  	s11 =	simm.s32 $0x4880;
	[dreg:$0xb] =	wrdreg s10  }
0xd: {  	s12 =	simm.s32 $0x5080;
	[dreg:$0xc] =	wrdreg s11  }
0xe: {  	s13 =	simm.s32 $0x5880;
	[dreg:$0xd] =	wrdreg s12  }
0xf: {  	s14 =	simm.s32 $0x6080;
	[dreg:$0xe] =	wrdreg s13  }
0x10: {  	s15 =	simm.s32 $0x6880;
	[dreg:$0xf] =	wrdreg s14  }
0x11: {  	s16 =	simm.s32 $0x7080;
	[dreg:$0x10] =	wrdreg s15  }
0x12: {  	s17 =	simm.s32 $0x7880;
	s18 =	simm.s32 $0x8080;
	[dreg:$0x11] =	wrdreg s16  }
0x13: {  	s19 =	simm.s32 $0x8880;
	s20 =	simm.s32 $0x9080;
	[dreg:$0x12] =	wrdreg s17  }
0x14: {  	s21 =	simm.s32 $0x9880;
	s22 =	simm.s32 $0xA080;
	[dreg:$0x13] =	wrdreg s18  }
0x15: {  	s23 =	simm.s32 $0xA880;
	s24 =	simm.s32 $0xB880;
	[dreg:$0x14] =	wrdreg s19  }
0x16: {  	s28 =	simm.s32 $0x16080;
	s29 =	simm.s32 $0x16880;
	[dreg:$0x15] =	wrdreg s20  }
0x17: {  	s30 =	simm.s32 $0x17080;
	s31 =	simm.s32 $0x17880;
	[dreg:$0x16] =	wrdreg s21  }
0x18: {  	s4 =	smul.u32 $0x300, s3;
	s3 =	sadd.s32 s3, s5;
	[dreg:$0x17] =	wrdreg s22  }
0x19: {  	s1 =	ssub.s32 $0x2, s1;
	s3 =	sadd.s32 $0x33E00, s3;
	[dreg:$0x18] =	wrdreg s23  }
0x1a: {  	s6 =	sshrl.u32 s1, $0x1;
	s7 =	simm.s32 $0xB080;
	[dreg:$0x1a] =	wrdreg s24  }
0x1b: {  	s8 =	simm.s32 $0x80;
	s26 =	simm.s32 $0xC880;
	s10 =	simm.s32 $0xD880  }
0x1c: {  	s11 =	simm.s32 $0xE080;
	s12 =	simm.s32 $0xE880;
	s13 =	simm.s32 $0xF080  }
0x1d: {  	s14 =	simm.s32 $0xF880;
	s15 =	simm.s32 $0x10080;
	s16 =	simm.s32 $0x10880  }
0x1e: {  	s17 =	simm.s32 $0x11080;
	s18 =	simm.s32 $0x11880;
	s19 =	simm.s32 $0x12080  }
0x1f: {  	s20 =	simm.s32 $0x12880;
	s21 =	simm.s32 $0x13080;
	s22 =	simm.s32 $0x13880  }
0x20: {  	s23 =	simm.s32 $0x14080;
	s24 =	simm.s32 $0x14880;
	[dreg:$0x2] =	wrdreg s3  }
0x21: {  	s4 =	sadd.s32 s4, s5;
	s3 =	sadd.s32 $0x3A00, s5;
	[dreg:$0x19] =	wrdreg s7  }
0x22: {  	s1 =	ssub.s32 s1, s6;
	s7 =	simm.s32 $0x2;
	[dreg:$0x1c] =	wrdreg s26  }
0x23: {  	s26 =	simm.s32 $0x15880;
	s25 =	sadd.s32 $0x34000, s4;
	s4 =	simm.s32 $0x1880  }
0x24: {  	v2 =	vlaneseq.u32;
	s6 =	smax.u32 s1, $0x1;
	s1 =	simm.s32 $0x1;
	[dreg:$0x3] =	wrdreg s25  }
0x25: {  	vm0 =	vmmov $0xffff;
	v1 =	vshrl.u32 v2, $0x3;
	[dreg:$0x6] =	wrdreg s4;
	s4 =	sadd.s32 $0x3B00, s5;
	s25 =	simm.s32 $0xC080  }
0x26: {  	v0 =	vand.u32 $0x7, v2;
	v2 =	vor.u32 $0x8, v2;
	v1 =	vmul.u32 $0x8, v1;
	s5 =	sadd.s32 $0x3C00, s5;
	[dreg:$0x1b] =	wrdreg s25;
	s25 =	simm.s32 $0x15080  }
.LBB2_1:
0x27: {  	s0 =	rddreg [dreg:$0x2]  }
0x28: {  	[tilespmem:s2], [sflag:$0x2] =	stream.linear.gather [hbm4b:s0+s2], $0x80, $0x38;
	[tilespmem:$0x18080] =	vst v63  }
0x29: {  	_ =	swait.ge [sflag:s7], $0x80  }
0x2a: {  	[sflag:s7] =	ssyncset.done $0x0  }
0x2b: {  	[sflag:s7] =	ssyncadd.s32 $0xFFFFFF80  }
0x2c: {  	v3 =	vld [tilespmem:$0x0];
	_ =	sdelay $0x4  }
0x2d: {  	v4 =	vshrl.u32 v3, $0x3  }
0x2e: {  	v4 =	vmul.u32 $0x30, v4  }
0x2f: {  	v3 =	vand.u32 $0x7, v3  }
0x30: {  	v3 =	vor.u32 v3, v4  }
0x31: {  	v4 =	vperm.xlane v3, v0;
	_ =	sdelay $0x1  }
0x32: {  	v4 =	vadd.s32 v1, v4;
	_ =	sdelay $0x3  }
0x33: {  	v3 =	vperm.xlane v3, v2  }
0x34: {  	[tilespmem:s8], [sflag:$0x1] =	stream.indirect_vreg.gather [hbm4b:s3+s2], $0x80, v4, vm0, $0xb8;
	[tilespmem:$0x18080] =	vst v63  }
0x35: {  	s0 =	rddreg [dreg:$0x4];
	v3 =	vadd.s32 v1, v3  }
0x36: {  	[tilespmem:s0], [sflag:$0x1] =	stream.indirect_vreg.gather [hbm4b:s4+s2], $0x80, v4, vm0, $0xb8;
	[tilespmem:$0x18080] =	vst v63  }
0x37: {  	s9 =	rddreg [dreg:$0x5]  }
0x38: {  	[tilespmem:s9], [sflag:$0x1] =	stream.indirect_vreg.gather [hbm4b:s5+s2], $0x80, v4, vm0, $0xb8;
	[tilespmem:$0x18080] =	vst v63  }
0x39: {  	s0 =	rddreg [dreg:$0x6]  }
0x3a: {  	[tilespmem:s0], [sflag:$0x1] =	stream.indirect_vreg.gather [hbm4b:s3+s2], $0x80, v3, vm0, $0xb8;
	[tilespmem:$0x18080] =	vst v63  }
0x3b: {  	s9 =	rddreg [dreg:$0x7]  }
0x3c: {  	[tilespmem:s9], [sflag:$0x1] =	stream.indirect_vreg.gather [hbm4b:s4+s2], $0x80, v3, vm0, $0xb8;
	[tilespmem:$0x18080] =	vst v63  }
0x3d: {  	s0 =	rddreg [dreg:$0x8]  }
0x3e: {  	[tilespmem:s0], [sflag:$0x1] =	stream.indirect_vreg.gather [hbm4b:s5+s2], $0x80, v3, vm0, $0xb8;
	[tilespmem:$0x18080] =	vst v63  }
0x3f: {  	v3 =	vld [tilespmem:$0x10];
	_ =	sdelay $0x4  }
0x40: {  	v57 =	vshrl.u32 v3, $0x3  }
0x41: {  	v4 =	vmul.u32 $0x30, v57  }
0x42: {  	v3 =	vand.u32 $0x7, v3  }
0x43: {  	v3 =	vor.u32 v3, v4  }
0x44: {  	v4 =	vperm.xlane v3, v0;
	_ =	sdelay $0x1  }
0x45: {  	v4 =	vadd.s32 v1, v4;
	_ =	sdelay $0x3  }
0x46: {  	s0 =	rddreg [dreg:$0x9];
	v3 =	vperm.xlane v3, v2  }
0x47: {  	[tilespmem:s0], [sflag:$0x1] =	stream.indirect_vreg.gather [hbm4b:s3+s2], $0x80, v4, vm0, $0xb8;
	[tilespmem:$0x18080] =	vst v63  }
0x48: {  	s9 =	rddreg [dreg:$0xa];
	v3 =	vadd.s32 v1, v3  }
0x49: {  	[tilespmem:s9], [sflag:$0x1] =	stream.indirect_vreg.gather [hbm4b:s4+s2], $0x80, v4, vm0, $0xb8;
	[tilespmem:$0x18080] =	vst v63  }
0x4a: {  	s0 =	rddreg [dreg:$0xb]  }
0x4b: {  	[tilespmem:s0], [sflag:$0x1] =	stream.indirect_vreg.gather [hbm4b:s5+s2], $0x80, v4, vm0, $0xb8;
	[tilespmem:$0x18080] =	vst v63  }
0x4c: {  	s9 =	rddreg [dreg:$0xc]  }
0x4d: {  	[tilespmem:s9], [sflag:$0x1] =	stream.indirect_vreg.gather [hbm4b:s3+s2], $0x80, v3, vm0, $0xb8;
	[tilespmem:$0x18080] =	vst v63  }
0x4e: {  	s0 =	rddreg [dreg:$0xd]  }
0x4f: {  	[tilespmem:s0], [sflag:$0x1] =	stream.indirect_vreg.gather [hbm4b:s4+s2], $0x80, v3, vm0, $0xb8;
	[tilespmem:$0x18080] =	vst v63  }
0x50: {  	s9 =	rddreg [dreg:$0xe]  }
0x51: {  	[tilespmem:s9], [sflag:$0x1] =	stream.indirect_vreg.gather [hbm4b:s5+s2], $0x80, v3, vm0, $0xb8;
	[tilespmem:$0x18080] =	vst v63  }
0x52: {  	v3 =	vld [tilespmem:$0x20];
	_ =	sdelay $0x4  }
0x53: {  	v58 =	vshrl.u32 v3, $0x3  }
0x54: {  	v4 =	vmul.u32 $0x30, v58  }
0x55: {  	v3 =	vand.u32 $0x7, v3  }
0x56: {  	v3 =	vor.u32 v3, v4  }
0x57: {  	v4 =	vperm.xlane v3, v0;
	_ =	sdelay $0x1  }
0x58: {  	v4 =	vadd.s32 v1, v4;
	_ =	sdelay $0x3  }
0x59: {  	s0 =	rddreg [dreg:$0xf];
	v3 =	vperm.xlane v3, v2  }
0x5a: {  	[tilespmem:s0], [sflag:$0x1] =	stream.indirect_vreg.gather [hbm4b:s3+s2], $0x80, v4, vm0, $0xb8;
	[tilespmem:$0x18080] =	vst v63  }
0x5b: {  	s9 =	rddreg [dreg:$0x10];
	v3 =	vadd.s32 v1, v3  }
0x5c: {  	[tilespmem:s9], [sflag:$0x1] =	stream.indirect_vreg.gather [hbm4b:s4+s2], $0x80, v4, vm0, $0xb8;
	[tilespmem:$0x18080] =	vst v63  }
0x5d: {  	s0 =	rddreg [dreg:$0x11]  }
0x5e: {  	[tilespmem:s0], [sflag:$0x1] =	stream.indirect_vreg.gather [hbm4b:s5+s2], $0x80, v4, vm0, $0xb8;
	[tilespmem:$0x18080] =	vst v63  }
0x5f: {  	s9 =	rddreg [dreg:$0x12]  }
0x60: {  	[tilespmem:s9], [sflag:$0x1] =	stream.indirect_vreg.gather [hbm4b:s3+s2], $0x80, v3, vm0, $0xb8;
	[tilespmem:$0x18080] =	vst v63  }
0x61: {  	s0 =	rddreg [dreg:$0x13]  }
0x62: {  	[tilespmem:s0], [sflag:$0x1] =	stream.indirect_vreg.gather [hbm4b:s4+s2], $0x80, v3, vm0, $0xb8;
	[tilespmem:$0x18080] =	vst v63  }
0x63: {  	s9 =	rddreg [dreg:$0x14]  }
0x64: {  	[tilespmem:s9], [sflag:$0x1] =	stream.indirect_vreg.gather [hbm4b:s5+s2], $0x80, v3, vm0, $0xb8;
	[tilespmem:$0x18080] =	vst v63  }
0x65: {  	v3 =	vld [tilespmem:$0x30];
	_ =	sdelay $0x4  }
0x66: {  	v59 =	vshrl.u32 v3, $0x3  }
0x67: {  	v4 =	vmul.u32 $0x30, v59  }
0x68: {  	v3 =	vand.u32 $0x7, v3  }
0x69: {  	v3 =	vor.u32 v3, v4  }
0x6a: {  	v4 =	vperm.xlane v3, v0;
	_ =	sdelay $0x1  }
0x6b: {  	v4 =	vadd.s32 v1, v4;
	_ =	sdelay $0x3  }
0x6c: {  	s0 =	rddreg [dreg:$0x15];
	v3 =	vperm.xlane v3, v2  }
0x6d: {  	[tilespmem:s0], [sflag:$0x1] =	stream.indirect_vreg.gather [hbm4b:s3+s2], $0x80, v4, vm0, $0xb8;
	[tilespmem:$0x18080] =	vst v63  }
0x6e: {  	s9 =	rddreg [dreg:$0x16];
	v3 =	vadd.s32 v1, v3  }
0x6f: {  	[tilespmem:s9], [sflag:$0x1] =	stream.indirect_vreg.gather [hbm4b:s4+s2], $0x80, v4, vm0, $0xb8;
	[tilespmem:$0x18080] =	vst v63  }
0x70: {  	s0 =	rddreg [dreg:$0x17]  }
0x71: {  	[tilespmem:s0], [sflag:$0x1] =	stream.indirect_vreg.gather [hbm4b:s5+s2], $0x80, v4, vm0, $0xb8;
	[tilespmem:$0x18080] =	vst v63  }
0x72: {  	s9 =	rddreg [dreg:$0x18]  }
0x73: {  	[tilespmem:s9], [sflag:$0x1] =	stream.indirect_vreg.gather [hbm4b:s3+s2], $0x80, v3, vm0, $0xb8;
	[tilespmem:$0x18080] =	vst v63  }
0x74: {  	s0 =	rddreg [dreg:$0x19]  }
0x75: {  	[tilespmem:s0], [sflag:$0x1] =	stream.indirect_vreg.gather [hbm4b:s4+s2], $0x80, v3, vm0, $0xb8;
	[tilespmem:$0x18080] =	vst v63  }
0x76: {  	s9 =	rddreg [dreg:$0x1a]  }
0x77: {  	[tilespmem:s9], [sflag:$0x1] =	stream.indirect_vreg.gather [hbm4b:s5+s2], $0x80, v3, vm0, $0xb8;
	[tilespmem:$0x18080] =	vst v63  }
0x78: {  	v3 =	vld [tilespmem:$0x40];
	_ =	sdelay $0x4  }
0x79: {  	v60 =	vshrl.u32 v3, $0x3  }
0x7a: {  	v4 =	vmul.u32 $0x30, v60  }
0x7b: {  	v3 =	vand.u32 $0x7, v3  }
0x7c: {  	v3 =	vor.u32 v3, v4  }
0x7d: {  	v4 =	vperm.xlane v3, v0;
	_ =	sdelay $0x1  }
0x7e: {  	v4 =	vadd.s32 v1, v4;
	_ =	sdelay $0x3  }
0x7f: {  	s0 =	rddreg [dreg:$0x1b];
	v3 =	vperm.xlane v3, v2  }
0x80: {  	[tilespmem:s0], [sflag:$0x1] =	stream.indirect_vreg.gather [hbm4b:s3+s2], $0x80, v4, vm0, $0xb8;
	[tilespmem:$0x18080] =	vst v63  }
0x81: {  	s9 =	rddreg [dreg:$0x1c];
	v3 =	vadd.s32 v1, v3  }
0x82: {  	[tilespmem:s9], [sflag:$0x1] =	stream.indirect_vreg.gather [hbm4b:s4+s2], $0x80, v4, vm0, $0xb8;
	[tilespmem:$0x18080] =	vst v63  }
0x83: {  	s9 =	simm.s32 $0xD080  }
0x84: {  	[tilespmem:s9], [sflag:$0x1] =	stream.indirect_vreg.gather [hbm4b:s5+s2], $0x80, v4, vm0, $0xb8;
	[tilespmem:$0x18080] =	vst v63  }
0x85: {  	_ = 	snop  }
0x86: {  	[tilespmem:s10], [sflag:$0x1] =	stream.indirect_vreg.gather [hbm4b:s3+s2], $0x80, v3, vm0, $0xb8;
	[tilespmem:$0x18080] =	vst v63  }
0x87: {  	_ = 	snop  }
0x88: {  	[tilespmem:s11], [sflag:$0x1] =	stream.indirect_vreg.gather [hbm4b:s4+s2], $0x80, v3, vm0, $0xb8;
	[tilespmem:$0x18080] =	vst v63  }
0x89: {  	_ = 	snop  }
0x8a: {  	[tilespmem:s12], [sflag:$0x1] =	stream.indirect_vreg.gather [hbm4b:s5+s2], $0x80, v3, vm0, $0xb8;
	[tilespmem:$0x18080] =	vst v63  }
0x8b: {  	v3 =	vld [tilespmem:$0x50];
	_ =	sdelay $0x4  }
0x8c: {  	v61 =	vshrl.u32 v3, $0x3  }
0x8d: {  	v4 =	vmul.u32 $0x30, v61  }
0x8e: {  	v3 =	vand.u32 $0x7, v3  }
0x8f: {  	v3 =	vor.u32 v3, v4  }
0x90: {  	v4 =	vperm.xlane v3, v0;
	_ =	sdelay $0x1  }
0x91: {  	v4 =	vadd.s32 v1, v4;
	_ =	sdelay $0x3  }
0x92: {  	v3 =	vperm.xlane v3, v2  }
0x93: {  	[tilespmem:s13], [sflag:$0x1] =	stream.indirect_vreg.gather [hbm4b:s3+s2], $0x80, v4, vm0, $0xb8;
	[tilespmem:$0x18080] =	vst v63  }
0x94: {  	v3 =	vadd.s32 v1, v3  }
0x95: {  	[tilespmem:s14], [sflag:$0x1] =	stream.indirect_vreg.gather [hbm4b:s4+s2], $0x80, v4, vm0, $0xb8;
	[tilespmem:$0x18080] =	vst v63  }
0x96: {  	_ = 	snop  }
0x97: {  	[tilespmem:s15], [sflag:$0x1] =	stream.indirect_vreg.gather [hbm4b:s5+s2], $0x80, v4, vm0, $0xb8;
	[tilespmem:$0x18080] =	vst v63  }
0x98: {  	_ = 	snop  }
0x99: {  	[tilespmem:s16], [sflag:$0x1] =	stream.indirect_vreg.gather [hbm4b:s3+s2], $0x80, v3, vm0, $0xb8;
	[tilespmem:$0x18080] =	vst v63  }
0x9a: {  	_ = 	snop  }
0x9b: {  	[tilespmem:s17], [sflag:$0x1] =	stream.indirect_vreg.gather [hbm4b:s4+s2], $0x80, v3, vm0, $0xb8;
	[tilespmem:$0x18080] =	vst v63  }
0x9c: {  	_ = 	snop  }
0x9d: {  	[tilespmem:s18], [sflag:$0x1] =	stream.indirect_vreg.gather [hbm4b:s5+s2], $0x80, v3, vm0, $0xb8;
	[tilespmem:$0x18080] =	vst v63  }
0x9e: {  	v3 =	vld [tilespmem:$0x60];
	_ =	sdelay $0x4  }
0x9f: {  	v62 =	vshrl.u32 v3, $0x3  }
0xa0: {  	v4 =	vmul.u32 $0x30, v62  }
0xa1: {  	v3 =	vand.u32 $0x7, v3  }
0xa2: {  	v3 =	vor.u32 v3, v4  }
0xa3: {  	v4 =	vperm.xlane v3, v0;
	_ =	sdelay $0x1  }
0xa4: {  	v4 =	vadd.s32 v1, v4;
	_ =	sdelay $0x3  }
0xa5: {  	v3 =	vperm.xlane v3, v2  }
0xa6: {  	[tilespmem:s19], [sflag:$0x1] =	stream.indirect_vreg.gather [hbm4b:s3+s2], $0x80, v4, vm0, $0xb8;
	[tilespmem:$0x18080] =	vst v63  }
0xa7: {  	v3 =	vadd.s32 v1, v3  }
0xa8: {  	[tilespmem:s20], [sflag:$0x1] =	stream.indirect_vreg.gather [hbm4b:s4+s2], $0x80, v4, vm0, $0xb8;
	[tilespmem:$0x18080] =	vst v63  }
0xa9: {  	_ = 	snop  }
0xaa: {  	[tilespmem:s21], [sflag:$0x1] =	stream.indirect_vreg.gather [hbm4b:s5+s2], $0x80, v4, vm0, $0xb8;
	[tilespmem:$0x18080] =	vst v63  }
0xab: {  	_ = 	snop  }
0xac: {  	[tilespmem:s22], [sflag:$0x1] =	stream.indirect_vreg.gather [hbm4b:s3+s2], $0x80, v3, vm0, $0xb8;
	[tilespmem:$0x18080] =	vst v63  }
0xad: {  	_ = 	snop  }
0xae: {  	[tilespmem:s23], [sflag:$0x1] =	stream.indirect_vreg.gather [hbm4b:s4+s2], $0x80, v3, vm0, $0xb8;
	[tilespmem:$0x18080] =	vst v63  }
0xaf: {  	_ = 	snop  }
0xb0: {  	[tilespmem:s24], [sflag:$0x1] =	stream.indirect_vreg.gather [hbm4b:s5+s2], $0x80, v3, vm0, $0xb8;
	[tilespmem:$0x18080] =	vst v63  }
0xb1: {  	v3 =	vld [tilespmem:$0x70];
	_ =	sdelay $0x4  }
0xb2: {  	v63 =	vshrl.u32 v3, $0x3  }
0xb3: {  	v4 =	vmul.u32 $0x30, v63  }
0xb4: {  	v3 =	vand.u32 $0x7, v3  }
0xb5: {  	v3 =	vor.u32 v3, v4  }
0xb6: {  	v4 =	vperm.xlane v3, v0;
	_ =	sdelay $0x1  }
0xb7: {  	v4 =	vadd.s32 v1, v4;
	_ =	sdelay $0x3  }
0xb8: {  	v3 =	vperm.xlane v3, v2  }
0xb9: {  	[tilespmem:s25], [sflag:$0x1] =	stream.indirect_vreg.gather [hbm4b:s3+s2], $0x80, v4, vm0, $0xb8;
	[tilespmem:$0x18080] =	vst v63  }
0xba: {  	v3 =	vadd.s32 v1, v3  }
0xbb: {  	[tilespmem:s26], [sflag:$0x1] =	stream.indirect_vreg.gather [hbm4b:s4+s2], $0x80, v4, vm0, $0xb8;
	[tilespmem:$0x18080] =	vst v63  }
0xbc: {  	_ = 	snop  }
0xbd: {  	[tilespmem:s28], [sflag:$0x1] =	stream.indirect_vreg.gather [hbm4b:s5+s2], $0x80, v4, vm0, $0xb8;
	[tilespmem:$0x18080] =	vst v63  }
0xbe: {  	_ = 	snop  }
0xbf: {  	[tilespmem:s29], [sflag:$0x1] =	stream.indirect_vreg.gather [hbm4b:s3+s2], $0x80, v3, vm0, $0xb8;
	[tilespmem:$0x18080] =	vst v63  }
0xc0: {  	_ = 	snop  }
0xc1: {  	[tilespmem:s30], [sflag:$0x1] =	stream.indirect_vreg.gather [hbm4b:s4+s2], $0x80, v3, vm0, $0xb8;
	[tilespmem:$0x18080] =	vst v63  }
0xc2: {  	_ = 	snop  }
0xc3: {  	[tilespmem:s31], [sflag:$0x1] =	stream.indirect_vreg.gather [hbm4b:s5+s2], $0x80, v3, vm0, $0xb8;
	[tilespmem:$0x18080] =	vst v63  }
0xc4: {  	_ =	swait.ge [sflag:s1], $0x18000  }
0xc5: {  	p0 =	sne.s32 s6, $0x1;
	[sflag:s1] =	ssyncset.done $0x0  }
.Ltmp0:
0xc6: {  	s9 =	rddreg [dreg:$0x3];
	[sflag:s1] =	ssyncadd.s32 $0xFFFE8000;
	(pc) =	sbr.rel @p0 .LBB2_1-.Ltmp0, $4  }
0xc7: {  	[hbm4b:s9+s2] =	stream.linear.scatter [tilespmem:s8], [sflag:$0x2], $0x18000, $0x38;
	[tilespmem:$0x18080] =	vst v63  }
0xc8: {  	_ =	swait.ge [sflag:s7], $0x18000  }
0xc9: {  	[sflag:s7] =	ssyncset.done $0x0  }
0xca: {  	s6 =	sadd.s32 $0xFFFFFFFF, s6;
	[sflag:s7] =	ssyncadd.s32 $0xFFFE8000  }
0xcb: {  	_ =	sfence.sel $0x180000  }
0xcc: {  	[bflag:$0x0] =	sbarrier.arrive $0xFFFF  }
0xcd: {  	_ =	strace $0x9000004D  }
0xce: {  	s0 =	stileid.u32;
	[bflag:$0x2] =	sbarrier.arrive $0xFFFF  }
0xcf: {  	p0 =	sne.s32 s0, $0x0;
	s0 =	rddreg [dreg:$0x1]  }
0xd0: {  	s0 =	sadd.s32 @!p0 $0x100000, s0  }
0xd1: {  	[sflag:s0] =	ssyncadd.tile.s32 @!p0 $0x1;
	_ =	shalt  }
.Lfunc_end2:
_tile_overlayer_lowered:
.L_overlay_start_2:
0xd2: {  	(tag) =	ssettag $0x2  }
0xd3: {  	s0 =	rddreg [dreg:$0x0];
	s2 =	stileid.u32  }
0xd4: {  	s1 =	rddreg [dreg:$0x1];
	p0 =	sne.s32 s2, $0x0  }
0xd5: {  	s3 =	rddreg [dreg:$0x2];
	[bflag:$0x3] =	sbarrier.arrive $0xFFFF;
	s2 =	simm.s32 @!p0 $0x1C02  }
0xd6: {  	[timem:s3], [sflag:s2] =	dma.local @!p0 [hbm:s0], s1  }
0xd7: {  	s0 =	simm.s32 @!p0 $0x2  }
0xd8: {  	_ =	swait.ge @!p0 [sflag:s0], s1  }
0xd9: {  	s1 =	ssub.s32 @!p0 $0x0, s1;
	[sflag:s0] =	ssyncset.done @!p0 $0x0  }
0xda: {  	[sflag:s0] =	ssyncadd.s32 @!p0 s1  }
0xdb: {  	[bflag:$0x3] =	sbarrier.arrive $0xFFFF  }
0xdc: {  	_ =	shalt  }

// kernel: kernel.27.cloned.1.call-start
scs
__scs_entry_jumppad:
0x0: {  	(pc) =	sbr.rel $0x88, $3  }
0x1: {  	(tag) =	ssettag $0x0;
	lr =	simm.s32 $0x1  }
0x2: {  	[smem:$0x3F8C] =	sst lr;
	_ =	strace $0xD0000000  }
0x3: {  	_ = 	snop  }
0x4: {  	_ = 	snop  }
0x5: {  	_ = 	snop  }
0x6: {  	_ = 	snop  }
0x7: {  	_ = 	snop  }
__scs_overlays_trampoline_lowered:
0x8: {  	[smem:$0x3F9B] =	sst s0  }
0x9: {  	[smem:$0x3F9C] =	sst s1  }
0xa: {  	[smem:$0x3F9D] =	sst s2  }
0xb: {  	[smem:$0x3F9E] =	sst s3  }
0xc: {  	[smem:$0x3F9F] =	sst s4  }
0xd: {  	[smem:$0x3FA0] =	sst s5  }
0xe: {  	[smem:$0x3FA1] =	sst s6  }
0xf: {  	[smem:$0x3FA2] =	sst s7  }
0x10: {  	[smem:$0x3FA3] =	sst s8  }
0x11: {  	[smem:$0x3FA4] =	sst s9;
	s0 =	simm.s32 @!p0 $0x0  }
0x12: {  	s1 =	sld [smem:$0x3F8A];
	s0 =	simm.s32 @p0 $0x1  }
0x13: {  	[smem:$0x3FA5] =	sst s0;
	s0 =	simm.s32 @!p1 $0x0  }
0x14: {  	s2 =	sld [smem:$0x3F89];
	s0 =	simm.s32 @p1 $0x1  }
0x15: {  	[smem:$0x3FA6] =	sst s0;
	s0 =	simm.s32 @!p2 $0x0  }
0x16: {  	s3 =	sld [smem:$0x3FDB];
	s0 =	simm.s32 @p2 $0x1  }
0x17: {  	s4 =	simm.s32 $0x1BF5;
	[smem:$0x3FA8] =	sst s0  }
0x18: {  	s0 =	sld [smem:$0x3F8B];
	_ =	swait.ge [sflag:s4], $0x0  }
0x19: {  	s7 =	sld [smem:$0x3F8C]  }
0x1a: {  	s8 =	sadd.s32 $0xFFFFE003, lr  }
0x1b: {  	s9 =	sadd.s32 $0xFFFFFEF7, lr;
	s5 =	simm.s32 $0xFFFFFFFF;
	p2 =	slt.u32 s8, $0xFFFFF086  }
0x1c: {  	p1 =	slt.u32 s9, $0xF7A;
	s5 =	simm.s32 @!p2 $0x0  }
0x1d: {  	s5 =	simm.s32 @p1 $0x1;
	p0 =	seq.s32 s7, s2  }
0x1e: {  	s7 =	smul.u32 @!p0 $0xF7A, s2;
	p2 =	seq.s32 @!p0 s5, $0x0  }
0x1f: {  	s9 =	smul.u32 $0xF7A, s1;
	s8 =	simm.s32 @!p0 $0x1BF5;
	p2 =	por !p2, p0  }
0x20: {  	[sflag:s8] =	ssyncset.s32 @!p0 $0xFFFFF086;
	s6 =	sadd.s32 @!p0 s3, s7;
	s7 =	simm.s32 @!p0 $0x108  }
0x21: {  	s3 =	sadd.s32 s3, s9;
	s6 =	sadd.s32 @!p0 $0x88, s6;
	s7 =	simm.s32 @p2 $0x1082  }
0x22: {  	[simem:s7], [sflag:s8] =	dma.local @!p0 [hbm:s6], $0xF7A  }
0x23: {  	s9 =	sor.u32 $0xD0000000, s2;
	s6 =	simm.s32 $0x108;
	_ =	swait.ge @!p0 [sflag:s8], $0x0  }
0x24: {  	s3 =	sadd.s32 $0x88, s3;
	s6 =	simm.s32 @!p1 $0x1082;
	[sflag:s4] =	ssyncset.s32 $0xFFFFF086  }
0x25: {  	[simem:s6], [sflag:s4] =	dma.local [hbm:s3], $0xF7A  }
0x26: {  	[smem:$0x3F8C] =	sst s1;
	(tag) =	ssettag s2;
	_ =	strace s9  }
0x27: {  	s1 =	sld [smem:$0x3F9C]  }
0x28: {  	s2 =	sld [smem:$0x3F9D]  }
0x29: {  	s4 =	sld [smem:$0x3F9F]  }
0x2a: {  	p0 =	seq.s32 s5, $0x0;
	s5 =	sld [smem:$0x3FA0]  }
0x2b: {  	s6 =	sld [smem:$0x3FA1]  }
0x2c: {  	s7 =	sld [smem:$0x3FA2]  }
0x2d: {  	s3 =	simm.s32 $0x108;
	s8 =	sld [smem:$0x3FA3]  }
0x2e: {  	s3 =	simm.s32 @!p0 $0x1082;
	s9 =	sld [smem:$0x3FA4]  }
0x2f: {  	lr =	sadd.s32 s0, s3;
	s0 =	sld [smem:$0x3F9B]  }
0x30: {  	s3 =	sld [smem:$0x3F9E]  }
0x31: {  	[smem:$0x3FA7] =	sst s10  }
0x32: {  	s10 =	sld [smem:$0x3FA5];
	_ =	sdelay $0x3  }
0x33: {  	p0 =	seq.s32 s10, $0x1;
	s10 =	sld [smem:$0x3FA7];
	_ =	sdelay $0x3  }
0x34: {  	[smem:$0x3FA7] =	sst s10  }
0x35: {  	s10 =	sld [smem:$0x3FA6];
	_ =	sdelay $0x3  }
0x36: {  	p1 =	seq.s32 s10, $0x1;
	s10 =	sld [smem:$0x3FA7];
	_ =	sdelay $0x3  }
0x37: {  	[smem:$0x3FA7] =	sst s10  }
0x38: {  	s10 =	sld [smem:$0x3FA8]  }
0x39: {  	_ = 	snop;
	(pc) =	sbr.ind lr, $3  }
0x3a: {  	_ = 	snop  }
0x3b: {  	_ = 	snop  }
0x3c: {  	p2 =	seq.s32 s10, $0x1;
	s10 =	sld [smem:$0x3FA7]  }
0x3d: {  	_ =	shalt  }
0x3e: {  	_ =	shalt  }
0x3f: {  	_ =	shalt  }
0x40: {  	_ =	shalt  }
0x41: {  	_ =	shalt  }
0x42: {  	_ =	shalt  }
0x43: {  	_ =	shalt  }
0x44: {  	_ =	shalt  }
0x45: {  	_ =	shalt  }
0x46: {  	_ =	shalt  }
0x47: {  	_ =	shalt  }
0x48: {  	_ =	shalt  }
0x49: {  	_ =	shalt  }
0x4a: {  	_ =	shalt  }
0x4b: {  	_ =	shalt  }
0x4c: {  	_ =	shalt  }
0x4d: {  	_ =	shalt  }
0x4e: {  	_ =	shalt  }
0x4f: {  	_ =	shalt  }
0x50: {  	_ =	shalt  }
0x51: {  	_ =	shalt  }
0x52: {  	_ =	shalt  }
0x53: {  	_ =	shalt  }
0x54: {  	_ =	shalt  }
0x55: {  	_ =	shalt  }
0x56: {  	_ =	shalt  }
0x57: {  	_ =	shalt  }
0x58: {  	_ =	shalt  }
0x59: {  	_ =	shalt  }
0x5a: {  	_ =	shalt  }
0x5b: {  	_ =	shalt  }
0x5c: {  	_ =	shalt  }
0x5d: {  	_ =	shalt  }
0x5e: {  	_ =	shalt  }
0x5f: {  	_ =	shalt  }
0x60: {  	_ =	shalt  }
0x61: {  	_ =	shalt  }
0x62: {  	_ =	shalt  }
0x63: {  	_ =	shalt  }
0x64: {  	_ =	shalt  }
0x65: {  	_ =	shalt  }
0x66: {  	_ =	shalt  }
0x67: {  	_ =	shalt  }
0x68: {  	_ =	shalt  }
0x69: {  	_ =	shalt  }
0x6a: {  	_ =	shalt  }
0x6b: {  	_ =	shalt  }
0x6c: {  	_ =	shalt  }
0x6d: {  	_ =	shalt  }
0x6e: {  	_ =	shalt  }
0x6f: {  	_ =	shalt  }
0x70: {  	_ =	shalt  }
0x71: {  	_ =	shalt  }
0x72: {  	_ =	shalt  }
0x73: {  	_ =	shalt  }
0x74: {  	_ =	shalt  }
0x75: {  	_ =	shalt  }
0x76: {  	_ =	shalt  }
0x77: {  	_ =	shalt  }
0x78: {  	_ =	shalt  }
0x79: {  	_ =	shalt  }
0x7a: {  	_ =	shalt  }
0x7b: {  	_ =	shalt  }
0x7c: {  	_ =	shalt  }
0x7d: {  	_ =	shalt  }
0x7e: {  	_ =	shalt  }
0x7f: {  	_ =	shalt  }
0x80: {  	_ =	shalt  }
0x81: {  	_ =	shalt  }
0x82: {  	_ =	shalt  }
0x83: {  	_ =	shalt  }
0x84: {  	_ =	shalt  }
0x85: {  	_ =	shalt  }
0x86: {  	_ =	shalt  }
0x87: {  	_ =	shalt  }
.Lfunc_end0:
.L_simem_size_0:
called_computation.3_lowered:
.L_overlay_start_0:
0x88: {  	s2 =	sld [smem:$0x3FD9]  }
0x89: {  	s3 =	sld [smem:$0x3FFE];
	_ =	sdelay $0x1  }
0x8a: {  	s1 =	srdreg.scid  }
0x8b: {  	s0 =	sand.u32 $0x1, s1  }
0x8c: {  	s15 =	sshll.u32 s0, $0xA;
	s2 =	sadd.s32 s3, s2  }
0x8d: {  	s2 =	sadd.s32 s2, s15  }
0x8e: {  	[smem:$0x3FB3] =	sst s2  }
0x8f: {  	_ = 	snop  }
0x90: {  	s2 =	sld [smem:$0x3FD0];
	_ =	sdelay $0x2  }
0x91: {  	s16 =	simm.s32 $0xB;
	s4 =	simm.s32 $0x10  }
0x92: {  	[smem:s4], [sflag:s16] =	dma.local [hbm:s2], $0x1  }
0x93: {  	_ =	swait.eq [sflag:s16], $0x1  }
0x94: {  	[sflag:s16] =	ssyncset.done $0x0  }
0x95: {  	[sflag:s16] =	ssyncadd.s32 $0xFFFFFFFF  }
0x96: {  	s17 =	sld [smem:$0x10];
	(tm) =	ssettm $0x1  }
0x97: {  	s18 =	sld [smem:$0x3FFB];
	_ =	sdelay $0x3  }
0x98: {  	_ =	strace s18  }
0x99: {  	s2 =	sld [smem:$0x3FFC];
	_ =	sdelay $0x3  }
0x9a: {  	_ =	strace s2  }
0x9b: {  	s2 =	sld [smem:$0x3FFD];
	_ =	sdelay $0x3  }
0x9c: {  	_ =	strace s2  }
0x9d: {  	_ =	strace $0x8FFFFFFF  }
0x9e: {  	s19 =	sld [smem:$0x3FDB];
	_ =	sdelay $0x1  }
0x9f: {  	s20 =	simm.s32 $_scs_section_size  }
0xa0: {  	s5 =	simm.s32 $_size__tile_overlayer_lowered;
	s6 =	simm.s32 $_tile_overlayer_lowered  }
0xa1: {  	s7 =	simm.s32 $0x1BFF;
	s21 =	sshll.u32 s6, $0x1;
	s4 =	sadd.s32 s20, s19  }
0xa2: {  	s22 =	simm.s32 $0x0;
	s5 =	sshll.u32 s5, $0x1;
	s6 =	sadd.s32 s21, s4  }
0xa3: {  	[timem:s22], [sflag:s7] =	dma.local [hbm:s6], s5  }
0xa4: {  	_ =	swait.ge [sflag:s7], s5  }
0xa5: {  	s5 =	ssub.s32 $0x0, s5;
	[sflag:s7] =	ssyncset.done $0x0  }
0xa6: {  	[sflag:s7] =	ssyncadd.s32 s5;
	_ =	sdelay $0x1  }
0xa7: {  	s23 =	simm.s32 $0x1B8B  }
0xa8: {  	_ =	swait.ge [sflag:s23], $0x1  }
0xa9: {  	[sflag:s23] =	ssyncset.done $0x0  }
0xaa: {  	[sflag:s23] =	ssyncadd.s32 $0xFFFFFFFF  }
0xab: {  	s5 =	sld [smem:$0x0]  }
0xac: {  	s6 =	sand.u32 $0xFFFFFFFE, s1  }
0xad: {  	p0 =	sne.s32 s1, s6  }
0xae: {  	s6 =	sshll.u32 @p0 s6, $0xE  }
0xaf: {  	s6 =	sadd.s32 @p0 $0x11B8D, s6;
	s7 =	sshll.u32 @p0 s5, $0x11  }
0xb0: {  	s6 =	sor.u32 @p0 s7, s6  }
0xb1: {  	[sflag:s6] =	ssyncadd.remote.s32 @p0 $0x1;
	_ =	sdelay $0x1  }
0xb2: {  	s6 =	simm.s32 @p0 $0x1B8D  }
0xb3: {  	_ =	swait.eq @p0 [sflag:s6], $0x1  }
0xb4: {  	[sflag:s6] =	ssyncadd.s32 @p0 $0xFFFFFFFF  }
0xb5: {  	s7 =	sshll.u32 @!p0 s1, $0xE  }
0xb6: {  	s7 =	sor.u32 @!p0 $0x4000, s7;
	s6 =	simm.s32 @!p0 $0x1B8D  }
0xb7: {  	s5 =	sshll.u32 @!p0 s5, $0x11;
	s7 =	sadd.s32 @!p0 $0x11B8D, s7;
	_ =	swait.eq @!p0 [sflag:s6], $0x1  }
0xb8: {  	s5 =	sor.u32 @!p0 s5, s7;
	[sflag:s6] =	ssyncadd.s32 @!p0 $0xFFFFFFFF  }
0xb9: {  	s25 =	simm.s32 $0x1B8E;
	s24 =	sld [smem:$0x3FFE];
	[sflag:s5] =	ssyncadd.remote.s32 @!p0 $0x1  }
0xba: {  	s26 =	simm.s32 $execute0_lowered;
	[smem:$0x3FD2] =	sst s25  }
0xbb: {  	s6 =	sshll.u32 s26, $0x1;
	_ =	strace $0x80000052;
	[dreg:$0x1] =	wrdreg $0xFFFFFFFF  }
0xbc: {  	s28 =	simm.s32 $_size_execute0_lowered;
	s4 =	sadd.s32 s4, s6;
	[dreg:$0x0] =	wrdreg $0x0  }
0xbd: {  	s6 =	sshll.u32 s28, $0x1;
	[dreg:$0x2] =	wrdreg s4  }
0xbe: {  	[dreg:$0x3] =	wrdreg s6  }
0xbf: {  	[dreg:$0x4] =	wrdreg $0xC0  }
0xc0: {  	_ =	task [dreg:s22], $0x5FFFF  }
0xc1: {  	[dreg:$0x1] =	wrdreg $0xFFFFFFFF  }
0xc2: {  	[dreg:$0x0] =	wrdreg $0x60  }
0xc3: {  	[dreg:$0x2] =	wrdreg s24  }
0xc4: {  	[dreg:$0x3] =	wrdreg s17  }
0xc5: {  	[dreg:$0x4] =	wrdreg $0x9  }
0xc6: {  	_ =	task.clear_ibuf [dreg:s22], $0x5FFFF;
	_ =	strace $0x90000052  }
0xc7: {  	s29 =	simm.s32 $0x9;
	_ =	strace $0x80000054  }
0xc8: {  	_ =	swait.ge [sflag:s29], $0x1  }
0xc9: {  	[sflag:s29] =	ssyncadd.s32 $0xFFFFFFFF  }
0xca: {  	_ =	strace $0x90000054  }
0xcb: {  	_ =	sfence  }
0xcc: {  	s30 =	sld [smem:$0x0];
	_ =	sdelay $0x2  }
0xcd: {  	s31 =	sshll.u32 s1, $0xD;
	s1 =	sshrl.u32 s1, $0x2  }
0xce: {  	s4 =	sand.u32 $0x4000, s31;
	s1 =	sadd.s32 s1, s30  }
0xcf: {  	s0 =	sor.u32 s4, s0;
	s1 =	sshll.u32 s1, $0x11  }
0xd0: {  	s0 =	sor.u32 s1, s0  }
0xd1: {  	s0 =	sadd.s32 $0x8F2B, s0  }
0xd2: {  	[sflag:s0] =	ssyncadd.remote.s32 $0x1  }
0xd3: {  	_ =	sfence.sel $0xFFFF  }
0xd4: {  	[dreg:$0x0] =	wrdreg $0xFFFFFFFF;
	(pc) =	sbr.abs _section_cstart, $3  }
0xd5: {  	[dreg:$0x1] =	wrdreg $0xFFFFFFFF  }
0xd6: {  	_ =	task.clear_ibuf [dreg:s22], $0x2FFFF;
	_ =	strace $0x9FFFFFFF  }
0xd7: {  	(tm) =	ssettm $0x7FFFFFFF  }
tec
execute0_lowered:
.L_overlay_start_1:
0x0: {  	(tag) =	ssettag $0x1  }
0x1: {  	s0 =	rddreg [dreg:$0x0]  }
0x2: {  	s5 =	rddreg [dreg:$0x1];
	s3 =	srdreg.scid  }
0x3: {  	s2 =	simm.s32 $0x0;
	s1 =	stileid.u32;
	s26 =	simm.s32 $0x880  }
0x4: {  	s10 =	simm.s32 $0x1880;
	s11 =	simm.s32 $0x2080;
	s12 =	simm.s32 $0x2880  }
0x5: {  	s13 =	simm.s32 $0x3080;
	s14 =	simm.s32 $0x3880;
	s15 =	simm.s32 $0x4080  }
0x6: {  	s16 =	simm.s32 $0x4880;
	s17 =	simm.s32 $0x5080;
	s18 =	simm.s32 $0x5880  }
0x7: {  	s19 =	simm.s32 $0x6080;
	s20 =	simm.s32 $0x6880;
	s21 =	simm.s32 $0x7080  }
0x8: {  	s22 =	simm.s32 $0x7880;
	s28 =	simm.s32 $0xA080;
	s29 =	simm.s32 $0xA880  }
0x9: {  	s30 =	simm.s32 $0xB080;
	s31 =	simm.s32 $0xB880;
	s3 =	sand.u32 $0x1, s3  }
0xa: {  	[smem:$0x7FF] =	sst s2;
	s4 =	sshll.u32 s1, $0x4;
	s6 =	sshll.u32 s3, $0x3  }
0xb: {  	_ =	strace $0x80000053;
	s23 =	ssub.s32 $0x2, s3;
	s3 =	sadd.s32 $0x3A00, s0  }
0xc: {  	[dreg:$0x5] =	wrdreg s26;
	s26 =	simm.s32 $0x9880;
	s4 =	sor.u32 s6, s4  }
0xd: {  	s8 =	sshrl.u32 s23, $0x1;
	s7 =	sadd.s32 s4, s0;
	s9 =	smul.u32 $0x300, s4  }
0xe: {  	s6 =	ssub.s32 s23, s8;
	s4 =	sadd.s32 $0x3B00, s0;
	s8 =	simm.s32 $0x80  }
0xf: {  	s23 =	simm.s32 $0x8080;
	s24 =	sadd.s32 $0x93E00, s7;
	s6 =	smax.u32 s6, $0x1  }
0x10: {  	v2 =	vlaneseq.u32;
	s7 =	simm.s32 $0x2;
	[dreg:$0x3] =	wrdreg s24;
	s25 =	sadd.s32 s5, s9  }
0x11: {  	vm0 =	vmmov $0xffff;
	v1 =	vshrl.u32 v2, $0x3;
	s5 =	sadd.s32 $0x3C00, s0;
	s9 =	simm.s32 $0x1080;
	s24 =	simm.s32 $0x8880  }
0x12: {  	v0 =	vand.u32 $0x7, v2;
	v2 =	vor.u32 $0x8, v2;
	v1 =	vmul.u32 $0x8, v1;
	s0 =	simm.s32 $0x1;
	[dreg:$0x4] =	wrdreg s25;
	s25 =	simm.s32 $0x9080  }
.LBB2_1:
0x13: {  	s1 =	rddreg [dreg:$0x3]  }
0x14: {  	[tilespmem:s2], [sflag:$0x2] =	stream.linear.gather [hbm4b:s1+s2], $0x40, $0x38;
	[tilespmem:$0xC080] =	vst v63  }
0x15: {  	_ =	swait.ge [sflag:s7], $0x40  }
0x16: {  	[sflag:s7] =	ssyncset.done $0x0  }
0x17: {  	[sflag:s7] =	ssyncadd.s32 $0xFFFFFFC0  }
0x18: {  	v3 =	vld [tilespmem:$0x0];
	_ =	sdelay $0x4  }
0x19: {  	v4 =	vshrl.u32 v3, $0x3  }
0x1a: {  	v4 =	vmul.u32 $0x30, v4  }
0x1b: {  	v3 =	vand.u32 $0x7, v3  }
0x1c: {  	v3 =	vor.u32 v3, v4  }
0x1d: {  	v4 =	vperm.xlane v3, v0;
	_ =	sdelay $0x1  }
0x1e: {  	v4 =	vadd.s32 v1, v4;
	_ =	sdelay $0x3  }
0x1f: {  	v3 =	vperm.xlane v3, v2  }
0x20: {  	[tilespmem:s8], [sflag:$0x1] =	stream.indirect_vreg.gather [hbm4b:s3+s2], $0x80, v4, vm0, $0xb8;
	[tilespmem:$0xC080] =	vst v63  }
0x21: {  	s1 =	rddreg [dreg:$0x5];
	v3 =	vadd.s32 v1, v3  }
0x22: {  	[tilespmem:s1], [sflag:$0x1] =	stream.indirect_vreg.gather [hbm4b:s4+s2], $0x80, v4, vm0, $0xb8;
	[tilespmem:$0xC080] =	vst v63  }
0x23: {  	_ = 	snop  }
0x24: {  	[tilespmem:s9], [sflag:$0x1] =	stream.indirect_vreg.gather [hbm4b:s5+s2], $0x80, v4, vm0, $0xb8;
	[tilespmem:$0xC080] =	vst v63  }
0x25: {  	_ = 	snop  }
0x26: {  	[tilespmem:s10], [sflag:$0x1] =	stream.indirect_vreg.gather [hbm4b:s3+s2], $0x80, v3, vm0, $0xb8;
	[tilespmem:$0xC080] =	vst v63  }
0x27: {  	_ = 	snop  }
0x28: {  	[tilespmem:s11], [sflag:$0x1] =	stream.indirect_vreg.gather [hbm4b:s4+s2], $0x80, v3, vm0, $0xb8;
	[tilespmem:$0xC080] =	vst v63  }
0x29: {  	_ = 	snop  }
0x2a: {  	[tilespmem:s12], [sflag:$0x1] =	stream.indirect_vreg.gather [hbm4b:s5+s2], $0x80, v3, vm0, $0xb8;
	[tilespmem:$0xC080] =	vst v63  }
0x2b: {  	v3 =	vld [tilespmem:$0x10];
	_ =	sdelay $0x4  }
0x2c: {  	v61 =	vshrl.u32 v3, $0x3  }
0x2d: {  	v4 =	vmul.u32 $0x30, v61  }
0x2e: {  	v3 =	vand.u32 $0x7, v3  }
0x2f: {  	v3 =	vor.u32 v3, v4  }
0x30: {  	v4 =	vperm.xlane v3, v0;
	_ =	sdelay $0x1  }
0x31: {  	v4 =	vadd.s32 v1, v4;
	_ =	sdelay $0x3  }
0x32: {  	v3 =	vperm.xlane v3, v2  }
0x33: {  	[tilespmem:s13], [sflag:$0x1] =	stream.indirect_vreg.gather [hbm4b:s3+s2], $0x80, v4, vm0, $0xb8;
	[tilespmem:$0xC080] =	vst v63  }
0x34: {  	v3 =	vadd.s32 v1, v3  }
0x35: {  	[tilespmem:s14], [sflag:$0x1] =	stream.indirect_vreg.gather [hbm4b:s4+s2], $0x80, v4, vm0, $0xb8;
	[tilespmem:$0xC080] =	vst v63  }
0x36: {  	_ = 	snop  }
0x37: {  	[tilespmem:s15], [sflag:$0x1] =	stream.indirect_vreg.gather [hbm4b:s5+s2], $0x80, v4, vm0, $0xb8;
	[tilespmem:$0xC080] =	vst v63  }
0x38: {  	_ = 	snop  }
0x39: {  	[tilespmem:s16], [sflag:$0x1] =	stream.indirect_vreg.gather [hbm4b:s3+s2], $0x80, v3, vm0, $0xb8;
	[tilespmem:$0xC080] =	vst v63  }
0x3a: {  	_ = 	snop  }
0x3b: {  	[tilespmem:s17], [sflag:$0x1] =	stream.indirect_vreg.gather [hbm4b:s4+s2], $0x80, v3, vm0, $0xb8;
	[tilespmem:$0xC080] =	vst v63  }
0x3c: {  	_ = 	snop  }
0x3d: {  	[tilespmem:s18], [sflag:$0x1] =	stream.indirect_vreg.gather [hbm4b:s5+s2], $0x80, v3, vm0, $0xb8;
	[tilespmem:$0xC080] =	vst v63  }
0x3e: {  	v3 =	vld [tilespmem:$0x20];
	_ =	sdelay $0x4  }
0x3f: {  	v62 =	vshrl.u32 v3, $0x3  }
0x40: {  	v4 =	vmul.u32 $0x30, v62  }
0x41: {  	v3 =	vand.u32 $0x7, v3  }
0x42: {  	v3 =	vor.u32 v3, v4  }
0x43: {  	v4 =	vperm.xlane v3, v0;
	_ =	sdelay $0x1  }
0x44: {  	v4 =	vadd.s32 v1, v4;
	_ =	sdelay $0x3  }
0x45: {  	v3 =	vperm.xlane v3, v2  }
0x46: {  	[tilespmem:s19], [sflag:$0x1] =	stream.indirect_vreg.gather [hbm4b:s3+s2], $0x80, v4, vm0, $0xb8;
	[tilespmem:$0xC080] =	vst v63  }
0x47: {  	v3 =	vadd.s32 v1, v3  }
0x48: {  	[tilespmem:s20], [sflag:$0x1] =	stream.indirect_vreg.gather [hbm4b:s4+s2], $0x80, v4, vm0, $0xb8;
	[tilespmem:$0xC080] =	vst v63  }
0x49: {  	_ = 	snop  }
0x4a: {  	[tilespmem:s21], [sflag:$0x1] =	stream.indirect_vreg.gather [hbm4b:s5+s2], $0x80, v4, vm0, $0xb8;
	[tilespmem:$0xC080] =	vst v63  }
0x4b: {  	_ = 	snop  }
0x4c: {  	[tilespmem:s22], [sflag:$0x1] =	stream.indirect_vreg.gather [hbm4b:s3+s2], $0x80, v3, vm0, $0xb8;
	[tilespmem:$0xC080] =	vst v63  }
0x4d: {  	_ = 	snop  }
0x4e: {  	[tilespmem:s23], [sflag:$0x1] =	stream.indirect_vreg.gather [hbm4b:s4+s2], $0x80, v3, vm0, $0xb8;
	[tilespmem:$0xC080] =	vst v63  }
0x4f: {  	_ = 	snop  }
0x50: {  	[tilespmem:s24], [sflag:$0x1] =	stream.indirect_vreg.gather [hbm4b:s5+s2], $0x80, v3, vm0, $0xb8;
	[tilespmem:$0xC080] =	vst v63  }
0x51: {  	v3 =	vld [tilespmem:$0x30];
	_ =	sdelay $0x4  }
0x52: {  	v63 =	vshrl.u32 v3, $0x3  }
0x53: {  	v4 =	vmul.u32 $0x30, v63  }
0x54: {  	v3 =	vand.u32 $0x7, v3  }
0x55: {  	v3 =	vor.u32 v3, v4  }
0x56: {  	v4 =	vperm.xlane v3, v0;
	_ =	sdelay $0x1  }
0x57: {  	v4 =	vadd.s32 v1, v4;
	_ =	sdelay $0x3  }
0x58: {  	v3 =	vperm.xlane v3, v2  }
0x59: {  	[tilespmem:s25], [sflag:$0x1] =	stream.indirect_vreg.gather [hbm4b:s3+s2], $0x80, v4, vm0, $0xb8;
	[tilespmem:$0xC080] =	vst v63  }
0x5a: {  	v3 =	vadd.s32 v1, v3  }
0x5b: {  	[tilespmem:s26], [sflag:$0x1] =	stream.indirect_vreg.gather [hbm4b:s4+s2], $0x80, v4, vm0, $0xb8;
	[tilespmem:$0xC080] =	vst v63  }
0x5c: {  	_ = 	snop  }
0x5d: {  	[tilespmem:s28], [sflag:$0x1] =	stream.indirect_vreg.gather [hbm4b:s5+s2], $0x80, v4, vm0, $0xb8;
	[tilespmem:$0xC080] =	vst v63  }
0x5e: {  	_ = 	snop  }
0x5f: {  	[tilespmem:s29], [sflag:$0x1] =	stream.indirect_vreg.gather [hbm4b:s3+s2], $0x80, v3, vm0, $0xb8;
	[tilespmem:$0xC080] =	vst v63  }
0x60: {  	_ = 	snop  }
0x61: {  	[tilespmem:s30], [sflag:$0x1] =	stream.indirect_vreg.gather [hbm4b:s4+s2], $0x80, v3, vm0, $0xb8;
	[tilespmem:$0xC080] =	vst v63  }
0x62: {  	_ = 	snop  }
0x63: {  	[tilespmem:s31], [sflag:$0x1] =	stream.indirect_vreg.gather [hbm4b:s5+s2], $0x80, v3, vm0, $0xb8;
	[tilespmem:$0xC080] =	vst v63  }
0x64: {  	_ =	swait.ge [sflag:s0], $0xC000  }
0x65: {  	p0 =	sne.s32 s6, $0x1;
	[sflag:s0] =	ssyncset.done $0x0  }
.Ltmp0:
0x66: {  	s1 =	rddreg [dreg:$0x4];
	[sflag:s0] =	ssyncadd.s32 $0xFFFF4000;
	(pc) =	sbr.rel @p0 .LBB2_1-.Ltmp0, $4  }
0x67: {  	[hbm4b:s1+s2] =	stream.linear.scatter [tilespmem:s8], [sflag:$0x2], $0xC000, $0x38;
	[tilespmem:$0xC080] =	vst v63  }
0x68: {  	_ =	swait.ge [sflag:s7], $0xC000  }
0x69: {  	[sflag:s7] =	ssyncset.done $0x0  }
0x6a: {  	s6 =	sadd.s32 $0xFFFFFFFF, s6;
	[sflag:s7] =	ssyncadd.s32 $0xFFFF4000  }
0x6b: {  	_ =	sfence.sel $0x180000  }
0x6c: {  	[bflag:$0x0] =	sbarrier.arrive $0xFFFF  }
0x6d: {  	_ =	strace $0x90000053  }
0x6e: {  	s0 =	stileid.u32;
	[bflag:$0x2] =	sbarrier.arrive $0xFFFF  }
0x6f: {  	p0 =	sne.s32 s0, $0x0;
	s0 =	rddreg [dreg:$0x2]  }
0x70: {  	s0 =	sadd.s32 @!p0 $0x100000, s0  }
0x71: {  	[sflag:s0] =	ssyncadd.tile.s32 @!p0 $0x1;
	_ =	shalt  }
.Lfunc_end2:
_tile_overlayer_lowered:
.L_overlay_start_2:
0x72: {  	(tag) =	ssettag $0x2  }
0x73: {  	s0 =	rddreg [dreg:$0x0];
	s2 =	stileid.u32  }
0x74: {  	s1 =	rddreg [dreg:$0x1];
	p0 =	sne.s32 s2, $0x0  }
0x75: {  	s3 =	rddreg [dreg:$0x2];
	[bflag:$0x3] =	sbarrier.arrive $0xFFFF;
	s2 =	simm.s32 @!p0 $0x1C02  }
0x76: {  	[timem:s3], [sflag:s2] =	dma.local @!p0 [hbm:s0], s1  }
0x77: {  	s0 =	simm.s32 @!p0 $0x2  }
0x78: {  	_ =	swait.ge @!p0 [sflag:s0], s1  }
0x79: {  	s1 =	ssub.s32 @!p0 $0x0, s1;
	[sflag:s0] =	ssyncset.done @!p0 $0x0  }
0x7a: {  	[sflag:s0] =	ssyncadd.s32 @!p0 s1  }
0x7b: {  	[bflag:$0x3] =	sbarrier.arrive $0xFFFF  }
0x7c: {  	_ =	shalt  }

// kernel: kernel.30.cloned.1.call-start
scs
__scs_entry_jumppad:
0x0: {  	(pc) =	sbr.rel $0x88, $3  }
0x1: {  	(tag) =	ssettag $0x0;
	lr =	simm.s32 $0x1  }
0x2: {  	[smem:$0x3F8C] =	sst lr;
	_ =	strace $0xD0000000  }
0x3: {  	_ = 	snop  }
0x4: {  	_ = 	snop  }
0x5: {  	_ = 	snop  }
0x6: {  	_ = 	snop  }
0x7: {  	_ = 	snop  }
__scs_overlays_trampoline_lowered:
0x8: {  	[smem:$0x3F9B] =	sst s0  }
0x9: {  	[smem:$0x3F9C] =	sst s1  }
0xa: {  	[smem:$0x3F9D] =	sst s2  }
0xb: {  	[smem:$0x3F9E] =	sst s3  }
0xc: {  	[smem:$0x3F9F] =	sst s4  }
0xd: {  	[smem:$0x3FA0] =	sst s5  }
0xe: {  	[smem:$0x3FA1] =	sst s6  }
0xf: {  	[smem:$0x3FA2] =	sst s7  }
0x10: {  	[smem:$0x3FA3] =	sst s8  }
0x11: {  	[smem:$0x3FA4] =	sst s9;
	s0 =	simm.s32 @!p0 $0x0  }
0x12: {  	s1 =	sld [smem:$0x3F8A];
	s0 =	simm.s32 @p0 $0x1  }
0x13: {  	[smem:$0x3FA5] =	sst s0;
	s0 =	simm.s32 @!p1 $0x0  }
0x14: {  	s2 =	sld [smem:$0x3F89];
	s0 =	simm.s32 @p1 $0x1  }
0x15: {  	[smem:$0x3FA6] =	sst s0;
	s0 =	simm.s32 @!p2 $0x0  }
0x16: {  	s3 =	sld [smem:$0x3FDB];
	s0 =	simm.s32 @p2 $0x1  }
0x17: {  	s4 =	simm.s32 $0x1BF5;
	[smem:$0x3FA8] =	sst s0  }
0x18: {  	s0 =	sld [smem:$0x3F8B];
	_ =	swait.ge [sflag:s4], $0x0  }
0x19: {  	s7 =	sld [smem:$0x3F8C]  }
0x1a: {  	s8 =	sadd.s32 $0xFFFFE003, lr  }
0x1b: {  	s9 =	sadd.s32 $0xFFFFFEF7, lr;
	s5 =	simm.s32 $0xFFFFFFFF;
	p2 =	slt.u32 s8, $0xFFFFF086  }
0x1c: {  	p1 =	slt.u32 s9, $0xF7A;
	s5 =	simm.s32 @!p2 $0x0  }
0x1d: {  	s5 =	simm.s32 @p1 $0x1;
	p0 =	seq.s32 s7, s2  }
0x1e: {  	s7 =	smul.u32 @!p0 $0xF7A, s2;
	p2 =	seq.s32 @!p0 s5, $0x0  }
0x1f: {  	s9 =	smul.u32 $0xF7A, s1;
	s8 =	simm.s32 @!p0 $0x1BF5;
	p2 =	por !p2, p0  }
0x20: {  	[sflag:s8] =	ssyncset.s32 @!p0 $0xFFFFF086;
	s6 =	sadd.s32 @!p0 s3, s7;
	s7 =	simm.s32 @!p0 $0x108  }
0x21: {  	s3 =	sadd.s32 s3, s9;
	s6 =	sadd.s32 @!p0 $0x88, s6;
	s7 =	simm.s32 @p2 $0x1082  }
0x22: {  	[simem:s7], [sflag:s8] =	dma.local @!p0 [hbm:s6], $0xF7A  }
0x23: {  	s9 =	sor.u32 $0xD0000000, s2;
	s6 =	simm.s32 $0x108;
	_ =	swait.ge @!p0 [sflag:s8], $0x0  }
0x24: {  	s3 =	sadd.s32 $0x88, s3;
	s6 =	simm.s32 @!p1 $0x1082;
	[sflag:s4] =	ssyncset.s32 $0xFFFFF086  }
0x25: {  	[simem:s6], [sflag:s4] =	dma.local [hbm:s3], $0xF7A  }
0x26: {  	[smem:$0x3F8C] =	sst s1;
	(tag) =	ssettag s2;
	_ =	strace s9  }
0x27: {  	s1 =	sld [smem:$0x3F9C]  }
0x28: {  	s2 =	sld [smem:$0x3F9D]  }
0x29: {  	s4 =	sld [smem:$0x3F9F]  }
0x2a: {  	p0 =	seq.s32 s5, $0x0;
	s5 =	sld [smem:$0x3FA0]  }
0x2b: {  	s6 =	sld [smem:$0x3FA1]  }
0x2c: {  	s7 =	sld [smem:$0x3FA2]  }
0x2d: {  	s3 =	simm.s32 $0x108;
	s8 =	sld [smem:$0x3FA3]  }
0x2e: {  	s3 =	simm.s32 @!p0 $0x1082;
	s9 =	sld [smem:$0x3FA4]  }
0x2f: {  	lr =	sadd.s32 s0, s3;
	s0 =	sld [smem:$0x3F9B]  }
0x30: {  	s3 =	sld [smem:$0x3F9E]  }
0x31: {  	[smem:$0x3FA7] =	sst s10  }
0x32: {  	s10 =	sld [smem:$0x3FA5];
	_ =	sdelay $0x3  }
0x33: {  	p0 =	seq.s32 s10, $0x1;
	s10 =	sld [smem:$0x3FA7];
	_ =	sdelay $0x3  }
0x34: {  	[smem:$0x3FA7] =	sst s10  }
0x35: {  	s10 =	sld [smem:$0x3FA6];
	_ =	sdelay $0x3  }
0x36: {  	p1 =	seq.s32 s10, $0x1;
	s10 =	sld [smem:$0x3FA7];
	_ =	sdelay $0x3  }
0x37: {  	[smem:$0x3FA7] =	sst s10  }
0x38: {  	s10 =	sld [smem:$0x3FA8]  }
0x39: {  	_ = 	snop;
	(pc) =	sbr.ind lr, $3  }
0x3a: {  	_ = 	snop  }
0x3b: {  	_ = 	snop  }
0x3c: {  	p2 =	seq.s32 s10, $0x1;
	s10 =	sld [smem:$0x3FA7]  }
0x3d: {  	_ =	shalt  }
0x3e: {  	_ =	shalt  }
0x3f: {  	_ =	shalt  }
0x40: {  	_ =	shalt  }
0x41: {  	_ =	shalt  }
0x42: {  	_ =	shalt  }
0x43: {  	_ =	shalt  }
0x44: {  	_ =	shalt  }
0x45: {  	_ =	shalt  }
0x46: {  	_ =	shalt  }
0x47: {  	_ =	shalt  }
0x48: {  	_ =	shalt  }
0x49: {  	_ =	shalt  }
0x4a: {  	_ =	shalt  }
0x4b: {  	_ =	shalt  }
0x4c: {  	_ =	shalt  }
0x4d: {  	_ =	shalt  }
0x4e: {  	_ =	shalt  }
0x4f: {  	_ =	shalt  }
0x50: {  	_ =	shalt  }
0x51: {  	_ =	shalt  }
0x52: {  	_ =	shalt  }
0x53: {  	_ =	shalt  }
0x54: {  	_ =	shalt  }
0x55: {  	_ =	shalt  }
0x56: {  	_ =	shalt  }
0x57: {  	_ =	shalt  }
0x58: {  	_ =	shalt  }
0x59: {  	_ =	shalt  }
0x5a: {  	_ =	shalt  }
0x5b: {  	_ =	shalt  }
0x5c: {  	_ =	shalt  }
0x5d: {  	_ =	shalt  }
0x5e: {  	_ =	shalt  }
0x5f: {  	_ =	shalt  }
0x60: {  	_ =	shalt  }
0x61: {  	_ =	shalt  }
0x62: {  	_ =	shalt  }
0x63: {  	_ =	shalt  }
0x64: {  	_ =	shalt  }
0x65: {  	_ =	shalt  }
0x66: {  	_ =	shalt  }
0x67: {  	_ =	shalt  }
0x68: {  	_ =	shalt  }
0x69: {  	_ =	shalt  }
0x6a: {  	_ =	shalt  }
0x6b: {  	_ =	shalt  }
0x6c: {  	_ =	shalt  }
0x6d: {  	_ =	shalt  }
0x6e: {  	_ =	shalt  }
0x6f: {  	_ =	shalt  }
0x70: {  	_ =	shalt  }
0x71: {  	_ =	shalt  }
0x72: {  	_ =	shalt  }
0x73: {  	_ =	shalt  }
0x74: {  	_ =	shalt  }
0x75: {  	_ =	shalt  }
0x76: {  	_ =	shalt  }
0x77: {  	_ =	shalt  }
0x78: {  	_ =	shalt  }
0x79: {  	_ =	shalt  }
0x7a: {  	_ =	shalt  }
0x7b: {  	_ =	shalt  }
0x7c: {  	_ =	shalt  }
0x7d: {  	_ =	shalt  }
0x7e: {  	_ =	shalt  }
0x7f: {  	_ =	shalt  }
0x80: {  	_ =	shalt  }
0x81: {  	_ =	shalt  }
0x82: {  	_ =	shalt  }
0x83: {  	_ =	shalt  }
0x84: {  	_ =	shalt  }
0x85: {  	_ =	shalt  }
0x86: {  	_ =	shalt  }
0x87: {  	_ =	shalt  }
.Lfunc_end0:
.L_simem_size_0:
called_computation.4_lowered:
.L_overlay_start_0:
0x88: {  	s2 =	sld [smem:$0x3FD9]  }
0x89: {  	s3 =	sld [smem:$0x3FFE];
	_ =	sdelay $0x1  }
0x8a: {  	s1 =	srdreg.scid  }
0x8b: {  	s0 =	sand.u32 $0x1, s1  }
0x8c: {  	s16 =	sshll.u32 s0, $0xA;
	s2 =	sadd.s32 s3, s2  }
0x8d: {  	s2 =	sadd.s32 s2, s16  }
0x8e: {  	[smem:$0x3FB3] =	sst s2  }
0x8f: {  	_ = 	snop  }
0x90: {  	(tm) =	ssettm $0x1  }
0x91: {  	s17 =	sld [smem:$0x3FFB];
	_ =	sdelay $0x3  }
0x92: {  	_ =	strace s17  }
0x93: {  	s2 =	sld [smem:$0x3FFC];
	_ =	sdelay $0x3  }
0x94: {  	_ =	strace s2  }
0x95: {  	s2 =	sld [smem:$0x3FFD];
	_ =	sdelay $0x3  }
0x96: {  	_ =	strace s2  }
0x97: {  	_ =	strace $0x8FFFFFFF  }
0x98: {  	s18 =	sld [smem:$0x3FDB];
	_ =	sdelay $0x1  }
0x99: {  	s19 =	simm.s32 $_scs_section_size  }
0x9a: {  	s4 =	simm.s32 $_size__tile_overlayer_lowered;
	s5 =	simm.s32 $_tile_overlayer_lowered  }
0x9b: {  	s22 =	simm.s32 $0x1BFF;
	s21 =	sshll.u32 s5, $0x1;
	s2 =	sadd.s32 s19, s18  }
0x9c: {  	s6 =	simm.s32 $0x0;
	s20 =	sshll.u32 s4, $0x1;
	s4 =	sadd.s32 s21, s2  }
0x9d: {  	[timem:s6], [sflag:s22] =	dma.local [hbm:s4], s20  }
0x9e: {  	_ =	swait.ge [sflag:s22], s20  }
0x9f: {  	s3 =	ssub.s32 $0x0, s20;
	[sflag:s22] =	ssyncset.done $0x0  }
0xa0: {  	[sflag:s22] =	ssyncadd.s32 s3;
	_ =	sdelay $0x1  }
0xa1: {  	s23 =	simm.s32 $0x1B8B  }
0xa2: {  	_ =	swait.ge [sflag:s23], $0x1  }
0xa3: {  	[sflag:s23] =	ssyncset.done $0x0  }
0xa4: {  	s25 =	simm.s32 $0x1B8E;
	s24 =	sld [smem:$0x3FFE];
	[sflag:s23] =	ssyncadd.s32 $0xFFFFFFFF  }
0xa5: {  	s26 =	simm.s32 $execute0_lowered;
	[smem:$0x3FD2] =	sst s25  }
0xa6: {  	s4 =	sshll.u32 s26, $0x1;
	_ =	strace $0x8000004F;
	[dreg:$0x1] =	wrdreg $0xFFFFFFFF  }
0xa7: {  	s28 =	simm.s32 $_size_execute0_lowered;
	s2 =	sadd.s32 s2, s4;
	[dreg:$0x0] =	wrdreg $0x0  }
0xa8: {  	s4 =	sshll.u32 s28, $0x1;
	[dreg:$0x2] =	wrdreg s2  }
0xa9: {  	[dreg:$0x3] =	wrdreg s4  }
0xaa: {  	[dreg:$0x4] =	wrdreg $0xC0  }
0xab: {  	_ =	task [dreg:s6], $0x5FFFF  }
0xac: {  	[dreg:$0x1] =	wrdreg $0xFFFFFFFF  }
0xad: {  	[dreg:$0x0] =	wrdreg $0x60  }
0xae: {  	[dreg:$0x2] =	wrdreg s24  }
0xaf: {  	[dreg:$0x3] =	wrdreg $0xA  }
0xb0: {  	_ =	task.clear_ibuf [dreg:s6], $0x4FFFF;
	_ =	strace $0x9000004F  }
0xb1: {  	s29 =	simm.s32 $0xA;
	_ =	strace $0x80000051  }
0xb2: {  	_ =	swait.ge [sflag:s29], $0x1  }
0xb3: {  	[sflag:s29] =	ssyncadd.s32 $0xFFFFFFFF  }
0xb4: {  	_ =	strace $0x90000051  }
0xb5: {  	_ =	sfence  }
0xb6: {  	s30 =	sld [smem:$0x0];
	_ =	sdelay $0x2  }
0xb7: {  	s31 =	sshll.u32 s1, $0xD;
	s1 =	sshrl.u32 s1, $0x2  }
0xb8: {  	s3 =	sand.u32 $0x4000, s31;
	s1 =	sadd.s32 s1, s30  }
0xb9: {  	s0 =	sor.u32 s3, s0;
	s1 =	sshll.u32 s1, $0x11  }
0xba: {  	s0 =	sor.u32 s1, s0  }
0xbb: {  	s0 =	sadd.s32 $0x8F2B, s0  }
0xbc: {  	[sflag:s0] =	ssyncadd.remote.s32 $0x1  }
0xbd: {  	_ =	sfence.sel $0xFFFF  }
0xbe: {  	[dreg:$0x0] =	wrdreg $0xFFFFFFFF;
	(pc) =	sbr.abs _section_cstart, $3  }
0xbf: {  	[dreg:$0x1] =	wrdreg $0xFFFFFFFF  }
0xc0: {  	_ =	task.clear_ibuf [dreg:s6], $0x2FFFF;
	_ =	strace $0x9FFFFFFF  }
0xc1: {  	(tm) =	ssettm $0x7FFFFFFF  }
tec
execute0_lowered:
.L_overlay_start_1:
0x0: {  	(tag) =	ssettag $0x1  }
0x1: {  	s0 =	rddreg [dreg:$0x0]  }
0x2: {  	s2 =	srdreg.scid;
	s1 =	stileid.u32  }
0x3: {  	s8 =	simm.s32 $0x80;
	s26 =	simm.s32 $0x880;
	s9 =	simm.s32 $0x1080  }
0x4: {  	s10 =	simm.s32 $0x1880;
	s11 =	simm.s32 $0x2080;
	s12 =	simm.s32 $0x2880  }
0x5: {  	s13 =	simm.s32 $0x3080;
	s14 =	simm.s32 $0x3880;
	s15 =	simm.s32 $0x4080  }
0x6: {  	s16 =	simm.s32 $0x4880;
	s17 =	simm.s32 $0x5080;
	s18 =	simm.s32 $0x5880  }
0x7: {  	s19 =	simm.s32 $0x6080;
	s20 =	simm.s32 $0x6880;
	s21 =	simm.s32 $0x7080  }
0x8: {  	s22 =	simm.s32 $0x7880;
	s23 =	simm.s32 $0x8080;
	s24 =	simm.s32 $0x8880  }
0x9: {  	s28 =	simm.s32 $0xA080;
	s29 =	simm.s32 $0xA880;
	s30 =	simm.s32 $0xB080  }
0xa: {  	s31 =	simm.s32 $0xB880;
	s3 =	sand.u32 $0x1, s2;
	s2 =	simm.s32 $0x0  }
0xb: {  	s4 =	sshll.u32 s1, $0x4;
	s5 =	sshll.u32 s3, $0x3;
	[smem:$0x7FF] =	sst s2  }
0xc: {  	s6 =	ssub.s32 $0x2, s3;
	s3 =	sadd.s32 $0x3A00, s0;
	s4 =	sor.u32 s5, s4  }
0xd: {  	_ =	strace $0x80000050;
	s7 =	sshrl.u32 s6, $0x1;
	[dreg:$0x4] =	wrdreg s26  }
0xe: {  	s26 =	simm.s32 $0x9880;
	s5 =	smul.u32 $0x300, s4;
	s4 =	sadd.s32 s4, s0  }
0xf: {  	s6 =	ssub.s32 s6, s7;
	s7 =	simm.s32 $0x2;
	s4 =	sadd.s32 $0x3800, s4  }
0x10: {  	v2 =	vlaneseq.u32;
	s6 =	smax.u32 s6, $0x1;
	s5 =	sadd.s32 s5, s0;
	[dreg:$0x2] =	wrdreg s4  }
0x11: {  	vm0 =	vmmov $0xffff;
	v1 =	vshrl.u32 v2, $0x3;
	s4 =	sadd.s32 $0x3B00, s0;
	s25 =	sadd.s32 $0x63E00, s5;
	s5 =	sadd.s32 $0x3C00, s0  }
0x12: {  	v0 =	vand.u32 $0x7, v2;
	v2 =	vor.u32 $0x8, v2;
	v1 =	vmul.u32 $0x8, v1;
	s0 =	simm.s32 $0x1;
	[dreg:$0x3] =	wrdreg s25;
	s25 =	simm.s32 $0x9080  }
.LBB2_1:
0x13: {  	s1 =	rddreg [dreg:$0x2]  }
0x14: {  	[tilespmem:s2], [sflag:$0x2] =	stream.linear.gather [hbm4b:s1+s2], $0x40, $0x38;
	[tilespmem:$0xC080] =	vst v63  }
0x15: {  	_ =	swait.ge [sflag:s7], $0x40  }
0x16: {  	[sflag:s7] =	ssyncset.done $0x0  }
0x17: {  	[sflag:s7] =	ssyncadd.s32 $0xFFFFFFC0  }
0x18: {  	v3 =	vld [tilespmem:$0x0];
	_ =	sdelay $0x4  }
0x19: {  	v4 =	vshrl.u32 v3, $0x3  }
0x1a: {  	v4 =	vmul.u32 $0x30, v4  }
0x1b: {  	v3 =	vand.u32 $0x7, v3  }
0x1c: {  	v3 =	vor.u32 v3, v4  }
0x1d: {  	v4 =	vperm.xlane v3, v0;
	_ =	sdelay $0x1  }
0x1e: {  	v4 =	vadd.s32 v1, v4;
	_ =	sdelay $0x3  }
0x1f: {  	v3 =	vperm.xlane v3, v2  }
0x20: {  	[tilespmem:s8], [sflag:$0x1] =	stream.indirect_vreg.gather [hbm4b:s3+s2], $0x80, v4, vm0, $0xb8;
	[tilespmem:$0xC080] =	vst v63  }
0x21: {  	s1 =	rddreg [dreg:$0x4];
	v3 =	vadd.s32 v1, v3  }
0x22: {  	[tilespmem:s1], [sflag:$0x1] =	stream.indirect_vreg.gather [hbm4b:s4+s2], $0x80, v4, vm0, $0xb8;
	[tilespmem:$0xC080] =	vst v63  }
0x23: {  	_ = 	snop  }
0x24: {  	[tilespmem:s9], [sflag:$0x1] =	stream.indirect_vreg.gather [hbm4b:s5+s2], $0x80, v4, vm0, $0xb8;
	[tilespmem:$0xC080] =	vst v63  }
0x25: {  	_ = 	snop  }
0x26: {  	[tilespmem:s10], [sflag:$0x1] =	stream.indirect_vreg.gather [hbm4b:s3+s2], $0x80, v3, vm0, $0xb8;
	[tilespmem:$0xC080] =	vst v63  }
0x27: {  	_ = 	snop  }
0x28: {  	[tilespmem:s11], [sflag:$0x1] =	stream.indirect_vreg.gather [hbm4b:s4+s2], $0x80, v3, vm0, $0xb8;
	[tilespmem:$0xC080] =	vst v63  }
0x29: {  	_ = 	snop  }
0x2a: {  	[tilespmem:s12], [sflag:$0x1] =	stream.indirect_vreg.gather [hbm4b:s5+s2], $0x80, v3, vm0, $0xb8;
	[tilespmem:$0xC080] =	vst v63  }
0x2b: {  	v3 =	vld [tilespmem:$0x10];
	_ =	sdelay $0x4  }
0x2c: {  	v61 =	vshrl.u32 v3, $0x3  }
0x2d: {  	v4 =	vmul.u32 $0x30, v61  }
0x2e: {  	v3 =	vand.u32 $0x7, v3  }
0x2f: {  	v3 =	vor.u32 v3, v4  }
0x30: {  	v4 =	vperm.xlane v3, v0;
	_ =	sdelay $0x1  }
0x31: {  	v4 =	vadd.s32 v1, v4;
	_ =	sdelay $0x3  }
0x32: {  	v3 =	vperm.xlane v3, v2  }
0x33: {  	[tilespmem:s13], [sflag:$0x1] =	stream.indirect_vreg.gather [hbm4b:s3+s2], $0x80, v4, vm0, $0xb8;
	[tilespmem:$0xC080] =	vst v63  }
0x34: {  	v3 =	vadd.s32 v1, v3  }
0x35: {  	[tilespmem:s14], [sflag:$0x1] =	stream.indirect_vreg.gather [hbm4b:s4+s2], $0x80, v4, vm0, $0xb8;
	[tilespmem:$0xC080] =	vst v63  }
0x36: {  	_ = 	snop  }
0x37: {  	[tilespmem:s15], [sflag:$0x1] =	stream.indirect_vreg.gather [hbm4b:s5+s2], $0x80, v4, vm0, $0xb8;
	[tilespmem:$0xC080] =	vst v63  }
0x38: {  	_ = 	snop  }
0x39: {  	[tilespmem:s16], [sflag:$0x1] =	stream.indirect_vreg.gather [hbm4b:s3+s2], $0x80, v3, vm0, $0xb8;
	[tilespmem:$0xC080] =	vst v63  }
0x3a: {  	_ = 	snop  }
0x3b: {  	[tilespmem:s17], [sflag:$0x1] =	stream.indirect_vreg.gather [hbm4b:s4+s2], $0x80, v3, vm0, $0xb8;
	[tilespmem:$0xC080] =	vst v63  }
0x3c: {  	_ = 	snop  }
0x3d: {  	[tilespmem:s18], [sflag:$0x1] =	stream.indirect_vreg.gather [hbm4b:s5+s2], $0x80, v3, vm0, $0xb8;
	[tilespmem:$0xC080] =	vst v63  }
0x3e: {  	v3 =	vld [tilespmem:$0x20];
	_ =	sdelay $0x4  }
0x3f: {  	v62 =	vshrl.u32 v3, $0x3  }
0x40: {  	v4 =	vmul.u32 $0x30, v62  }
0x41: {  	v3 =	vand.u32 $0x7, v3  }
0x42: {  	v3 =	vor.u32 v3, v4  }
0x43: {  	v4 =	vperm.xlane v3, v0;
	_ =	sdelay $0x1  }
0x44: {  	v4 =	vadd.s32 v1, v4;
	_ =	sdelay $0x3  }
0x45: {  	v3 =	vperm.xlane v3, v2  }
0x46: {  	[tilespmem:s19], [sflag:$0x1] =	stream.indirect_vreg.gather [hbm4b:s3+s2], $0x80, v4, vm0, $0xb8;
	[tilespmem:$0xC080] =	vst v63  }
0x47: {  	v3 =	vadd.s32 v1, v3  }
0x48: {  	[tilespmem:s20], [sflag:$0x1] =	stream.indirect_vreg.gather [hbm4b:s4+s2], $0x80, v4, vm0, $0xb8;
	[tilespmem:$0xC080] =	vst v63  }
0x49: {  	_ = 	snop  }
0x4a: {  	[tilespmem:s21], [sflag:$0x1] =	stream.indirect_vreg.gather [hbm4b:s5+s2], $0x80, v4, vm0, $0xb8;
	[tilespmem:$0xC080] =	vst v63  }
0x4b: {  	_ = 	snop  }
0x4c: {  	[tilespmem:s22], [sflag:$0x1] =	stream.indirect_vreg.gather [hbm4b:s3+s2], $0x80, v3, vm0, $0xb8;
	[tilespmem:$0xC080] =	vst v63  }
0x4d: {  	_ = 	snop  }
0x4e: {  	[tilespmem:s23], [sflag:$0x1] =	stream.indirect_vreg.gather [hbm4b:s4+s2], $0x80, v3, vm0, $0xb8;
	[tilespmem:$0xC080] =	vst v63  }
0x4f: {  	_ = 	snop  }
0x50: {  	[tilespmem:s24], [sflag:$0x1] =	stream.indirect_vreg.gather [hbm4b:s5+s2], $0x80, v3, vm0, $0xb8;
	[tilespmem:$0xC080] =	vst v63  }
0x51: {  	v3 =	vld [tilespmem:$0x30];
	_ =	sdelay $0x4  }
0x52: {  	v63 =	vshrl.u32 v3, $0x3  }
0x53: {  	v4 =	vmul.u32 $0x30, v63  }
0x54: {  	v3 =	vand.u32 $0x7, v3  }
0x55: {  	v3 =	vor.u32 v3, v4  }
0x56: {  	v4 =	vperm.xlane v3, v0;
	_ =	sdelay $0x1  }
0x57: {  	v4 =	vadd.s32 v1, v4;
	_ =	sdelay $0x3  }
0x58: {  	v3 =	vperm.xlane v3, v2  }
0x59: {  	[tilespmem:s25], [sflag:$0x1] =	stream.indirect_vreg.gather [hbm4b:s3+s2], $0x80, v4, vm0, $0xb8;
	[tilespmem:$0xC080] =	vst v63  }
0x5a: {  	v3 =	vadd.s32 v1, v3  }
0x5b: {  	[tilespmem:s26], [sflag:$0x1] =	stream.indirect_vreg.gather [hbm4b:s4+s2], $0x80, v4, vm0, $0xb8;
	[tilespmem:$0xC080] =	vst v63  }
0x5c: {  	_ = 	snop  }
0x5d: {  	[tilespmem:s28], [sflag:$0x1] =	stream.indirect_vreg.gather [hbm4b:s5+s2], $0x80, v4, vm0, $0xb8;
	[tilespmem:$0xC080] =	vst v63  }
0x5e: {  	_ = 	snop  }
0x5f: {  	[tilespmem:s29], [sflag:$0x1] =	stream.indirect_vreg.gather [hbm4b:s3+s2], $0x80, v3, vm0, $0xb8;
	[tilespmem:$0xC080] =	vst v63  }
0x60: {  	_ = 	snop  }
0x61: {  	[tilespmem:s30], [sflag:$0x1] =	stream.indirect_vreg.gather [hbm4b:s4+s2], $0x80, v3, vm0, $0xb8;
	[tilespmem:$0xC080] =	vst v63  }
0x62: {  	_ = 	snop  }
0x63: {  	[tilespmem:s31], [sflag:$0x1] =	stream.indirect_vreg.gather [hbm4b:s5+s2], $0x80, v3, vm0, $0xb8;
	[tilespmem:$0xC080] =	vst v63  }
0x64: {  	_ =	swait.ge [sflag:s0], $0xC000  }
0x65: {  	p0 =	sne.s32 s6, $0x1;
	[sflag:s0] =	ssyncset.done $0x0  }
.Ltmp0:
0x66: {  	s1 =	rddreg [dreg:$0x3];
	[sflag:s0] =	ssyncadd.s32 $0xFFFF4000;
	(pc) =	sbr.rel @p0 .LBB2_1-.Ltmp0, $4  }
0x67: {  	[hbm4b:s1+s2] =	stream.linear.scatter [tilespmem:s8], [sflag:$0x2], $0xC000, $0x38;
	[tilespmem:$0xC080] =	vst v63  }
0x68: {  	_ =	swait.ge [sflag:s7], $0xC000  }
0x69: {  	[sflag:s7] =	ssyncset.done $0x0  }
0x6a: {  	s6 =	sadd.s32 $0xFFFFFFFF, s6;
	[sflag:s7] =	ssyncadd.s32 $0xFFFF4000  }
0x6b: {  	_ =	sfence.sel $0x180000  }
0x6c: {  	[bflag:$0x0] =	sbarrier.arrive $0xFFFF  }
0x6d: {  	_ =	strace $0x90000050  }
0x6e: {  	s0 =	stileid.u32;
	[bflag:$0x2] =	sbarrier.arrive $0xFFFF  }
0x6f: {  	p0 =	sne.s32 s0, $0x0;
	s0 =	rddreg [dreg:$0x1]  }
0x70: {  	s0 =	sadd.s32 @!p0 $0x100000, s0  }
0x71: {  	[sflag:s0] =	ssyncadd.tile.s32 @!p0 $0x1;
	_ =	shalt  }
.Lfunc_end2:
_tile_overlayer_lowered:
.L_overlay_start_2:
0x72: {  	(tag) =	ssettag $0x2  }
0x73: {  	s0 =	rddreg [dreg:$0x0];
	s2 =	stileid.u32  }
0x74: {  	s1 =	rddreg [dreg:$0x1];
	p0 =	sne.s32 s2, $0x0  }
0x75: {  	s3 =	rddreg [dreg:$0x2];
	[bflag:$0x3] =	sbarrier.arrive $0xFFFF;
	s2 =	simm.s32 @!p0 $0x1C02  }
0x76: {  	[timem:s3], [sflag:s2] =	dma.local @!p0 [hbm:s0], s1  }
0x77: {  	s0 =	simm.s32 @!p0 $0x2  }
0x78: {  	_ =	swait.ge @!p0 [sflag:s0], s1  }
0x79: {  	s1 =	ssub.s32 @!p0 $0x0, s1;
	[sflag:s0] =	ssyncset.done @!p0 $0x0  }
0x7a: {  	[sflag:s0] =	ssyncadd.s32 @!p0 s1  }
0x7b: {  	[bflag:$0x3] =	sbarrier.arrive $0xFFFF  }
0x7c: {  	_ =	shalt  }

</sc_bundles>
